<compile_context>
chip_gen: v7x
topology: tpu7x:2x2x1
jax: 0.10.2.dev20260603
libtpu: 0.0.44.dev20260713+nightly
codegen_flags: <defaults>
</compile_context>

<pallas_src>
import functools

import jax
import jax.numpy as jnp
from jax import lax
from jax.experimental import pallas as pl
from jax.experimental.pallas import tpu as pltpu
from jax.experimental.pallas import tpu_sc as plsc

_KSC = 16
_HB = 13

_NC, _NS, _L = 2, 16, 16
_OFFS = (0, 16, 32, 48, 64, 69)

_P5, _P4, _P3, _P2, _P1, _P0 = (-0.02368925, 0.1002872, -0.20866966,
                                0.32441181, -0.49918785, 0.99998187)

_DN = lax.GatherDimensionNumbers(offset_dims=(), collapsed_slice_dims=(0,),
                                 start_index_map=(0,))


def _splat(v, lane):
    idx = jnp.full((_L, 1), lane, jnp.int32)
    return lax.gather(v, idx, _DN, (1,),
                      mode=lax.GatherScatterMode.PROMISE_IN_BOUNDS)


def _bce(p, g):
    relu = jnp.maximum(p, 0.0)
    e = jnp.exp(-jnp.abs(p))
    q = _P5
    for cf in (_P4, _P3, _P2, _P1, _P0):
        q = q * e + cf
    return relu - p * g + q * e



def _make_sc(b_dim, h_dim, w_dim, a_dim, c_dim, ksc):
    rows = ksc * h_dim
    rpt = rows // (_NC * _NS)
    mesh = plsc.VectorSubcoreMesh(core_axis_name="c", subcore_axis_name="s", num_cores=_NC)

    @functools.partial(
        pl.kernel,
        out_type=jax.ShapeDtypeStruct((_NC * _NS, _L), jnp.float32),
        mesh=mesh,
        scratch_types=[
            pltpu.VMEM((2, w_dim, a_dim, c_dim), jnp.float32),
            pltpu.VMEM((2, w_dim, a_dim, c_dim), jnp.float32),
            pltpu.VMEM((_L,), jnp.float32),
            pltpu.SemaphoreType.DMA((2, 2)),
        ],
    )
    def sc_loss(p_hbm, g_hbm, out, pbuf, gbuf, accv, sems):
        wid = lax.axis_index("s") * _NC + lax.axis_index("c")
        tiles_per_b = h_dim // rpt
        b = wid // tiles_per_b
        h0 = lax.rem(wid, tiles_per_b) * rpt

        lanei = lax.iota(jnp.int32, _L)
        w5 = jnp.where(lanei < 4, 5.0, 0.0)
        wc = jnp.where(lanei == 4, 1.0, 0.0)
        wr = jnp.where(lanei >= 5, 1.0, 0.0)
        wt = jnp.where(lanei >= 11, 1.0, 0.0)

        def start(r, s):
            pltpu.make_async_copy(p_hbm.at[b, h0 + r], pbuf.at[s],
                                  sems.at[s, 0]).start()
            pltpu.make_async_copy(g_hbm.at[b, h0 + r], gbuf.at[s],
                                  sems.at[s, 1]).start()

        def wait(s):
            pltpu.make_async_copy(p_hbm.at[0, 0], pbuf.at[s],
                                  sems.at[s, 0]).wait()
            pltpu.make_async_copy(g_hbm.at[0, 0], gbuf.at[s],
                                  sems.at[s, 1]).wait()

        def process(s, acc):
            def wbody(w, acc):
                for a in range(a_dim):
                    pv = [pbuf[s, w, a, pl.ds(o, _L)] for o in _OFFS]
                    gv = [gbuf[s, w, a, pl.ds(o, _L)] for o in _OFFS]
                    g4 = _splat(gv[0], 4)
                    d = gv[0] - pv[0]
                    acc = acc + w5 * (g4 * (d * d))
                    wb = wc * (0.5 + 0.5 * g4) + wr * g4
                    acc = acc + wb * _bce(pv[0], gv[0])
                    for k in range(1, 5):
                        acc = acc + g4 * _bce(pv[k], gv[k])
                    acc = acc + (wt * g4) * _bce(pv[5], gv[5])
                return acc

            return lax.fori_loop(0, w_dim, wbody, acc)

        start(0, 0)
        start(1, 1)
        acc = jnp.zeros((_L,), jnp.float32)

        def hbody(t, acc):
            r0 = 2 * t
            wait(0)
            acc = process(0, acc)

            @pl.when(r0 + 2 < rpt)
            def _():
                start(r0 + 2, 0)

            wait(1)
            acc = process(1, acc)

            @pl.when(r0 + 3 < rpt)
            def _():
                start(r0 + 3, 1)

            return acc

        acc = lax.fori_loop(0, rpt // 2, hbody, acc)
        accv[...] = acc
        pltpu.sync_copy(accv, out.at[wid])

    return sc_loss



def _make_tc(b_dim, h_dim, w_dim, a_dim, c_dim, ksc, nb):
    hsteps = h_dim // _HB
    steps = nb * hsteps

    def body(p_hbm, g_hbm, out_ref, pbuf, gbuf, sem):
        i = pl.program_id(0)
        slot = lax.rem(i, 2)
        nxt = lax.rem(i + 1, 2)

        def start(step, slot_):
            b = ksc + step // hsteps
            h0 = lax.rem(step, hsteps) * _HB
            for a in range(a_dim):
                pltpu.make_async_copy(
                    p_hbm.at[b, pl.ds(h0, _HB), :, a, :],
                    pbuf.at[slot_, a], sem.at[slot_, 0, a]).start()
                pltpu.make_async_copy(
                    g_hbm.at[b, pl.ds(h0, _HB), :, a, :],
                    gbuf.at[slot_, a], sem.at[slot_, 1, a]).start()

        @pl.when(i == 0)
        def _prologue():
            start(i, slot)

        @pl.when(i + 1 < steps)
        def _prefetch():
            start(i + 1, nxt)

        for a in range(a_dim):
            pltpu.make_async_copy(
                p_hbm.at[0, pl.ds(0, _HB), :, a, :], pbuf.at[slot, a],
                sem.at[slot, 0, a]).wait()
            pltpu.make_async_copy(
                g_hbm.at[0, pl.ds(0, _HB), :, a, :], gbuf.at[slot, a],
                sem.at[slot, 1, a]).wait()

        s = jnp.float32(0.0)
        for a in range(a_dim):
            p = pbuf[slot, a]
            g = gbuf[slot, a]
            c = lax.broadcasted_iota(jnp.int32, p.shape, 2)
            g4 = g[..., 4:5]
            mse_w = jnp.where(c < 4, 5.0 * g4, 0.0)
            bce_w = jnp.where(c == 4, 0.5 + 0.5 * g4,
                              jnp.where(c >= 5, g4, 0.0))
            d = g - p
            bce = jnp.maximum(p, 0.0) - p * g + jnp.log1p(jnp.exp(-jnp.abs(p)))
            s = s + jnp.sum(mse_w * (d * d) + bce_w * bce)

        @pl.when(i == 0)
        def _init():
            out_ref[0, 0] = s

        @pl.when(i != 0)
        def _acc():
            out_ref[0, 0] = out_ref[0, 0] + s

    def run(pred, gt):
        return pl.pallas_call(
            body,
            grid=(steps,),
            in_specs=[
                pl.BlockSpec(memory_space=pl.ANY),
                pl.BlockSpec(memory_space=pl.ANY),
            ],
            out_specs=pl.BlockSpec((1, 1), lambda i: (0, 0),
                                   memory_space=pltpu.SMEM),
            out_shape=jax.ShapeDtypeStruct((1, 1), jnp.float32),
            scratch_shapes=[
                pltpu.VMEM((2, a_dim, _HB, w_dim, c_dim), jnp.float32),
                pltpu.VMEM((2, a_dim, _HB, w_dim, c_dim), jnp.float32),
                pltpu.SemaphoreType.DMA((2, 2, a_dim)),
            ],
        )(pred, gt)

    return run


def kernel(pred, gt):
    b_dim, h_dim, w_dim, a_dim, c_dim = pred.shape
    total = jnp.float32(0.0)
    if _KSC < b_dim:
        tc = _make_tc(b_dim, h_dim, w_dim, a_dim, c_dim, _KSC, b_dim - _KSC)
        total = total + tc(pred, gt)[0, 0]
    if _KSC > 0:
        sc = _make_sc(b_dim, h_dim, w_dim, a_dim, c_dim, _KSC)
        total = total + jnp.sum(sc(pred, gt))
    return total * (1.0 / b_dim)

# --- scband reference (transcript-rebuilt; emitter-appended) ---
"""Pipeline reference for scband-yololoss-68882685493451 (READ-ONLY COPY).

The authoritative reference and input builder live on the scoring server;
editing this copy changes nothing except your own understanding.
"""

import jax, jax.numpy as jnp
import numpy as np

LAMBDA_COORD = 5.0
LAMBDA_NOOBJ = 0.5

def _bce_with_logits_sum(logits, targets, weight):
    # numerically stable BCEWithLogits, reduction='sum', with elementwise mask weight
    loss = jnp.maximum(logits, 0.0) - logits * targets + jnp.log1p(jnp.exp(-jnp.abs(logits)))
    return jnp.sum(loss * weight)

def setup_inputs(seed: int = 0) -> dict:
    key = jax.random.key(seed)
    k1, k2 = jax.random.split(key)
    shape = (32, 52, 52, 3, 85)
    pred = jax.random.normal(k1, shape, dtype=jnp.float32)
    # gt entries in {0,1}: confidence channel is exactly 0/1 (satisfies the assert),
    # coords and class targets are valid 0/1 values for MSE/BCE
    gt = jax.random.randint(k2, shape, 0, 2).astype(jnp.float32)
    return {"pred": pred, "gt": gt}

def reference(pred, gt):
    # masked-select + view(-1, base) in torch is equivalent to masked sums here,
    # because all reductions are 'sum' over the selected elements.
    obj = (gt[..., 4] == 1.0).astype(pred.dtype)      # [B,H,W,A]
    noobj = (gt[..., 4] == 0.0).astype(pred.dtype)    # [B,H,W,A]
    obj_e = obj[..., None]                             # broadcast over last dim

    xyloss = LAMBDA_COORD * jnp.sum(((gt[..., :2] - pred[..., :2]) ** 2) * obj_e)
    whloss = LAMBDA_COORD * jnp.sum(((gt[..., 2:4] - pred[..., 2:4]) ** 2) * obj_e)
    confloss = _bce_with_logits_sum(pred[..., 4], gt[..., 4], obj) \
             + LAMBDA_NOOBJ * _bce_with_logits_sum(pred[..., 4], gt[..., 4], noobj)
    classloss = _bce_with_logits_sum(pred[..., 5:], gt[..., 5:], obj_e)

    loss = xyloss + whloss + confloss + classloss
    return loss / pred.shape[0]

if __name__ == "__main__":
    import jax
    _d = setup_inputs()
    print(jax.jit(kernel)(*tuple(_d.values())))

</pallas_src>

<mosaic_0001>
#map = affine_map<(d0, d1) -> (0, 0, 0, 0, 0)>
#map1 = affine_map<(d0, d1) -> (0, 0)>
module attributes {stable_mosaic.version = 14 : i64} {
  func.func @sc_loss(%arg0: i32, %arg1: i32, %arg2: memref<32x52x52x3x85xf32, #tpu.memory_space<hbm>>, %arg3: memref<32x52x52x3x85xf32, #tpu.memory_space<hbm>>, %arg4: memref<32x16xf32, #tpu.memory_space<hbm>>, %arg5: memref<2x52x3x85xf32, #tpu.memory_space<vmem>>, %arg6: memref<2x52x3x85xf32, #tpu.memory_space<vmem>>, %arg7: memref<16xf32, #tpu.memory_space<vmem>>, %arg8: memref<2x2x!tpu.dma_semaphore, #tpu.memory_space<semaphore_mem>>) attributes {dimension_semantics = [#tpu.dimension_semantics<core_parallel>, #tpu.dimension_semantics<subcore_parallel>], iteration_bounds = array<i64: 2, 16>, scalar_prefetch = 0 : i64, scratch_operands = 4 : i64, tpu.core_type = #tpu.core_type<sc_vector_subcore>, window_params = [{transform_indices = #map}, {transform_indices = #map}, {transform_indices = #map1}]} {
    %mul3A = arith.constant 2 : i32
    %mul3A_0 = arith.muli %arg1, %mul3A : i32
    %add3A = arith.addi %mul3A_0, %arg0 : i32
    %jit3A = arith.constant 2 : i32
    %div3A = arith.divsi %add3A, %jit3A : i32
    %sign3A = arith.constant 0 : i32
    %sign3A_1 = arith.cmpi sgt, %add3A, %sign3A : i32
    %sign3A_2 = arith.extui %sign3A_1 : i1 to i32
    %sign3A_3 = arith.constant 0 : i32
    %sign3A_4 = arith.cmpi slt, %add3A, %sign3A_3 : i32
    %sign3A_5 = arith.extui %sign3A_4 : i1 to i32
    %sign3A_6 = arith.subi %sign3A_2, %sign3A_5 : i32
    %sign3A_7 = arith.constant 0 : i32
    %sign3A_8 = arith.cmpi sgt, %jit3A, %sign3A_7 : i32
    %sign3A_9 = arith.extui %sign3A_8 : i1 to i32
    %sign3A_10 = arith.constant 0 : i32
    %sign3A_11 = arith.cmpi slt, %jit3A, %sign3A_10 : i32
    %sign3A_12 = arith.extui %sign3A_11 : i1 to i32
    %sign3A_13 = arith.subi %sign3A_9, %sign3A_12 : i32
    %ne3A = arith.cmpi ne, %sign3A_6, %sign3A_13 : i32
    %rem3A = arith.remsi %add3A, %jit3A : i32
    %ne3A_14 = arith.constant 0 : i32
    %ne3A_15 = arith.cmpi ne, %rem3A, %ne3A_14 : i32
    %and3A = arith.andi %ne3A, %ne3A_15 : i1
    %sub3A = arith.constant 1 : i32
    %sub3A_16 = arith.subi %div3A, %sub3A : i32
    %select_n3A = arith.select %and3A, %sub3A_16, %div3A : i32
    %rem3A_17 = arith.constant 2 : i32
    %rem3A_18 = arith.remsi %add3A, %rem3A_17 : i32
    %mul3A_19 = arith.constant 26 : i32
    %mul3A_20 = arith.muli %rem3A_18, %mul3A_19 : i32
    %iota3A = tpu.iota {dimensions = array<i32: 0>} : vector<16xi32>
    %lt3A = arith.constant 4 : i32
    %lt3A_21 = vector.broadcast %lt3A : i32 to vector<16xi32>
    %lt3A_22 = arith.cmpi slt, %iota3A, %lt3A_21 : vector<16xi32>
    %jit3A_23 = arith.constant 5.000000e+00 : f32
    %jit3A_24 = arith.constant 0.000000e+00 : f32
    %broadcast_in_dim3A = vector.broadcast %jit3A_23 : f32 to vector<16xf32>
    %broadcast_in_dim3A_25 = vector.broadcast %jit3A_24 : f32 to vector<16xf32>
    %select_n3A_26 = arith.select %lt3A_22, %broadcast_in_dim3A, %broadcast_in_dim3A_25 : vector<16xi1>, vector<16xf32>
    %eq3A = arith.constant 4 : i32
    %eq3A_27 = vector.broadcast %eq3A : i32 to vector<16xi32>
    %eq3A_28 = arith.cmpi eq, %iota3A, %eq3A_27 : vector<16xi32>
    %jit3A_29 = arith.constant 1.000000e+00 : f32
    %jit3A_30 = arith.constant 0.000000e+00 : f32
    %broadcast_in_dim3A_31 = vector.broadcast %jit3A_29 : f32 to vector<16xf32>
    %broadcast_in_dim3A_32 = vector.broadcast %jit3A_30 : f32 to vector<16xf32>
    %select_n3A_33 = arith.select %eq3A_28, %broadcast_in_dim3A_31, %broadcast_in_dim3A_32 : vector<16xi1>, vector<16xf32>
    %ge3A = arith.constant 5 : i32
    %ge3A_34 = vector.broadcast %ge3A : i32 to vector<16xi32>
    %ge3A_35 = arith.cmpi sge, %iota3A, %ge3A_34 : vector<16xi32>
    %jit3A_36 = arith.constant 1.000000e+00 : f32
    %jit3A_37 = arith.constant 0.000000e+00 : f32
    %broadcast_in_dim3A_38 = vector.broadcast %jit3A_36 : f32 to vector<16xf32>
    %broadcast_in_dim3A_39 = vector.broadcast %jit3A_37 : f32 to vector<16xf32>
    %select_n3A_40 = arith.select %ge3A_35, %broadcast_in_dim3A_38, %broadcast_in_dim3A_39 : vector<16xi1>, vector<16xf32>
    %ge3A_41 = arith.constant 11 : i32
    %ge3A_42 = vector.broadcast %ge3A_41 : i32 to vector<16xi32>
    %ge3A_43 = arith.cmpi sge, %iota3A, %ge3A_42 : vector<16xi32>
    %jit3A_44 = arith.constant 1.000000e+00 : f32
    %jit3A_45 = arith.constant 0.000000e+00 : f32
    %broadcast_in_dim3A_46 = vector.broadcast %jit3A_44 : f32 to vector<16xf32>
    %broadcast_in_dim3A_47 = vector.broadcast %jit3A_45 : f32 to vector<16xf32>
    %select_n3A_48 = arith.select %ge3A_43, %broadcast_in_dim3A_46, %broadcast_in_dim3A_47 : vector<16xi1>, vector<16xf32>
    %add3A_49 = arith.constant 0 : i32
    %add3A_50 = arith.addi %mul3A_20, %add3A_49 : i32
    %dma_start3A = arith.constant 0 : i32
    %dma_start3A_51 = arith.constant 0 : i32
    %dma_start3A_52 = arith.constant 0 : i32
    %dma_start3A_53 = arith.constant 0 : i32
    %dma_start3A_54 = arith.constant 0 : i32
    %dma_start3A_55 = arith.constant 0 : i32
    %dma_start3A_56 = tpu.memref_slice %arg5[%dma_start3A, %dma_start3A_53, %dma_start3A_54, %dma_start3A_55] : memref<2x52x3x85xf32, #tpu.memory_space<vmem>> -> memref<1x52x3x85xf32, #tpu.memory_space<vmem>>
    %dma_start3A_57 = tpu.memref_squeeze %dma_start3A_56 : memref<1x52x3x85xf32, #tpu.memory_space<vmem>> -> memref<52x3x85xf32, #tpu.memory_space<vmem>>
    %dma_start3A_58 = arith.constant 0 : i32
    %dma_start3A_59 = arith.constant 0 : i32
    %dma_start3A_60 = arith.constant 0 : i32
    %dma_start3A_61 = tpu.memref_slice %arg2[%select_n3A, %add3A_50, %dma_start3A_58, %dma_start3A_59, %dma_start3A_60] : memref<32x52x52x3x85xf32, #tpu.memory_space<hbm>> -> memref<1x1x52x3x85xf32, #tpu.memory_space<hbm>>
    %dma_start3A_62 = tpu.memref_squeeze %dma_start3A_61 : memref<1x1x52x3x85xf32, #tpu.memory_space<hbm>> -> memref<52x3x85xf32, #tpu.memory_space<hbm>>
    %dma_start3A_63 = tpu.memref_slice %arg8[%dma_start3A_51, %dma_start3A_52] : memref<2x2x!tpu.dma_semaphore, #tpu.memory_space<semaphore_mem>> -> memref<1x1x!tpu.dma_semaphore, #tpu.memory_space<semaphore_mem>>
    %dma_start3A_64 = tpu.memref_squeeze %dma_start3A_63 : memref<1x1x!tpu.dma_semaphore, #tpu.memory_space<semaphore_mem>> -> memref<!tpu.dma_semaphore, #tpu.memory_space<semaphore_mem>>
    %dma_start3A_65 = arith.constant 0 : i32
    %dma_start3A_66 = arith.constant 0 : i32
    %dma_start3A_67 = arith.constant 0 : i32
    %dma_start3A_68 = tpu.memref_slice %arg5[%dma_start3A, %dma_start3A_65, %dma_start3A_66, %dma_start3A_67] : memref<2x52x3x85xf32, #tpu.memory_space<vmem>> -> memref<1x52x3x85xf32, #tpu.memory_space<vmem>>
    %dma_start3A_69 = tpu.memref_squeeze %dma_start3A_68 : memref<1x52x3x85xf32, #tpu.memory_space<vmem>> -> memref<52x3x85xf32, #tpu.memory_space<vmem>>
    %dma_start3A_70 = arith.constant 0 : i32
    %dma_start3A_71 = arith.constant 0 : i32
    %dma_start3A_72 = arith.constant 0 : i32
    %dma_start3A_73 = tpu.memref_slice %arg2[%select_n3A, %add3A_50, %dma_start3A_70, %dma_start3A_71, %dma_start3A_72] : memref<32x52x52x3x85xf32, #tpu.memory_space<hbm>> -> memref<1x1x52x3x85xf32, #tpu.memory_space<hbm>>
    %dma_start3A_74 = tpu.memref_squeeze %dma_start3A_73 : memref<1x1x52x3x85xf32, #tpu.memory_space<hbm>> -> memref<52x3x85xf32, #tpu.memory_space<hbm>>
    tpu.enqueue_dma source(%dma_start3A_74 : memref<52x3x85xf32, #tpu.memory_space<hbm>>) target(%dma_start3A_69 : memref<52x3x85xf32, #tpu.memory_space<vmem>>) target_semaphore(%dma_start3A_64 : memref<!tpu.dma_semaphore, #tpu.memory_space<semaphore_mem>>)
    %add3A_75 = arith.constant 0 : i32
    %add3A_76 = arith.addi %mul3A_20, %add3A_75 : i32
    %dma_start3A_77 = arith.constant 0 : i32
    %dma_start3A_78 = arith.constant 0 : i32
    %dma_start3A_79 = arith.constant 1 : i32
    %dma_start3A_80 = arith.constant 0 : i32
    %dma_start3A_81 = arith.constant 0 : i32
    %dma_start3A_82 = arith.constant 0 : i32
    %dma_start3A_83 = tpu.memref_slice %arg6[%dma_start3A_77, %dma_start3A_80, %dma_start3A_81, %dma_start3A_82] : memref<2x52x3x85xf32, #tpu.memory_space<vmem>> -> memref<1x52x3x85xf32, #tpu.memory_space<vmem>>
    %dma_start3A_84 = tpu.memref_squeeze %dma_start3A_83 : memref<1x52x3x85xf32, #tpu.memory_space<vmem>> -> memref<52x3x85xf32, #tpu.memory_space<vmem>>
    %dma_start3A_85 = arith.constant 0 : i32
    %dma_start3A_86 = arith.constant 0 : i32
    %dma_start3A_87 = arith.constant 0 : i32
    %dma_start3A_88 = tpu.memref_slice %arg3[%select_n3A, %add3A_76, %dma_start3A_85, %dma_start3A_86, %dma_start3A_87] : memref<32x52x52x3x85xf32, #tpu.memory_space<hbm>> -> memref<1x1x52x3x85xf32, #tpu.memory_space<hbm>>
    %dma_start3A_89 = tpu.memref_squeeze %dma_start3A_88 : memref<1x1x52x3x85xf32, #tpu.memory_space<hbm>> -> memref<52x3x85xf32, #tpu.memory_space<hbm>>
    %dma_start3A_90 = tpu.memref_slice %arg8[%dma_start3A_78, %dma_start3A_79] : memref<2x2x!tpu.dma_semaphore, #tpu.memory_space<semaphore_mem>> -> memref<1x1x!tpu.dma_semaphore, #tpu.memory_space<semaphore_mem>>
    %dma_start3A_91 = tpu.memref_squeeze %dma_start3A_90 : memref<1x1x!tpu.dma_semaphore, #tpu.memory_space<semaphore_mem>> -> memref<!tpu.dma_semaphore, #tpu.memory_space<semaphore_mem>>
    %dma_start3A_92 = arith.constant 0 : i32
    %dma_start3A_93 = arith.constant 0 : i32
    %dma_start3A_94 = arith.constant 0 : i32
    %dma_start3A_95 = tpu.memref_slice %arg6[%dma_start3A_77, %dma_start3A_92, %dma_start3A_93, %dma_start3A_94] : memref<2x52x3x85xf32, #tpu.memory_space<vmem>> -> memref<1x52x3x85xf32, #tpu.memory_space<vmem>>
    %dma_start3A_96 = tpu.memref_squeeze %dma_start3A_95 : memref<1x52x3x85xf32, #tpu.memory_space<vmem>> -> memref<52x3x85xf32, #tpu.memory_space<vmem>>
    %dma_start3A_97 = arith.constant 0 : i32
    %dma_start3A_98 = arith.constant 0 : i32
    %dma_start3A_99 = arith.constant 0 : i32
    %dma_start3A_100 = tpu.memref_slice %arg3[%select_n3A, %add3A_76, %dma_start3A_97, %dma_start3A_98, %dma_start3A_99] : memref<32x52x52x3x85xf32, #tpu.memory_space<hbm>> -> memref<1x1x52x3x85xf32, #tpu.memory_space<hbm>>
    %dma_start3A_101 = tpu.memref_squeeze %dma_start3A_100 : memref<1x1x52x3x85xf32, #tpu.memory_space<hbm>> -> memref<52x3x85xf32, #tpu.memory_space<hbm>>
    tpu.enqueue_dma source(%dma_start3A_101 : memref<52x3x85xf32, #tpu.memory_space<hbm>>) target(%dma_start3A_96 : memref<52x3x85xf32, #tpu.memory_space<vmem>>) target_semaphore(%dma_start3A_91 : memref<!tpu.dma_semaphore, #tpu.memory_space<semaphore_mem>>)
    %add3A_102 = arith.constant 1 : i32
    %add3A_103 = arith.addi %mul3A_20, %add3A_102 : i32
    %dma_start3A_104 = arith.constant 1 : i32
    %dma_start3A_105 = arith.constant 1 : i32
    %dma_start3A_106 = arith.constant 0 : i32
    %dma_start3A_107 = arith.constant 0 : i32
    %dma_start3A_108 = arith.constant 0 : i32
    %dma_start3A_109 = arith.constant 0 : i32
    %dma_start3A_110 = tpu.memref_slice %arg5[%dma_start3A_104, %dma_start3A_107, %dma_start3A_108, %dma_start3A_109] : memref<2x52x3x85xf32, #tpu.memory_space<vmem>> -> memref<1x52x3x85xf32, #tpu.memory_space<vmem>>
    %dma_start3A_111 = tpu.memref_squeeze %dma_start3A_110 : memref<1x52x3x85xf32, #tpu.memory_space<vmem>> -> memref<52x3x85xf32, #tpu.memory_space<vmem>>
    %dma_start3A_112 = arith.constant 0 : i32
    %dma_start3A_113 = arith.constant 0 : i32
    %dma_start3A_114 = arith.constant 0 : i32
    %dma_start3A_115 = tpu.memref_slice %arg2[%select_n3A, %add3A_103, %dma_start3A_112, %dma_start3A_113, %dma_start3A_114] : memref<32x52x52x3x85xf32, #tpu.memory_space<hbm>> -> memref<1x1x52x3x85xf32, #tpu.memory_space<hbm>>
    %dma_start3A_116 = tpu.memref_squeeze %dma_start3A_115 : memref<1x1x52x3x85xf32, #tpu.memory_space<hbm>> -> memref<52x3x85xf32, #tpu.memory_space<hbm>>
    %dma_start3A_117 = tpu.memref_slice %arg8[%dma_start3A_105, %dma_start3A_106] : memref<2x2x!tpu.dma_semaphore, #tpu.memory_space<semaphore_mem>> -> memref<1x1x!tpu.dma_semaphore, #tpu.memory_space<semaphore_mem>>
    %dma_start3A_118 = tpu.memref_squeeze %dma_start3A_117 : memref<1x1x!tpu.dma_semaphore, #tpu.memory_space<semaphore_mem>> -> memref<!tpu.dma_semaphore, #tpu.memory_space<semaphore_mem>>
    %dma_start3A_119 = arith.constant 0 : i32
    %dma_start3A_120 = arith.constant 0 : i32
    %dma_start3A_121 = arith.constant 0 : i32
    %dma_start3A_122 = tpu.memref_slice %arg5[%dma_start3A_104, %dma_start3A_119, %dma_start3A_120, %dma_start3A_121] : memref<2x52x3x85xf32, #tpu.memory_space<vmem>> -> memref<1x52x3x85xf32, #tpu.memory_space<vmem>>
    %dma_start3A_123 = tpu.memref_squeeze %dma_start3A_122 : memref<1x52x3x85xf32, #tpu.memory_space<vmem>> -> memref<52x3x85xf32, #tpu.memory_space<vmem>>
    %dma_start3A_124 = arith.constant 0 : i32
    %dma_start3A_125 = arith.constant 0 : i32
    %dma_start3A_126 = arith.constant 0 : i32
    %dma_start3A_127 = tpu.memref_slice %arg2[%select_n3A, %add3A_103, %dma_start3A_124, %dma_start3A_125, %dma_start3A_126] : memref<32x52x52x3x85xf32, #tpu.memory_space<hbm>> -> memref<1x1x52x3x85xf32, #tpu.memory_space<hbm>>
    %dma_start3A_128 = tpu.memref_squeeze %dma_start3A_127 : memref<1x1x52x3x85xf32, #tpu.memory_space<hbm>> -> memref<52x3x85xf32, #tpu.memory_space<hbm>>
    tpu.enqueue_dma source(%dma_start3A_128 : memref<52x3x85xf32, #tpu.memory_space<hbm>>) target(%dma_start3A_123 : memref<52x3x85xf32, #tpu.memory_space<vmem>>) target_semaphore(%dma_start3A_118 : memref<!tpu.dma_semaphore, #tpu.memory_space<semaphore_mem>>)
    %add3A_129 = arith.constant 1 : i32
    %add3A_130 = arith.addi %mul3A_20, %add3A_129 : i32
    %dma_start3A_131 = arith.constant 1 : i32
    %dma_start3A_132 = arith.constant 1 : i32
    %dma_start3A_133 = arith.constant 1 : i32
    %dma_start3A_134 = arith.constant 0 : i32
    %dma_start3A_135 = arith.constant 0 : i32
    %dma_start3A_136 = arith.constant 0 : i32
    %dma_start3A_137 = tpu.memref_slice %arg6[%dma_start3A_131, %dma_start3A_134, %dma_start3A_135, %dma_start3A_136] : memref<2x52x3x85xf32, #tpu.memory_space<vmem>> -> memref<1x52x3x85xf32, #tpu.memory_space<vmem>>
    %dma_start3A_138 = tpu.memref_squeeze %dma_start3A_137 : memref<1x52x3x85xf32, #tpu.memory_space<vmem>> -> memref<52x3x85xf32, #tpu.memory_space<vmem>>
    %dma_start3A_139 = arith.constant 0 : i32
    %dma_start3A_140 = arith.constant 0 : i32
    %dma_start3A_141 = arith.constant 0 : i32
    %dma_start3A_142 = tpu.memref_slice %arg3[%select_n3A, %add3A_130, %dma_start3A_139, %dma_start3A_140, %dma_start3A_141] : memref<32x52x52x3x85xf32, #tpu.memory_space<hbm>> -> memref<1x1x52x3x85xf32, #tpu.memory_space<hbm>>
    %dma_start3A_143 = tpu.memref_squeeze %dma_start3A_142 : memref<1x1x52x3x85xf32, #tpu.memory_space<hbm>> -> memref<52x3x85xf32, #tpu.memory_space<hbm>>
    %dma_start3A_144 = tpu.memref_slice %arg8[%dma_start3A_132, %dma_start3A_133] : memref<2x2x!tpu.dma_semaphore, #tpu.memory_space<semaphore_mem>> -> memref<1x1x!tpu.dma_semaphore, #tpu.memory_space<semaphore_mem>>
    %dma_start3A_145 = tpu.memref_squeeze %dma_start3A_144 : memref<1x1x!tpu.dma_semaphore, #tpu.memory_space<semaphore_mem>> -> memref<!tpu.dma_semaphore, #tpu.memory_space<semaphore_mem>>
    %dma_start3A_146 = arith.constant 0 : i32
    %dma_start3A_147 = arith.constant 0 : i32
    %dma_start3A_148 = arith.constant 0 : i32
    %dma_start3A_149 = tpu.memref_slice %arg6[%dma_start3A_131, %dma_start3A_146, %dma_start3A_147, %dma_start3A_148] : memref<2x52x3x85xf32, #tpu.memory_space<vmem>> -> memref<1x52x3x85xf32, #tpu.memory_space<vmem>>
    %dma_start3A_150 = tpu.memref_squeeze %dma_start3A_149 : memref<1x52x3x85xf32, #tpu.memory_space<vmem>> -> memref<52x3x85xf32, #tpu.memory_space<vmem>>
    %dma_start3A_151 = arith.constant 0 : i32
    %dma_start3A_152 = arith.constant 0 : i32
    %dma_start3A_153 = arith.constant 0 : i32
    %dma_start3A_154 = tpu.memref_slice %arg3[%select_n3A, %add3A_130, %dma_start3A_151, %dma_start3A_152, %dma_start3A_153] : memref<32x52x52x3x85xf32, #tpu.memory_space<hbm>> -> memref<1x1x52x3x85xf32, #tpu.memory_space<hbm>>
    %dma_start3A_155 = tpu.memref_squeeze %dma_start3A_154 : memref<1x1x52x3x85xf32, #tpu.memory_space<hbm>> -> memref<52x3x85xf32, #tpu.memory_space<hbm>>
    tpu.enqueue_dma source(%dma_start3A_155 : memref<52x3x85xf32, #tpu.memory_space<hbm>>) target(%dma_start3A_150 : memref<52x3x85xf32, #tpu.memory_space<vmem>>) target_semaphore(%dma_start3A_145 : memref<!tpu.dma_semaphore, #tpu.memory_space<semaphore_mem>>)
    %broadcast_in_dim3A_156 = arith.constant 0.000000e+00 : f32
    %broadcast_in_dim3A_157 = vector.broadcast %broadcast_in_dim3A_156 : f32 to vector<16xf32>
    %scan3A = arith.constant 0 : i32
    %scan3A_158 = arith.constant 13 : i32
    %scan3A_159 = arith.addi %scan3A, %scan3A_158 : i32
    %scan3A_160 = arith.constant 1 : i32
    %scan3A_161 = scf.for %scan3A_166 = %scan3A to %scan3A_159 step %scan3A_160 iter_args(%scan3A_167 = %broadcast_in_dim3A_157) -> (vector<16xf32>)  : i32 {
      %mul3A_168 = arith.constant 2 : i32
      %mul3A_169 = arith.muli %mul3A_168, %scan3A_166 : i32
      %dma_wait3A = arith.constant 0 : i32
      %dma_wait3A_170 = arith.constant 0 : i32
      %dma_wait3A_171 = arith.constant 0 : i32
      %dma_wait3A_172 = arith.constant 0 : i32
      %dma_wait3A_173 = arith.constant 0 : i32
      %dma_wait3A_174 = arith.constant 0 : i32
      %dma_wait3A_175 = arith.constant 0 : i32
      %dma_wait3A_176 = arith.constant 0 : i32
      %dma_wait3A_177 = tpu.memref_slice %arg5[%dma_wait3A_171, %dma_wait3A_174, %dma_wait3A_175, %dma_wait3A_176] : memref<2x52x3x85xf32, #tpu.memory_space<vmem>> -> memref<1x52x3x85xf32, #tpu.memory_space<vmem>>
      %dma_wait3A_178 = tpu.memref_squeeze %dma_wait3A_177 : memref<1x52x3x85xf32, #tpu.memory_space<vmem>> -> memref<52x3x85xf32, #tpu.memory_space<vmem>>
      %dma_wait3A_179 = arith.constant 0 : i32
      %dma_wait3A_180 = arith.constant 0 : i32
      %dma_wait3A_181 = arith.constant 0 : i32
      %dma_wait3A_182 = tpu.memref_slice %arg2[%dma_wait3A, %dma_wait3A_170, %dma_wait3A_179, %dma_wait3A_180, %dma_wait3A_181] : memref<32x52x52x3x85xf32, #tpu.memory_space<hbm>> -> memref<1x1x52x3x85xf32, #tpu.memory_space<hbm>>
      %dma_wait3A_183 = tpu.memref_squeeze %dma_wait3A_182 : memref<1x1x52x3x85xf32, #tpu.memory_space<hbm>> -> memref<52x3x85xf32, #tpu.memory_space<hbm>>
      %dma_wait3A_184 = tpu.memref_slice %arg8[%dma_wait3A_172, %dma_wait3A_173] : memref<2x2x!tpu.dma_semaphore, #tpu.memory_space<semaphore_mem>> -> memref<1x1x!tpu.dma_semaphore, #tpu.memory_space<semaphore_mem>>
      %dma_wait3A_185 = tpu.memref_squeeze %dma_wait3A_184 : memref<1x1x!tpu.dma_semaphore, #tpu.memory_space<semaphore_mem>> -> memref<!tpu.dma_semaphore, #tpu.memory_space<semaphore_mem>>
      %dma_wait3A_186 = arith.constant 0 : i32
      %dma_wait3A_187 = arith.constant 0 : i32
      %dma_wait3A_188 = arith.constant 0 : i32
      %dma_wait3A_189 = tpu.memref_slice %arg5[%dma_wait3A_171, %dma_wait3A_186, %dma_wait3A_187, %dma_wait3A_188] : memref<2x52x3x85xf32, #tpu.memory_space<vmem>> -> memref<1x52x3x85xf32, #tpu.memory_space<vmem>>
      %dma_wait3A_190 = tpu.memref_squeeze %dma_wait3A_189 : memref<1x52x3x85xf32, #tpu.memory_space<vmem>> -> memref<52x3x85xf32, #tpu.memory_space<vmem>>
      %dma_wait3A_191 = arith.constant 0 : i32
      %dma_wait3A_192 = arith.constant 0 : i32
      %dma_wait3A_193 = arith.constant 0 : i32
      %dma_wait3A_194 = tpu.memref_slice %arg2[%dma_wait3A, %dma_wait3A_170, %dma_wait3A_191, %dma_wait3A_192, %dma_wait3A_193] : memref<32x52x52x3x85xf32, #tpu.memory_space<hbm>> -> memref<1x1x52x3x85xf32, #tpu.memory_space<hbm>>
      %dma_wait3A_195 = tpu.memref_squeeze %dma_wait3A_194 : memref<1x1x52x3x85xf32, #tpu.memory_space<hbm>> -> memref<52x3x85xf32, #tpu.memory_space<hbm>>
      tpu.wait_dma2 semaphore(%dma_wait3A_185 : memref<!tpu.dma_semaphore, #tpu.memory_space<semaphore_mem>>) src(%dma_wait3A_195 : memref<52x3x85xf32, #tpu.memory_space<hbm>>) dst(%dma_wait3A_190 : memref<52x3x85xf32, #tpu.memory_space<vmem>>)
      %dma_wait3A_196 = arith.constant 0 : i32
      %dma_wait3A_197 = arith.constant 0 : i32
      %dma_wait3A_198 = arith.constant 0 : i32
      %dma_wait3A_199 = arith.constant 0 : i32
      %dma_wait3A_200 = arith.constant 1 : i32
      %dma_wait3A_201 = arith.constant 0 : i32
      %dma_wait3A_202 = arith.constant 0 : i32
      %dma_wait3A_203 = arith.constant 0 : i32
      %dma_wait3A_204 = tpu.memref_slice %arg6[%dma_wait3A_198, %dma_wait3A_201, %dma_wait3A_202, %dma_wait3A_203] : memref<2x52x3x85xf32, #tpu.memory_space<vmem>> -> memref<1x52x3x85xf32, #tpu.memory_space<vmem>>
      %dma_wait3A_205 = tpu.memref_squeeze %dma_wait3A_204 : memref<1x52x3x85xf32, #tpu.memory_space<vmem>> -> memref<52x3x85xf32, #tpu.memory_space<vmem>>
      %dma_wait3A_206 = arith.constant 0 : i32
      %dma_wait3A_207 = arith.constant 0 : i32
      %dma_wait3A_208 = arith.constant 0 : i32
      %dma_wait3A_209 = tpu.memref_slice %arg3[%dma_wait3A_196, %dma_wait3A_197, %dma_wait3A_206, %dma_wait3A_207, %dma_wait3A_208] : memref<32x52x52x3x85xf32, #tpu.memory_space<hbm>> -> memref<1x1x52x3x85xf32, #tpu.memory_space<hbm>>
      %dma_wait3A_210 = tpu.memref_squeeze %dma_wait3A_209 : memref<1x1x52x3x85xf32, #tpu.memory_space<hbm>> -> memref<52x3x85xf32, #tpu.memory_space<hbm>>
      %dma_wait3A_211 = tpu.memref_slice %arg8[%dma_wait3A_199, %dma_wait3A_200] : memref<2x2x!tpu.dma_semaphore, #tpu.memory_space<semaphore_mem>> -> memref<1x1x!tpu.dma_semaphore, #tpu.memory_space<semaphore_mem>>
      %dma_wait3A_212 = tpu.memref_squeeze %dma_wait3A_211 : memref<1x1x!tpu.dma_semaphore, #tpu.memory_space<semaphore_mem>> -> memref<!tpu.dma_semaphore, #tpu.memory_space<semaphore_mem>>
      %dma_wait3A_213 = arith.constant 0 : i32
      %dma_wait3A_214 = arith.constant 0 : i32
      %dma_wait3A_215 = arith.constant 0 : i32
      %dma_wait3A_216 = tpu.memref_slice %arg6[%dma_wait3A_198, %dma_wait3A_213, %dma_wait3A_214, %dma_wait3A_215] : memref<2x52x3x85xf32, #tpu.memory_space<vmem>> -> memref<1x52x3x85xf32, #tpu.memory_space<vmem>>
      %dma_wait3A_217 = tpu.memref_squeeze %dma_wait3A_216 : memref<1x52x3x85xf32, #tpu.memory_space<vmem>> -> memref<52x3x85xf32, #tpu.memory_space<vmem>>
      %dma_wait3A_218 = arith.constant 0 : i32
      %dma_wait3A_219 = arith.constant 0 : i32
      %dma_wait3A_220 = arith.constant 0 : i32
      %dma_wait3A_221 = tpu.memref_slice %arg3[%dma_wait3A_196, %dma_wait3A_197, %dma_wait3A_218, %dma_wait3A_219, %dma_wait3A_220] : memref<32x52x52x3x85xf32, #tpu.memory_space<hbm>> -> memref<1x1x52x3x85xf32, #tpu.memory_space<hbm>>
      %dma_wait3A_222 = tpu.memref_squeeze %dma_wait3A_221 : memref<1x1x52x3x85xf32, #tpu.memory_space<hbm>> -> memref<52x3x85xf32, #tpu.memory_space<hbm>>
      tpu.wait_dma2 semaphore(%dma_wait3A_212 : memref<!tpu.dma_semaphore, #tpu.memory_space<semaphore_mem>>) src(%dma_wait3A_222 : memref<52x3x85xf32, #tpu.memory_space<hbm>>) dst(%dma_wait3A_217 : memref<52x3x85xf32, #tpu.memory_space<vmem>>)
      %scan3A_223 = arith.constant 0 : i32
      %scan3A_224 = arith.constant 52 : i32
      %scan3A_225 = arith.addi %scan3A_223, %scan3A_224 : i32
      %scan3A_226 = arith.constant 1 : i32
      %scan3A_227 = scf.for %scan3A_301 = %scan3A_223 to %scan3A_225 step %scan3A_226 iter_args(%scan3A_302 = %scan3A_167) -> (vector<16xf32>)  : i32 {
        %get3A = arith.constant 0 : i32
        %get3A_303 = arith.constant 0 : i32
        %get3A_304 = arith.index_cast %get3A : i32 to index
        %get3A_305 = arith.index_cast %scan3A_301 : i32 to index
        %get3A_306 = arith.index_cast %get3A_303 : i32 to index
        %get3A_307 = arith.constant 0 : index
        %get3A_308 = tpu.vector_load %arg5[%get3A_304, %get3A_305, %get3A_306, %get3A_307] {strides = array<i32>} : memref<2x52x3x85xf32, #tpu.memory_space<vmem>>, vector<1x1x1x16xf32>,
        %get3A_309 = vector.shape_cast %get3A_308 : vector<1x1x1x16xf32> to vector<16xf32>
        %get3A_310 = arith.constant 0 : i32
        %get3A_311 = arith.constant 0 : i32
        %get3A_312 = arith.index_cast %get3A_310 : i32 to index
        %get3A_313 = arith.index_cast %scan3A_301 : i32 to index
        %get3A_314 = arith.index_cast %get3A_311 : i32 to index
        %get3A_315 = arith.constant 16 : index
        %get3A_316 = tpu.vector_load %arg5[%get3A_312, %get3A_313, %get3A_314, %get3A_315] {strides = array<i32>} : memref<2x52x3x85xf32, #tpu.memory_space<vmem>>, vector<1x1x1x16xf32>,
        %get3A_317 = vector.shape_cast %get3A_316 : vector<1x1x1x16xf32> to vector<16xf32>
        %get3A_318 = arith.constant 0 : i32
        %get3A_319 = arith.constant 0 : i32
        %get3A_320 = arith.index_cast %get3A_318 : i32 to index
        %get3A_321 = arith.index_cast %scan3A_301 : i32 to index
        %get3A_322 = arith.index_cast %get3A_319 : i32 to index
        %get3A_323 = arith.constant 32 : index
        %get3A_324 = tpu.vector_load %arg5[%get3A_320, %get3A_321, %get3A_322, %get3A_323] {strides = array<i32>} : memref<2x52x3x85xf32, #tpu.memory_space<vmem>>, vector<1x1x1x16xf32>,
        %get3A_325 = vector.shape_cast %get3A_324 : vector<1x1x1x16xf32> to vector<16xf32>
        %get3A_326 = arith.constant 0 : i32
        %get3A_327 = arith.constant 0 : i32
        %get3A_328 = arith.index_cast %get3A_326 : i32 to index
        %get3A_329 = arith.index_cast %scan3A_301 : i32 to index
        %get3A_330 = arith.index_cast %get3A_327 : i32 to index
        %get3A_331 = arith.constant 48 : index
        %get3A_332 = tpu.vector_load %arg5[%get3A_328, %get3A_329, %get3A_330, %get3A_331] {strides = array<i32>} : memref<2x52x3x85xf32, #tpu.memory_space<vmem>>, vector<1x1x1x16xf32>,
        %get3A_333 = vector.shape_cast %get3A_332 : vector<1x1x1x16xf32> to vector<16xf32>
        %get3A_334 = arith.constant 0 : i32
        %get3A_335 = arith.constant 0 : i32
        %get3A_336 = arith.index_cast %get3A_334 : i32 to index
        %get3A_337 = arith.index_cast %scan3A_301 : i32 to index
        %get3A_338 = arith.index_cast %get3A_335 : i32 to index
        %get3A_339 = arith.constant 64 : index
        %get3A_340 = tpu.vector_load %arg5[%get3A_336, %get3A_337, %get3A_338, %get3A_339] {strides = array<i32>} : memref<2x52x3x85xf32, #tpu.memory_space<vmem>>, vector<1x1x1x16xf32>,
        %get3A_341 = vector.shape_cast %get3A_340 : vector<1x1x1x16xf32> to vector<16xf32>
        %get3A_342 = arith.constant 0 : i32
        %get3A_343 = arith.constant 0 : i32
        %get3A_344 = arith.index_cast %get3A_342 : i32 to index
        %get3A_345 = arith.index_cast %scan3A_301 : i32 to index
        %get3A_346 = arith.index_cast %get3A_343 : i32 to index
        %get3A_347 = arith.constant 69 : index
        %get3A_348 = tpu.vector_load %arg5[%get3A_344, %get3A_345, %get3A_346, %get3A_347] {strides = array<i32>} : memref<2x52x3x85xf32, #tpu.memory_space<vmem>>, vector<1x1x1x16xf32>,
        %get3A_349 = vector.shape_cast %get3A_348 : vector<1x1x1x16xf32> to vector<16xf32>
        %get3A_350 = arith.constant 0 : i32
        %get3A_351 = arith.constant 0 : i32
        %get3A_352 = arith.index_cast %get3A_350 : i32 to index
        %get3A_353 = arith.index_cast %scan3A_301 : i32 to index
        %get3A_354 = arith.index_cast %get3A_351 : i32 to index
        %get3A_355 = arith.constant 0 : index
        %get3A_356 = tpu.vector_load %arg6[%get3A_352, %get3A_353, %get3A_354, %get3A_355] {strides = array<i32>} : memref<2x52x3x85xf32, #tpu.memory_space<vmem>>, vector<1x1x1x16xf32>,
        %get3A_357 = vector.shape_cast %get3A_356 : vector<1x1x1x16xf32> to vector<16xf32>
        %get3A_358 = arith.constant 0 : i32
        %get3A_359 = arith.constant 0 : i32
        %get3A_360 = arith.index_cast %get3A_358 : i32 to index
        %get3A_361 = arith.index_cast %scan3A_301 : i32 to index
        %get3A_362 = arith.index_cast %get3A_359 : i32 to index
        %get3A_363 = arith.constant 16 : index
        %get3A_364 = tpu.vector_load %arg6[%get3A_360, %get3A_361, %get3A_362, %get3A_363] {strides = array<i32>} : memref<2x52x3x85xf32, #tpu.memory_space<vmem>>, vector<1x1x1x16xf32>,
        %get3A_365 = vector.shape_cast %get3A_364 : vector<1x1x1x16xf32> to vector<16xf32>
        %get3A_366 = arith.constant 0 : i32
        %get3A_367 = arith.constant 0 : i32
        %get3A_368 = arith.index_cast %get3A_366 : i32 to index
        %get3A_369 = arith.index_cast %scan3A_301 : i32 to index
        %get3A_370 = arith.index_cast %get3A_367 : i32 to index
        %get3A_371 = arith.constant 32 : index
        %get3A_372 = tpu.vector_load %arg6[%get3A_368, %get3A_369, %get3A_370, %get3A_371] {strides = array<i32>} : memref<2x52x3x85xf32, #tpu.memory_space<vmem>>, vector<1x1x1x16xf32>,
        %get3A_373 = vector.shape_cast %get3A_372 : vector<1x1x1x16xf32> to vector<16xf32>
        %get3A_374 = arith.constant 0 : i32
        %get3A_375 = arith.constant 0 : i32
        %get3A_376 = arith.index_cast %get3A_374 : i32 to index
        %get3A_377 = arith.index_cast %scan3A_301 : i32 to index
        %get3A_378 = arith.index_cast %get3A_375 : i32 to index
        %get3A_379 = arith.constant 48 : index
        %get3A_380 = tpu.vector_load %arg6[%get3A_376, %get3A_377, %get3A_378, %get3A_379] {strides = array<i32>} : memref<2x52x3x85xf32, #tpu.memory_space<vmem>>, vector<1x1x1x16xf32>,
        %get3A_381 = vector.shape_cast %get3A_380 : vector<1x1x1x16xf32> to vector<16xf32>
        %get3A_382 = arith.constant 0 : i32
        %get3A_383 = arith.constant 0 : i32
        %get3A_384 = arith.index_cast %get3A_382 : i32 to index
        %get3A_385 = arith.index_cast %scan3A_301 : i32 to index
        %get3A_386 = arith.index_cast %get3A_383 : i32 to index
        %get3A_387 = arith.constant 64 : index
        %get3A_388 = tpu.vector_load %arg6[%get3A_384, %get3A_385, %get3A_386, %get3A_387] {strides = array<i32>} : memref<2x52x3x85xf32, #tpu.memory_space<vmem>>, vector<1x1x1x16xf32>,
        %get3A_389 = vector.shape_cast %get3A_388 : vector<1x1x1x16xf32> to vector<16xf32>
        %get3A_390 = arith.constant 0 : i32
        %get3A_391 = arith.constant 0 : i32
        %get3A_392 = arith.index_cast %get3A_390 : i32 to index
        %get3A_393 = arith.index_cast %scan3A_301 : i32 to index
        %get3A_394 = arith.index_cast %get3A_391 : i32 to index
        %get3A_395 = arith.constant 69 : index
        %get3A_396 = tpu.vector_load %arg6[%get3A_392, %get3A_393, %get3A_394, %get3A_395] {strides = array<i32>} : memref<2x52x3x85xf32, #tpu.memory_space<vmem>>, vector<1x1x1x16xf32>,
        %get3A_397 = vector.shape_cast %get3A_396 : vector<1x1x1x16xf32> to vector<16xf32>
        %broadcast_in_dim3A_398 = arith.constant 4 : i32
        %broadcast_in_dim3A_399 = vector.broadcast %broadcast_in_dim3A_398 : i32 to vector<16x1xi32>
        %gather3A = vector.shape_cast %broadcast_in_dim3A_399 : vector<16x1xi32> to vector<16xi32>
        %gather3A_400 = tpu.dynamic_gather %get3A_357[%gather3A] in [0] : vector<16xf32>, vector<16xi32> -> vector<16xf32>
        %sub3A_401 = arith.subf %get3A_357, %get3A_309 : vector<16xf32>
        %mul3A_402 = arith.mulf %sub3A_401, %sub3A_401 : vector<16xf32>
        %mul3A_403 = arith.mulf %gather3A_400, %mul3A_402 : vector<16xf32>
        %mul3A_404 = arith.mulf %select_n3A_26, %mul3A_403 : vector<16xf32>
        %add3A_405 = arith.addf %scan3A_302, %mul3A_404 : vector<16xf32>
        %mul3A_406 = arith.constant 5.000000e-01 : f32
        %mul3A_407 = vector.broadcast %mul3A_406 : f32 to vector<16xf32>
        %mul3A_408 = arith.mulf %mul3A_407, %gather3A_400 : vector<16xf32>
        %add3A_409 = arith.constant 5.000000e-01 : f32
        %add3A_410 = vector.broadcast %add3A_409 : f32 to vector<16xf32>
        %add3A_411 = arith.addf %add3A_410, %mul3A_408 : vector<16xf32>
        %mul3A_412 = arith.mulf %select_n3A_33, %add3A_411 : vector<16xf32>
        %mul3A_413 = arith.mulf %select_n3A_40, %gather3A_400 : vector<16xf32>
        %add3A_414 = arith.addf %mul3A_412, %mul3A_413 : vector<16xf32>
        %max3A = arith.constant 0.000000e+00 : f32
        %max3A_415 = vector.broadcast %max3A : f32 to vector<16xf32>
        %max3A_416 = arith.maximumf %get3A_309, %max3A_415 : vector<16xf32>
        %abs3A = math.absf %get3A_309 : vector<16xf32>
        %neg3A = arith.constant 0.000000e+00 : f32
        %neg3A_417 = vector.broadcast %neg3A : f32 to vector<16xf32>
        %neg3A_418 = arith.subf %neg3A_417, %abs3A : vector<16xf32>
        %exp3A = math.exp %neg3A_418 : vector<16xf32>
        %mul3A_419 = arith.constant -0.0236892495 : f32
        %mul3A_420 = vector.broadcast %mul3A_419 : f32 to vector<16xf32>
        %mul3A_421 = arith.mulf %mul3A_420, %exp3A : vector<16xf32>
        %add3A_422 = arith.constant 0.100287199 : f32
        %add3A_423 = vector.broadcast %add3A_422 : f32 to vector<16xf32>
        %add3A_424 = arith.addf %mul3A_421, %add3A_423 : vector<16xf32>
        %mul3A_425 = arith.mulf %add3A_424, %exp3A : vector<16xf32>
        %add3A_426 = arith.constant -0.208669662 : f32
        %add3A_427 = vector.broadcast %add3A_426 : f32 to vector<16xf32>
        %add3A_428 = arith.addf %mul3A_425, %add3A_427 : vector<16xf32>
        %mul3A_429 = arith.mulf %add3A_428, %exp3A : vector<16xf32>
        %add3A_430 = arith.constant 0.324411809 : f32
        %add3A_431 = vector.broadcast %add3A_430 : f32 to vector<16xf32>
        %add3A_432 = arith.addf %mul3A_429, %add3A_431 : vector<16xf32>
        %mul3A_433 = arith.mulf %add3A_432, %exp3A : vector<16xf32>
        %add3A_434 = arith.constant -0.499187857 : f32
        %add3A_435 = vector.broadcast %add3A_434 : f32 to vector<16xf32>
        %add3A_436 = arith.addf %mul3A_433, %add3A_435 : vector<16xf32>
        %mul3A_437 = arith.mulf %add3A_436, %exp3A : vector<16xf32>
        %add3A_438 = arith.constant 0.99998188 : f32
        %add3A_439 = vector.broadcast %add3A_438 : f32 to vector<16xf32>
        %add3A_440 = arith.addf %mul3A_437, %add3A_439 : vector<16xf32>
        %mul3A_441 = arith.mulf %get3A_309, %get3A_357 : vector<16xf32>
        %sub3A_442 = arith.subf %max3A_416, %mul3A_441 : vector<16xf32>
        %mul3A_443 = arith.mulf %add3A_440, %exp3A : vector<16xf32>
        %add3A_444 = arith.addf %sub3A_442, %mul3A_443 : vector<16xf32>
        %mul3A_445 = arith.mulf %add3A_414, %add3A_444 : vector<16xf32>
        %add3A_446 = arith.addf %add3A_405, %mul3A_445 : vector<16xf32>
        %max3A_447 = arith.constant 0.000000e+00 : f32
        %max3A_448 = vector.broadcast %max3A_447 : f32 to vector<16xf32>
        %max3A_449 = arith.maximumf %get3A_317, %max3A_448 : vector<16xf32>
        %abs3A_450 = math.absf %get3A_317 : vector<16xf32>
        %neg3A_451 = arith.constant 0.000000e+00 : f32
        %neg3A_452 = vector.broadcast %neg3A_451 : f32 to vector<16xf32>
        %neg3A_453 = arith.subf %neg3A_452, %abs3A_450 : vector<16xf32>
        %exp3A_454 = math.exp %neg3A_453 : vector<16xf32>
        %mul3A_455 = arith.constant -0.0236892495 : f32
        %mul3A_456 = vector.broadcast %mul3A_455 : f32 to vector<16xf32>
        %mul3A_457 = arith.mulf %mul3A_456, %exp3A_454 : vector<16xf32>
        %add3A_458 = arith.constant 0.100287199 : f32
        %add3A_459 = vector.broadcast %add3A_458 : f32 to vector<16xf32>
        %add3A_460 = arith.addf %mul3A_457, %add3A_459 : vector<16xf32>
        %mul3A_461 = arith.mulf %add3A_460, %exp3A_454 : vector<16xf32>
        %add3A_462 = arith.constant -0.208669662 : f32
        %add3A_463 = vector.broadcast %add3A_462 : f32 to vector<16xf32>
        %add3A_464 = arith.addf %mul3A_461, %add3A_463 : vector<16xf32>
        %mul3A_465 = arith.mulf %add3A_464, %exp3A_454 : vector<16xf32>
        %add3A_466 = arith.constant 0.324411809 : f32
        %add3A_467 = vector.broadcast %add3A_466 : f32 to vector<16xf32>
        %add3A_468 = arith.addf %mul3A_465, %add3A_467 : vector<16xf32>
        %mul3A_469 = arith.mulf %add3A_468, %exp3A_454 : vector<16xf32>
        %add3A_470 = arith.constant -0.499187857 : f32
        %add3A_471 = vector.broadcast %add3A_470 : f32 to vector<16xf32>
        %add3A_472 = arith.addf %mul3A_469, %add3A_471 : vector<16xf32>
        %mul3A_473 = arith.mulf %add3A_472, %exp3A_454 : vector<16xf32>
        %add3A_474 = arith.constant 0.99998188 : f32
        %add3A_475 = vector.broadcast %add3A_474 : f32 to vector<16xf32>
        %add3A_476 = arith.addf %mul3A_473, %add3A_475 : vector<16xf32>
        %mul3A_477 = arith.mulf %get3A_317, %get3A_365 : vector<16xf32>
        %sub3A_478 = arith.subf %max3A_449, %mul3A_477 : vector<16xf32>
        %mul3A_479 = arith.mulf %add3A_476, %exp3A_454 : vector<16xf32>
        %add3A_480 = arith.addf %sub3A_478, %mul3A_479 : vector<16xf32>
        %mul3A_481 = arith.mulf %gather3A_400, %add3A_480 : vector<16xf32>
        %add3A_482 = arith.addf %add3A_446, %mul3A_481 : vector<16xf32>
        %max3A_483 = arith.constant 0.000000e+00 : f32
        %max3A_484 = vector.broadcast %max3A_483 : f32 to vector<16xf32>
        %max3A_485 = arith.maximumf %get3A_325, %max3A_484 : vector<16xf32>
        %abs3A_486 = math.absf %get3A_325 : vector<16xf32>
        %neg3A_487 = arith.constant 0.000000e+00 : f32
        %neg3A_488 = vector.broadcast %neg3A_487 : f32 to vector<16xf32>
        %neg3A_489 = arith.subf %neg3A_488, %abs3A_486 : vector<16xf32>
        %exp3A_490 = math.exp %neg3A_489 : vector<16xf32>
        %mul3A_491 = arith.constant -0.0236892495 : f32
        %mul3A_492 = vector.broadcast %mul3A_491 : f32 to vector<16xf32>
        %mul3A_493 = arith.mulf %mul3A_492, %exp3A_490 : vector<16xf32>
        %add3A_494 = arith.constant 0.100287199 : f32
        %add3A_495 = vector.broadcast %add3A_494 : f32 to vector<16xf32>
        %add3A_496 = arith.addf %mul3A_493, %add3A_495 : vector<16xf32>
        %mul3A_497 = arith.mulf %add3A_496, %exp3A_490 : vector<16xf32>
        %add3A_498 = arith.constant -0.208669662 : f32
        %add3A_499 = vector.broadcast %add3A_498 : f32 to vector<16xf32>
        %add3A_500 = arith.addf %mul3A_497, %add3A_499 : vector<16xf32>
        %mul3A_501 = arith.mulf %add3A_500, %exp3A_490 : vector<16xf32>
        %add3A_502 = arith.constant 0.324411809 : f32
        %add3A_503 = vector.broadcast %add3A_502 : f32 to vector<16xf32>
        %add3A_504 = arith.addf %mul3A_501, %add3A_503 : vector<16xf32>
        %mul3A_505 = arith.mulf %add3A_504, %exp3A_490 : vector<16xf32>
        %add3A_506 = arith.constant -0.499187857 : f32
        %add3A_507 = vector.broadcast %add3A_506 : f32 to vector<16xf32>
        %add3A_508 = arith.addf %mul3A_505, %add3A_507 : vector<16xf32>
        %mul3A_509 = arith.mulf %add3A_508, %exp3A_490 : vector<16xf32>
        %add3A_510 = arith.constant 0.99998188 : f32
        %add3A_511 = vector.broadcast %add3A_510 : f32 to vector<16xf32>
        %add3A_512 = arith.addf %mul3A_509, %add3A_511 : vector<16xf32>
        %mul3A_513 = arith.mulf %get3A_325, %get3A_373 : vector<16xf32>
        %sub3A_514 = arith.subf %max3A_485, %mul3A_513 : vector<16xf32>
        %mul3A_515 = arith.mulf %add3A_512, %exp3A_490 : vector<16xf32>
        %add3A_516 = arith.addf %sub3A_514, %mul3A_515 : vector<16xf32>
        %mul3A_517 = arith.mulf %gather3A_400, %add3A_516 : vector<16xf32>
        %add3A_518 = arith.addf %add3A_482, %mul3A_517 : vector<16xf32>
        %max3A_519 = arith.constant 0.000000e+00 : f32
        %max3A_520 = vector.broadcast %max3A_519 : f32 to vector<16xf32>
        %max3A_521 = arith.maximumf %get3A_333, %max3A_520 : vector<16xf32>
        %abs3A_522 = math.absf %get3A_333 : vector<16xf32>
        %neg3A_523 = arith.constant 0.000000e+00 : f32
        %neg3A_524 = vector.broadcast %neg3A_523 : f32 to vector<16xf32>
        %neg3A_525 = arith.subf %neg3A_524, %abs3A_522 : vector<16xf32>
        %exp3A_526 = math.exp %neg3A_525 : vector<16xf32>
        %mul3A_527 = arith.constant -0.0236892495 : f32
        %mul3A_528 = vector.broadcast %mul3A_527 : f32 to vector<16xf32>
        %mul3A_529 = arith.mulf %mul3A_528, %exp3A_526 : vector<16xf32>
        %add3A_530 = arith.constant 0.100287199 : f32
        %add3A_531 = vector.broadcast %add3A_530 : f32 to vector<16xf32>
        %add3A_532 = arith.addf %mul3A_529, %add3A_531 : vector<16xf32>
        %mul3A_533 = arith.mulf %add3A_532, %exp3A_526 : vector<16xf32>
        %add3A_534 = arith.constant -0.208669662 : f32
        %add3A_535 = vector.broadcast %add3A_534 : f32 to vector<16xf32>
        %add3A_536 = arith.addf %mul3A_533, %add3A_535 : vector<16xf32>
        %mul3A_537 = arith.mulf %add3A_536, %exp3A_526 : vector<16xf32>
        %add3A_538 = arith.constant 0.324411809 : f32
        %add3A_539 = vector.broadcast %add3A_538 : f32 to vector<16xf32>
        %add3A_540 = arith.addf %mul3A_537, %add3A_539 : vector<16xf32>
        %mul3A_541 = arith.mulf %add3A_540, %exp3A_526 : vector<16xf32>
        %add3A_542 = arith.constant -0.499187857 : f32
        %add3A_543 = vector.broadcast %add3A_542 : f32 to vector<16xf32>
        %add3A_544 = arith.addf %mul3A_541, %add3A_543 : vector<16xf32>
        %mul3A_545 = arith.mulf %add3A_544, %exp3A_526 : vector<16xf32>
        %add3A_546 = arith.constant 0.99998188 : f32
        %add3A_547 = vector.broadcast %add3A_546 : f32 to vector<16xf32>
        %add3A_548 = arith.addf %mul3A_545, %add3A_547 : vector<16xf32>
        %mul3A_549 = arith.mulf %get3A_333, %get3A_381 : vector<16xf32>
        %sub3A_550 = arith.subf %max3A_521, %mul3A_549 : vector<16xf32>
        %mul3A_551 = arith.mulf %add3A_548, %exp3A_526 : vector<16xf32>
        %add3A_552 = arith.addf %sub3A_550, %mul3A_551 : vector<16xf32>
        %mul3A_553 = arith.mulf %gather3A_400, %add3A_552 : vector<16xf32>
        %add3A_554 = arith.addf %add3A_518, %mul3A_553 : vector<16xf32>
        %max3A_555 = arith.constant 0.000000e+00 : f32
        %max3A_556 = vector.broadcast %max3A_555 : f32 to vector<16xf32>
        %max3A_557 = arith.maximumf %get3A_341, %max3A_556 : vector<16xf32>
        %abs3A_558 = math.absf %get3A_341 : vector<16xf32>
        %neg3A_559 = arith.constant 0.000000e+00 : f32
        %neg3A_560 = vector.broadcast %neg3A_559 : f32 to vector<16xf32>
        %neg3A_561 = arith.subf %neg3A_560, %abs3A_558 : vector<16xf32>
        %exp3A_562 = math.exp %neg3A_561 : vector<16xf32>
        %mul3A_563 = arith.constant -0.0236892495 : f32
        %mul3A_564 = vector.broadcast %mul3A_563 : f32 to vector<16xf32>
        %mul3A_565 = arith.mulf %mul3A_564, %exp3A_562 : vector<16xf32>
        %add3A_566 = arith.constant 0.100287199 : f32
        %add3A_567 = vector.broadcast %add3A_566 : f32 to vector<16xf32>
        %add3A_568 = arith.addf %mul3A_565, %add3A_567 : vector<16xf32>
        %mul3A_569 = arith.mulf %add3A_568, %exp3A_562 : vector<16xf32>
        %add3A_570 = arith.constant -0.208669662 : f32
        %add3A_571 = vector.broadcast %add3A_570 : f32 to vector<16xf32>
        %add3A_572 = arith.addf %mul3A_569, %add3A_571 : vector<16xf32>
        %mul3A_573 = arith.mulf %add3A_572, %exp3A_562 : vector<16xf32>
        %add3A_574 = arith.constant 0.324411809 : f32
        %add3A_575 = vector.broadcast %add3A_574 : f32 to vector<16xf32>
        %add3A_576 = arith.addf %mul3A_573, %add3A_575 : vector<16xf32>
        %mul3A_577 = arith.mulf %add3A_576, %exp3A_562 : vector<16xf32>
        %add3A_578 = arith.constant -0.499187857 : f32
        %add3A_579 = vector.broadcast %add3A_578 : f32 to vector<16xf32>
        %add3A_580 = arith.addf %mul3A_577, %add3A_579 : vector<16xf32>
        %mul3A_581 = arith.mulf %add3A_580, %exp3A_562 : vector<16xf32>
        %add3A_582 = arith.constant 0.99998188 : f32
        %add3A_583 = vector.broadcast %add3A_582 : f32 to vector<16xf32>
        %add3A_584 = arith.addf %mul3A_581, %add3A_583 : vector<16xf32>
        %mul3A_585 = arith.mulf %get3A_341, %get3A_389 : vector<16xf32>
        %sub3A_586 = arith.subf %max3A_557, %mul3A_585 : vector<16xf32>
        %mul3A_587 = arith.mulf %add3A_584, %exp3A_562 : vector<16xf32>
        %add3A_588 = arith.addf %sub3A_586, %mul3A_587 : vector<16xf32>
        %mul3A_589 = arith.mulf %gather3A_400, %add3A_588 : vector<16xf32>
        %add3A_590 = arith.addf %add3A_554, %mul3A_589 : vector<16xf32>
        %mul3A_591 = arith.mulf %select_n3A_48, %gather3A_400 : vector<16xf32>
        %max3A_592 = arith.constant 0.000000e+00 : f32
        %max3A_593 = vector.broadcast %max3A_592 : f32 to vector<16xf32>
        %max3A_594 = arith.maximumf %get3A_349, %max3A_593 : vector<16xf32>
        %abs3A_595 = math.absf %get3A_349 : vector<16xf32>
        %neg3A_596 = arith.constant 0.000000e+00 : f32
        %neg3A_597 = vector.broadcast %neg3A_596 : f32 to vector<16xf32>
        %neg3A_598 = arith.subf %neg3A_597, %abs3A_595 : vector<16xf32>
        %exp3A_599 = math.exp %neg3A_598 : vector<16xf32>
        %mul3A_600 = arith.constant -0.0236892495 : f32
        %mul3A_601 = vector.broadcast %mul3A_600 : f32 to vector<16xf32>
        %mul3A_602 = arith.mulf %mul3A_601, %exp3A_599 : vector<16xf32>
        %add3A_603 = arith.constant 0.100287199 : f32
        %add3A_604 = vector.broadcast %add3A_603 : f32 to vector<16xf32>
        %add3A_605 = arith.addf %mul3A_602, %add3A_604 : vector<16xf32>
        %mul3A_606 = arith.mulf %add3A_605, %exp3A_599 : vector<16xf32>
        %add3A_607 = arith.constant -0.208669662 : f32
        %add3A_608 = vector.broadcast %add3A_607 : f32 to vector<16xf32>
        %add3A_609 = arith.addf %mul3A_606, %add3A_608 : vector<16xf32>
        %mul3A_610 = arith.mulf %add3A_609, %exp3A_599 : vector<16xf32>
        %add3A_611 = arith.constant 0.324411809 : f32
        %add3A_612 = vector.broadcast %add3A_611 : f32 to vector<16xf32>
        %add3A_613 = arith.addf %mul3A_610, %add3A_612 : vector<16xf32>
        %mul3A_614 = arith.mulf %add3A_613, %exp3A_599 : vector<16xf32>
        %add3A_615 = arith.constant -0.499187857 : f32
        %add3A_616 = vector.broadcast %add3A_615 : f32 to vector<16xf32>
        %add3A_617 = arith.addf %mul3A_614, %add3A_616 : vector<16xf32>
        %mul3A_618 = arith.mulf %add3A_617, %exp3A_599 : vector<16xf32>
        %add3A_619 = arith.constant 0.99998188 : f32
        %add3A_620 = vector.broadcast %add3A_619 : f32 to vector<16xf32>
        %add3A_621 = arith.addf %mul3A_618, %add3A_620 : vector<16xf32>
        %mul3A_622 = arith.mulf %get3A_349, %get3A_397 : vector<16xf32>
        %sub3A_623 = arith.subf %max3A_594, %mul3A_622 : vector<16xf32>
        %mul3A_624 = arith.mulf %add3A_621, %exp3A_599 : vector<16xf32>
        %add3A_625 = arith.addf %sub3A_623, %mul3A_624 : vector<16xf32>
        %mul3A_626 = arith.mulf %mul3A_591, %add3A_625 : vector<16xf32>
        %add3A_627 = arith.addf %add3A_590, %mul3A_626 : vector<16xf32>
        %get3A_628 = arith.constant 0 : i32
        %get3A_629 = arith.constant 1 : i32
        %get3A_630 = arith.index_cast %get3A_628 : i32 to index
        %get3A_631 = arith.index_cast %scan3A_301 : i32 to index
        %get3A_632 = arith.index_cast %get3A_629 : i32 to index
        %get3A_633 = arith.constant 0 : index
        %get3A_634 = tpu.vector_load %arg5[%get3A_630, %get3A_631, %get3A_632, %get3A_633] {strides = array<i32>} : memref<2x52x3x85xf32, #tpu.memory_space<vmem>>, vector<1x1x1x16xf32>,
        %get3A_635 = vector.shape_cast %get3A_634 : vector<1x1x1x16xf32> to vector<16xf32>
        %get3A_636 = arith.constant 0 : i32
        %get3A_637 = arith.constant 1 : i32
        %get3A_638 = arith.index_cast %get3A_636 : i32 to index
        %get3A_639 = arith.index_cast %scan3A_301 : i32 to index
        %get3A_640 = arith.index_cast %get3A_637 : i32 to index
        %get3A_641 = arith.constant 16 : index
        %get3A_642 = tpu.vector_load %arg5[%get3A_638, %get3A_639, %get3A_640, %get3A_641] {strides = array<i32>} : memref<2x52x3x85xf32, #tpu.memory_space<vmem>>, vector<1x1x1x16xf32>,
        %get3A_643 = vector.shape_cast %get3A_642 : vector<1x1x1x16xf32> to vector<16xf32>
        %get3A_644 = arith.constant 0 : i32
        %get3A_645 = arith.constant 1 : i32
        %get3A_646 = arith.index_cast %get3A_644 : i32 to index
        %get3A_647 = arith.index_cast %scan3A_301 : i32 to index
        %get3A_648 = arith.index_cast %get3A_645 : i32 to index
        %get3A_649 = arith.constant 32 : index
        %get3A_650 = tpu.vector_load %arg5[%get3A_646, %get3A_647, %get3A_648, %get3A_649] {strides = array<i32>} : memref<2x52x3x85xf32, #tpu.memory_space<vmem>>, vector<1x1x1x16xf32>,
        %get3A_651 = vector.shape_cast %get3A_650 : vector<1x1x1x16xf32> to vector<16xf32>
        %get3A_652 = arith.constant 0 : i32
        %get3A_653 = arith.constant 1 : i32
        %get3A_654 = arith.index_cast %get3A_652 : i32 to index
        %get3A_655 = arith.index_cast %scan3A_301 : i32 to index
        %get3A_656 = arith.index_cast %get3A_653 : i32 to index
        %get3A_657 = arith.constant 48 : index
        %get3A_658 = tpu.vector_load %arg5[%get3A_654, %get3A_655, %get3A_656, %get3A_657] {strides = array<i32>} : memref<2x52x3x85xf32, #tpu.memory_space<vmem>>, vector<1x1x1x16xf32>,
        %get3A_659 = vector.shape_cast %get3A_658 : vector<1x1x1x16xf32> to vector<16xf32>
        %get3A_660 = arith.constant 0 : i32
        %get3A_661 = arith.constant 1 : i32
        %get3A_662 = arith.index_cast %get3A_660 : i32 to index
        %get3A_663 = arith.index_cast %scan3A_301 : i32 to index
        %get3A_664 = arith.index_cast %get3A_661 : i32 to index
        %get3A_665 = arith.constant 64 : index
        %get3A_666 = tpu.vector_load %arg5[%get3A_662, %get3A_663, %get3A_664, %get3A_665] {strides = array<i32>} : memref<2x52x3x85xf32, #tpu.memory_space<vmem>>, vector<1x1x1x16xf32>,
        %get3A_667 = vector.shape_cast %get3A_666 : vector<1x1x1x16xf32> to vector<16xf32>
        %get3A_668 = arith.constant 0 : i32
        %get3A_669 = arith.constant 1 : i32
        %get3A_670 = arith.index_cast %get3A_668 : i32 to index
        %get3A_671 = arith.index_cast %scan3A_301 : i32 to index
        %get3A_672 = arith.index_cast %get3A_669 : i32 to index
        %get3A_673 = arith.constant 69 : index
        %get3A_674 = tpu.vector_load %arg5[%get3A_670, %get3A_671, %get3A_672, %get3A_673] {strides = array<i32>} : memref<2x52x3x85xf32, #tpu.memory_space<vmem>>, vector<1x1x1x16xf32>,
        %get3A_675 = vector.shape_cast %get3A_674 : vector<1x1x1x16xf32> to vector<16xf32>
        %get3A_676 = arith.constant 0 : i32
        %get3A_677 = arith.constant 1 : i32
        %get3A_678 = arith.index_cast %get3A_676 : i32 to index
        %get3A_679 = arith.index_cast %scan3A_301 : i32 to index
        %get3A_680 = arith.index_cast %get3A_677 : i32 to index
        %get3A_681 = arith.constant 0 : index
        %get3A_682 = tpu.vector_load %arg6[%get3A_678, %get3A_679, %get3A_680, %get3A_681] {strides = array<i32>} : memref<2x52x3x85xf32, #tpu.memory_space<vmem>>, vector<1x1x1x16xf32>,
        %get3A_683 = vector.shape_cast %get3A_682 : vector<1x1x1x16xf32> to vector<16xf32>
        %get3A_684 = arith.constant 0 : i32
        %get3A_685 = arith.constant 1 : i32
        %get3A_686 = arith.index_cast %get3A_684 : i32 to index
        %get3A_687 = arith.index_cast %scan3A_301 : i32 to index
        %get3A_688 = arith.index_cast %get3A_685 : i32 to index
        %get3A_689 = arith.constant 16 : index
        %get3A_690 = tpu.vector_load %arg6[%get3A_686, %get3A_687, %get3A_688, %get3A_689] {strides = array<i32>} : memref<2x52x3x85xf32, #tpu.memory_space<vmem>>, vector<1x1x1x16xf32>,
        %get3A_691 = vector.shape_cast %get3A_690 : vector<1x1x1x16xf32> to vector<16xf32>
        %get3A_692 = arith.constant 0 : i32
        %get3A_693 = arith.constant 1 : i32
        %get3A_694 = arith.index_cast %get3A_692 : i32 to index
        %get3A_695 = arith.index_cast %scan3A_301 : i32 to index
        %get3A_696 = arith.index_cast %get3A_693 : i32 to index
        %get3A_697 = arith.constant 32 : index
        %get3A_698 = tpu.vector_load %arg6[%get3A_694, %get3A_695, %get3A_696, %get3A_697] {strides = array<i32>} : memref<2x52x3x85xf32, #tpu.memory_space<vmem>>, vector<1x1x1x16xf32>,
        %get3A_699 = vector.shape_cast %get3A_698 : vector<1x1x1x16xf32> to vector<16xf32>
        %get3A_700 = arith.constant 0 : i32
        %get3A_701 = arith.constant 1 : i32
        %get3A_702 = arith.index_cast %get3A_700 : i32 to index
        %get3A_703 = arith.index_cast %scan3A_301 : i32 to index
        %get3A_704 = arith.index_cast %get3A_701 : i32 to index
        %get3A_705 = arith.constant 48 : index
        %get3A_706 = tpu.vector_load %arg6[%get3A_702, %get3A_703, %get3A_704, %get3A_705] {strides = array<i32>} : memref<2x52x3x85xf32, #tpu.memory_space<vmem>>, vector<1x1x1x16xf32>,
        %get3A_707 = vector.shape_cast %get3A_706 : vector<1x1x1x16xf32> to vector<16xf32>
        %get3A_708 = arith.constant 0 : i32
        %get3A_709 = arith.constant 1 : i32
        %get3A_710 = arith.index_cast %get3A_708 : i32 to index
        %get3A_711 = arith.index_cast %scan3A_301 : i32 to index
        %get3A_712 = arith.index_cast %get3A_709 : i32 to index
        %get3A_713 = arith.constant 64 : index
        %get3A_714 = tpu.vector_load %arg6[%get3A_710, %get3A_711, %get3A_712, %get3A_713] {strides = array<i32>} : memref<2x52x3x85xf32, #tpu.memory_space<vmem>>, vector<1x1x1x16xf32>,
        %get3A_715 = vector.shape_cast %get3A_714 : vector<1x1x1x16xf32> to vector<16xf32>
        %get3A_716 = arith.constant 0 : i32
        %get3A_717 = arith.constant 1 : i32
        %get3A_718 = arith.index_cast %get3A_716 : i32 to index
        %get3A_719 = arith.index_cast %scan3A_301 : i32 to index
        %get3A_720 = arith.index_cast %get3A_717 : i32 to index
        %get3A_721 = arith.constant 69 : index
        %get3A_722 = tpu.vector_load %arg6[%get3A_718, %get3A_719, %get3A_720, %get3A_721] {strides = array<i32>} : memref<2x52x3x85xf32, #tpu.memory_space<vmem>>, vector<1x1x1x16xf32>,
        %get3A_723 = vector.shape_cast %get3A_722 : vector<1x1x1x16xf32> to vector<16xf32>
        %broadcast_in_dim3A_724 = arith.constant 4 : i32
        %broadcast_in_dim3A_725 = vector.broadcast %broadcast_in_dim3A_724 : i32 to vector<16x1xi32>
        %gather3A_726 = vector.shape_cast %broadcast_in_dim3A_725 : vector<16x1xi32> to vector<16xi32>
        %gather3A_727 = tpu.dynamic_gather %get3A_683[%gather3A_726] in [0] : vector<16xf32>, vector<16xi32> -> vector<16xf32>
        %sub3A_728 = arith.subf %get3A_683, %get3A_635 : vector<16xf32>
        %mul3A_729 = arith.mulf %sub3A_728, %sub3A_728 : vector<16xf32>
        %mul3A_730 = arith.mulf %gather3A_727, %mul3A_729 : vector<16xf32>
        %mul3A_731 = arith.mulf %select_n3A_26, %mul3A_730 : vector<16xf32>
        %add3A_732 = arith.addf %add3A_627, %mul3A_731 : vector<16xf32>
        %mul3A_733 = arith.constant 5.000000e-01 : f32
        %mul3A_734 = vector.broadcast %mul3A_733 : f32 to vector<16xf32>
        %mul3A_735 = arith.mulf %mul3A_734, %gather3A_727 : vector<16xf32>
        %add3A_736 = arith.constant 5.000000e-01 : f32
        %add3A_737 = vector.broadcast %add3A_736 : f32 to vector<16xf32>
        %add3A_738 = arith.addf %add3A_737, %mul3A_735 : vector<16xf32>
        %mul3A_739 = arith.mulf %select_n3A_33, %add3A_738 : vector<16xf32>
        %mul3A_740 = arith.mulf %select_n3A_40, %gather3A_727 : vector<16xf32>
        %add3A_741 = arith.addf %mul3A_739, %mul3A_740 : vector<16xf32>
        %max3A_742 = arith.constant 0.000000e+00 : f32
        %max3A_743 = vector.broadcast %max3A_742 : f32 to vector<16xf32>
        %max3A_744 = arith.maximumf %get3A_635, %max3A_743 : vector<16xf32>
        %abs3A_745 = math.absf %get3A_635 : vector<16xf32>
        %neg3A_746 = arith.constant 0.000000e+00 : f32
        %neg3A_747 = vector.broadcast %neg3A_746 : f32 to vector<16xf32>
        %neg3A_748 = arith.subf %neg3A_747, %abs3A_745 : vector<16xf32>
        %exp3A_749 = math.exp %neg3A_748 : vector<16xf32>
        %mul3A_750 = arith.constant -0.0236892495 : f32
        %mul3A_751 = vector.broadcast %mul3A_750 : f32 to vector<16xf32>
        %mul3A_752 = arith.mulf %mul3A_751, %exp3A_749 : vector<16xf32>
        %add3A_753 = arith.constant 0.100287199 : f32
        %add3A_754 = vector.broadcast %add3A_753 : f32 to vector<16xf32>
        %add3A_755 = arith.addf %mul3A_752, %add3A_754 : vector<16xf32>
        %mul3A_756 = arith.mulf %add3A_755, %exp3A_749 : vector<16xf32>
        %add3A_757 = arith.constant -0.208669662 : f32
        %add3A_758 = vector.broadcast %add3A_757 : f32 to vector<16xf32>
        %add3A_759 = arith.addf %mul3A_756, %add3A_758 : vector<16xf32>
        %mul3A_760 = arith.mulf %add3A_759, %exp3A_749 : vector<16xf32>
        %add3A_761 = arith.constant 0.324411809 : f32
        %add3A_762 = vector.broadcast %add3A_761 : f32 to vector<16xf32>
        %add3A_763 = arith.addf %mul3A_760, %add3A_762 : vector<16xf32>
        %mul3A_764 = arith.mulf %add3A_763, %exp3A_749 : vector<16xf32>
        %add3A_765 = arith.constant -0.499187857 : f32
        %add3A_766 = vector.broadcast %add3A_765 : f32 to vector<16xf32>
        %add3A_767 = arith.addf %mul3A_764, %add3A_766 : vector<16xf32>
        %mul3A_768 = arith.mulf %add3A_767, %exp3A_749 : vector<16xf32>
        %add3A_769 = arith.constant 0.99998188 : f32
        %add3A_770 = vector.broadcast %add3A_769 : f32 to vector<16xf32>
        %add3A_771 = arith.addf %mul3A_768, %add3A_770 : vector<16xf32>
        %mul3A_772 = arith.mulf %get3A_635, %get3A_683 : vector<16xf32>
        %sub3A_773 = arith.subf %max3A_744, %mul3A_772 : vector<16xf32>
        %mul3A_774 = arith.mulf %add3A_771, %exp3A_749 : vector<16xf32>
        %add3A_775 = arith.addf %sub3A_773, %mul3A_774 : vector<16xf32>
        %mul3A_776 = arith.mulf %add3A_741, %add3A_775 : vector<16xf32>
        %add3A_777 = arith.addf %add3A_732, %mul3A_776 : vector<16xf32>
        %max3A_778 = arith.constant 0.000000e+00 : f32
        %max3A_779 = vector.broadcast %max3A_778 : f32 to vector<16xf32>
        %max3A_780 = arith.maximumf %get3A_643, %max3A_779 : vector<16xf32>
        %abs3A_781 = math.absf %get3A_643 : vector<16xf32>
        %neg3A_782 = arith.constant 0.000000e+00 : f32
        %neg3A_783 = vector.broadcast %neg3A_782 : f32 to vector<16xf32>
        %neg3A_784 = arith.subf %neg3A_783, %abs3A_781 : vector<16xf32>
        %exp3A_785 = math.exp %neg3A_784 : vector<16xf32>
        %mul3A_786 = arith.constant -0.0236892495 : f32
        %mul3A_787 = vector.broadcast %mul3A_786 : f32 to vector<16xf32>
        %mul3A_788 = arith.mulf %mul3A_787, %exp3A_785 : vector<16xf32>
        %add3A_789 = arith.constant 0.100287199 : f32
        %add3A_790 = vector.broadcast %add3A_789 : f32 to vector<16xf32>
        %add3A_791 = arith.addf %mul3A_788, %add3A_790 : vector<16xf32>
        %mul3A_792 = arith.mulf %add3A_791, %exp3A_785 : vector<16xf32>
        %add3A_793 = arith.constant -0.208669662 : f32
        %add3A_794 = vector.broadcast %add3A_793 : f32 to vector<16xf32>
        %add3A_795 = arith.addf %mul3A_792, %add3A_794 : vector<16xf32>
        %mul3A_796 = arith.mulf %add3A_795, %exp3A_785 : vector<16xf32>
        %add3A_797 = arith.constant 0.324411809 : f32
        %add3A_798 = vector.broadcast %add3A_797 : f32 to vector<16xf32>
        %add3A_799 = arith.addf %mul3A_796, %add3A_798 : vector<16xf32>
        %mul3A_800 = arith.mulf %add3A_799, %exp3A_785 : vector<16xf32>
        %add3A_801 = arith.constant -0.499187857 : f32
        %add3A_802 = vector.broadcast %add3A_801 : f32 to vector<16xf32>
        %add3A_803 = arith.addf %mul3A_800, %add3A_802 : vector<16xf32>
        %mul3A_804 = arith.mulf %add3A_803, %exp3A_785 : vector<16xf32>
        %add3A_805 = arith.constant 0.99998188 : f32
        %add3A_806 = vector.broadcast %add3A_805 : f32 to vector<16xf32>
        %add3A_807 = arith.addf %mul3A_804, %add3A_806 : vector<16xf32>
        %mul3A_808 = arith.mulf %get3A_643, %get3A_691 : vector<16xf32>
        %sub3A_809 = arith.subf %max3A_780, %mul3A_808 : vector<16xf32>
        %mul3A_810 = arith.mulf %add3A_807, %exp3A_785 : vector<16xf32>
        %add3A_811 = arith.addf %sub3A_809, %mul3A_810 : vector<16xf32>
        %mul3A_812 = arith.mulf %gather3A_727, %add3A_811 : vector<16xf32>
        %add3A_813 = arith.addf %add3A_777, %mul3A_812 : vector<16xf32>
        %max3A_814 = arith.constant 0.000000e+00 : f32
        %max3A_815 = vector.broadcast %max3A_814 : f32 to vector<16xf32>
        %max3A_816 = arith.maximumf %get3A_651, %max3A_815 : vector<16xf32>
        %abs3A_817 = math.absf %get3A_651 : vector<16xf32>
        %neg3A_818 = arith.constant 0.000000e+00 : f32
        %neg3A_819 = vector.broadcast %neg3A_818 : f32 to vector<16xf32>
        %neg3A_820 = arith.subf %neg3A_819, %abs3A_817 : vector<16xf32>
        %exp3A_821 = math.exp %neg3A_820 : vector<16xf32>
        %mul3A_822 = arith.constant -0.0236892495 : f32
        %mul3A_823 = vector.broadcast %mul3A_822 : f32 to vector<16xf32>
        %mul3A_824 = arith.mulf %mul3A_823, %exp3A_821 : vector<16xf32>
        %add3A_825 = arith.constant 0.100287199 : f32
        %add3A_826 = vector.broadcast %add3A_825 : f32 to vector<16xf32>
        %add3A_827 = arith.addf %mul3A_824, %add3A_826 : vector<16xf32>
        %mul3A_828 = arith.mulf %add3A_827, %exp3A_821 : vector<16xf32>
        %add3A_829 = arith.constant -0.208669662 : f32
        %add3A_830 = vector.broadcast %add3A_829 : f32 to vector<16xf32>
        %add3A_831 = arith.addf %mul3A_828, %add3A_830 : vector<16xf32>
        %mul3A_832 = arith.mulf %add3A_831, %exp3A_821 : vector<16xf32>
        %add3A_833 = arith.constant 0.324411809 : f32
        %add3A_834 = vector.broadcast %add3A_833 : f32 to vector<16xf32>
        %add3A_835 = arith.addf %mul3A_832, %add3A_834 : vector<16xf32>
        %mul3A_836 = arith.mulf %add3A_835, %exp3A_821 : vector<16xf32>
        %add3A_837 = arith.constant -0.499187857 : f32
        %add3A_838 = vector.broadcast %add3A_837 : f32 to vector<16xf32>
        %add3A_839 = arith.addf %mul3A_836, %add3A_838 : vector<16xf32>
        %mul3A_840 = arith.mulf %add3A_839, %exp3A_821 : vector<16xf32>
        %add3A_841 = arith.constant 0.99998188 : f32
        %add3A_842 = vector.broadcast %add3A_841 : f32 to vector<16xf32>
        %add3A_843 = arith.addf %mul3A_840, %add3A_842 : vector<16xf32>
        %mul3A_844 = arith.mulf %get3A_651, %get3A_699 : vector<16xf32>
        %sub3A_845 = arith.subf %max3A_816, %mul3A_844 : vector<16xf32>
        %mul3A_846 = arith.mulf %add3A_843, %exp3A_821 : vector<16xf32>
        %add3A_847 = arith.addf %sub3A_845, %mul3A_846 : vector<16xf32>
        %mul3A_848 = arith.mulf %gather3A_727, %add3A_847 : vector<16xf32>
        %add3A_849 = arith.addf %add3A_813, %mul3A_848 : vector<16xf32>
        %max3A_850 = arith.constant 0.000000e+00 : f32
        %max3A_851 = vector.broadcast %max3A_850 : f32 to vector<16xf32>
        %max3A_852 = arith.maximumf %get3A_659, %max3A_851 : vector<16xf32>
        %abs3A_853 = math.absf %get3A_659 : vector<16xf32>
        %neg3A_854 = arith.constant 0.000000e+00 : f32
        %neg3A_855 = vector.broadcast %neg3A_854 : f32 to vector<16xf32>
        %neg3A_856 = arith.subf %neg3A_855, %abs3A_853 : vector<16xf32>
        %exp3A_857 = math.exp %neg3A_856 : vector<16xf32>
        %mul3A_858 = arith.constant -0.0236892495 : f32
        %mul3A_859 = vector.broadcast %mul3A_858 : f32 to vector<16xf32>
        %mul3A_860 = arith.mulf %mul3A_859, %exp3A_857 : vector<16xf32>
        %add3A_861 = arith.constant 0.100287199 : f32
        %add3A_862 = vector.broadcast %add3A_861 : f32 to vector<16xf32>
        %add3A_863 = arith.addf %mul3A_860, %add3A_862 : vector<16xf32>
        %mul3A_864 = arith.mulf %add3A_863, %exp3A_857 : vector<16xf32>
        %add3A_865 = arith.constant -0.208669662 : f32
        %add3A_866 = vector.broadcast %add3A_865 : f32 to vector<16xf32>
        %add3A_867 = arith.addf %mul3A_864, %add3A_866 : vector<16xf32>
        %mul3A_868 = arith.mulf %add3A_867, %exp3A_857 : vector<16xf32>
        %add3A_869 = arith.constant 0.324411809 : f32
        %add3A_870 = vector.broadcast %add3A_869 : f32 to vector<16xf32>
        %add3A_871 = arith.addf %mul3A_868, %add3A_870 : vector<16xf32>
        %mul3A_872 = arith.mulf %add3A_871, %exp3A_857 : vector<16xf32>
        %add3A_873 = arith.constant -0.499187857 : f32
        %add3A_874 = vector.broadcast %add3A_873 : f32 to vector<16xf32>
        %add3A_875 = arith.addf %mul3A_872, %add3A_874 : vector<16xf32>
        %mul3A_876 = arith.mulf %add3A_875, %exp3A_857 : vector<16xf32>
        %add3A_877 = arith.constant 0.99998188 : f32
        %add3A_878 = vector.broadcast %add3A_877 : f32 to vector<16xf32>
        %add3A_879 = arith.addf %mul3A_876, %add3A_878 : vector<16xf32>
        %mul3A_880 = arith.mulf %get3A_659, %get3A_707 : vector<16xf32>
        %sub3A_881 = arith.subf %max3A_852, %mul3A_880 : vector<16xf32>
        %mul3A_882 = arith.mulf %add3A_879, %exp3A_857 : vector<16xf32>
        %add3A_883 = arith.addf %sub3A_881, %mul3A_882 : vector<16xf32>
        %mul3A_884 = arith.mulf %gather3A_727, %add3A_883 : vector<16xf32>
        %add3A_885 = arith.addf %add3A_849, %mul3A_884 : vector<16xf32>
        %max3A_886 = arith.constant 0.000000e+00 : f32
        %max3A_887 = vector.broadcast %max3A_886 : f32 to vector<16xf32>
        %max3A_888 = arith.maximumf %get3A_667, %max3A_887 : vector<16xf32>
        %abs3A_889 = math.absf %get3A_667 : vector<16xf32>
        %neg3A_890 = arith.constant 0.000000e+00 : f32
        %neg3A_891 = vector.broadcast %neg3A_890 : f32 to vector<16xf32>
        %neg3A_892 = arith.subf %neg3A_891, %abs3A_889 : vector<16xf32>
        %exp3A_893 = math.exp %neg3A_892 : vector<16xf32>
        %mul3A_894 = arith.constant -0.0236892495 : f32
        %mul3A_895 = vector.broadcast %mul3A_894 : f32 to vector<16xf32>
        %mul3A_896 = arith.mulf %mul3A_895, %exp3A_893 : vector<16xf32>
        %add3A_897 = arith.constant 0.100287199 : f32
        %add3A_898 = vector.broadcast %add3A_897 : f32 to vector<16xf32>
        %add3A_899 = arith.addf %mul3A_896, %add3A_898 : vector<16xf32>
        %mul3A_900 = arith.mulf %add3A_899, %exp3A_893 : vector<16xf32>
        %add3A_901 = arith.constant -0.208669662 : f32
        %add3A_902 = vector.broadcast %add3A_901 : f32 to vector<16xf32>
        %add3A_903 = arith.addf %mul3A_900, %add3A_902 : vector<16xf32>
        %mul3A_904 = arith.mulf %add3A_903, %exp3A_893 : vector<16xf32>
        %add3A_905 = arith.constant 0.324411809 : f32
        %add3A_906 = vector.broadcast %add3A_905 : f32 to vector<16xf32>
        %add3A_907 = arith.addf %mul3A_904, %add3A_906 : vector<16xf32>
        %mul3A_908 = arith.mulf %add3A_907, %exp3A_893 : vector<16xf32>
        %add3A_909 = arith.constant -0.499187857 : f32
        %add3A_910 = vector.broadcast %add3A_909 : f32 to vector<16xf32>
        %add3A_911 = arith.addf %mul3A_908, %add3A_910 : vector<16xf32>
        %mul3A_912 = arith.mulf %add3A_911, %exp3A_893 : vector<16xf32>
        %add3A_913 = arith.constant 0.99998188 : f32
        %add3A_914 = vector.broadcast %add3A_913 : f32 to vector<16xf32>
        %add3A_915 = arith.addf %mul3A_912, %add3A_914 : vector<16xf32>
        %mul3A_916 = arith.mulf %get3A_667, %get3A_715 : vector<16xf32>
        %sub3A_917 = arith.subf %max3A_888, %mul3A_916 : vector<16xf32>
        %mul3A_918 = arith.mulf %add3A_915, %exp3A_893 : vector<16xf32>
        %add3A_919 = arith.addf %sub3A_917, %mul3A_918 : vector<16xf32>
        %mul3A_920 = arith.mulf %gather3A_727, %add3A_919 : vector<16xf32>
        %add3A_921 = arith.addf %add3A_885, %mul3A_920 : vector<16xf32>
        %mul3A_922 = arith.mulf %select_n3A_48, %gather3A_727 : vector<16xf32>
        %max3A_923 = arith.constant 0.000000e+00 : f32
        %max3A_924 = vector.broadcast %max3A_923 : f32 to vector<16xf32>
        %max3A_925 = arith.maximumf %get3A_675, %max3A_924 : vector<16xf32>
        %abs3A_926 = math.absf %get3A_675 : vector<16xf32>
        %neg3A_927 = arith.constant 0.000000e+00 : f32
        %neg3A_928 = vector.broadcast %neg3A_927 : f32 to vector<16xf32>
        %neg3A_929 = arith.subf %neg3A_928, %abs3A_926 : vector<16xf32>
        %exp3A_930 = math.exp %neg3A_929 : vector<16xf32>
        %mul3A_931 = arith.constant -0.0236892495 : f32
        %mul3A_932 = vector.broadcast %mul3A_931 : f32 to vector<16xf32>
        %mul3A_933 = arith.mulf %mul3A_932, %exp3A_930 : vector<16xf32>
        %add3A_934 = arith.constant 0.100287199 : f32
        %add3A_935 = vector.broadcast %add3A_934 : f32 to vector<16xf32>
        %add3A_936 = arith.addf %mul3A_933, %add3A_935 : vector<16xf32>
        %mul3A_937 = arith.mulf %add3A_936, %exp3A_930 : vector<16xf32>
        %add3A_938 = arith.constant -0.208669662 : f32
        %add3A_939 = vector.broadcast %add3A_938 : f32 to vector<16xf32>
        %add3A_940 = arith.addf %mul3A_937, %add3A_939 : vector<16xf32>
        %mul3A_941 = arith.mulf %add3A_940, %exp3A_930 : vector<16xf32>
        %add3A_942 = arith.constant 0.324411809 : f32
        %add3A_943 = vector.broadcast %add3A_942 : f32 to vector<16xf32>
        %add3A_944 = arith.addf %mul3A_941, %add3A_943 : vector<16xf32>
        %mul3A_945 = arith.mulf %add3A_944, %exp3A_930 : vector<16xf32>
        %add3A_946 = arith.constant -0.499187857 : f32
        %add3A_947 = vector.broadcast %add3A_946 : f32 to vector<16xf32>
        %add3A_948 = arith.addf %mul3A_945, %add3A_947 : vector<16xf32>
        %mul3A_949 = arith.mulf %add3A_948, %exp3A_930 : vector<16xf32>
        %add3A_950 = arith.constant 0.99998188 : f32
        %add3A_951 = vector.broadcast %add3A_950 : f32 to vector<16xf32>
        %add3A_952 = arith.addf %mul3A_949, %add3A_951 : vector<16xf32>
        %mul3A_953 = arith.mulf %get3A_675, %get3A_723 : vector<16xf32>
        %sub3A_954 = arith.subf %max3A_925, %mul3A_953 : vector<16xf32>
        %mul3A_955 = arith.mulf %add3A_952, %exp3A_930 : vector<16xf32>
        %add3A_956 = arith.addf %sub3A_954, %mul3A_955 : vector<16xf32>
        %mul3A_957 = arith.mulf %mul3A_922, %add3A_956 : vector<16xf32>
        %add3A_958 = arith.addf %add3A_921, %mul3A_957 : vector<16xf32>
        %get3A_959 = arith.constant 0 : i32
        %get3A_960 = arith.constant 2 : i32
        %get3A_961 = arith.index_cast %get3A_959 : i32 to index
        %get3A_962 = arith.index_cast %scan3A_301 : i32 to index
        %get3A_963 = arith.index_cast %get3A_960 : i32 to index
        %get3A_964 = arith.constant 0 : index
        %get3A_965 = tpu.vector_load %arg5[%get3A_961, %get3A_962, %get3A_963, %get3A_964] {strides = array<i32>} : memref<2x52x3x85xf32, #tpu.memory_space<vmem>>, vector<1x1x1x16xf32>,
        %get3A_966 = vector.shape_cast %get3A_965 : vector<1x1x1x16xf32> to vector<16xf32>
        %get3A_967 = arith.constant 0 : i32
        %get3A_968 = arith.constant 2 : i32
        %get3A_969 = arith.index_cast %get3A_967 : i32 to index
        %get3A_970 = arith.index_cast %scan3A_301 : i32 to index
        %get3A_971 = arith.index_cast %get3A_968 : i32 to index
        %get3A_972 = arith.constant 16 : index
        %get3A_973 = tpu.vector_load %arg5[%get3A_969, %get3A_970, %get3A_971, %get3A_972] {strides = array<i32>} : memref<2x52x3x85xf32, #tpu.memory_space<vmem>>, vector<1x1x1x16xf32>,
        %get3A_974 = vector.shape_cast %get3A_973 : vector<1x1x1x16xf32> to vector<16xf32>
        %get3A_975 = arith.constant 0 : i32
        %get3A_976 = arith.constant 2 : i32
        %get3A_977 = arith.index_cast %get3A_975 : i32 to index
        %get3A_978 = arith.index_cast %scan3A_301 : i32 to index
        %get3A_979 = arith.index_cast %get3A_976 : i32 to index
        %get3A_980 = arith.constant 32 : index
        %get3A_981 = tpu.vector_load %arg5[%get3A_977, %get3A_978, %get3A_979, %get3A_980] {strides = array<i32>} : memref<2x52x3x85xf32, #tpu.memory_space<vmem>>, vector<1x1x1x16xf32>,
        %get3A_982 = vector.shape_cast %get3A_981 : vector<1x1x1x16xf32> to vector<16xf32>
        %get3A_983 = arith.constant 0 : i32
        %get3A_984 = arith.constant 2 : i32
        %get3A_985 = arith.index_cast %get3A_983 : i32 to index
        %get3A_986 = arith.index_cast %scan3A_301 : i32 to index
        %get3A_987 = arith.index_cast %get3A_984 : i32 to index
        %get3A_988 = arith.constant 48 : index
        %get3A_989 = tpu.vector_load %arg5[%get3A_985, %get3A_986, %get3A_987, %get3A_988] {strides = array<i32>} : memref<2x52x3x85xf32, #tpu.memory_space<vmem>>, vector<1x1x1x16xf32>,
        %get3A_990 = vector.shape_cast %get3A_989 : vector<1x1x1x16xf32> to vector<16xf32>
        %get3A_991 = arith.constant 0 : i32
        %get3A_992 = arith.constant 2 : i32
        %get3A_993 = arith.index_cast %get3A_991 : i32 to index
        %get3A_994 = arith.index_cast %scan3A_301 : i32 to index
        %get3A_995 = arith.index_cast %get3A_992 : i32 to index
        %get3A_996 = arith.constant 64 : index
        %get3A_997 = tpu.vector_load %arg5[%get3A_993, %get3A_994, %get3A_995, %get3A_996] {strides = array<i32>} : memref<2x52x3x85xf32, #tpu.memory_space<vmem>>, vector<1x1x1x16xf32>,
        %get3A_998 = vector.shape_cast %get3A_997 : vector<1x1x1x16xf32> to vector<16xf32>
        %get3A_999 = arith.constant 0 : i32
        %get3A_1000 = arith.constant 2 : i32
        %get3A_1001 = arith.index_cast %get3A_999 : i32 to index
        %get3A_1002 = arith.index_cast %scan3A_301 : i32 to index
        %get3A_1003 = arith.index_cast %get3A_1000 : i32 to index
        %get3A_1004 = arith.constant 69 : index
        %get3A_1005 = tpu.vector_load %arg5[%get3A_1001, %get3A_1002, %get3A_1003, %get3A_1004] {strides = array<i32>} : memref<2x52x3x85xf32, #tpu.memory_space<vmem>>, vector<1x1x1x16xf32>,
        %get3A_1006 = vector.shape_cast %get3A_1005 : vector<1x1x1x16xf32> to vector<16xf32>
        %get3A_1007 = arith.constant 0 : i32
        %get3A_1008 = arith.constant 2 : i32
        %get3A_1009 = arith.index_cast %get3A_1007 : i32 to index
        %get3A_1010 = arith.index_cast %scan3A_301 : i32 to index
        %get3A_1011 = arith.index_cast %get3A_1008 : i32 to index
        %get3A_1012 = arith.constant 0 : index
        %get3A_1013 = tpu.vector_load %arg6[%get3A_1009, %get3A_1010, %get3A_1011, %get3A_1012] {strides = array<i32>} : memref<2x52x3x85xf32, #tpu.memory_space<vmem>>, vector<1x1x1x16xf32>,
        %get3A_1014 = vector.shape_cast %get3A_1013 : vector<1x1x1x16xf32> to vector<16xf32>
        %get3A_1015 = arith.constant 0 : i32
        %get3A_1016 = arith.constant 2 : i32
        %get3A_1017 = arith.index_cast %get3A_1015 : i32 to index
        %get3A_1018 = arith.index_cast %scan3A_301 : i32 to index
        %get3A_1019 = arith.index_cast %get3A_1016 : i32 to index
        %get3A_1020 = arith.constant 16 : index
        %get3A_1021 = tpu.vector_load %arg6[%get3A_1017, %get3A_1018, %get3A_1019, %get3A_1020] {strides = array<i32>} : memref<2x52x3x85xf32, #tpu.memory_space<vmem>>, vector<1x1x1x16xf32>,
        %get3A_1022 = vector.shape_cast %get3A_1021 : vector<1x1x1x16xf32> to vector<16xf32>
        %get3A_1023 = arith.constant 0 : i32
        %get3A_1024 = arith.constant 2 : i32
        %get3A_1025 = arith.index_cast %get3A_1023 : i32 to index
        %get3A_1026 = arith.index_cast %scan3A_301 : i32 to index
        %get3A_1027 = arith.index_cast %get3A_1024 : i32 to index
        %get3A_1028 = arith.constant 32 : index
        %get3A_1029 = tpu.vector_load %arg6[%get3A_1025, %get3A_1026, %get3A_1027, %get3A_1028] {strides = array<i32>} : memref<2x52x3x85xf32, #tpu.memory_space<vmem>>, vector<1x1x1x16xf32>,
        %get3A_1030 = vector.shape_cast %get3A_1029 : vector<1x1x1x16xf32> to vector<16xf32>
        %get3A_1031 = arith.constant 0 : i32
        %get3A_1032 = arith.constant 2 : i32
        %get3A_1033 = arith.index_cast %get3A_1031 : i32 to index
        %get3A_1034 = arith.index_cast %scan3A_301 : i32 to index
        %get3A_1035 = arith.index_cast %get3A_1032 : i32 to index
        %get3A_1036 = arith.constant 48 : index
        %get3A_1037 = tpu.vector_load %arg6[%get3A_1033, %get3A_1034, %get3A_1035, %get3A_1036] {strides = array<i32>} : memref<2x52x3x85xf32, #tpu.memory_space<vmem>>, vector<1x1x1x16xf32>,
        %get3A_1038 = vector.shape_cast %get3A_1037 : vector<1x1x1x16xf32> to vector<16xf32>
        %get3A_1039 = arith.constant 0 : i32
        %get3A_1040 = arith.constant 2 : i32
        %get3A_1041 = arith.index_cast %get3A_1039 : i32 to index
        %get3A_1042 = arith.index_cast %scan3A_301 : i32 to index
        %get3A_1043 = arith.index_cast %get3A_1040 : i32 to index
        %get3A_1044 = arith.constant 64 : index
        %get3A_1045 = tpu.vector_load %arg6[%get3A_1041, %get3A_1042, %get3A_1043, %get3A_1044] {strides = array<i32>} : memref<2x52x3x85xf32, #tpu.memory_space<vmem>>, vector<1x1x1x16xf32>,
        %get3A_1046 = vector.shape_cast %get3A_1045 : vector<1x1x1x16xf32> to vector<16xf32>
        %get3A_1047 = arith.constant 0 : i32
        %get3A_1048 = arith.constant 2 : i32
        %get3A_1049 = arith.index_cast %get3A_1047 : i32 to index
        %get3A_1050 = arith.index_cast %scan3A_301 : i32 to index
        %get3A_1051 = arith.index_cast %get3A_1048 : i32 to index
        %get3A_1052 = arith.constant 69 : index
        %get3A_1053 = tpu.vector_load %arg6[%get3A_1049, %get3A_1050, %get3A_1051, %get3A_1052] {strides = array<i32>} : memref<2x52x3x85xf32, #tpu.memory_space<vmem>>, vector<1x1x1x16xf32>,
        %get3A_1054 = vector.shape_cast %get3A_1053 : vector<1x1x1x16xf32> to vector<16xf32>
        %broadcast_in_dim3A_1055 = arith.constant 4 : i32
        %broadcast_in_dim3A_1056 = vector.broadcast %broadcast_in_dim3A_1055 : i32 to vector<16x1xi32>
        %gather3A_1057 = vector.shape_cast %broadcast_in_dim3A_1056 : vector<16x1xi32> to vector<16xi32>
        %gather3A_1058 = tpu.dynamic_gather %get3A_1014[%gather3A_1057] in [0] : vector<16xf32>, vector<16xi32> -> vector<16xf32>
        %sub3A_1059 = arith.subf %get3A_1014, %get3A_966 : vector<16xf32>
        %mul3A_1060 = arith.mulf %sub3A_1059, %sub3A_1059 : vector<16xf32>
        %mul3A_1061 = arith.mulf %gather3A_1058, %mul3A_1060 : vector<16xf32>
        %mul3A_1062 = arith.mulf %select_n3A_26, %mul3A_1061 : vector<16xf32>
        %add3A_1063 = arith.addf %add3A_958, %mul3A_1062 : vector<16xf32>
        %mul3A_1064 = arith.constant 5.000000e-01 : f32
        %mul3A_1065 = vector.broadcast %mul3A_1064 : f32 to vector<16xf32>
        %mul3A_1066 = arith.mulf %mul3A_1065, %gather3A_1058 : vector<16xf32>
        %add3A_1067 = arith.constant 5.000000e-01 : f32
        %add3A_1068 = vector.broadcast %add3A_1067 : f32 to vector<16xf32>
        %add3A_1069 = arith.addf %add3A_1068, %mul3A_1066 : vector<16xf32>
        %mul3A_1070 = arith.mulf %select_n3A_33, %add3A_1069 : vector<16xf32>
        %mul3A_1071 = arith.mulf %select_n3A_40, %gather3A_1058 : vector<16xf32>
        %add3A_1072 = arith.addf %mul3A_1070, %mul3A_1071 : vector<16xf32>
        %max3A_1073 = arith.constant 0.000000e+00 : f32
        %max3A_1074 = vector.broadcast %max3A_1073 : f32 to vector<16xf32>
        %max3A_1075 = arith.maximumf %get3A_966, %max3A_1074 : vector<16xf32>
        %abs3A_1076 = math.absf %get3A_966 : vector<16xf32>
        %neg3A_1077 = arith.constant 0.000000e+00 : f32
        %neg3A_1078 = vector.broadcast %neg3A_1077 : f32 to vector<16xf32>
        %neg3A_1079 = arith.subf %neg3A_1078, %abs3A_1076 : vector<16xf32>
        %exp3A_1080 = math.exp %neg3A_1079 : vector<16xf32>
        %mul3A_1081 = arith.constant -0.0236892495 : f32
        %mul3A_1082 = vector.broadcast %mul3A_1081 : f32 to vector<16xf32>
        %mul3A_1083 = arith.mulf %mul3A_1082, %exp3A_1080 : vector<16xf32>
        %add3A_1084 = arith.constant 0.100287199 : f32
        %add3A_1085 = vector.broadcast %add3A_1084 : f32 to vector<16xf32>
        %add3A_1086 = arith.addf %mul3A_1083, %add3A_1085 : vector<16xf32>
        %mul3A_1087 = arith.mulf %add3A_1086, %exp3A_1080 : vector<16xf32>
        %add3A_1088 = arith.constant -0.208669662 : f32
        %add3A_1089 = vector.broadcast %add3A_1088 : f32 to vector<16xf32>
        %add3A_1090 = arith.addf %mul3A_1087, %add3A_1089 : vector<16xf32>
        %mul3A_1091 = arith.mulf %add3A_1090, %exp3A_1080 : vector<16xf32>
        %add3A_1092 = arith.constant 0.324411809 : f32
        %add3A_1093 = vector.broadcast %add3A_1092 : f32 to vector<16xf32>
        %add3A_1094 = arith.addf %mul3A_1091, %add3A_1093 : vector<16xf32>
        %mul3A_1095 = arith.mulf %add3A_1094, %exp3A_1080 : vector<16xf32>
        %add3A_1096 = arith.constant -0.499187857 : f32
        %add3A_1097 = vector.broadcast %add3A_1096 : f32 to vector<16xf32>
        %add3A_1098 = arith.addf %mul3A_1095, %add3A_1097 : vector<16xf32>
        %mul3A_1099 = arith.mulf %add3A_1098, %exp3A_1080 : vector<16xf32>
        %add3A_1100 = arith.constant 0.99998188 : f32
        %add3A_1101 = vector.broadcast %add3A_1100 : f32 to vector<16xf32>
        %add3A_1102 = arith.addf %mul3A_1099, %add3A_1101 : vector<16xf32>
        %mul3A_1103 = arith.mulf %get3A_966, %get3A_1014 : vector<16xf32>
        %sub3A_1104 = arith.subf %max3A_1075, %mul3A_1103 : vector<16xf32>
        %mul3A_1105 = arith.mulf %add3A_1102, %exp3A_1080 : vector<16xf32>
        %add3A_1106 = arith.addf %sub3A_1104, %mul3A_1105 : vector<16xf32>
        %mul3A_1107 = arith.mulf %add3A_1072, %add3A_1106 : vector<16xf32>
        %add3A_1108 = arith.addf %add3A_1063, %mul3A_1107 : vector<16xf32>
        %max3A_1109 = arith.constant 0.000000e+00 : f32
        %max3A_1110 = vector.broadcast %max3A_1109 : f32 to vector<16xf32>
        %max3A_1111 = arith.maximumf %get3A_974, %max3A_1110 : vector<16xf32>
        %abs3A_1112 = math.absf %get3A_974 : vector<16xf32>
        %neg3A_1113 = arith.constant 0.000000e+00 : f32
        %neg3A_1114 = vector.broadcast %neg3A_1113 : f32 to vector<16xf32>
        %neg3A_1115 = arith.subf %neg3A_1114, %abs3A_1112 : vector<16xf32>
        %exp3A_1116 = math.exp %neg3A_1115 : vector<16xf32>
        %mul3A_1117 = arith.constant -0.0236892495 : f32
        %mul3A_1118 = vector.broadcast %mul3A_1117 : f32 to vector<16xf32>
        %mul3A_1119 = arith.mulf %mul3A_1118, %exp3A_1116 : vector<16xf32>
        %add3A_1120 = arith.constant 0.100287199 : f32
        %add3A_1121 = vector.broadcast %add3A_1120 : f32 to vector<16xf32>
        %add3A_1122 = arith.addf %mul3A_1119, %add3A_1121 : vector<16xf32>
        %mul3A_1123 = arith.mulf %add3A_1122, %exp3A_1116 : vector<16xf32>
        %add3A_1124 = arith.constant -0.208669662 : f32
        %add3A_1125 = vector.broadcast %add3A_1124 : f32 to vector<16xf32>
        %add3A_1126 = arith.addf %mul3A_1123, %add3A_1125 : vector<16xf32>
        %mul3A_1127 = arith.mulf %add3A_1126, %exp3A_1116 : vector<16xf32>
        %add3A_1128 = arith.constant 0.324411809 : f32
        %add3A_1129 = vector.broadcast %add3A_1128 : f32 to vector<16xf32>
        %add3A_1130 = arith.addf %mul3A_1127, %add3A_1129 : vector<16xf32>
        %mul3A_1131 = arith.mulf %add3A_1130, %exp3A_1116 : vector<16xf32>
        %add3A_1132 = arith.constant -0.499187857 : f32
        %add3A_1133 = vector.broadcast %add3A_1132 : f32 to vector<16xf32>
        %add3A_1134 = arith.addf %mul3A_1131, %add3A_1133 : vector<16xf32>
        %mul3A_1135 = arith.mulf %add3A_1134, %exp3A_1116 : vector<16xf32>
        %add3A_1136 = arith.constant 0.99998188 : f32
        %add3A_1137 = vector.broadcast %add3A_1136 : f32 to vector<16xf32>
        %add3A_1138 = arith.addf %mul3A_1135, %add3A_1137 : vector<16xf32>
        %mul3A_1139 = arith.mulf %get3A_974, %get3A_1022 : vector<16xf32>
        %sub3A_1140 = arith.subf %max3A_1111, %mul3A_1139 : vector<16xf32>
        %mul3A_1141 = arith.mulf %add3A_1138, %exp3A_1116 : vector<16xf32>
        %add3A_1142 = arith.addf %sub3A_1140, %mul3A_1141 : vector<16xf32>
        %mul3A_1143 = arith.mulf %gather3A_1058, %add3A_1142 : vector<16xf32>
        %add3A_1144 = arith.addf %add3A_1108, %mul3A_1143 : vector<16xf32>
        %max3A_1145 = arith.constant 0.000000e+00 : f32
        %max3A_1146 = vector.broadcast %max3A_1145 : f32 to vector<16xf32>
        %max3A_1147 = arith.maximumf %get3A_982, %max3A_1146 : vector<16xf32>
        %abs3A_1148 = math.absf %get3A_982 : vector<16xf32>
        %neg3A_1149 = arith.constant 0.000000e+00 : f32
        %neg3A_1150 = vector.broadcast %neg3A_1149 : f32 to vector<16xf32>
        %neg3A_1151 = arith.subf %neg3A_1150, %abs3A_1148 : vector<16xf32>
        %exp3A_1152 = math.exp %neg3A_1151 : vector<16xf32>
        %mul3A_1153 = arith.constant -0.0236892495 : f32
        %mul3A_1154 = vector.broadcast %mul3A_1153 : f32 to vector<16xf32>
        %mul3A_1155 = arith.mulf %mul3A_1154, %exp3A_1152 : vector<16xf32>
        %add3A_1156 = arith.constant 0.100287199 : f32
        %add3A_1157 = vector.broadcast %add3A_1156 : f32 to vector<16xf32>
        %add3A_1158 = arith.addf %mul3A_1155, %add3A_1157 : vector<16xf32>
        %mul3A_1159 = arith.mulf %add3A_1158, %exp3A_1152 : vector<16xf32>
        %add3A_1160 = arith.constant -0.208669662 : f32
        %add3A_1161 = vector.broadcast %add3A_1160 : f32 to vector<16xf32>
        %add3A_1162 = arith.addf %mul3A_1159, %add3A_1161 : vector<16xf32>
        %mul3A_1163 = arith.mulf %add3A_1162, %exp3A_1152 : vector<16xf32>
        %add3A_1164 = arith.constant 0.324411809 : f32
        %add3A_1165 = vector.broadcast %add3A_1164 : f32 to vector<16xf32>
        %add3A_1166 = arith.addf %mul3A_1163, %add3A_1165 : vector<16xf32>
        %mul3A_1167 = arith.mulf %add3A_1166, %exp3A_1152 : vector<16xf32>
        %add3A_1168 = arith.constant -0.499187857 : f32
        %add3A_1169 = vector.broadcast %add3A_1168 : f32 to vector<16xf32>
        %add3A_1170 = arith.addf %mul3A_1167, %add3A_1169 : vector<16xf32>
        %mul3A_1171 = arith.mulf %add3A_1170, %exp3A_1152 : vector<16xf32>
        %add3A_1172 = arith.constant 0.99998188 : f32
        %add3A_1173 = vector.broadcast %add3A_1172 : f32 to vector<16xf32>
        %add3A_1174 = arith.addf %mul3A_1171, %add3A_1173 : vector<16xf32>
        %mul3A_1175 = arith.mulf %get3A_982, %get3A_1030 : vector<16xf32>
        %sub3A_1176 = arith.subf %max3A_1147, %mul3A_1175 : vector<16xf32>
        %mul3A_1177 = arith.mulf %add3A_1174, %exp3A_1152 : vector<16xf32>
        %add3A_1178 = arith.addf %sub3A_1176, %mul3A_1177 : vector<16xf32>
        %mul3A_1179 = arith.mulf %gather3A_1058, %add3A_1178 : vector<16xf32>
        %add3A_1180 = arith.addf %add3A_1144, %mul3A_1179 : vector<16xf32>
        %max3A_1181 = arith.constant 0.000000e+00 : f32
        %max3A_1182 = vector.broadcast %max3A_1181 : f32 to vector<16xf32>
        %max3A_1183 = arith.maximumf %get3A_990, %max3A_1182 : vector<16xf32>
        %abs3A_1184 = math.absf %get3A_990 : vector<16xf32>
        %neg3A_1185 = arith.constant 0.000000e+00 : f32
        %neg3A_1186 = vector.broadcast %neg3A_1185 : f32 to vector<16xf32>
        %neg3A_1187 = arith.subf %neg3A_1186, %abs3A_1184 : vector<16xf32>
        %exp3A_1188 = math.exp %neg3A_1187 : vector<16xf32>
        %mul3A_1189 = arith.constant -0.0236892495 : f32
        %mul3A_1190 = vector.broadcast %mul3A_1189 : f32 to vector<16xf32>
        %mul3A_1191 = arith.mulf %mul3A_1190, %exp3A_1188 : vector<16xf32>
        %add3A_1192 = arith.constant 0.100287199 : f32
        %add3A_1193 = vector.broadcast %add3A_1192 : f32 to vector<16xf32>
        %add3A_1194 = arith.addf %mul3A_1191, %add3A_1193 : vector<16xf32>
        %mul3A_1195 = arith.mulf %add3A_1194, %exp3A_1188 : vector<16xf32>
        %add3A_1196 = arith.constant -0.208669662 : f32
        %add3A_1197 = vector.broadcast %add3A_1196 : f32 to vector<16xf32>
        %add3A_1198 = arith.addf %mul3A_1195, %add3A_1197 : vector<16xf32>
        %mul3A_1199 = arith.mulf %add3A_1198, %exp3A_1188 : vector<16xf32>
        %add3A_1200 = arith.constant 0.324411809 : f32
        %add3A_1201 = vector.broadcast %add3A_1200 : f32 to vector<16xf32>
        %add3A_1202 = arith.addf %mul3A_1199, %add3A_1201 : vector<16xf32>
        %mul3A_1203 = arith.mulf %add3A_1202, %exp3A_1188 : vector<16xf32>
        %add3A_1204 = arith.constant -0.499187857 : f32
        %add3A_1205 = vector.broadcast %add3A_1204 : f32 to vector<16xf32>
        %add3A_1206 = arith.addf %mul3A_1203, %add3A_1205 : vector<16xf32>
        %mul3A_1207 = arith.mulf %add3A_1206, %exp3A_1188 : vector<16xf32>
        %add3A_1208 = arith.constant 0.99998188 : f32
        %add3A_1209 = vector.broadcast %add3A_1208 : f32 to vector<16xf32>
        %add3A_1210 = arith.addf %mul3A_1207, %add3A_1209 : vector<16xf32>
        %mul3A_1211 = arith.mulf %get3A_990, %get3A_1038 : vector<16xf32>
        %sub3A_1212 = arith.subf %max3A_1183, %mul3A_1211 : vector<16xf32>
        %mul3A_1213 = arith.mulf %add3A_1210, %exp3A_1188 : vector<16xf32>
        %add3A_1214 = arith.addf %sub3A_1212, %mul3A_1213 : vector<16xf32>
        %mul3A_1215 = arith.mulf %gather3A_1058, %add3A_1214 : vector<16xf32>
        %add3A_1216 = arith.addf %add3A_1180, %mul3A_1215 : vector<16xf32>
        %max3A_1217 = arith.constant 0.000000e+00 : f32
        %max3A_1218 = vector.broadcast %max3A_1217 : f32 to vector<16xf32>
        %max3A_1219 = arith.maximumf %get3A_998, %max3A_1218 : vector<16xf32>
        %abs3A_1220 = math.absf %get3A_998 : vector<16xf32>
        %neg3A_1221 = arith.constant 0.000000e+00 : f32
        %neg3A_1222 = vector.broadcast %neg3A_1221 : f32 to vector<16xf32>
        %neg3A_1223 = arith.subf %neg3A_1222, %abs3A_1220 : vector<16xf32>
        %exp3A_1224 = math.exp %neg3A_1223 : vector<16xf32>
        %mul3A_1225 = arith.constant -0.0236892495 : f32
        %mul3A_1226 = vector.broadcast %mul3A_1225 : f32 to vector<16xf32>
        %mul3A_1227 = arith.mulf %mul3A_1226, %exp3A_1224 : vector<16xf32>
        %add3A_1228 = arith.constant 0.100287199 : f32
        %add3A_1229 = vector.broadcast %add3A_1228 : f32 to vector<16xf32>
        %add3A_1230 = arith.addf %mul3A_1227, %add3A_1229 : vector<16xf32>
        %mul3A_1231 = arith.mulf %add3A_1230, %exp3A_1224 : vector<16xf32>
        %add3A_1232 = arith.constant -0.208669662 : f32
        %add3A_1233 = vector.broadcast %add3A_1232 : f32 to vector<16xf32>
        %add3A_1234 = arith.addf %mul3A_1231, %add3A_1233 : vector<16xf32>
        %mul3A_1235 = arith.mulf %add3A_1234, %exp3A_1224 : vector<16xf32>
        %add3A_1236 = arith.constant 0.324411809 : f32
        %add3A_1237 = vector.broadcast %add3A_1236 : f32 to vector<16xf32>
        %add3A_1238 = arith.addf %mul3A_1235, %add3A_1237 : vector<16xf32>
        %mul3A_1239 = arith.mulf %add3A_1238, %exp3A_1224 : vector<16xf32>
        %add3A_1240 = arith.constant -0.499187857 : f32
        %add3A_1241 = vector.broadcast %add3A_1240 : f32 to vector<16xf32>
        %add3A_1242 = arith.addf %mul3A_1239, %add3A_1241 : vector<16xf32>
        %mul3A_1243 = arith.mulf %add3A_1242, %exp3A_1224 : vector<16xf32>
        %add3A_1244 = arith.constant 0.99998188 : f32
        %add3A_1245 = vector.broadcast %add3A_1244 : f32 to vector<16xf32>
        %add3A_1246 = arith.addf %mul3A_1243, %add3A_1245 : vector<16xf32>
        %mul3A_1247 = arith.mulf %get3A_998, %get3A_1046 : vector<16xf32>
        %sub3A_1248 = arith.subf %max3A_1219, %mul3A_1247 : vector<16xf32>
        %mul3A_1249 = arith.mulf %add3A_1246, %exp3A_1224 : vector<16xf32>
        %add3A_1250 = arith.addf %sub3A_1248, %mul3A_1249 : vector<16xf32>
        %mul3A_1251 = arith.mulf %gather3A_1058, %add3A_1250 : vector<16xf32>
        %add3A_1252 = arith.addf %add3A_1216, %mul3A_1251 : vector<16xf32>
        %mul3A_1253 = arith.mulf %select_n3A_48, %gather3A_1058 : vector<16xf32>
        %max3A_1254 = arith.constant 0.000000e+00 : f32
        %max3A_1255 = vector.broadcast %max3A_1254 : f32 to vector<16xf32>
        %max3A_1256 = arith.maximumf %get3A_1006, %max3A_1255 : vector<16xf32>
        %abs3A_1257 = math.absf %get3A_1006 : vector<16xf32>
        %neg3A_1258 = arith.constant 0.000000e+00 : f32
        %neg3A_1259 = vector.broadcast %neg3A_1258 : f32 to vector<16xf32>
        %neg3A_1260 = arith.subf %neg3A_1259, %abs3A_1257 : vector<16xf32>
        %exp3A_1261 = math.exp %neg3A_1260 : vector<16xf32>
        %mul3A_1262 = arith.constant -0.0236892495 : f32
        %mul3A_1263 = vector.broadcast %mul3A_1262 : f32 to vector<16xf32>
        %mul3A_1264 = arith.mulf %mul3A_1263, %exp3A_1261 : vector<16xf32>
        %add3A_1265 = arith.constant 0.100287199 : f32
        %add3A_1266 = vector.broadcast %add3A_1265 : f32 to vector<16xf32>
        %add3A_1267 = arith.addf %mul3A_1264, %add3A_1266 : vector<16xf32>
        %mul3A_1268 = arith.mulf %add3A_1267, %exp3A_1261 : vector<16xf32>
        %add3A_1269 = arith.constant -0.208669662 : f32
        %add3A_1270 = vector.broadcast %add3A_1269 : f32 to vector<16xf32>
        %add3A_1271 = arith.addf %mul3A_1268, %add3A_1270 : vector<16xf32>
        %mul3A_1272 = arith.mulf %add3A_1271, %exp3A_1261 : vector<16xf32>
        %add3A_1273 = arith.constant 0.324411809 : f32
        %add3A_1274 = vector.broadcast %add3A_1273 : f32 to vector<16xf32>
        %add3A_1275 = arith.addf %mul3A_1272, %add3A_1274 : vector<16xf32>
        %mul3A_1276 = arith.mulf %add3A_1275, %exp3A_1261 : vector<16xf32>
        %add3A_1277 = arith.constant -0.499187857 : f32
        %add3A_1278 = vector.broadcast %add3A_1277 : f32 to vector<16xf32>
        %add3A_1279 = arith.addf %mul3A_1276, %add3A_1278 : vector<16xf32>
        %mul3A_1280 = arith.mulf %add3A_1279, %exp3A_1261 : vector<16xf32>
        %add3A_1281 = arith.constant 0.99998188 : f32
        %add3A_1282 = vector.broadcast %add3A_1281 : f32 to vector<16xf32>
        %add3A_1283 = arith.addf %mul3A_1280, %add3A_1282 : vector<16xf32>
        %mul3A_1284 = arith.mulf %get3A_1006, %get3A_1054 : vector<16xf32>
        %sub3A_1285 = arith.subf %max3A_1256, %mul3A_1284 : vector<16xf32>
        %mul3A_1286 = arith.mulf %add3A_1283, %exp3A_1261 : vector<16xf32>
        %add3A_1287 = arith.addf %sub3A_1285, %mul3A_1286 : vector<16xf32>
        %mul3A_1288 = arith.mulf %mul3A_1253, %add3A_1287 : vector<16xf32>
        %add3A_1289 = arith.addf %add3A_1252, %mul3A_1288 : vector<16xf32>
        scf.yield %add3A_1289 : vector<16xf32>
      }
      %scan3A_228 = arith.constant 52 : i32
      %add3A_229 = arith.constant 2 : i32
      %add3A_230 = arith.addi %mul3A_169, %add3A_229 : i32
      %lt3A_231 = arith.constant 26 : i32
      %lt3A_232 = arith.cmpi slt, %add3A_230, %lt3A_231 : i32
      %convert_element_type3A = arith.extui %lt3A_232 : i1 to i32
      %cond3A = arith.constant 0 : i32
      %cond3A_233 = arith.cmpi ne, %convert_element_type3A, %cond3A : i32
      scf.if %cond3A_233 {
        %add3A_301 = arith.constant 2 : i32
        %add3A_302 = arith.addi %mul3A_169, %add3A_301 : i32
        %add3A_303 = arith.addi %mul3A_20, %add3A_302 : i32
        %dma_start3A_304 = arith.constant 0 : i32
        %dma_start3A_305 = arith.constant 0 : i32
        %dma_start3A_306 = arith.constant 0 : i32
        %dma_start3A_307 = arith.constant 0 : i32
        %dma_start3A_308 = arith.constant 0 : i32
        %dma_start3A_309 = arith.constant 0 : i32
        %dma_start3A_310 = tpu.memref_slice %arg5[%dma_start3A_304, %dma_start3A_307, %dma_start3A_308, %dma_start3A_309] : memref<2x52x3x85xf32, #tpu.memory_space<vmem>> -> memref<1x52x3x85xf32, #tpu.memory_space<vmem>>
        %dma_start3A_311 = tpu.memref_squeeze %dma_start3A_310 : memref<1x52x3x85xf32, #tpu.memory_space<vmem>> -> memref<52x3x85xf32, #tpu.memory_space<vmem>>
        %dma_start3A_312 = arith.constant 0 : i32
        %dma_start3A_313 = arith.constant 0 : i32
        %dma_start3A_314 = arith.constant 0 : i32
        %dma_start3A_315 = tpu.memref_slice %arg2[%select_n3A, %add3A_303, %dma_start3A_312, %dma_start3A_313, %dma_start3A_314] : memref<32x52x52x3x85xf32, #tpu.memory_space<hbm>> -> memref<1x1x52x3x85xf32, #tpu.memory_space<hbm>>
        %dma_start3A_316 = tpu.memref_squeeze %dma_start3A_315 : memref<1x1x52x3x85xf32, #tpu.memory_space<hbm>> -> memref<52x3x85xf32, #tpu.memory_space<hbm>>
        %dma_start3A_317 = tpu.memref_slice %arg8[%dma_start3A_305, %dma_start3A_306] : memref<2x2x!tpu.dma_semaphore, #tpu.memory_space<semaphore_mem>> -> memref<1x1x!tpu.dma_semaphore, #tpu.memory_space<semaphore_mem>>
        %dma_start3A_318 = tpu.memref_squeeze %dma_start3A_317 : memref<1x1x!tpu.dma_semaphore, #tpu.memory_space<semaphore_mem>> -> memref<!tpu.dma_semaphore, #tpu.memory_space<semaphore_mem>>
        %dma_start3A_319 = arith.constant 0 : i32
        %dma_start3A_320 = arith.constant 0 : i32
        %dma_start3A_321 = arith.constant 0 : i32
        %dma_start3A_322 = tpu.memref_slice %arg5[%dma_start3A_304, %dma_start3A_319, %dma_start3A_320, %dma_start3A_321] : memref<2x52x3x85xf32, #tpu.memory_space<vmem>> -> memref<1x52x3x85xf32, #tpu.memory_space<vmem>>
        %dma_start3A_323 = tpu.memref_squeeze %dma_start3A_322 : memref<1x52x3x85xf32, #tpu.memory_space<vmem>> -> memref<52x3x85xf32, #tpu.memory_space<vmem>>
        %dma_start3A_324 = arith.constant 0 : i32
        %dma_start3A_325 = arith.constant 0 : i32
        %dma_start3A_326 = arith.constant 0 : i32
        %dma_start3A_327 = tpu.memref_slice %arg2[%select_n3A, %add3A_303, %dma_start3A_324, %dma_start3A_325, %dma_start3A_326] : memref<32x52x52x3x85xf32, #tpu.memory_space<hbm>> -> memref<1x1x52x3x85xf32, #tpu.memory_space<hbm>>
        %dma_start3A_328 = tpu.memref_squeeze %dma_start3A_327 : memref<1x1x52x3x85xf32, #tpu.memory_space<hbm>> -> memref<52x3x85xf32, #tpu.memory_space<hbm>>
        tpu.enqueue_dma source(%dma_start3A_328 : memref<52x3x85xf32, #tpu.memory_space<hbm>>) target(%dma_start3A_323 : memref<52x3x85xf32, #tpu.memory_space<vmem>>) target_semaphore(%dma_start3A_318 : memref<!tpu.dma_semaphore, #tpu.memory_space<semaphore_mem>>)
        %add3A_329 = arith.addi %mul3A_20, %add3A_302 : i32
        %dma_start3A_330 = arith.constant 0 : i32
        %dma_start3A_331 = arith.constant 0 : i32
        %dma_start3A_332 = arith.constant 1 : i32
        %dma_start3A_333 = arith.constant 0 : i32
        %dma_start3A_334 = arith.constant 0 : i32
        %dma_start3A_335 = arith.constant 0 : i32
        %dma_start3A_336 = tpu.memref_slice %arg6[%dma_start3A_330, %dma_start3A_333, %dma_start3A_334, %dma_start3A_335] : memref<2x52x3x85xf32, #tpu.memory_space<vmem>> -> memref<1x52x3x85xf32, #tpu.memory_space<vmem>>
        %dma_start3A_337 = tpu.memref_squeeze %dma_start3A_336 : memref<1x52x3x85xf32, #tpu.memory_space<vmem>> -> memref<52x3x85xf32, #tpu.memory_space<vmem>>
        %dma_start3A_338 = arith.constant 0 : i32
        %dma_start3A_339 = arith.constant 0 : i32
        %dma_start3A_340 = arith.constant 0 : i32
        %dma_start3A_341 = tpu.memref_slice %arg3[%select_n3A, %add3A_329, %dma_start3A_338, %dma_start3A_339, %dma_start3A_340] : memref<32x52x52x3x85xf32, #tpu.memory_space<hbm>> -> memref<1x1x52x3x85xf32, #tpu.memory_space<hbm>>
        %dma_start3A_342 = tpu.memref_squeeze %dma_start3A_341 : memref<1x1x52x3x85xf32, #tpu.memory_space<hbm>> -> memref<52x3x85xf32, #tpu.memory_space<hbm>>
        %dma_start3A_343 = tpu.memref_slice %arg8[%dma_start3A_331, %dma_start3A_332] : memref<2x2x!tpu.dma_semaphore, #tpu.memory_space<semaphore_mem>> -> memref<1x1x!tpu.dma_semaphore, #tpu.memory_space<semaphore_mem>>
        %dma_start3A_344 = tpu.memref_squeeze %dma_start3A_343 : memref<1x1x!tpu.dma_semaphore, #tpu.memory_space<semaphore_mem>> -> memref<!tpu.dma_semaphore, #tpu.memory_space<semaphore_mem>>
        %dma_start3A_345 = arith.constant 0 : i32
        %dma_start3A_346 = arith.constant 0 : i32
        %dma_start3A_347 = arith.constant 0 : i32
        %dma_start3A_348 = tpu.memref_slice %arg6[%dma_start3A_330, %dma_start3A_345, %dma_start3A_346, %dma_start3A_347] : memref<2x52x3x85xf32, #tpu.memory_space<vmem>> -> memref<1x52x3x85xf32, #tpu.memory_space<vmem>>
        %dma_start3A_349 = tpu.memref_squeeze %dma_start3A_348 : memref<1x52x3x85xf32, #tpu.memory_space<vmem>> -> memref<52x3x85xf32, #tpu.memory_space<vmem>>
        %dma_start3A_350 = arith.constant 0 : i32
        %dma_start3A_351 = arith.constant 0 : i32
        %dma_start3A_352 = arith.constant 0 : i32
        %dma_start3A_353 = tpu.memref_slice %arg3[%select_n3A, %add3A_329, %dma_start3A_350, %dma_start3A_351, %dma_start3A_352] : memref<32x52x52x3x85xf32, #tpu.memory_space<hbm>> -> memref<1x1x52x3x85xf32, #tpu.memory_space<hbm>>
        %dma_start3A_354 = tpu.memref_squeeze %dma_start3A_353 : memref<1x1x52x3x85xf32, #tpu.memory_space<hbm>> -> memref<52x3x85xf32, #tpu.memory_space<hbm>>
        tpu.enqueue_dma source(%dma_start3A_354 : memref<52x3x85xf32, #tpu.memory_space<hbm>>) target(%dma_start3A_349 : memref<52x3x85xf32, #tpu.memory_space<vmem>>) target_semaphore(%dma_start3A_344 : memref<!tpu.dma_semaphore, #tpu.memory_space<semaphore_mem>>)
      } else {
      }
      %dma_wait3A_234 = arith.constant 0 : i32
      %dma_wait3A_235 = arith.constant 0 : i32
      %dma_wait3A_236 = arith.constant 1 : i32
      %dma_wait3A_237 = arith.constant 1 : i32
      %dma_wait3A_238 = arith.constant 0 : i32
      %dma_wait3A_239 = arith.constant 0 : i32
      %dma_wait3A_240 = arith.constant 0 : i32
      %dma_wait3A_241 = arith.constant 0 : i32
      %dma_wait3A_242 = tpu.memref_slice %arg5[%dma_wait3A_236, %dma_wait3A_239, %dma_wait3A_240, %dma_wait3A_241] : memref<2x52x3x85xf32, #tpu.memory_space<vmem>> -> memref<1x52x3x85xf32, #tpu.memory_space<vmem>>
      %dma_wait3A_243 = tpu.memref_squeeze %dma_wait3A_242 : memref<1x52x3x85xf32, #tpu.memory_space<vmem>> -> memref<52x3x85xf32, #tpu.memory_space<vmem>>
      %dma_wait3A_244 = arith.constant 0 : i32
      %dma_wait3A_245 = arith.constant 0 : i32
      %dma_wait3A_246 = arith.constant 0 : i32
      %dma_wait3A_247 = tpu.memref_slice %arg2[%dma_wait3A_234, %dma_wait3A_235, %dma_wait3A_244, %dma_wait3A_245, %dma_wait3A_246] : memref<32x52x52x3x85xf32, #tpu.memory_space<hbm>> -> memref<1x1x52x3x85xf32, #tpu.memory_space<hbm>>
      %dma_wait3A_248 = tpu.memref_squeeze %dma_wait3A_247 : memref<1x1x52x3x85xf32, #tpu.memory_space<hbm>> -> memref<52x3x85xf32, #tpu.memory_space<hbm>>
      %dma_wait3A_249 = tpu.memref_slice %arg8[%dma_wait3A_237, %dma_wait3A_238] : memref<2x2x!tpu.dma_semaphore, #tpu.memory_space<semaphore_mem>> -> memref<1x1x!tpu.dma_semaphore, #tpu.memory_space<semaphore_mem>>
      %dma_wait3A_250 = tpu.memref_squeeze %dma_wait3A_249 : memref<1x1x!tpu.dma_semaphore, #tpu.memory_space<semaphore_mem>> -> memref<!tpu.dma_semaphore, #tpu.memory_space<semaphore_mem>>
      %dma_wait3A_251 = arith.constant 0 : i32
      %dma_wait3A_252 = arith.constant 0 : i32
      %dma_wait3A_253 = arith.constant 0 : i32
      %dma_wait3A_254 = tpu.memref_slice %arg5[%dma_wait3A_236, %dma_wait3A_251, %dma_wait3A_252, %dma_wait3A_253] : memref<2x52x3x85xf32, #tpu.memory_space<vmem>> -> memref<1x52x3x85xf32, #tpu.memory_space<vmem>>
      %dma_wait3A_255 = tpu.memref_squeeze %dma_wait3A_254 : memref<1x52x3x85xf32, #tpu.memory_space<vmem>> -> memref<52x3x85xf32, #tpu.memory_space<vmem>>
      %dma_wait3A_256 = arith.constant 0 : i32
      %dma_wait3A_257 = arith.constant 0 : i32
      %dma_wait3A_258 = arith.constant 0 : i32
      %dma_wait3A_259 = tpu.memref_slice %arg2[%dma_wait3A_234, %dma_wait3A_235, %dma_wait3A_256, %dma_wait3A_257, %dma_wait3A_258] : memref<32x52x52x3x85xf32, #tpu.memory_space<hbm>> -> memref<1x1x52x3x85xf32, #tpu.memory_space<hbm>>
      %dma_wait3A_260 = tpu.memref_squeeze %dma_wait3A_259 : memref<1x1x52x3x85xf32, #tpu.memory_space<hbm>> -> memref<52x3x85xf32, #tpu.memory_space<hbm>>
      tpu.wait_dma2 semaphore(%dma_wait3A_250 : memref<!tpu.dma_semaphore, #tpu.memory_space<semaphore_mem>>) src(%dma_wait3A_260 : memref<52x3x85xf32, #tpu.memory_space<hbm>>) dst(%dma_wait3A_255 : memref<52x3x85xf32, #tpu.memory_space<vmem>>)
      %dma_wait3A_261 = arith.constant 0 : i32
      %dma_wait3A_262 = arith.constant 0 : i32
      %dma_wait3A_263 = arith.constant 1 : i32
      %dma_wait3A_264 = arith.constant 1 : i32
      %dma_wait3A_265 = arith.constant 1 : i32
      %dma_wait3A_266 = arith.constant 0 : i32
      %dma_wait3A_267 = arith.constant 0 : i32
      %dma_wait3A_268 = arith.constant 0 : i32
      %dma_wait3A_269 = tpu.memref_slice %arg6[%dma_wait3A_263, %dma_wait3A_266, %dma_wait3A_267, %dma_wait3A_268] : memref<2x52x3x85xf32, #tpu.memory_space<vmem>> -> memref<1x52x3x85xf32, #tpu.memory_space<vmem>>
      %dma_wait3A_270 = tpu.memref_squeeze %dma_wait3A_269 : memref<1x52x3x85xf32, #tpu.memory_space<vmem>> -> memref<52x3x85xf32, #tpu.memory_space<vmem>>
      %dma_wait3A_271 = arith.constant 0 : i32
      %dma_wait3A_272 = arith.constant 0 : i32
      %dma_wait3A_273 = arith.constant 0 : i32
      %dma_wait3A_274 = tpu.memref_slice %arg3[%dma_wait3A_261, %dma_wait3A_262, %dma_wait3A_271, %dma_wait3A_272, %dma_wait3A_273] : memref<32x52x52x3x85xf32, #tpu.memory_space<hbm>> -> memref<1x1x52x3x85xf32, #tpu.memory_space<hbm>>
      %dma_wait3A_275 = tpu.memref_squeeze %dma_wait3A_274 : memref<1x1x52x3x85xf32, #tpu.memory_space<hbm>> -> memref<52x3x85xf32, #tpu.memory_space<hbm>>
      %dma_wait3A_276 = tpu.memref_slice %arg8[%dma_wait3A_264, %dma_wait3A_265] : memref<2x2x!tpu.dma_semaphore, #tpu.memory_space<semaphore_mem>> -> memref<1x1x!tpu.dma_semaphore, #tpu.memory_space<semaphore_mem>>
      %dma_wait3A_277 = tpu.memref_squeeze %dma_wait3A_276 : memref<1x1x!tpu.dma_semaphore, #tpu.memory_space<semaphore_mem>> -> memref<!tpu.dma_semaphore, #tpu.memory_space<semaphore_mem>>
      %dma_wait3A_278 = arith.constant 0 : i32
      %dma_wait3A_279 = arith.constant 0 : i32
      %dma_wait3A_280 = arith.constant 0 : i32
      %dma_wait3A_281 = tpu.memref_slice %arg6[%dma_wait3A_263, %dma_wait3A_278, %dma_wait3A_279, %dma_wait3A_280] : memref<2x52x3x85xf32, #tpu.memory_space<vmem>> -> memref<1x52x3x85xf32, #tpu.memory_space<vmem>>
      %dma_wait3A_282 = tpu.memref_squeeze %dma_wait3A_281 : memref<1x52x3x85xf32, #tpu.memory_space<vmem>> -> memref<52x3x85xf32, #tpu.memory_space<vmem>>
      %dma_wait3A_283 = arith.constant 0 : i32
      %dma_wait3A_284 = arith.constant 0 : i32
      %dma_wait3A_285 = arith.constant 0 : i32
      %dma_wait3A_286 = tpu.memref_slice %arg3[%dma_wait3A_261, %dma_wait3A_262, %dma_wait3A_283, %dma_wait3A_284, %dma_wait3A_285] : memref<32x52x52x3x85xf32, #tpu.memory_space<hbm>> -> memref<1x1x52x3x85xf32, #tpu.memory_space<hbm>>
      %dma_wait3A_287 = tpu.memref_squeeze %dma_wait3A_286 : memref<1x1x52x3x85xf32, #tpu.memory_space<hbm>> -> memref<52x3x85xf32, #tpu.memory_space<hbm>>
      tpu.wait_dma2 semaphore(%dma_wait3A_277 : memref<!tpu.dma_semaphore, #tpu.memory_space<semaphore_mem>>) src(%dma_wait3A_287 : memref<52x3x85xf32, #tpu.memory_space<hbm>>) dst(%dma_wait3A_282 : memref<52x3x85xf32, #tpu.memory_space<vmem>>)
      %scan3A_288 = arith.constant 0 : i32
      %scan3A_289 = arith.constant 52 : i32
      %scan3A_290 = arith.addi %scan3A_288, %scan3A_289 : i32
      %scan3A_291 = arith.constant 1 : i32
      %scan3A_292 = scf.for %scan3A_301 = %scan3A_288 to %scan3A_290 step %scan3A_291 iter_args(%scan3A_302 = %scan3A_227) -> (vector<16xf32>)  : i32 {
        %get3A = arith.constant 1 : i32
        %get3A_303 = arith.constant 0 : i32
        %get3A_304 = arith.index_cast %get3A : i32 to index
        %get3A_305 = arith.index_cast %scan3A_301 : i32 to index
        %get3A_306 = arith.index_cast %get3A_303 : i32 to index
        %get3A_307 = arith.constant 0 : index
        %get3A_308 = tpu.vector_load %arg5[%get3A_304, %get3A_305, %get3A_306, %get3A_307] {strides = array<i32>} : memref<2x52x3x85xf32, #tpu.memory_space<vmem>>, vector<1x1x1x16xf32>,
        %get3A_309 = vector.shape_cast %get3A_308 : vector<1x1x1x16xf32> to vector<16xf32>
        %get3A_310 = arith.constant 1 : i32
        %get3A_311 = arith.constant 0 : i32
        %get3A_312 = arith.index_cast %get3A_310 : i32 to index
        %get3A_313 = arith.index_cast %scan3A_301 : i32 to index
        %get3A_314 = arith.index_cast %get3A_311 : i32 to index
        %get3A_315 = arith.constant 16 : index
        %get3A_316 = tpu.vector_load %arg5[%get3A_312, %get3A_313, %get3A_314, %get3A_315] {strides = array<i32>} : memref<2x52x3x85xf32, #tpu.memory_space<vmem>>, vector<1x1x1x16xf32>,
        %get3A_317 = vector.shape_cast %get3A_316 : vector<1x1x1x16xf32> to vector<16xf32>
        %get3A_318 = arith.constant 1 : i32
        %get3A_319 = arith.constant 0 : i32
        %get3A_320 = arith.index_cast %get3A_318 : i32 to index
        %get3A_321 = arith.index_cast %scan3A_301 : i32 to index
        %get3A_322 = arith.index_cast %get3A_319 : i32 to index
        %get3A_323 = arith.constant 32 : index
        %get3A_324 = tpu.vector_load %arg5[%get3A_320, %get3A_321, %get3A_322, %get3A_323] {strides = array<i32>} : memref<2x52x3x85xf32, #tpu.memory_space<vmem>>, vector<1x1x1x16xf32>,
        %get3A_325 = vector.shape_cast %get3A_324 : vector<1x1x1x16xf32> to vector<16xf32>
        %get3A_326 = arith.constant 1 : i32
        %get3A_327 = arith.constant 0 : i32
        %get3A_328 = arith.index_cast %get3A_326 : i32 to index
        %get3A_329 = arith.index_cast %scan3A_301 : i32 to index
        %get3A_330 = arith.index_cast %get3A_327 : i32 to index
        %get3A_331 = arith.constant 48 : index
        %get3A_332 = tpu.vector_load %arg5[%get3A_328, %get3A_329, %get3A_330, %get3A_331] {strides = array<i32>} : memref<2x52x3x85xf32, #tpu.memory_space<vmem>>, vector<1x1x1x16xf32>,
        %get3A_333 = vector.shape_cast %get3A_332 : vector<1x1x1x16xf32> to vector<16xf32>
        %get3A_334 = arith.constant 1 : i32
        %get3A_335 = arith.constant 0 : i32
        %get3A_336 = arith.index_cast %get3A_334 : i32 to index
        %get3A_337 = arith.index_cast %scan3A_301 : i32 to index
        %get3A_338 = arith.index_cast %get3A_335 : i32 to index
        %get3A_339 = arith.constant 64 : index
        %get3A_340 = tpu.vector_load %arg5[%get3A_336, %get3A_337, %get3A_338, %get3A_339] {strides = array<i32>} : memref<2x52x3x85xf32, #tpu.memory_space<vmem>>, vector<1x1x1x16xf32>,
        %get3A_341 = vector.shape_cast %get3A_340 : vector<1x1x1x16xf32> to vector<16xf32>
        %get3A_342 = arith.constant 1 : i32
        %get3A_343 = arith.constant 0 : i32
        %get3A_344 = arith.index_cast %get3A_342 : i32 to index
        %get3A_345 = arith.index_cast %scan3A_301 : i32 to index
        %get3A_346 = arith.index_cast %get3A_343 : i32 to index
        %get3A_347 = arith.constant 69 : index
        %get3A_348 = tpu.vector_load %arg5[%get3A_344, %get3A_345, %get3A_346, %get3A_347] {strides = array<i32>} : memref<2x52x3x85xf32, #tpu.memory_space<vmem>>, vector<1x1x1x16xf32>,
        %get3A_349 = vector.shape_cast %get3A_348 : vector<1x1x1x16xf32> to vector<16xf32>
        %get3A_350 = arith.constant 1 : i32
        %get3A_351 = arith.constant 0 : i32
        %get3A_352 = arith.index_cast %get3A_350 : i32 to index
        %get3A_353 = arith.index_cast %scan3A_301 : i32 to index
        %get3A_354 = arith.index_cast %get3A_351 : i32 to index
        %get3A_355 = arith.constant 0 : index
        %get3A_356 = tpu.vector_load %arg6[%get3A_352, %get3A_353, %get3A_354, %get3A_355] {strides = array<i32>} : memref<2x52x3x85xf32, #tpu.memory_space<vmem>>, vector<1x1x1x16xf32>,
        %get3A_357 = vector.shape_cast %get3A_356 : vector<1x1x1x16xf32> to vector<16xf32>
        %get3A_358 = arith.constant 1 : i32
        %get3A_359 = arith.constant 0 : i32
        %get3A_360 = arith.index_cast %get3A_358 : i32 to index
        %get3A_361 = arith.index_cast %scan3A_301 : i32 to index
        %get3A_362 = arith.index_cast %get3A_359 : i32 to index
        %get3A_363 = arith.constant 16 : index
        %get3A_364 = tpu.vector_load %arg6[%get3A_360, %get3A_361, %get3A_362, %get3A_363] {strides = array<i32>} : memref<2x52x3x85xf32, #tpu.memory_space<vmem>>, vector<1x1x1x16xf32>,
        %get3A_365 = vector.shape_cast %get3A_364 : vector<1x1x1x16xf32> to vector<16xf32>
        %get3A_366 = arith.constant 1 : i32
        %get3A_367 = arith.constant 0 : i32
        %get3A_368 = arith.index_cast %get3A_366 : i32 to index
        %get3A_369 = arith.index_cast %scan3A_301 : i32 to index
        %get3A_370 = arith.index_cast %get3A_367 : i32 to index
        %get3A_371 = arith.constant 32 : index
        %get3A_372 = tpu.vector_load %arg6[%get3A_368, %get3A_369, %get3A_370, %get3A_371] {strides = array<i32>} : memref<2x52x3x85xf32, #tpu.memory_space<vmem>>, vector<1x1x1x16xf32>,
        %get3A_373 = vector.shape_cast %get3A_372 : vector<1x1x1x16xf32> to vector<16xf32>
        %get3A_374 = arith.constant 1 : i32
        %get3A_375 = arith.constant 0 : i32
        %get3A_376 = arith.index_cast %get3A_374 : i32 to index
        %get3A_377 = arith.index_cast %scan3A_301 : i32 to index
        %get3A_378 = arith.index_cast %get3A_375 : i32 to index
        %get3A_379 = arith.constant 48 : index
        %get3A_380 = tpu.vector_load %arg6[%get3A_376, %get3A_377, %get3A_378, %get3A_379] {strides = array<i32>} : memref<2x52x3x85xf32, #tpu.memory_space<vmem>>, vector<1x1x1x16xf32>,
        %get3A_381 = vector.shape_cast %get3A_380 : vector<1x1x1x16xf32> to vector<16xf32>
        %get3A_382 = arith.constant 1 : i32
        %get3A_383 = arith.constant 0 : i32
        %get3A_384 = arith.index_cast %get3A_382 : i32 to index
        %get3A_385 = arith.index_cast %scan3A_301 : i32 to index
        %get3A_386 = arith.index_cast %get3A_383 : i32 to index
        %get3A_387 = arith.constant 64 : index
        %get3A_388 = tpu.vector_load %arg6[%get3A_384, %get3A_385, %get3A_386, %get3A_387] {strides = array<i32>} : memref<2x52x3x85xf32, #tpu.memory_space<vmem>>, vector<1x1x1x16xf32>,
        %get3A_389 = vector.shape_cast %get3A_388 : vector<1x1x1x16xf32> to vector<16xf32>
        %get3A_390 = arith.constant 1 : i32
        %get3A_391 = arith.constant 0 : i32
        %get3A_392 = arith.index_cast %get3A_390 : i32 to index
        %get3A_393 = arith.index_cast %scan3A_301 : i32 to index
        %get3A_394 = arith.index_cast %get3A_391 : i32 to index
        %get3A_395 = arith.constant 69 : index
        %get3A_396 = tpu.vector_load %arg6[%get3A_392, %get3A_393, %get3A_394, %get3A_395] {strides = array<i32>} : memref<2x52x3x85xf32, #tpu.memory_space<vmem>>, vector<1x1x1x16xf32>,
        %get3A_397 = vector.shape_cast %get3A_396 : vector<1x1x1x16xf32> to vector<16xf32>
        %broadcast_in_dim3A_398 = arith.constant 4 : i32
        %broadcast_in_dim3A_399 = vector.broadcast %broadcast_in_dim3A_398 : i32 to vector<16x1xi32>
        %gather3A = vector.shape_cast %broadcast_in_dim3A_399 : vector<16x1xi32> to vector<16xi32>
        %gather3A_400 = tpu.dynamic_gather %get3A_357[%gather3A] in [0] : vector<16xf32>, vector<16xi32> -> vector<16xf32>
        %sub3A_401 = arith.subf %get3A_357, %get3A_309 : vector<16xf32>
        %mul3A_402 = arith.mulf %sub3A_401, %sub3A_401 : vector<16xf32>
        %mul3A_403 = arith.mulf %gather3A_400, %mul3A_402 : vector<16xf32>
        %mul3A_404 = arith.mulf %select_n3A_26, %mul3A_403 : vector<16xf32>
        %add3A_405 = arith.addf %scan3A_302, %mul3A_404 : vector<16xf32>
        %mul3A_406 = arith.constant 5.000000e-01 : f32
        %mul3A_407 = vector.broadcast %mul3A_406 : f32 to vector<16xf32>
        %mul3A_408 = arith.mulf %mul3A_407, %gather3A_400 : vector<16xf32>
        %add3A_409 = arith.constant 5.000000e-01 : f32
        %add3A_410 = vector.broadcast %add3A_409 : f32 to vector<16xf32>
        %add3A_411 = arith.addf %add3A_410, %mul3A_408 : vector<16xf32>
        %mul3A_412 = arith.mulf %select_n3A_33, %add3A_411 : vector<16xf32>
        %mul3A_413 = arith.mulf %select_n3A_40, %gather3A_400 : vector<16xf32>
        %add3A_414 = arith.addf %mul3A_412, %mul3A_413 : vector<16xf32>
        %max3A = arith.constant 0.000000e+00 : f32
        %max3A_415 = vector.broadcast %max3A : f32 to vector<16xf32>
        %max3A_416 = arith.maximumf %get3A_309, %max3A_415 : vector<16xf32>
        %abs3A = math.absf %get3A_309 : vector<16xf32>
        %neg3A = arith.constant 0.000000e+00 : f32
        %neg3A_417 = vector.broadcast %neg3A : f32 to vector<16xf32>
        %neg3A_418 = arith.subf %neg3A_417, %abs3A : vector<16xf32>
        %exp3A = math.exp %neg3A_418 : vector<16xf32>
        %mul3A_419 = arith.constant -0.0236892495 : f32
        %mul3A_420 = vector.broadcast %mul3A_419 : f32 to vector<16xf32>
        %mul3A_421 = arith.mulf %mul3A_420, %exp3A : vector<16xf32>
        %add3A_422 = arith.constant 0.100287199 : f32
        %add3A_423 = vector.broadcast %add3A_422 : f32 to vector<16xf32>
        %add3A_424 = arith.addf %mul3A_421, %add3A_423 : vector<16xf32>
        %mul3A_425 = arith.mulf %add3A_424, %exp3A : vector<16xf32>
        %add3A_426 = arith.constant -0.208669662 : f32
        %add3A_427 = vector.broadcast %add3A_426 : f32 to vector<16xf32>
        %add3A_428 = arith.addf %mul3A_425, %add3A_427 : vector<16xf32>
        %mul3A_429 = arith.mulf %add3A_428, %exp3A : vector<16xf32>
        %add3A_430 = arith.constant 0.324411809 : f32
        %add3A_431 = vector.broadcast %add3A_430 : f32 to vector<16xf32>
        %add3A_432 = arith.addf %mul3A_429, %add3A_431 : vector<16xf32>
        %mul3A_433 = arith.mulf %add3A_432, %exp3A : vector<16xf32>
        %add3A_434 = arith.constant -0.499187857 : f32
        %add3A_435 = vector.broadcast %add3A_434 : f32 to vector<16xf32>
        %add3A_436 = arith.addf %mul3A_433, %add3A_435 : vector<16xf32>
        %mul3A_437 = arith.mulf %add3A_436, %exp3A : vector<16xf32>
        %add3A_438 = arith.constant 0.99998188 : f32
        %add3A_439 = vector.broadcast %add3A_438 : f32 to vector<16xf32>
        %add3A_440 = arith.addf %mul3A_437, %add3A_439 : vector<16xf32>
        %mul3A_441 = arith.mulf %get3A_309, %get3A_357 : vector<16xf32>
        %sub3A_442 = arith.subf %max3A_416, %mul3A_441 : vector<16xf32>
        %mul3A_443 = arith.mulf %add3A_440, %exp3A : vector<16xf32>
        %add3A_444 = arith.addf %sub3A_442, %mul3A_443 : vector<16xf32>
        %mul3A_445 = arith.mulf %add3A_414, %add3A_444 : vector<16xf32>
        %add3A_446 = arith.addf %add3A_405, %mul3A_445 : vector<16xf32>
        %max3A_447 = arith.constant 0.000000e+00 : f32
        %max3A_448 = vector.broadcast %max3A_447 : f32 to vector<16xf32>
        %max3A_449 = arith.maximumf %get3A_317, %max3A_448 : vector<16xf32>
        %abs3A_450 = math.absf %get3A_317 : vector<16xf32>
        %neg3A_451 = arith.constant 0.000000e+00 : f32
        %neg3A_452 = vector.broadcast %neg3A_451 : f32 to vector<16xf32>
        %neg3A_453 = arith.subf %neg3A_452, %abs3A_450 : vector<16xf32>
        %exp3A_454 = math.exp %neg3A_453 : vector<16xf32>
        %mul3A_455 = arith.constant -0.0236892495 : f32
        %mul3A_456 = vector.broadcast %mul3A_455 : f32 to vector<16xf32>
        %mul3A_457 = arith.mulf %mul3A_456, %exp3A_454 : vector<16xf32>
        %add3A_458 = arith.constant 0.100287199 : f32
        %add3A_459 = vector.broadcast %add3A_458 : f32 to vector<16xf32>
        %add3A_460 = arith.addf %mul3A_457, %add3A_459 : vector<16xf32>
        %mul3A_461 = arith.mulf %add3A_460, %exp3A_454 : vector<16xf32>
        %add3A_462 = arith.constant -0.208669662 : f32
        %add3A_463 = vector.broadcast %add3A_462 : f32 to vector<16xf32>
        %add3A_464 = arith.addf %mul3A_461, %add3A_463 : vector<16xf32>
        %mul3A_465 = arith.mulf %add3A_464, %exp3A_454 : vector<16xf32>
        %add3A_466 = arith.constant 0.324411809 : f32
        %add3A_467 = vector.broadcast %add3A_466 : f32 to vector<16xf32>
        %add3A_468 = arith.addf %mul3A_465, %add3A_467 : vector<16xf32>
        %mul3A_469 = arith.mulf %add3A_468, %exp3A_454 : vector<16xf32>
        %add3A_470 = arith.constant -0.499187857 : f32
        %add3A_471 = vector.broadcast %add3A_470 : f32 to vector<16xf32>
        %add3A_472 = arith.addf %mul3A_469, %add3A_471 : vector<16xf32>
        %mul3A_473 = arith.mulf %add3A_472, %exp3A_454 : vector<16xf32>
        %add3A_474 = arith.constant 0.99998188 : f32
        %add3A_475 = vector.broadcast %add3A_474 : f32 to vector<16xf32>
        %add3A_476 = arith.addf %mul3A_473, %add3A_475 : vector<16xf32>
        %mul3A_477 = arith.mulf %get3A_317, %get3A_365 : vector<16xf32>
        %sub3A_478 = arith.subf %max3A_449, %mul3A_477 : vector<16xf32>
        %mul3A_479 = arith.mulf %add3A_476, %exp3A_454 : vector<16xf32>
        %add3A_480 = arith.addf %sub3A_478, %mul3A_479 : vector<16xf32>
        %mul3A_481 = arith.mulf %gather3A_400, %add3A_480 : vector<16xf32>
        %add3A_482 = arith.addf %add3A_446, %mul3A_481 : vector<16xf32>
        %max3A_483 = arith.constant 0.000000e+00 : f32
        %max3A_484 = vector.broadcast %max3A_483 : f32 to vector<16xf32>
        %max3A_485 = arith.maximumf %get3A_325, %max3A_484 : vector<16xf32>
        %abs3A_486 = math.absf %get3A_325 : vector<16xf32>
        %neg3A_487 = arith.constant 0.000000e+00 : f32
        %neg3A_488 = vector.broadcast %neg3A_487 : f32 to vector<16xf32>
        %neg3A_489 = arith.subf %neg3A_488, %abs3A_486 : vector<16xf32>
        %exp3A_490 = math.exp %neg3A_489 : vector<16xf32>
        %mul3A_491 = arith.constant -0.0236892495 : f32
        %mul3A_492 = vector.broadcast %mul3A_491 : f32 to vector<16xf32>
        %mul3A_493 = arith.mulf %mul3A_492, %exp3A_490 : vector<16xf32>
        %add3A_494 = arith.constant 0.100287199 : f32
        %add3A_495 = vector.broadcast %add3A_494 : f32 to vector<16xf32>
        %add3A_496 = arith.addf %mul3A_493, %add3A_495 : vector<16xf32>
        %mul3A_497 = arith.mulf %add3A_496, %exp3A_490 : vector<16xf32>
        %add3A_498 = arith.constant -0.208669662 : f32
        %add3A_499 = vector.broadcast %add3A_498 : f32 to vector<16xf32>
        %add3A_500 = arith.addf %mul3A_497, %add3A_499 : vector<16xf32>
        %mul3A_501 = arith.mulf %add3A_500, %exp3A_490 : vector<16xf32>
        %add3A_502 = arith.constant 0.324411809 : f32
        %add3A_503 = vector.broadcast %add3A_502 : f32 to vector<16xf32>
        %add3A_504 = arith.addf %mul3A_501, %add3A_503 : vector<16xf32>
        %mul3A_505 = arith.mulf %add3A_504, %exp3A_490 : vector<16xf32>
        %add3A_506 = arith.constant -0.499187857 : f32
        %add3A_507 = vector.broadcast %add3A_506 : f32 to vector<16xf32>
        %add3A_508 = arith.addf %mul3A_505, %add3A_507 : vector<16xf32>
        %mul3A_509 = arith.mulf %add3A_508, %exp3A_490 : vector<16xf32>
        %add3A_510 = arith.constant 0.99998188 : f32
        %add3A_511 = vector.broadcast %add3A_510 : f32 to vector<16xf32>
        %add3A_512 = arith.addf %mul3A_509, %add3A_511 : vector<16xf32>
        %mul3A_513 = arith.mulf %get3A_325, %get3A_373 : vector<16xf32>
        %sub3A_514 = arith.subf %max3A_485, %mul3A_513 : vector<16xf32>
        %mul3A_515 = arith.mulf %add3A_512, %exp3A_490 : vector<16xf32>
        %add3A_516 = arith.addf %sub3A_514, %mul3A_515 : vector<16xf32>
        %mul3A_517 = arith.mulf %gather3A_400, %add3A_516 : vector<16xf32>
        %add3A_518 = arith.addf %add3A_482, %mul3A_517 : vector<16xf32>
        %max3A_519 = arith.constant 0.000000e+00 : f32
        %max3A_520 = vector.broadcast %max3A_519 : f32 to vector<16xf32>
        %max3A_521 = arith.maximumf %get3A_333, %max3A_520 : vector<16xf32>
        %abs3A_522 = math.absf %get3A_333 : vector<16xf32>
        %neg3A_523 = arith.constant 0.000000e+00 : f32
        %neg3A_524 = vector.broadcast %neg3A_523 : f32 to vector<16xf32>
        %neg3A_525 = arith.subf %neg3A_524, %abs3A_522 : vector<16xf32>
        %exp3A_526 = math.exp %neg3A_525 : vector<16xf32>
        %mul3A_527 = arith.constant -0.0236892495 : f32
        %mul3A_528 = vector.broadcast %mul3A_527 : f32 to vector<16xf32>
        %mul3A_529 = arith.mulf %mul3A_528, %exp3A_526 : vector<16xf32>
        %add3A_530 = arith.constant 0.100287199 : f32
        %add3A_531 = vector.broadcast %add3A_530 : f32 to vector<16xf32>
        %add3A_532 = arith.addf %mul3A_529, %add3A_531 : vector<16xf32>
        %mul3A_533 = arith.mulf %add3A_532, %exp3A_526 : vector<16xf32>
        %add3A_534 = arith.constant -0.208669662 : f32
        %add3A_535 = vector.broadcast %add3A_534 : f32 to vector<16xf32>
        %add3A_536 = arith.addf %mul3A_533, %add3A_535 : vector<16xf32>
        %mul3A_537 = arith.mulf %add3A_536, %exp3A_526 : vector<16xf32>
        %add3A_538 = arith.constant 0.324411809 : f32
        %add3A_539 = vector.broadcast %add3A_538 : f32 to vector<16xf32>
        %add3A_540 = arith.addf %mul3A_537, %add3A_539 : vector<16xf32>
        %mul3A_541 = arith.mulf %add3A_540, %exp3A_526 : vector<16xf32>
        %add3A_542 = arith.constant -0.499187857 : f32
        %add3A_543 = vector.broadcast %add3A_542 : f32 to vector<16xf32>
        %add3A_544 = arith.addf %mul3A_541, %add3A_543 : vector<16xf32>
        %mul3A_545 = arith.mulf %add3A_544, %exp3A_526 : vector<16xf32>
        %add3A_546 = arith.constant 0.99998188 : f32
        %add3A_547 = vector.broadcast %add3A_546 : f32 to vector<16xf32>
        %add3A_548 = arith.addf %mul3A_545, %add3A_547 : vector<16xf32>
        %mul3A_549 = arith.mulf %get3A_333, %get3A_381 : vector<16xf32>
        %sub3A_550 = arith.subf %max3A_521, %mul3A_549 : vector<16xf32>
        %mul3A_551 = arith.mulf %add3A_548, %exp3A_526 : vector<16xf32>
        %add3A_552 = arith.addf %sub3A_550, %mul3A_551 : vector<16xf32>
        %mul3A_553 = arith.mulf %gather3A_400, %add3A_552 : vector<16xf32>
        %add3A_554 = arith.addf %add3A_518, %mul3A_553 : vector<16xf32>
        %max3A_555 = arith.constant 0.000000e+00 : f32
        %max3A_556 = vector.broadcast %max3A_555 : f32 to vector<16xf32>
        %max3A_557 = arith.maximumf %get3A_341, %max3A_556 : vector<16xf32>
        %abs3A_558 = math.absf %get3A_341 : vector<16xf32>
        %neg3A_559 = arith.constant 0.000000e+00 : f32
        %neg3A_560 = vector.broadcast %neg3A_559 : f32 to vector<16xf32>
        %neg3A_561 = arith.subf %neg3A_560, %abs3A_558 : vector<16xf32>
        %exp3A_562 = math.exp %neg3A_561 : vector<16xf32>
        %mul3A_563 = arith.constant -0.0236892495 : f32
        %mul3A_564 = vector.broadcast %mul3A_563 : f32 to vector<16xf32>
        %mul3A_565 = arith.mulf %mul3A_564, %exp3A_562 : vector<16xf32>
        %add3A_566 = arith.constant 0.100287199 : f32
        %add3A_567 = vector.broadcast %add3A_566 : f32 to vector<16xf32>
        %add3A_568 = arith.addf %mul3A_565, %add3A_567 : vector<16xf32>
        %mul3A_569 = arith.mulf %add3A_568, %exp3A_562 : vector<16xf32>
        %add3A_570 = arith.constant -0.208669662 : f32
        %add3A_571 = vector.broadcast %add3A_570 : f32 to vector<16xf32>
        %add3A_572 = arith.addf %mul3A_569, %add3A_571 : vector<16xf32>
        %mul3A_573 = arith.mulf %add3A_572, %exp3A_562 : vector<16xf32>
        %add3A_574 = arith.constant 0.324411809 : f32
        %add3A_575 = vector.broadcast %add3A_574 : f32 to vector<16xf32>
        %add3A_576 = arith.addf %mul3A_573, %add3A_575 : vector<16xf32>
        %mul3A_577 = arith.mulf %add3A_576, %exp3A_562 : vector<16xf32>
        %add3A_578 = arith.constant -0.499187857 : f32
        %add3A_579 = vector.broadcast %add3A_578 : f32 to vector<16xf32>
        %add3A_580 = arith.addf %mul3A_577, %add3A_579 : vector<16xf32>
        %mul3A_581 = arith.mulf %add3A_580, %exp3A_562 : vector<16xf32>
        %add3A_582 = arith.constant 0.99998188 : f32
        %add3A_583 = vector.broadcast %add3A_582 : f32 to vector<16xf32>
        %add3A_584 = arith.addf %mul3A_581, %add3A_583 : vector<16xf32>
        %mul3A_585 = arith.mulf %get3A_341, %get3A_389 : vector<16xf32>
        %sub3A_586 = arith.subf %max3A_557, %mul3A_585 : vector<16xf32>
        %mul3A_587 = arith.mulf %add3A_584, %exp3A_562 : vector<16xf32>
        %add3A_588 = arith.addf %sub3A_586, %mul3A_587 : vector<16xf32>
        %mul3A_589 = arith.mulf %gather3A_400, %add3A_588 : vector<16xf32>
        %add3A_590 = arith.addf %add3A_554, %mul3A_589 : vector<16xf32>
        %mul3A_591 = arith.mulf %select_n3A_48, %gather3A_400 : vector<16xf32>
        %max3A_592 = arith.constant 0.000000e+00 : f32
        %max3A_593 = vector.broadcast %max3A_592 : f32 to vector<16xf32>
        %max3A_594 = arith.maximumf %get3A_349, %max3A_593 : vector<16xf32>
        %abs3A_595 = math.absf %get3A_349 : vector<16xf32>
        %neg3A_596 = arith.constant 0.000000e+00 : f32
        %neg3A_597 = vector.broadcast %neg3A_596 : f32 to vector<16xf32>
        %neg3A_598 = arith.subf %neg3A_597, %abs3A_595 : vector<16xf32>
        %exp3A_599 = math.exp %neg3A_598 : vector<16xf32>
        %mul3A_600 = arith.constant -0.0236892495 : f32
        %mul3A_601 = vector.broadcast %mul3A_600 : f32 to vector<16xf32>
        %mul3A_602 = arith.mulf %mul3A_601, %exp3A_599 : vector<16xf32>
        %add3A_603 = arith.constant 0.100287199 : f32
        %add3A_604 = vector.broadcast %add3A_603 : f32 to vector<16xf32>
        %add3A_605 = arith.addf %mul3A_602, %add3A_604 : vector<16xf32>
        %mul3A_606 = arith.mulf %add3A_605, %exp3A_599 : vector<16xf32>
        %add3A_607 = arith.constant -0.208669662 : f32
        %add3A_608 = vector.broadcast %add3A_607 : f32 to vector<16xf32>
        %add3A_609 = arith.addf %mul3A_606, %add3A_608 : vector<16xf32>
        %mul3A_610 = arith.mulf %add3A_609, %exp3A_599 : vector<16xf32>
        %add3A_611 = arith.constant 0.324411809 : f32
        %add3A_612 = vector.broadcast %add3A_611 : f32 to vector<16xf32>
        %add3A_613 = arith.addf %mul3A_610, %add3A_612 : vector<16xf32>
        %mul3A_614 = arith.mulf %add3A_613, %exp3A_599 : vector<16xf32>
        %add3A_615 = arith.constant -0.499187857 : f32
        %add3A_616 = vector.broadcast %add3A_615 : f32 to vector<16xf32>
        %add3A_617 = arith.addf %mul3A_614, %add3A_616 : vector<16xf32>
        %mul3A_618 = arith.mulf %add3A_617, %exp3A_599 : vector<16xf32>
        %add3A_619 = arith.constant 0.99998188 : f32
        %add3A_620 = vector.broadcast %add3A_619 : f32 to vector<16xf32>
        %add3A_621 = arith.addf %mul3A_618, %add3A_620 : vector<16xf32>
        %mul3A_622 = arith.mulf %get3A_349, %get3A_397 : vector<16xf32>
        %sub3A_623 = arith.subf %max3A_594, %mul3A_622 : vector<16xf32>
        %mul3A_624 = arith.mulf %add3A_621, %exp3A_599 : vector<16xf32>
        %add3A_625 = arith.addf %sub3A_623, %mul3A_624 : vector<16xf32>
        %mul3A_626 = arith.mulf %mul3A_591, %add3A_625 : vector<16xf32>
        %add3A_627 = arith.addf %add3A_590, %mul3A_626 : vector<16xf32>
        %get3A_628 = arith.constant 1 : i32
        %get3A_629 = arith.constant 1 : i32
        %get3A_630 = arith.index_cast %get3A_628 : i32 to index
        %get3A_631 = arith.index_cast %scan3A_301 : i32 to index
        %get3A_632 = arith.index_cast %get3A_629 : i32 to index
        %get3A_633 = arith.constant 0 : index
        %get3A_634 = tpu.vector_load %arg5[%get3A_630, %get3A_631, %get3A_632, %get3A_633] {strides = array<i32>} : memref<2x52x3x85xf32, #tpu.memory_space<vmem>>, vector<1x1x1x16xf32>,
        %get3A_635 = vector.shape_cast %get3A_634 : vector<1x1x1x16xf32> to vector<16xf32>
        %get3A_636 = arith.constant 1 : i32
        %get3A_637 = arith.constant 1 : i32
        %get3A_638 = arith.index_cast %get3A_636 : i32 to index
        %get3A_639 = arith.index_cast %scan3A_301 : i32 to index
        %get3A_640 = arith.index_cast %get3A_637 : i32 to index
        %get3A_641 = arith.constant 16 : index
        %get3A_642 = tpu.vector_load %arg5[%get3A_638, %get3A_639, %get3A_640, %get3A_641] {strides = array<i32>} : memref<2x52x3x85xf32, #tpu.memory_space<vmem>>, vector<1x1x1x16xf32>,
        %get3A_643 = vector.shape_cast %get3A_642 : vector<1x1x1x16xf32> to vector<16xf32>
        %get3A_644 = arith.constant 1 : i32
        %get3A_645 = arith.constant 1 : i32
        %get3A_646 = arith.index_cast %get3A_644 : i32 to index
        %get3A_647 = arith.index_cast %scan3A_301 : i32 to index
        %get3A_648 = arith.index_cast %get3A_645 : i32 to index
        %get3A_649 = arith.constant 32 : index
        %get3A_650 = tpu.vector_load %arg5[%get3A_646, %get3A_647, %get3A_648, %get3A_649] {strides = array<i32>} : memref<2x52x3x85xf32, #tpu.memory_space<vmem>>, vector<1x1x1x16xf32>,
        %get3A_651 = vector.shape_cast %get3A_650 : vector<1x1x1x16xf32> to vector<16xf32>
        %get3A_652 = arith.constant 1 : i32
        %get3A_653 = arith.constant 1 : i32
        %get3A_654 = arith.index_cast %get3A_652 : i32 to index
        %get3A_655 = arith.index_cast %scan3A_301 : i32 to index
        %get3A_656 = arith.index_cast %get3A_653 : i32 to index
        %get3A_657 = arith.constant 48 : index
        %get3A_658 = tpu.vector_load %arg5[%get3A_654, %get3A_655, %get3A_656, %get3A_657] {strides = array<i32>} : memref<2x52x3x85xf32, #tpu.memory_space<vmem>>, vector<1x1x1x16xf32>,
        %get3A_659 = vector.shape_cast %get3A_658 : vector<1x1x1x16xf32> to vector<16xf32>
        %get3A_660 = arith.constant 1 : i32
        %get3A_661 = arith.constant 1 : i32
        %get3A_662 = arith.index_cast %get3A_660 : i32 to index
        %get3A_663 = arith.index_cast %scan3A_301 : i32 to index
        %get3A_664 = arith.index_cast %get3A_661 : i32 to index
        %get3A_665 = arith.constant 64 : index
        %get3A_666 = tpu.vector_load %arg5[%get3A_662, %get3A_663, %get3A_664, %get3A_665] {strides = array<i32>} : memref<2x52x3x85xf32, #tpu.memory_space<vmem>>, vector<1x1x1x16xf32>,
        %get3A_667 = vector.shape_cast %get3A_666 : vector<1x1x1x16xf32> to vector<16xf32>
        %get3A_668 = arith.constant 1 : i32
        %get3A_669 = arith.constant 1 : i32
        %get3A_670 = arith.index_cast %get3A_668 : i32 to index
        %get3A_671 = arith.index_cast %scan3A_301 : i32 to index
        %get3A_672 = arith.index_cast %get3A_669 : i32 to index
        %get3A_673 = arith.constant 69 : index
        %get3A_674 = tpu.vector_load %arg5[%get3A_670, %get3A_671, %get3A_672, %get3A_673] {strides = array<i32>} : memref<2x52x3x85xf32, #tpu.memory_space<vmem>>, vector<1x1x1x16xf32>,
        %get3A_675 = vector.shape_cast %get3A_674 : vector<1x1x1x16xf32> to vector<16xf32>
        %get3A_676 = arith.constant 1 : i32
        %get3A_677 = arith.constant 1 : i32
        %get3A_678 = arith.index_cast %get3A_676 : i32 to index
        %get3A_679 = arith.index_cast %scan3A_301 : i32 to index
        %get3A_680 = arith.index_cast %get3A_677 : i32 to index
        %get3A_681 = arith.constant 0 : index
        %get3A_682 = tpu.vector_load %arg6[%get3A_678, %get3A_679, %get3A_680, %get3A_681] {strides = array<i32>} : memref<2x52x3x85xf32, #tpu.memory_space<vmem>>, vector<1x1x1x16xf32>,
        %get3A_683 = vector.shape_cast %get3A_682 : vector<1x1x1x16xf32> to vector<16xf32>
        %get3A_684 = arith.constant 1 : i32
        %get3A_685 = arith.constant 1 : i32
        %get3A_686 = arith.index_cast %get3A_684 : i32 to index
        %get3A_687 = arith.index_cast %scan3A_301 : i32 to index
        %get3A_688 = arith.index_cast %get3A_685 : i32 to index
        %get3A_689 = arith.constant 16 : index
        %get3A_690 = tpu.vector_load %arg6[%get3A_686, %get3A_687, %get3A_688, %get3A_689] {strides = array<i32>} : memref<2x52x3x85xf32, #tpu.memory_space<vmem>>, vector<1x1x1x16xf32>,
        %get3A_691 = vector.shape_cast %get3A_690 : vector<1x1x1x16xf32> to vector<16xf32>
        %get3A_692 = arith.constant 1 : i32
        %get3A_693 = arith.constant 1 : i32
        %get3A_694 = arith.index_cast %get3A_692 : i32 to index
        %get3A_695 = arith.index_cast %scan3A_301 : i32 to index
        %get3A_696 = arith.index_cast %get3A_693 : i32 to index
        %get3A_697 = arith.constant 32 : index
        %get3A_698 = tpu.vector_load %arg6[%get3A_694, %get3A_695, %get3A_696, %get3A_697] {strides = array<i32>} : memref<2x52x3x85xf32, #tpu.memory_space<vmem>>, vector<1x1x1x16xf32>,
        %get3A_699 = vector.shape_cast %get3A_698 : vector<1x1x1x16xf32> to vector<16xf32>
        %get3A_700 = arith.constant 1 : i32
        %get3A_701 = arith.constant 1 : i32
        %get3A_702 = arith.index_cast %get3A_700 : i32 to index
        %get3A_703 = arith.index_cast %scan3A_301 : i32 to index
        %get3A_704 = arith.index_cast %get3A_701 : i32 to index
        %get3A_705 = arith.constant 48 : index
        %get3A_706 = tpu.vector_load %arg6[%get3A_702, %get3A_703, %get3A_704, %get3A_705] {strides = array<i32>} : memref<2x52x3x85xf32, #tpu.memory_space<vmem>>, vector<1x1x1x16xf32>,
        %get3A_707 = vector.shape_cast %get3A_706 : vector<1x1x1x16xf32> to vector<16xf32>
        %get3A_708 = arith.constant 1 : i32
        %get3A_709 = arith.constant 1 : i32
        %get3A_710 = arith.index_cast %get3A_708 : i32 to index
        %get3A_711 = arith.index_cast %scan3A_301 : i32 to index
        %get3A_712 = arith.index_cast %get3A_709 : i32 to index
        %get3A_713 = arith.constant 64 : index
        %get3A_714 = tpu.vector_load %arg6[%get3A_710, %get3A_711, %get3A_712, %get3A_713] {strides = array<i32>} : memref<2x52x3x85xf32, #tpu.memory_space<vmem>>, vector<1x1x1x16xf32>,
        %get3A_715 = vector.shape_cast %get3A_714 : vector<1x1x1x16xf32> to vector<16xf32>
        %get3A_716 = arith.constant 1 : i32
        %get3A_717 = arith.constant 1 : i32
        %get3A_718 = arith.index_cast %get3A_716 : i32 to index
        %get3A_719 = arith.index_cast %scan3A_301 : i32 to index
        %get3A_720 = arith.index_cast %get3A_717 : i32 to index
        %get3A_721 = arith.constant 69 : index
        %get3A_722 = tpu.vector_load %arg6[%get3A_718, %get3A_719, %get3A_720, %get3A_721] {strides = array<i32>} : memref<2x52x3x85xf32, #tpu.memory_space<vmem>>, vector<1x1x1x16xf32>,
        %get3A_723 = vector.shape_cast %get3A_722 : vector<1x1x1x16xf32> to vector<16xf32>
        %broadcast_in_dim3A_724 = arith.constant 4 : i32
        %broadcast_in_dim3A_725 = vector.broadcast %broadcast_in_dim3A_724 : i32 to vector<16x1xi32>
        %gather3A_726 = vector.shape_cast %broadcast_in_dim3A_725 : vector<16x1xi32> to vector<16xi32>
        %gather3A_727 = tpu.dynamic_gather %get3A_683[%gather3A_726] in [0] : vector<16xf32>, vector<16xi32> -> vector<16xf32>
        %sub3A_728 = arith.subf %get3A_683, %get3A_635 : vector<16xf32>
        %mul3A_729 = arith.mulf %sub3A_728, %sub3A_728 : vector<16xf32>
        %mul3A_730 = arith.mulf %gather3A_727, %mul3A_729 : vector<16xf32>
        %mul3A_731 = arith.mulf %select_n3A_26, %mul3A_730 : vector<16xf32>
        %add3A_732 = arith.addf %add3A_627, %mul3A_731 : vector<16xf32>
        %mul3A_733 = arith.constant 5.000000e-01 : f32
        %mul3A_734 = vector.broadcast %mul3A_733 : f32 to vector<16xf32>
        %mul3A_735 = arith.mulf %mul3A_734, %gather3A_727 : vector<16xf32>
        %add3A_736 = arith.constant 5.000000e-01 : f32
        %add3A_737 = vector.broadcast %add3A_736 : f32 to vector<16xf32>
        %add3A_738 = arith.addf %add3A_737, %mul3A_735 : vector<16xf32>
        %mul3A_739 = arith.mulf %select_n3A_33, %add3A_738 : vector<16xf32>
        %mul3A_740 = arith.mulf %select_n3A_40, %gather3A_727 : vector<16xf32>
        %add3A_741 = arith.addf %mul3A_739, %mul3A_740 : vector<16xf32>
        %max3A_742 = arith.constant 0.000000e+00 : f32
        %max3A_743 = vector.broadcast %max3A_742 : f32 to vector<16xf32>
        %max3A_744 = arith.maximumf %get3A_635, %max3A_743 : vector<16xf32>
        %abs3A_745 = math.absf %get3A_635 : vector<16xf32>
        %neg3A_746 = arith.constant 0.000000e+00 : f32
        %neg3A_747 = vector.broadcast %neg3A_746 : f32 to vector<16xf32>
        %neg3A_748 = arith.subf %neg3A_747, %abs3A_745 : vector<16xf32>
        %exp3A_749 = math.exp %neg3A_748 : vector<16xf32>
        %mul3A_750 = arith.constant -0.0236892495 : f32
        %mul3A_751 = vector.broadcast %mul3A_750 : f32 to vector<16xf32>
        %mul3A_752 = arith.mulf %mul3A_751, %exp3A_749 : vector<16xf32>
        %add3A_753 = arith.constant 0.100287199 : f32
        %add3A_754 = vector.broadcast %add3A_753 : f32 to vector<16xf32>
        %add3A_755 = arith.addf %mul3A_752, %add3A_754 : vector<16xf32>
        %mul3A_756 = arith.mulf %add3A_755, %exp3A_749 : vector<16xf32>
        %add3A_757 = arith.constant -0.208669662 : f32
        %add3A_758 = vector.broadcast %add3A_757 : f32 to vector<16xf32>
        %add3A_759 = arith.addf %mul3A_756, %add3A_758 : vector<16xf32>
        %mul3A_760 = arith.mulf %add3A_759, %exp3A_749 : vector<16xf32>
        %add3A_761 = arith.constant 0.324411809 : f32
        %add3A_762 = vector.broadcast %add3A_761 : f32 to vector<16xf32>
        %add3A_763 = arith.addf %mul3A_760, %add3A_762 : vector<16xf32>
        %mul3A_764 = arith.mulf %add3A_763, %exp3A_749 : vector<16xf32>
        %add3A_765 = arith.constant -0.499187857 : f32
        %add3A_766 = vector.broadcast %add3A_765 : f32 to vector<16xf32>
        %add3A_767 = arith.addf %mul3A_764, %add3A_766 : vector<16xf32>
        %mul3A_768 = arith.mulf %add3A_767, %exp3A_749 : vector<16xf32>
        %add3A_769 = arith.constant 0.99998188 : f32
        %add3A_770 = vector.broadcast %add3A_769 : f32 to vector<16xf32>
        %add3A_771 = arith.addf %mul3A_768, %add3A_770 : vector<16xf32>
        %mul3A_772 = arith.mulf %get3A_635, %get3A_683 : vector<16xf32>
        %sub3A_773 = arith.subf %max3A_744, %mul3A_772 : vector<16xf32>
        %mul3A_774 = arith.mulf %add3A_771, %exp3A_749 : vector<16xf32>
        %add3A_775 = arith.addf %sub3A_773, %mul3A_774 : vector<16xf32>
        %mul3A_776 = arith.mulf %add3A_741, %add3A_775 : vector<16xf32>
        %add3A_777 = arith.addf %add3A_732, %mul3A_776 : vector<16xf32>
        %max3A_778 = arith.constant 0.000000e+00 : f32
        %max3A_779 = vector.broadcast %max3A_778 : f32 to vector<16xf32>
        %max3A_780 = arith.maximumf %get3A_643, %max3A_779 : vector<16xf32>
        %abs3A_781 = math.absf %get3A_643 : vector<16xf32>
        %neg3A_782 = arith.constant 0.000000e+00 : f32
        %neg3A_783 = vector.broadcast %neg3A_782 : f32 to vector<16xf32>
        %neg3A_784 = arith.subf %neg3A_783, %abs3A_781 : vector<16xf32>
        %exp3A_785 = math.exp %neg3A_784 : vector<16xf32>
        %mul3A_786 = arith.constant -0.0236892495 : f32
        %mul3A_787 = vector.broadcast %mul3A_786 : f32 to vector<16xf32>
        %mul3A_788 = arith.mulf %mul3A_787, %exp3A_785 : vector<16xf32>
        %add3A_789 = arith.constant 0.100287199 : f32
        %add3A_790 = vector.broadcast %add3A_789 : f32 to vector<16xf32>
        %add3A_791 = arith.addf %mul3A_788, %add3A_790 : vector<16xf32>
        %mul3A_792 = arith.mulf %add3A_791, %exp3A_785 : vector<16xf32>
        %add3A_793 = arith.constant -0.208669662 : f32
        %add3A_794 = vector.broadcast %add3A_793 : f32 to vector<16xf32>
        %add3A_795 = arith.addf %mul3A_792, %add3A_794 : vector<16xf32>
        %mul3A_796 = arith.mulf %add3A_795, %exp3A_785 : vector<16xf32>
        %add3A_797 = arith.constant 0.324411809 : f32
        %add3A_798 = vector.broadcast %add3A_797 : f32 to vector<16xf32>
        %add3A_799 = arith.addf %mul3A_796, %add3A_798 : vector<16xf32>
        %mul3A_800 = arith.mulf %add3A_799, %exp3A_785 : vector<16xf32>
        %add3A_801 = arith.constant -0.499187857 : f32
        %add3A_802 = vector.broadcast %add3A_801 : f32 to vector<16xf32>
        %add3A_803 = arith.addf %mul3A_800, %add3A_802 : vector<16xf32>
        %mul3A_804 = arith.mulf %add3A_803, %exp3A_785 : vector<16xf32>
        %add3A_805 = arith.constant 0.99998188 : f32
        %add3A_806 = vector.broadcast %add3A_805 : f32 to vector<16xf32>
        %add3A_807 = arith.addf %mul3A_804, %add3A_806 : vector<16xf32>
        %mul3A_808 = arith.mulf %get3A_643, %get3A_691 : vector<16xf32>
        %sub3A_809 = arith.subf %max3A_780, %mul3A_808 : vector<16xf32>
        %mul3A_810 = arith.mulf %add3A_807, %exp3A_785 : vector<16xf32>
        %add3A_811 = arith.addf %sub3A_809, %mul3A_810 : vector<16xf32>
        %mul3A_812 = arith.mulf %gather3A_727, %add3A_811 : vector<16xf32>
        %add3A_813 = arith.addf %add3A_777, %mul3A_812 : vector<16xf32>
        %max3A_814 = arith.constant 0.000000e+00 : f32
        %max3A_815 = vector.broadcast %max3A_814 : f32 to vector<16xf32>
        %max3A_816 = arith.maximumf %get3A_651, %max3A_815 : vector<16xf32>
        %abs3A_817 = math.absf %get3A_651 : vector<16xf32>
        %neg3A_818 = arith.constant 0.000000e+00 : f32
        %neg3A_819 = vector.broadcast %neg3A_818 : f32 to vector<16xf32>
        %neg3A_820 = arith.subf %neg3A_819, %abs3A_817 : vector<16xf32>
        %exp3A_821 = math.exp %neg3A_820 : vector<16xf32>
        %mul3A_822 = arith.constant -0.0236892495 : f32
        %mul3A_823 = vector.broadcast %mul3A_822 : f32 to vector<16xf32>
        %mul3A_824 = arith.mulf %mul3A_823, %exp3A_821 : vector<16xf32>
        %add3A_825 = arith.constant 0.100287199 : f32
        %add3A_826 = vector.broadcast %add3A_825 : f32 to vector<16xf32>
        %add3A_827 = arith.addf %mul3A_824, %add3A_826 : vector<16xf32>
        %mul3A_828 = arith.mulf %add3A_827, %exp3A_821 : vector<16xf32>
        %add3A_829 = arith.constant -0.208669662 : f32
        %add3A_830 = vector.broadcast %add3A_829 : f32 to vector<16xf32>
        %add3A_831 = arith.addf %mul3A_828, %add3A_830 : vector<16xf32>
        %mul3A_832 = arith.mulf %add3A_831, %exp3A_821 : vector<16xf32>
        %add3A_833 = arith.constant 0.324411809 : f32
        %add3A_834 = vector.broadcast %add3A_833 : f32 to vector<16xf32>
        %add3A_835 = arith.addf %mul3A_832, %add3A_834 : vector<16xf32>
        %mul3A_836 = arith.mulf %add3A_835, %exp3A_821 : vector<16xf32>
        %add3A_837 = arith.constant -0.499187857 : f32
        %add3A_838 = vector.broadcast %add3A_837 : f32 to vector<16xf32>
        %add3A_839 = arith.addf %mul3A_836, %add3A_838 : vector<16xf32>
        %mul3A_840 = arith.mulf %add3A_839, %exp3A_821 : vector<16xf32>
        %add3A_841 = arith.constant 0.99998188 : f32
        %add3A_842 = vector.broadcast %add3A_841 : f32 to vector<16xf32>
        %add3A_843 = arith.addf %mul3A_840, %add3A_842 : vector<16xf32>
        %mul3A_844 = arith.mulf %get3A_651, %get3A_699 : vector<16xf32>
        %sub3A_845 = arith.subf %max3A_816, %mul3A_844 : vector<16xf32>
        %mul3A_846 = arith.mulf %add3A_843, %exp3A_821 : vector<16xf32>
        %add3A_847 = arith.addf %sub3A_845, %mul3A_846 : vector<16xf32>
        %mul3A_848 = arith.mulf %gather3A_727, %add3A_847 : vector<16xf32>
        %add3A_849 = arith.addf %add3A_813, %mul3A_848 : vector<16xf32>
        %max3A_850 = arith.constant 0.000000e+00 : f32
        %max3A_851 = vector.broadcast %max3A_850 : f32 to vector<16xf32>
        %max3A_852 = arith.maximumf %get3A_659, %max3A_851 : vector<16xf32>
        %abs3A_853 = math.absf %get3A_659 : vector<16xf32>
        %neg3A_854 = arith.constant 0.000000e+00 : f32
        %neg3A_855 = vector.broadcast %neg3A_854 : f32 to vector<16xf32>
        %neg3A_856 = arith.subf %neg3A_855, %abs3A_853 : vector<16xf32>
        %exp3A_857 = math.exp %neg3A_856 : vector<16xf32>
        %mul3A_858 = arith.constant -0.0236892495 : f32
        %mul3A_859 = vector.broadcast %mul3A_858 : f32 to vector<16xf32>
        %mul3A_860 = arith.mulf %mul3A_859, %exp3A_857 : vector<16xf32>
        %add3A_861 = arith.constant 0.100287199 : f32
        %add3A_862 = vector.broadcast %add3A_861 : f32 to vector<16xf32>
        %add3A_863 = arith.addf %mul3A_860, %add3A_862 : vector<16xf32>
        %mul3A_864 = arith.mulf %add3A_863, %exp3A_857 : vector<16xf32>
        %add3A_865 = arith.constant -0.208669662 : f32
        %add3A_866 = vector.broadcast %add3A_865 : f32 to vector<16xf32>
        %add3A_867 = arith.addf %mul3A_864, %add3A_866 : vector<16xf32>
        %mul3A_868 = arith.mulf %add3A_867, %exp3A_857 : vector<16xf32>
        %add3A_869 = arith.constant 0.324411809 : f32
        %add3A_870 = vector.broadcast %add3A_869 : f32 to vector<16xf32>
        %add3A_871 = arith.addf %mul3A_868, %add3A_870 : vector<16xf32>
        %mul3A_872 = arith.mulf %add3A_871, %exp3A_857 : vector<16xf32>
        %add3A_873 = arith.constant -0.499187857 : f32
        %add3A_874 = vector.broadcast %add3A_873 : f32 to vector<16xf32>
        %add3A_875 = arith.addf %mul3A_872, %add3A_874 : vector<16xf32>
        %mul3A_876 = arith.mulf %add3A_875, %exp3A_857 : vector<16xf32>
        %add3A_877 = arith.constant 0.99998188 : f32
        %add3A_878 = vector.broadcast %add3A_877 : f32 to vector<16xf32>
        %add3A_879 = arith.addf %mul3A_876, %add3A_878 : vector<16xf32>
        %mul3A_880 = arith.mulf %get3A_659, %get3A_707 : vector<16xf32>
        %sub3A_881 = arith.subf %max3A_852, %mul3A_880 : vector<16xf32>
        %mul3A_882 = arith.mulf %add3A_879, %exp3A_857 : vector<16xf32>
        %add3A_883 = arith.addf %sub3A_881, %mul3A_882 : vector<16xf32>
        %mul3A_884 = arith.mulf %gather3A_727, %add3A_883 : vector<16xf32>
        %add3A_885 = arith.addf %add3A_849, %mul3A_884 : vector<16xf32>
        %max3A_886 = arith.constant 0.000000e+00 : f32
        %max3A_887 = vector.broadcast %max3A_886 : f32 to vector<16xf32>
        %max3A_888 = arith.maximumf %get3A_667, %max3A_887 : vector<16xf32>
        %abs3A_889 = math.absf %get3A_667 : vector<16xf32>
        %neg3A_890 = arith.constant 0.000000e+00 : f32
        %neg3A_891 = vector.broadcast %neg3A_890 : f32 to vector<16xf32>
        %neg3A_892 = arith.subf %neg3A_891, %abs3A_889 : vector<16xf32>
        %exp3A_893 = math.exp %neg3A_892 : vector<16xf32>
        %mul3A_894 = arith.constant -0.0236892495 : f32
        %mul3A_895 = vector.broadcast %mul3A_894 : f32 to vector<16xf32>
        %mul3A_896 = arith.mulf %mul3A_895, %exp3A_893 : vector<16xf32>
        %add3A_897 = arith.constant 0.100287199 : f32
        %add3A_898 = vector.broadcast %add3A_897 : f32 to vector<16xf32>
        %add3A_899 = arith.addf %mul3A_896, %add3A_898 : vector<16xf32>
        %mul3A_900 = arith.mulf %add3A_899, %exp3A_893 : vector<16xf32>
        %add3A_901 = arith.constant -0.208669662 : f32
        %add3A_902 = vector.broadcast %add3A_901 : f32 to vector<16xf32>
        %add3A_903 = arith.addf %mul3A_900, %add3A_902 : vector<16xf32>
        %mul3A_904 = arith.mulf %add3A_903, %exp3A_893 : vector<16xf32>
        %add3A_905 = arith.constant 0.324411809 : f32
        %add3A_906 = vector.broadcast %add3A_905 : f32 to vector<16xf32>
        %add3A_907 = arith.addf %mul3A_904, %add3A_906 : vector<16xf32>
        %mul3A_908 = arith.mulf %add3A_907, %exp3A_893 : vector<16xf32>
        %add3A_909 = arith.constant -0.499187857 : f32
        %add3A_910 = vector.broadcast %add3A_909 : f32 to vector<16xf32>
        %add3A_911 = arith.addf %mul3A_908, %add3A_910 : vector<16xf32>
        %mul3A_912 = arith.mulf %add3A_911, %exp3A_893 : vector<16xf32>
        %add3A_913 = arith.constant 0.99998188 : f32
        %add3A_914 = vector.broadcast %add3A_913 : f32 to vector<16xf32>
        %add3A_915 = arith.addf %mul3A_912, %add3A_914 : vector<16xf32>
        %mul3A_916 = arith.mulf %get3A_667, %get3A_715 : vector<16xf32>
        %sub3A_917 = arith.subf %max3A_888, %mul3A_916 : vector<16xf32>
        %mul3A_918 = arith.mulf %add3A_915, %exp3A_893 : vector<16xf32>
        %add3A_919 = arith.addf %sub3A_917, %mul3A_918 : vector<16xf32>
        %mul3A_920 = arith.mulf %gather3A_727, %add3A_919 : vector<16xf32>
        %add3A_921 = arith.addf %add3A_885, %mul3A_920 : vector<16xf32>
        %mul3A_922 = arith.mulf %select_n3A_48, %gather3A_727 : vector<16xf32>
        %max3A_923 = arith.constant 0.000000e+00 : f32
        %max3A_924 = vector.broadcast %max3A_923 : f32 to vector<16xf32>
        %max3A_925 = arith.maximumf %get3A_675, %max3A_924 : vector<16xf32>
        %abs3A_926 = math.absf %get3A_675 : vector<16xf32>
        %neg3A_927 = arith.constant 0.000000e+00 : f32
        %neg3A_928 = vector.broadcast %neg3A_927 : f32 to vector<16xf32>
        %neg3A_929 = arith.subf %neg3A_928, %abs3A_926 : vector<16xf32>
        %exp3A_930 = math.exp %neg3A_929 : vector<16xf32>
        %mul3A_931 = arith.constant -0.0236892495 : f32
        %mul3A_932 = vector.broadcast %mul3A_931 : f32 to vector<16xf32>
        %mul3A_933 = arith.mulf %mul3A_932, %exp3A_930 : vector<16xf32>
        %add3A_934 = arith.constant 0.100287199 : f32
        %add3A_935 = vector.broadcast %add3A_934 : f32 to vector<16xf32>
        %add3A_936 = arith.addf %mul3A_933, %add3A_935 : vector<16xf32>
        %mul3A_937 = arith.mulf %add3A_936, %exp3A_930 : vector<16xf32>
        %add3A_938 = arith.constant -0.208669662 : f32
        %add3A_939 = vector.broadcast %add3A_938 : f32 to vector<16xf32>
        %add3A_940 = arith.addf %mul3A_937, %add3A_939 : vector<16xf32>
        %mul3A_941 = arith.mulf %add3A_940, %exp3A_930 : vector<16xf32>
        %add3A_942 = arith.constant 0.324411809 : f32
        %add3A_943 = vector.broadcast %add3A_942 : f32 to vector<16xf32>
        %add3A_944 = arith.addf %mul3A_941, %add3A_943 : vector<16xf32>
        %mul3A_945 = arith.mulf %add3A_944, %exp3A_930 : vector<16xf32>
        %add3A_946 = arith.constant -0.499187857 : f32
        %add3A_947 = vector.broadcast %add3A_946 : f32 to vector<16xf32>
        %add3A_948 = arith.addf %mul3A_945, %add3A_947 : vector<16xf32>
        %mul3A_949 = arith.mulf %add3A_948, %exp3A_930 : vector<16xf32>
        %add3A_950 = arith.constant 0.99998188 : f32
        %add3A_951 = vector.broadcast %add3A_950 : f32 to vector<16xf32>
        %add3A_952 = arith.addf %mul3A_949, %add3A_951 : vector<16xf32>
        %mul3A_953 = arith.mulf %get3A_675, %get3A_723 : vector<16xf32>
        %sub3A_954 = arith.subf %max3A_925, %mul3A_953 : vector<16xf32>
        %mul3A_955 = arith.mulf %add3A_952, %exp3A_930 : vector<16xf32>
        %add3A_956 = arith.addf %sub3A_954, %mul3A_955 : vector<16xf32>
        %mul3A_957 = arith.mulf %mul3A_922, %add3A_956 : vector<16xf32>
        %add3A_958 = arith.addf %add3A_921, %mul3A_957 : vector<16xf32>
        %get3A_959 = arith.constant 1 : i32
        %get3A_960 = arith.constant 2 : i32
        %get3A_961 = arith.index_cast %get3A_959 : i32 to index
        %get3A_962 = arith.index_cast %scan3A_301 : i32 to index
        %get3A_963 = arith.index_cast %get3A_960 : i32 to index
        %get3A_964 = arith.constant 0 : index
        %get3A_965 = tpu.vector_load %arg5[%get3A_961, %get3A_962, %get3A_963, %get3A_964] {strides = array<i32>} : memref<2x52x3x85xf32, #tpu.memory_space<vmem>>, vector<1x1x1x16xf32>,
        %get3A_966 = vector.shape_cast %get3A_965 : vector<1x1x1x16xf32> to vector<16xf32>
        %get3A_967 = arith.constant 1 : i32
        %get3A_968 = arith.constant 2 : i32
        %get3A_969 = arith.index_cast %get3A_967 : i32 to index
        %get3A_970 = arith.index_cast %scan3A_301 : i32 to index
        %get3A_971 = arith.index_cast %get3A_968 : i32 to index
        %get3A_972 = arith.constant 16 : index
        %get3A_973 = tpu.vector_load %arg5[%get3A_969, %get3A_970, %get3A_971, %get3A_972] {strides = array<i32>} : memref<2x52x3x85xf32, #tpu.memory_space<vmem>>, vector<1x1x1x16xf32>,
        %get3A_974 = vector.shape_cast %get3A_973 : vector<1x1x1x16xf32> to vector<16xf32>
        %get3A_975 = arith.constant 1 : i32
        %get3A_976 = arith.constant 2 : i32
        %get3A_977 = arith.index_cast %get3A_975 : i32 to index
        %get3A_978 = arith.index_cast %scan3A_301 : i32 to index
        %get3A_979 = arith.index_cast %get3A_976 : i32 to index
        %get3A_980 = arith.constant 32 : index
        %get3A_981 = tpu.vector_load %arg5[%get3A_977, %get3A_978, %get3A_979, %get3A_980] {strides = array<i32>} : memref<2x52x3x85xf32, #tpu.memory_space<vmem>>, vector<1x1x1x16xf32>,
        %get3A_982 = vector.shape_cast %get3A_981 : vector<1x1x1x16xf32> to vector<16xf32>
        %get3A_983 = arith.constant 1 : i32
        %get3A_984 = arith.constant 2 : i32
        %get3A_985 = arith.index_cast %get3A_983 : i32 to index
        %get3A_986 = arith.index_cast %scan3A_301 : i32 to index
        %get3A_987 = arith.index_cast %get3A_984 : i32 to index
        %get3A_988 = arith.constant 48 : index
        %get3A_989 = tpu.vector_load %arg5[%get3A_985, %get3A_986, %get3A_987, %get3A_988] {strides = array<i32>} : memref<2x52x3x85xf32, #tpu.memory_space<vmem>>, vector<1x1x1x16xf32>,
        %get3A_990 = vector.shape_cast %get3A_989 : vector<1x1x1x16xf32> to vector<16xf32>
        %get3A_991 = arith.constant 1 : i32
        %get3A_992 = arith.constant 2 : i32
        %get3A_993 = arith.index_cast %get3A_991 : i32 to index
        %get3A_994 = arith.index_cast %scan3A_301 : i32 to index
        %get3A_995 = arith.index_cast %get3A_992 : i32 to index
        %get3A_996 = arith.constant 64 : index
        %get3A_997 = tpu.vector_load %arg5[%get3A_993, %get3A_994, %get3A_995, %get3A_996] {strides = array<i32>} : memref<2x52x3x85xf32, #tpu.memory_space<vmem>>, vector<1x1x1x16xf32>,
        %get3A_998 = vector.shape_cast %get3A_997 : vector<1x1x1x16xf32> to vector<16xf32>
        %get3A_999 = arith.constant 1 : i32
        %get3A_1000 = arith.constant 2 : i32
        %get3A_1001 = arith.index_cast %get3A_999 : i32 to index
        %get3A_1002 = arith.index_cast %scan3A_301 : i32 to index
        %get3A_1003 = arith.index_cast %get3A_1000 : i32 to index
        %get3A_1004 = arith.constant 69 : index
        %get3A_1005 = tpu.vector_load %arg5[%get3A_1001, %get3A_1002, %get3A_1003, %get3A_1004] {strides = array<i32>} : memref<2x52x3x85xf32, #tpu.memory_space<vmem>>, vector<1x1x1x16xf32>,
        %get3A_1006 = vector.shape_cast %get3A_1005 : vector<1x1x1x16xf32> to vector<16xf32>
        %get3A_1007 = arith.constant 1 : i32
        %get3A_1008 = arith.constant 2 : i32
        %get3A_1009 = arith.index_cast %get3A_1007 : i32 to index
        %get3A_1010 = arith.index_cast %scan3A_301 : i32 to index
        %get3A_1011 = arith.index_cast %get3A_1008 : i32 to index
        %get3A_1012 = arith.constant 0 : index
        %get3A_1013 = tpu.vector_load %arg6[%get3A_1009, %get3A_1010, %get3A_1011, %get3A_1012] {strides = array<i32>} : memref<2x52x3x85xf32, #tpu.memory_space<vmem>>, vector<1x1x1x16xf32>,
        %get3A_1014 = vector.shape_cast %get3A_1013 : vector<1x1x1x16xf32> to vector<16xf32>
        %get3A_1015 = arith.constant 1 : i32
        %get3A_1016 = arith.constant 2 : i32
        %get3A_1017 = arith.index_cast %get3A_1015 : i32 to index
        %get3A_1018 = arith.index_cast %scan3A_301 : i32 to index
        %get3A_1019 = arith.index_cast %get3A_1016 : i32 to index
        %get3A_1020 = arith.constant 16 : index
        %get3A_1021 = tpu.vector_load %arg6[%get3A_1017, %get3A_1018, %get3A_1019, %get3A_1020] {strides = array<i32>} : memref<2x52x3x85xf32, #tpu.memory_space<vmem>>, vector<1x1x1x16xf32>,
        %get3A_1022 = vector.shape_cast %get3A_1021 : vector<1x1x1x16xf32> to vector<16xf32>
        %get3A_1023 = arith.constant 1 : i32
        %get3A_1024 = arith.constant 2 : i32
        %get3A_1025 = arith.index_cast %get3A_1023 : i32 to index
        %get3A_1026 = arith.index_cast %scan3A_301 : i32 to index
        %get3A_1027 = arith.index_cast %get3A_1024 : i32 to index
        %get3A_1028 = arith.constant 32 : index
        %get3A_1029 = tpu.vector_load %arg6[%get3A_1025, %get3A_1026, %get3A_1027, %get3A_1028] {strides = array<i32>} : memref<2x52x3x85xf32, #tpu.memory_space<vmem>>, vector<1x1x1x16xf32>,
        %get3A_1030 = vector.shape_cast %get3A_1029 : vector<1x1x1x16xf32> to vector<16xf32>
        %get3A_1031 = arith.constant 1 : i32
        %get3A_1032 = arith.constant 2 : i32
        %get3A_1033 = arith.index_cast %get3A_1031 : i32 to index
        %get3A_1034 = arith.index_cast %scan3A_301 : i32 to index
        %get3A_1035 = arith.index_cast %get3A_1032 : i32 to index
        %get3A_1036 = arith.constant 48 : index
        %get3A_1037 = tpu.vector_load %arg6[%get3A_1033, %get3A_1034, %get3A_1035, %get3A_1036] {strides = array<i32>} : memref<2x52x3x85xf32, #tpu.memory_space<vmem>>, vector<1x1x1x16xf32>,
        %get3A_1038 = vector.shape_cast %get3A_1037 : vector<1x1x1x16xf32> to vector<16xf32>
        %get3A_1039 = arith.constant 1 : i32
        %get3A_1040 = arith.constant 2 : i32
        %get3A_1041 = arith.index_cast %get3A_1039 : i32 to index
        %get3A_1042 = arith.index_cast %scan3A_301 : i32 to index
        %get3A_1043 = arith.index_cast %get3A_1040 : i32 to index
        %get3A_1044 = arith.constant 64 : index
        %get3A_1045 = tpu.vector_load %arg6[%get3A_1041, %get3A_1042, %get3A_1043, %get3A_1044] {strides = array<i32>} : memref<2x52x3x85xf32, #tpu.memory_space<vmem>>, vector<1x1x1x16xf32>,
        %get3A_1046 = vector.shape_cast %get3A_1045 : vector<1x1x1x16xf32> to vector<16xf32>
        %get3A_1047 = arith.constant 1 : i32
        %get3A_1048 = arith.constant 2 : i32
        %get3A_1049 = arith.index_cast %get3A_1047 : i32 to index
        %get3A_1050 = arith.index_cast %scan3A_301 : i32 to index
        %get3A_1051 = arith.index_cast %get3A_1048 : i32 to index
        %get3A_1052 = arith.constant 69 : index
        %get3A_1053 = tpu.vector_load %arg6[%get3A_1049, %get3A_1050, %get3A_1051, %get3A_1052] {strides = array<i32>} : memref<2x52x3x85xf32, #tpu.memory_space<vmem>>, vector<1x1x1x16xf32>,
        %get3A_1054 = vector.shape_cast %get3A_1053 : vector<1x1x1x16xf32> to vector<16xf32>
        %broadcast_in_dim3A_1055 = arith.constant 4 : i32
        %broadcast_in_dim3A_1056 = vector.broadcast %broadcast_in_dim3A_1055 : i32 to vector<16x1xi32>
        %gather3A_1057 = vector.shape_cast %broadcast_in_dim3A_1056 : vector<16x1xi32> to vector<16xi32>
        %gather3A_1058 = tpu.dynamic_gather %get3A_1014[%gather3A_1057] in [0] : vector<16xf32>, vector<16xi32> -> vector<16xf32>
        %sub3A_1059 = arith.subf %get3A_1014, %get3A_966 : vector<16xf32>
        %mul3A_1060 = arith.mulf %sub3A_1059, %sub3A_1059 : vector<16xf32>
        %mul3A_1061 = arith.mulf %gather3A_1058, %mul3A_1060 : vector<16xf32>
        %mul3A_1062 = arith.mulf %select_n3A_26, %mul3A_1061 : vector<16xf32>
        %add3A_1063 = arith.addf %add3A_958, %mul3A_1062 : vector<16xf32>
        %mul3A_1064 = arith.constant 5.000000e-01 : f32
        %mul3A_1065 = vector.broadcast %mul3A_1064 : f32 to vector<16xf32>
        %mul3A_1066 = arith.mulf %mul3A_1065, %gather3A_1058 : vector<16xf32>
        %add3A_1067 = arith.constant 5.000000e-01 : f32
        %add3A_1068 = vector.broadcast %add3A_1067 : f32 to vector<16xf32>
        %add3A_1069 = arith.addf %add3A_1068, %mul3A_1066 : vector<16xf32>
        %mul3A_1070 = arith.mulf %select_n3A_33, %add3A_1069 : vector<16xf32>
        %mul3A_1071 = arith.mulf %select_n3A_40, %gather3A_1058 : vector<16xf32>
        %add3A_1072 = arith.addf %mul3A_1070, %mul3A_1071 : vector<16xf32>
        %max3A_1073 = arith.constant 0.000000e+00 : f32
        %max3A_1074 = vector.broadcast %max3A_1073 : f32 to vector<16xf32>
        %max3A_1075 = arith.maximumf %get3A_966, %max3A_1074 : vector<16xf32>
        %abs3A_1076 = math.absf %get3A_966 : vector<16xf32>
        %neg3A_1077 = arith.constant 0.000000e+00 : f32
        %neg3A_1078 = vector.broadcast %neg3A_1077 : f32 to vector<16xf32>
        %neg3A_1079 = arith.subf %neg3A_1078, %abs3A_1076 : vector<16xf32>
        %exp3A_1080 = math.exp %neg3A_1079 : vector<16xf32>
        %mul3A_1081 = arith.constant -0.0236892495 : f32
        %mul3A_1082 = vector.broadcast %mul3A_1081 : f32 to vector<16xf32>
        %mul3A_1083 = arith.mulf %mul3A_1082, %exp3A_1080 : vector<16xf32>
        %add3A_1084 = arith.constant 0.100287199 : f32
        %add3A_1085 = vector.broadcast %add3A_1084 : f32 to vector<16xf32>
        %add3A_1086 = arith.addf %mul3A_1083, %add3A_1085 : vector<16xf32>
        %mul3A_1087 = arith.mulf %add3A_1086, %exp3A_1080 : vector<16xf32>
        %add3A_1088 = arith.constant -0.208669662 : f32
        %add3A_1089 = vector.broadcast %add3A_1088 : f32 to vector<16xf32>
        %add3A_1090 = arith.addf %mul3A_1087, %add3A_1089 : vector<16xf32>
        %mul3A_1091 = arith.mulf %add3A_1090, %exp3A_1080 : vector<16xf32>
        %add3A_1092 = arith.constant 0.324411809 : f32
        %add3A_1093 = vector.broadcast %add3A_1092 : f32 to vector<16xf32>
        %add3A_1094 = arith.addf %mul3A_1091, %add3A_1093 : vector<16xf32>
        %mul3A_1095 = arith.mulf %add3A_1094, %exp3A_1080 : vector<16xf32>
        %add3A_1096 = arith.constant -0.499187857 : f32
        %add3A_1097 = vector.broadcast %add3A_1096 : f32 to vector<16xf32>
        %add3A_1098 = arith.addf %mul3A_1095, %add3A_1097 : vector<16xf32>
        %mul3A_1099 = arith.mulf %add3A_1098, %exp3A_1080 : vector<16xf32>
        %add3A_1100 = arith.constant 0.99998188 : f32
        %add3A_1101 = vector.broadcast %add3A_1100 : f32 to vector<16xf32>
        %add3A_1102 = arith.addf %mul3A_1099, %add3A_1101 : vector<16xf32>
        %mul3A_1103 = arith.mulf %get3A_966, %get3A_1014 : vector<16xf32>
        %sub3A_1104 = arith.subf %max3A_1075, %mul3A_1103 : vector<16xf32>
        %mul3A_1105 = arith.mulf %add3A_1102, %exp3A_1080 : vector<16xf32>
        %add3A_1106 = arith.addf %sub3A_1104, %mul3A_1105 : vector<16xf32>
        %mul3A_1107 = arith.mulf %add3A_1072, %add3A_1106 : vector<16xf32>
        %add3A_1108 = arith.addf %add3A_1063, %mul3A_1107 : vector<16xf32>
        %max3A_1109 = arith.constant 0.000000e+00 : f32
        %max3A_1110 = vector.broadcast %max3A_1109 : f32 to vector<16xf32>
        %max3A_1111 = arith.maximumf %get3A_974, %max3A_1110 : vector<16xf32>
        %abs3A_1112 = math.absf %get3A_974 : vector<16xf32>
        %neg3A_1113 = arith.constant 0.000000e+00 : f32
        %neg3A_1114 = vector.broadcast %neg3A_1113 : f32 to vector<16xf32>
        %neg3A_1115 = arith.subf %neg3A_1114, %abs3A_1112 : vector<16xf32>
        %exp3A_1116 = math.exp %neg3A_1115 : vector<16xf32>
        %mul3A_1117 = arith.constant -0.0236892495 : f32
        %mul3A_1118 = vector.broadcast %mul3A_1117 : f32 to vector<16xf32>
        %mul3A_1119 = arith.mulf %mul3A_1118, %exp3A_1116 : vector<16xf32>
        %add3A_1120 = arith.constant 0.100287199 : f32
        %add3A_1121 = vector.broadcast %add3A_1120 : f32 to vector<16xf32>
        %add3A_1122 = arith.addf %mul3A_1119, %add3A_1121 : vector<16xf32>
        %mul3A_1123 = arith.mulf %add3A_1122, %exp3A_1116 : vector<16xf32>
        %add3A_1124 = arith.constant -0.208669662 : f32
        %add3A_1125 = vector.broadcast %add3A_1124 : f32 to vector<16xf32>
        %add3A_1126 = arith.addf %mul3A_1123, %add3A_1125 : vector<16xf32>
        %mul3A_1127 = arith.mulf %add3A_1126, %exp3A_1116 : vector<16xf32>
        %add3A_1128 = arith.constant 0.324411809 : f32
        %add3A_1129 = vector.broadcast %add3A_1128 : f32 to vector<16xf32>
        %add3A_1130 = arith.addf %mul3A_1127, %add3A_1129 : vector<16xf32>
        %mul3A_1131 = arith.mulf %add3A_1130, %exp3A_1116 : vector<16xf32>
        %add3A_1132 = arith.constant -0.499187857 : f32
        %add3A_1133 = vector.broadcast %add3A_1132 : f32 to vector<16xf32>
        %add3A_1134 = arith.addf %mul3A_1131, %add3A_1133 : vector<16xf32>
        %mul3A_1135 = arith.mulf %add3A_1134, %exp3A_1116 : vector<16xf32>
        %add3A_1136 = arith.constant 0.99998188 : f32
        %add3A_1137 = vector.broadcast %add3A_1136 : f32 to vector<16xf32>
        %add3A_1138 = arith.addf %mul3A_1135, %add3A_1137 : vector<16xf32>
        %mul3A_1139 = arith.mulf %get3A_974, %get3A_1022 : vector<16xf32>
        %sub3A_1140 = arith.subf %max3A_1111, %mul3A_1139 : vector<16xf32>
        %mul3A_1141 = arith.mulf %add3A_1138, %exp3A_1116 : vector<16xf32>
        %add3A_1142 = arith.addf %sub3A_1140, %mul3A_1141 : vector<16xf32>
        %mul3A_1143 = arith.mulf %gather3A_1058, %add3A_1142 : vector<16xf32>
        %add3A_1144 = arith.addf %add3A_1108, %mul3A_1143 : vector<16xf32>
        %max3A_1145 = arith.constant 0.000000e+00 : f32
        %max3A_1146 = vector.broadcast %max3A_1145 : f32 to vector<16xf32>
        %max3A_1147 = arith.maximumf %get3A_982, %max3A_1146 : vector<16xf32>
        %abs3A_1148 = math.absf %get3A_982 : vector<16xf32>
        %neg3A_1149 = arith.constant 0.000000e+00 : f32
        %neg3A_1150 = vector.broadcast %neg3A_1149 : f32 to vector<16xf32>
        %neg3A_1151 = arith.subf %neg3A_1150, %abs3A_1148 : vector<16xf32>
        %exp3A_1152 = math.exp %neg3A_1151 : vector<16xf32>
        %mul3A_1153 = arith.constant -0.0236892495 : f32
        %mul3A_1154 = vector.broadcast %mul3A_1153 : f32 to vector<16xf32>
        %mul3A_1155 = arith.mulf %mul3A_1154, %exp3A_1152 : vector<16xf32>
        %add3A_1156 = arith.constant 0.100287199 : f32
        %add3A_1157 = vector.broadcast %add3A_1156 : f32 to vector<16xf32>
        %add3A_1158 = arith.addf %mul3A_1155, %add3A_1157 : vector<16xf32>
        %mul3A_1159 = arith.mulf %add3A_1158, %exp3A_1152 : vector<16xf32>
        %add3A_1160 = arith.constant -0.208669662 : f32
        %add3A_1161 = vector.broadcast %add3A_1160 : f32 to vector<16xf32>
        %add3A_1162 = arith.addf %mul3A_1159, %add3A_1161 : vector<16xf32>
        %mul3A_1163 = arith.mulf %add3A_1162, %exp3A_1152 : vector<16xf32>
        %add3A_1164 = arith.constant 0.324411809 : f32
        %add3A_1165 = vector.broadcast %add3A_1164 : f32 to vector<16xf32>
        %add3A_1166 = arith.addf %mul3A_1163, %add3A_1165 : vector<16xf32>
        %mul3A_1167 = arith.mulf %add3A_1166, %exp3A_1152 : vector<16xf32>
        %add3A_1168 = arith.constant -0.499187857 : f32
        %add3A_1169 = vector.broadcast %add3A_1168 : f32 to vector<16xf32>
        %add3A_1170 = arith.addf %mul3A_1167, %add3A_1169 : vector<16xf32>
        %mul3A_1171 = arith.mulf %add3A_1170, %exp3A_1152 : vector<16xf32>
        %add3A_1172 = arith.constant 0.99998188 : f32
        %add3A_1173 = vector.broadcast %add3A_1172 : f32 to vector<16xf32>
        %add3A_1174 = arith.addf %mul3A_1171, %add3A_1173 : vector<16xf32>
        %mul3A_1175 = arith.mulf %get3A_982, %get3A_1030 : vector<16xf32>
        %sub3A_1176 = arith.subf %max3A_1147, %mul3A_1175 : vector<16xf32>
        %mul3A_1177 = arith.mulf %add3A_1174, %exp3A_1152 : vector<16xf32>
        %add3A_1178 = arith.addf %sub3A_1176, %mul3A_1177 : vector<16xf32>
        %mul3A_1179 = arith.mulf %gather3A_1058, %add3A_1178 : vector<16xf32>
        %add3A_1180 = arith.addf %add3A_1144, %mul3A_1179 : vector<16xf32>
        %max3A_1181 = arith.constant 0.000000e+00 : f32
        %max3A_1182 = vector.broadcast %max3A_1181 : f32 to vector<16xf32>
        %max3A_1183 = arith.maximumf %get3A_990, %max3A_1182 : vector<16xf32>
        %abs3A_1184 = math.absf %get3A_990 : vector<16xf32>
        %neg3A_1185 = arith.constant 0.000000e+00 : f32
        %neg3A_1186 = vector.broadcast %neg3A_1185 : f32 to vector<16xf32>
        %neg3A_1187 = arith.subf %neg3A_1186, %abs3A_1184 : vector<16xf32>
        %exp3A_1188 = math.exp %neg3A_1187 : vector<16xf32>
        %mul3A_1189 = arith.constant -0.0236892495 : f32
        %mul3A_1190 = vector.broadcast %mul3A_1189 : f32 to vector<16xf32>
        %mul3A_1191 = arith.mulf %mul3A_1190, %exp3A_1188 : vector<16xf32>
        %add3A_1192 = arith.constant 0.100287199 : f32
        %add3A_1193 = vector.broadcast %add3A_1192 : f32 to vector<16xf32>
        %add3A_1194 = arith.addf %mul3A_1191, %add3A_1193 : vector<16xf32>
        %mul3A_1195 = arith.mulf %add3A_1194, %exp3A_1188 : vector<16xf32>
        %add3A_1196 = arith.constant -0.208669662 : f32
        %add3A_1197 = vector.broadcast %add3A_1196 : f32 to vector<16xf32>
        %add3A_1198 = arith.addf %mul3A_1195, %add3A_1197 : vector<16xf32>
        %mul3A_1199 = arith.mulf %add3A_1198, %exp3A_1188 : vector<16xf32>
        %add3A_1200 = arith.constant 0.324411809 : f32
        %add3A_1201 = vector.broadcast %add3A_1200 : f32 to vector<16xf32>
        %add3A_1202 = arith.addf %mul3A_1199, %add3A_1201 : vector<16xf32>
        %mul3A_1203 = arith.mulf %add3A_1202, %exp3A_1188 : vector<16xf32>
        %add3A_1204 = arith.constant -0.499187857 : f32
        %add3A_1205 = vector.broadcast %add3A_1204 : f32 to vector<16xf32>
        %add3A_1206 = arith.addf %mul3A_1203, %add3A_1205 : vector<16xf32>
        %mul3A_1207 = arith.mulf %add3A_1206, %exp3A_1188 : vector<16xf32>
        %add3A_1208 = arith.constant 0.99998188 : f32
        %add3A_1209 = vector.broadcast %add3A_1208 : f32 to vector<16xf32>
        %add3A_1210 = arith.addf %mul3A_1207, %add3A_1209 : vector<16xf32>
        %mul3A_1211 = arith.mulf %get3A_990, %get3A_1038 : vector<16xf32>
        %sub3A_1212 = arith.subf %max3A_1183, %mul3A_1211 : vector<16xf32>
        %mul3A_1213 = arith.mulf %add3A_1210, %exp3A_1188 : vector<16xf32>
        %add3A_1214 = arith.addf %sub3A_1212, %mul3A_1213 : vector<16xf32>
        %mul3A_1215 = arith.mulf %gather3A_1058, %add3A_1214 : vector<16xf32>
        %add3A_1216 = arith.addf %add3A_1180, %mul3A_1215 : vector<16xf32>
        %max3A_1217 = arith.constant 0.000000e+00 : f32
        %max3A_1218 = vector.broadcast %max3A_1217 : f32 to vector<16xf32>
        %max3A_1219 = arith.maximumf %get3A_998, %max3A_1218 : vector<16xf32>
        %abs3A_1220 = math.absf %get3A_998 : vector<16xf32>
        %neg3A_1221 = arith.constant 0.000000e+00 : f32
        %neg3A_1222 = vector.broadcast %neg3A_1221 : f32 to vector<16xf32>
        %neg3A_1223 = arith.subf %neg3A_1222, %abs3A_1220 : vector<16xf32>
        %exp3A_1224 = math.exp %neg3A_1223 : vector<16xf32>
        %mul3A_1225 = arith.constant -0.0236892495 : f32
        %mul3A_1226 = vector.broadcast %mul3A_1225 : f32 to vector<16xf32>
        %mul3A_1227 = arith.mulf %mul3A_1226, %exp3A_1224 : vector<16xf32>
        %add3A_1228 = arith.constant 0.100287199 : f32
        %add3A_1229 = vector.broadcast %add3A_1228 : f32 to vector<16xf32>
        %add3A_1230 = arith.addf %mul3A_1227, %add3A_1229 : vector<16xf32>
        %mul3A_1231 = arith.mulf %add3A_1230, %exp3A_1224 : vector<16xf32>
        %add3A_1232 = arith.constant -0.208669662 : f32
        %add3A_1233 = vector.broadcast %add3A_1232 : f32 to vector<16xf32>
        %add3A_1234 = arith.addf %mul3A_1231, %add3A_1233 : vector<16xf32>
        %mul3A_1235 = arith.mulf %add3A_1234, %exp3A_1224 : vector<16xf32>
        %add3A_1236 = arith.constant 0.324411809 : f32
        %add3A_1237 = vector.broadcast %add3A_1236 : f32 to vector<16xf32>
        %add3A_1238 = arith.addf %mul3A_1235, %add3A_1237 : vector<16xf32>
        %mul3A_1239 = arith.mulf %add3A_1238, %exp3A_1224 : vector<16xf32>
        %add3A_1240 = arith.constant -0.499187857 : f32
        %add3A_1241 = vector.broadcast %add3A_1240 : f32 to vector<16xf32>
        %add3A_1242 = arith.addf %mul3A_1239, %add3A_1241 : vector<16xf32>
        %mul3A_1243 = arith.mulf %add3A_1242, %exp3A_1224 : vector<16xf32>
        %add3A_1244 = arith.constant 0.99998188 : f32
        %add3A_1245 = vector.broadcast %add3A_1244 : f32 to vector<16xf32>
        %add3A_1246 = arith.addf %mul3A_1243, %add3A_1245 : vector<16xf32>
        %mul3A_1247 = arith.mulf %get3A_998, %get3A_1046 : vector<16xf32>
        %sub3A_1248 = arith.subf %max3A_1219, %mul3A_1247 : vector<16xf32>
        %mul3A_1249 = arith.mulf %add3A_1246, %exp3A_1224 : vector<16xf32>
        %add3A_1250 = arith.addf %sub3A_1248, %mul3A_1249 : vector<16xf32>
        %mul3A_1251 = arith.mulf %gather3A_1058, %add3A_1250 : vector<16xf32>
        %add3A_1252 = arith.addf %add3A_1216, %mul3A_1251 : vector<16xf32>
        %mul3A_1253 = arith.mulf %select_n3A_48, %gather3A_1058 : vector<16xf32>
        %max3A_1254 = arith.constant 0.000000e+00 : f32
        %max3A_1255 = vector.broadcast %max3A_1254 : f32 to vector<16xf32>
        %max3A_1256 = arith.maximumf %get3A_1006, %max3A_1255 : vector<16xf32>
        %abs3A_1257 = math.absf %get3A_1006 : vector<16xf32>
        %neg3A_1258 = arith.constant 0.000000e+00 : f32
        %neg3A_1259 = vector.broadcast %neg3A_1258 : f32 to vector<16xf32>
        %neg3A_1260 = arith.subf %neg3A_1259, %abs3A_1257 : vector<16xf32>
        %exp3A_1261 = math.exp %neg3A_1260 : vector<16xf32>
        %mul3A_1262 = arith.constant -0.0236892495 : f32
        %mul3A_1263 = vector.broadcast %mul3A_1262 : f32 to vector<16xf32>
        %mul3A_1264 = arith.mulf %mul3A_1263, %exp3A_1261 : vector<16xf32>
        %add3A_1265 = arith.constant 0.100287199 : f32
        %add3A_1266 = vector.broadcast %add3A_1265 : f32 to vector<16xf32>
        %add3A_1267 = arith.addf %mul3A_1264, %add3A_1266 : vector<16xf32>
        %mul3A_1268 = arith.mulf %add3A_1267, %exp3A_1261 : vector<16xf32>
        %add3A_1269 = arith.constant -0.208669662 : f32
        %add3A_1270 = vector.broadcast %add3A_1269 : f32 to vector<16xf32>
        %add3A_1271 = arith.addf %mul3A_1268, %add3A_1270 : vector<16xf32>
        %mul3A_1272 = arith.mulf %add3A_1271, %exp3A_1261 : vector<16xf32>
        %add3A_1273 = arith.constant 0.324411809 : f32
        %add3A_1274 = vector.broadcast %add3A_1273 : f32 to vector<16xf32>
        %add3A_1275 = arith.addf %mul3A_1272, %add3A_1274 : vector<16xf32>
        %mul3A_1276 = arith.mulf %add3A_1275, %exp3A_1261 : vector<16xf32>
        %add3A_1277 = arith.constant -0.499187857 : f32
        %add3A_1278 = vector.broadcast %add3A_1277 : f32 to vector<16xf32>
        %add3A_1279 = arith.addf %mul3A_1276, %add3A_1278 : vector<16xf32>
        %mul3A_1280 = arith.mulf %add3A_1279, %exp3A_1261 : vector<16xf32>
        %add3A_1281 = arith.constant 0.99998188 : f32
        %add3A_1282 = vector.broadcast %add3A_1281 : f32 to vector<16xf32>
        %add3A_1283 = arith.addf %mul3A_1280, %add3A_1282 : vector<16xf32>
        %mul3A_1284 = arith.mulf %get3A_1006, %get3A_1054 : vector<16xf32>
        %sub3A_1285 = arith.subf %max3A_1256, %mul3A_1284 : vector<16xf32>
        %mul3A_1286 = arith.mulf %add3A_1283, %exp3A_1261 : vector<16xf32>
        %add3A_1287 = arith.addf %sub3A_1285, %mul3A_1286 : vector<16xf32>
        %mul3A_1288 = arith.mulf %mul3A_1253, %add3A_1287 : vector<16xf32>
        %add3A_1289 = arith.addf %add3A_1252, %mul3A_1288 : vector<16xf32>
        scf.yield %add3A_1289 : vector<16xf32>
      }
      %scan3A_293 = arith.constant 52 : i32
      %add3A_294 = arith.constant 3 : i32
      %add3A_295 = arith.addi %mul3A_169, %add3A_294 : i32
      %lt3A_296 = arith.constant 26 : i32
      %lt3A_297 = arith.cmpi slt, %add3A_295, %lt3A_296 : i32
      %convert_element_type3A_298 = arith.extui %lt3A_297 : i1 to i32
      %cond3A_299 = arith.constant 0 : i32
      %cond3A_300 = arith.cmpi ne, %convert_element_type3A_298, %cond3A_299 : i32
      scf.if %cond3A_300 {
        %add3A_301 = arith.constant 3 : i32
        %add3A_302 = arith.addi %mul3A_169, %add3A_301 : i32
        %add3A_303 = arith.addi %mul3A_20, %add3A_302 : i32
        %dma_start3A_304 = arith.constant 1 : i32
        %dma_start3A_305 = arith.constant 1 : i32
        %dma_start3A_306 = arith.constant 0 : i32
        %dma_start3A_307 = arith.constant 0 : i32
        %dma_start3A_308 = arith.constant 0 : i32
        %dma_start3A_309 = arith.constant 0 : i32
        %dma_start3A_310 = tpu.memref_slice %arg5[%dma_start3A_304, %dma_start3A_307, %dma_start3A_308, %dma_start3A_309] : memref<2x52x3x85xf32, #tpu.memory_space<vmem>> -> memref<1x52x3x85xf32, #tpu.memory_space<vmem>>
        %dma_start3A_311 = tpu.memref_squeeze %dma_start3A_310 : memref<1x52x3x85xf32, #tpu.memory_space<vmem>> -> memref<52x3x85xf32, #tpu.memory_space<vmem>>
        %dma_start3A_312 = arith.constant 0 : i32
        %dma_start3A_313 = arith.constant 0 : i32
        %dma_start3A_314 = arith.constant 0 : i32
        %dma_start3A_315 = tpu.memref_slice %arg2[%select_n3A, %add3A_303, %dma_start3A_312, %dma_start3A_313, %dma_start3A_314] : memref<32x52x52x3x85xf32, #tpu.memory_space<hbm>> -> memref<1x1x52x3x85xf32, #tpu.memory_space<hbm>>
        %dma_start3A_316 = tpu.memref_squeeze %dma_start3A_315 : memref<1x1x52x3x85xf32, #tpu.memory_space<hbm>> -> memref<52x3x85xf32, #tpu.memory_space<hbm>>
        %dma_start3A_317 = tpu.memref_slice %arg8[%dma_start3A_305, %dma_start3A_306] : memref<2x2x!tpu.dma_semaphore, #tpu.memory_space<semaphore_mem>> -> memref<1x1x!tpu.dma_semaphore, #tpu.memory_space<semaphore_mem>>
        %dma_start3A_318 = tpu.memref_squeeze %dma_start3A_317 : memref<1x1x!tpu.dma_semaphore, #tpu.memory_space<semaphore_mem>> -> memref<!tpu.dma_semaphore, #tpu.memory_space<semaphore_mem>>
        %dma_start3A_319 = arith.constant 0 : i32
        %dma_start3A_320 = arith.constant 0 : i32
        %dma_start3A_321 = arith.constant 0 : i32
        %dma_start3A_322 = tpu.memref_slice %arg5[%dma_start3A_304, %dma_start3A_319, %dma_start3A_320, %dma_start3A_321] : memref<2x52x3x85xf32, #tpu.memory_space<vmem>> -> memref<1x52x3x85xf32, #tpu.memory_space<vmem>>
        %dma_start3A_323 = tpu.memref_squeeze %dma_start3A_322 : memref<1x52x3x85xf32, #tpu.memory_space<vmem>> -> memref<52x3x85xf32, #tpu.memory_space<vmem>>
        %dma_start3A_324 = arith.constant 0 : i32
        %dma_start3A_325 = arith.constant 0 : i32
        %dma_start3A_326 = arith.constant 0 : i32
        %dma_start3A_327 = tpu.memref_slice %arg2[%select_n3A, %add3A_303, %dma_start3A_324, %dma_start3A_325, %dma_start3A_326] : memref<32x52x52x3x85xf32, #tpu.memory_space<hbm>> -> memref<1x1x52x3x85xf32, #tpu.memory_space<hbm>>
        %dma_start3A_328 = tpu.memref_squeeze %dma_start3A_327 : memref<1x1x52x3x85xf32, #tpu.memory_space<hbm>> -> memref<52x3x85xf32, #tpu.memory_space<hbm>>
        tpu.enqueue_dma source(%dma_start3A_328 : memref<52x3x85xf32, #tpu.memory_space<hbm>>) target(%dma_start3A_323 : memref<52x3x85xf32, #tpu.memory_space<vmem>>) target_semaphore(%dma_start3A_318 : memref<!tpu.dma_semaphore, #tpu.memory_space<semaphore_mem>>)
        %add3A_329 = arith.addi %mul3A_20, %add3A_302 : i32
        %dma_start3A_330 = arith.constant 1 : i32
        %dma_start3A_331 = arith.constant 1 : i32
        %dma_start3A_332 = arith.constant 1 : i32
        %dma_start3A_333 = arith.constant 0 : i32
        %dma_start3A_334 = arith.constant 0 : i32
        %dma_start3A_335 = arith.constant 0 : i32
        %dma_start3A_336 = tpu.memref_slice %arg6[%dma_start3A_330, %dma_start3A_333, %dma_start3A_334, %dma_start3A_335] : memref<2x52x3x85xf32, #tpu.memory_space<vmem>> -> memref<1x52x3x85xf32, #tpu.memory_space<vmem>>
        %dma_start3A_337 = tpu.memref_squeeze %dma_start3A_336 : memref<1x52x3x85xf32, #tpu.memory_space<vmem>> -> memref<52x3x85xf32, #tpu.memory_space<vmem>>
        %dma_start3A_338 = arith.constant 0 : i32
        %dma_start3A_339 = arith.constant 0 : i32
        %dma_start3A_340 = arith.constant 0 : i32
        %dma_start3A_341 = tpu.memref_slice %arg3[%select_n3A, %add3A_329, %dma_start3A_338, %dma_start3A_339, %dma_start3A_340] : memref<32x52x52x3x85xf32, #tpu.memory_space<hbm>> -> memref<1x1x52x3x85xf32, #tpu.memory_space<hbm>>
        %dma_start3A_342 = tpu.memref_squeeze %dma_start3A_341 : memref<1x1x52x3x85xf32, #tpu.memory_space<hbm>> -> memref<52x3x85xf32, #tpu.memory_space<hbm>>
        %dma_start3A_343 = tpu.memref_slice %arg8[%dma_start3A_331, %dma_start3A_332] : memref<2x2x!tpu.dma_semaphore, #tpu.memory_space<semaphore_mem>> -> memref<1x1x!tpu.dma_semaphore, #tpu.memory_space<semaphore_mem>>
        %dma_start3A_344 = tpu.memref_squeeze %dma_start3A_343 : memref<1x1x!tpu.dma_semaphore, #tpu.memory_space<semaphore_mem>> -> memref<!tpu.dma_semaphore, #tpu.memory_space<semaphore_mem>>
        %dma_start3A_345 = arith.constant 0 : i32
        %dma_start3A_346 = arith.constant 0 : i32
        %dma_start3A_347 = arith.constant 0 : i32
        %dma_start3A_348 = tpu.memref_slice %arg6[%dma_start3A_330, %dma_start3A_345, %dma_start3A_346, %dma_start3A_347] : memref<2x52x3x85xf32, #tpu.memory_space<vmem>> -> memref<1x52x3x85xf32, #tpu.memory_space<vmem>>
        %dma_start3A_349 = tpu.memref_squeeze %dma_start3A_348 : memref<1x52x3x85xf32, #tpu.memory_space<vmem>> -> memref<52x3x85xf32, #tpu.memory_space<vmem>>
        %dma_start3A_350 = arith.constant 0 : i32
        %dma_start3A_351 = arith.constant 0 : i32
        %dma_start3A_352 = arith.constant 0 : i32
        %dma_start3A_353 = tpu.memref_slice %arg3[%select_n3A, %add3A_329, %dma_start3A_350, %dma_start3A_351, %dma_start3A_352] : memref<32x52x52x3x85xf32, #tpu.memory_space<hbm>> -> memref<1x1x52x3x85xf32, #tpu.memory_space<hbm>>
        %dma_start3A_354 = tpu.memref_squeeze %dma_start3A_353 : memref<1x1x52x3x85xf32, #tpu.memory_space<hbm>> -> memref<52x3x85xf32, #tpu.memory_space<hbm>>
        tpu.enqueue_dma source(%dma_start3A_354 : memref<52x3x85xf32, #tpu.memory_space<hbm>>) target(%dma_start3A_349 : memref<52x3x85xf32, #tpu.memory_space<vmem>>) target_semaphore(%dma_start3A_344 : memref<!tpu.dma_semaphore, #tpu.memory_space<semaphore_mem>>)
      } else {
      }
      scf.yield %scan3A_292 : vector<16xf32>
    }
    %scan3A_162 = arith.constant 13 : i32
    %swap3A = arith.constant 0 : index
    %swap3A_163 = tpu.vector_load %arg7[%swap3A] {strides = array<i32>} : memref<16xf32, #tpu.memory_space<vmem>>, vector<16xf32>,
    %swap3A_164 = vector.shape_cast %swap3A_163 : vector<16xf32> to vector<16xf32>
    %swap3A_165 = vector.shape_cast %scan3A_161 : vector<16xf32> to vector<16xf32>
    tpu.vector_store %arg7[%swap3A], %swap3A_165 {strides = array<i32>} : memref<16xf32, #tpu.memory_space<vmem>>, vector<16xf32>,
    "tpu.region"() ({
      %run_scoped3A = tpu.sem_alloc : memref<!tpu.dma_semaphore, #tpu.memory_space<semaphore_mem>>
      %dma_start3A_166 = arith.constant 0 : i32
      %dma_start3A_167 = tpu.memref_slice %arg4[%add3A, %dma_start3A_166] : memref<32x16xf32, #tpu.memory_space<hbm>> -> memref<1x16xf32, #tpu.memory_space<hbm>>
      %dma_start3A_168 = tpu.memref_squeeze %dma_start3A_167 : memref<1x16xf32, #tpu.memory_space<hbm>> -> memref<16xf32, #tpu.memory_space<hbm>>
      %dma_start3A_169 = arith.constant 0 : i32
      %dma_start3A_170 = tpu.memref_slice %arg4[%add3A, %dma_start3A_169] : memref<32x16xf32, #tpu.memory_space<hbm>> -> memref<1x16xf32, #tpu.memory_space<hbm>>
      %dma_start3A_171 = tpu.memref_squeeze %dma_start3A_170 : memref<1x16xf32, #tpu.memory_space<hbm>> -> memref<16xf32, #tpu.memory_space<hbm>>
      tpu.enqueue_dma source(%arg7 : memref<16xf32, #tpu.memory_space<vmem>>) target(%dma_start3A_171 : memref<16xf32, #tpu.memory_space<hbm>>) target_semaphore(%run_scoped3A : memref<!tpu.dma_semaphore, #tpu.memory_space<semaphore_mem>>)
      %dma_wait3A = arith.constant 0 : i32
      %dma_wait3A_172 = tpu.memref_slice %arg4[%add3A, %dma_wait3A] : memref<32x16xf32, #tpu.memory_space<hbm>> -> memref<1x16xf32, #tpu.memory_space<hbm>>
      %dma_wait3A_173 = tpu.memref_squeeze %dma_wait3A_172 : memref<1x16xf32, #tpu.memory_space<hbm>> -> memref<16xf32, #tpu.memory_space<hbm>>
      %dma_wait3A_174 = arith.constant 0 : i32
      %dma_wait3A_175 = tpu.memref_slice %arg4[%add3A, %dma_wait3A_174] : memref<32x16xf32, #tpu.memory_space<hbm>> -> memref<1x16xf32, #tpu.memory_space<hbm>>
      %dma_wait3A_176 = tpu.memref_squeeze %dma_wait3A_175 : memref<1x16xf32, #tpu.memory_space<hbm>> -> memref<16xf32, #tpu.memory_space<hbm>>
      tpu.wait_dma2 semaphore(%run_scoped3A : memref<!tpu.dma_semaphore, #tpu.memory_space<semaphore_mem>>) src(%arg7 : memref<16xf32, #tpu.memory_space<vmem>>) dst(%dma_wait3A_176 : memref<16xf32, #tpu.memory_space<hbm>>)
      tpu.yield
    }) : () -> ()
    return
  }
}

module attributes {stable_mosaic.version = 14 : i64} {
  func.func @body(%arg0: i32, %arg1: memref<32x52x52x3x85xf32, #tpu.memory_space<any>>, %arg2: memref<32x52x52x3x85xf32, #tpu.memory_space<any>>, %arg3: memref<1x1xf32, #tpu.memory_space<smem>>, %arg4: memref<2x3x13x52x85xf32, #tpu.memory_space<vmem>>, %arg5: memref<2x3x13x52x85xf32, #tpu.memory_space<vmem>>, %arg6: memref<2x2x3x!tpu.dma_semaphore, #tpu.memory_space<semaphore_mem>>) attributes {dimension_semantics = [#tpu.dimension_semantics<arbitrary>], iteration_bounds = array<i64: 64>, scalar_prefetch = 0 : i64, scratch_operands = 3 : i64, tpu.core_type = #tpu.core_type<tc>, window_params = [{}, {}, {transform_indices = @transform_2, window_bounds = array<i64: 1, 1>}]} {
    %rem3A = arith.constant 2 : i32
    %rem3A_0 = arith.remsi %arg0, %rem3A : i32
    %add3A = arith.constant 1 : i32
    %add3A_1 = arith.addi %arg0, %add3A : i32
    %rem3A_2 = arith.constant 2 : i32
    %rem3A_3 = arith.remsi %add3A_1, %rem3A_2 : i32
    %eq3A = arith.constant 0 : i32
    %eq3A_4 = arith.cmpi eq, %arg0, %eq3A : i32
    %convert_element_type3A = arith.extui %eq3A_4 : i1 to i32
    %cond3A = arith.constant 0 : i32
    %cond3A_5 = arith.cmpi ne, %convert_element_type3A, %cond3A : i32
    scf.if %cond3A_5 {
      %jit3A_318 = arith.constant 4 : i32
      %div3A = arith.divsi %arg0, %jit3A_318 : i32
      %sign3A = arith.constant 0 : i32
      %sign3A_319 = arith.cmpi sgt, %arg0, %sign3A : i32
      %sign3A_320 = arith.extui %sign3A_319 : i1 to i32
      %sign3A_321 = arith.constant 0 : i32
      %sign3A_322 = arith.cmpi slt, %arg0, %sign3A_321 : i32
      %sign3A_323 = arith.extui %sign3A_322 : i1 to i32
      %sign3A_324 = arith.subi %sign3A_320, %sign3A_323 : i32
      %sign3A_325 = arith.constant 0 : i32
      %sign3A_326 = arith.cmpi sgt, %jit3A_318, %sign3A_325 : i32
      %sign3A_327 = arith.extui %sign3A_326 : i1 to i32
      %sign3A_328 = arith.constant 0 : i32
      %sign3A_329 = arith.cmpi slt, %jit3A_318, %sign3A_328 : i32
      %sign3A_330 = arith.extui %sign3A_329 : i1 to i32
      %sign3A_331 = arith.subi %sign3A_327, %sign3A_330 : i32
      %ne3A_332 = arith.cmpi ne, %sign3A_324, %sign3A_331 : i32
      %rem3A_333 = arith.remsi %arg0, %jit3A_318 : i32
      %ne3A_334 = arith.constant 0 : i32
      %ne3A_335 = arith.cmpi ne, %rem3A_333, %ne3A_334 : i32
      %and3A = arith.andi %ne3A_332, %ne3A_335 : i1
      %sub3A_336 = arith.constant 1 : i32
      %sub3A_337 = arith.subi %div3A, %sub3A_336 : i32
      %select_n3A_338 = arith.select %and3A, %sub3A_337, %div3A : i32
      %add3A_339 = arith.constant 16 : i32
      %add3A_340 = arith.addi %add3A_339, %select_n3A_338 : i32
      %rem3A_341 = arith.constant 4 : i32
      %rem3A_342 = arith.remsi %arg0, %rem3A_341 : i32
      %mul3A_343 = arith.constant 13 : i32
      %mul3A_344 = arith.muli %rem3A_342, %mul3A_343 : i32
      %dma_start3A = arith.constant 0 : i32
      %dma_start3A_345 = arith.constant 0 : i32
      %dma_start3A_346 = arith.constant 0 : i32
      %dma_start3A_347 = arith.constant 0 : i32
      %dma_start3A_348 = tpu.memref_slice %arg6[%rem3A_0, %dma_start3A_346, %dma_start3A_347] : memref<2x2x3x!tpu.dma_semaphore, #tpu.memory_space<semaphore_mem>> -> memref<1x1x1x!tpu.dma_semaphore, #tpu.memory_space<semaphore_mem>>
      %dma_start3A_349 = tpu.memref_squeeze %dma_start3A_348 : memref<1x1x1x!tpu.dma_semaphore, #tpu.memory_space<semaphore_mem>> -> memref<!tpu.dma_semaphore, #tpu.memory_space<semaphore_mem>>
      %dma_start3A_350 = arith.constant 0 : i32
      %dma_start3A_351 = arith.constant 0 : i32
      %dma_start3A_352 = arith.constant 0 : i32
      %dma_start3A_353 = tpu.memref_slice %arg4[%rem3A_0, %dma_start3A_345, %dma_start3A_350, %dma_start3A_351, %dma_start3A_352] : memref<2x3x13x52x85xf32, #tpu.memory_space<vmem>> -> memref<1x1x13x52x85xf32, #tpu.memory_space<vmem>>
      %dma_start3A_354 = tpu.memref_squeeze %dma_start3A_353 : memref<1x1x13x52x85xf32, #tpu.memory_space<vmem>> -> memref<13x52x85xf32, #tpu.memory_space<vmem>>
      %dma_start3A_355 = arith.constant 0 : i32
      %dma_start3A_356 = arith.constant 0 : i32
      %dma_start3A_357 = tpu.memref_slice %arg1[%add3A_340, %mul3A_344, %dma_start3A_355, %dma_start3A, %dma_start3A_356] : memref<32x52x52x3x85xf32, #tpu.memory_space<any>> -> memref<1x13x52x1x85xf32, #tpu.memory_space<any>>
      %dma_start3A_358 = tpu.memref_squeeze %dma_start3A_357 : memref<1x13x52x1x85xf32, #tpu.memory_space<any>> -> memref<13x52x85xf32, #tpu.memory_space<any>>
      tpu.enqueue_dma source(%dma_start3A_358 : memref<13x52x85xf32, #tpu.memory_space<any>>) target(%dma_start3A_354 : memref<13x52x85xf32, #tpu.memory_space<vmem>>) target_semaphore(%dma_start3A_349 : memref<!tpu.dma_semaphore, #tpu.memory_space<semaphore_mem>>)
      %dma_start3A_359 = arith.constant 0 : i32
      %dma_start3A_360 = arith.constant 0 : i32
      %dma_start3A_361 = arith.constant 1 : i32
      %dma_start3A_362 = arith.constant 0 : i32
      %dma_start3A_363 = tpu.memref_slice %arg6[%rem3A_0, %dma_start3A_361, %dma_start3A_362] : memref<2x2x3x!tpu.dma_semaphore, #tpu.memory_space<semaphore_mem>> -> memref<1x1x1x!tpu.dma_semaphore, #tpu.memory_space<semaphore_mem>>
      %dma_start3A_364 = tpu.memref_squeeze %dma_start3A_363 : memref<1x1x1x!tpu.dma_semaphore, #tpu.memory_space<semaphore_mem>> -> memref<!tpu.dma_semaphore, #tpu.memory_space<semaphore_mem>>
      %dma_start3A_365 = arith.constant 0 : i32
      %dma_start3A_366 = arith.constant 0 : i32
      %dma_start3A_367 = arith.constant 0 : i32
      %dma_start3A_368 = tpu.memref_slice %arg5[%rem3A_0, %dma_start3A_360, %dma_start3A_365, %dma_start3A_366, %dma_start3A_367] : memref<2x3x13x52x85xf32, #tpu.memory_space<vmem>> -> memref<1x1x13x52x85xf32, #tpu.memory_space<vmem>>
      %dma_start3A_369 = tpu.memref_squeeze %dma_start3A_368 : memref<1x1x13x52x85xf32, #tpu.memory_space<vmem>> -> memref<13x52x85xf32, #tpu.memory_space<vmem>>
      %dma_start3A_370 = arith.constant 0 : i32
      %dma_start3A_371 = arith.constant 0 : i32
      %dma_start3A_372 = tpu.memref_slice %arg2[%add3A_340, %mul3A_344, %dma_start3A_370, %dma_start3A_359, %dma_start3A_371] : memref<32x52x52x3x85xf32, #tpu.memory_space<any>> -> memref<1x13x52x1x85xf32, #tpu.memory_space<any>>
      %dma_start3A_373 = tpu.memref_squeeze %dma_start3A_372 : memref<1x13x52x1x85xf32, #tpu.memory_space<any>> -> memref<13x52x85xf32, #tpu.memory_space<any>>
      tpu.enqueue_dma source(%dma_start3A_373 : memref<13x52x85xf32, #tpu.memory_space<any>>) target(%dma_start3A_369 : memref<13x52x85xf32, #tpu.memory_space<vmem>>) target_semaphore(%dma_start3A_364 : memref<!tpu.dma_semaphore, #tpu.memory_space<semaphore_mem>>)
      %dma_start3A_374 = arith.constant 1 : i32
      %dma_start3A_375 = arith.constant 1 : i32
      %dma_start3A_376 = arith.constant 0 : i32
      %dma_start3A_377 = arith.constant 1 : i32
      %dma_start3A_378 = tpu.memref_slice %arg6[%rem3A_0, %dma_start3A_376, %dma_start3A_377] : memref<2x2x3x!tpu.dma_semaphore, #tpu.memory_space<semaphore_mem>> -> memref<1x1x1x!tpu.dma_semaphore, #tpu.memory_space<semaphore_mem>>
      %dma_start3A_379 = tpu.memref_squeeze %dma_start3A_378 : memref<1x1x1x!tpu.dma_semaphore, #tpu.memory_space<semaphore_mem>> -> memref<!tpu.dma_semaphore, #tpu.memory_space<semaphore_mem>>
      %dma_start3A_380 = arith.constant 0 : i32
      %dma_start3A_381 = arith.constant 0 : i32
      %dma_start3A_382 = arith.constant 0 : i32
      %dma_start3A_383 = tpu.memref_slice %arg4[%rem3A_0, %dma_start3A_375, %dma_start3A_380, %dma_start3A_381, %dma_start3A_382] : memref<2x3x13x52x85xf32, #tpu.memory_space<vmem>> -> memref<1x1x13x52x85xf32, #tpu.memory_space<vmem>>
      %dma_start3A_384 = tpu.memref_squeeze %dma_start3A_383 : memref<1x1x13x52x85xf32, #tpu.memory_space<vmem>> -> memref<13x52x85xf32, #tpu.memory_space<vmem>>
      %dma_start3A_385 = arith.constant 0 : i32
      %dma_start3A_386 = arith.constant 0 : i32
      %dma_start3A_387 = tpu.memref_slice %arg1[%add3A_340, %mul3A_344, %dma_start3A_385, %dma_start3A_374, %dma_start3A_386] : memref<32x52x52x3x85xf32, #tpu.memory_space<any>> -> memref<1x13x52x1x85xf32, #tpu.memory_space<any>>
      %dma_start3A_388 = tpu.memref_squeeze %dma_start3A_387 : memref<1x13x52x1x85xf32, #tpu.memory_space<any>> -> memref<13x52x85xf32, #tpu.memory_space<any>>
      tpu.enqueue_dma source(%dma_start3A_388 : memref<13x52x85xf32, #tpu.memory_space<any>>) target(%dma_start3A_384 : memref<13x52x85xf32, #tpu.memory_space<vmem>>) target_semaphore(%dma_start3A_379 : memref<!tpu.dma_semaphore, #tpu.memory_space<semaphore_mem>>)
      %dma_start3A_389 = arith.constant 1 : i32
      %dma_start3A_390 = arith.constant 1 : i32
      %dma_start3A_391 = arith.constant 1 : i32
      %dma_start3A_392 = arith.constant 1 : i32
      %dma_start3A_393 = tpu.memref_slice %arg6[%rem3A_0, %dma_start3A_391, %dma_start3A_392] : memref<2x2x3x!tpu.dma_semaphore, #tpu.memory_space<semaphore_mem>> -> memref<1x1x1x!tpu.dma_semaphore, #tpu.memory_space<semaphore_mem>>
      %dma_start3A_394 = tpu.memref_squeeze %dma_start3A_393 : memref<1x1x1x!tpu.dma_semaphore, #tpu.memory_space<semaphore_mem>> -> memref<!tpu.dma_semaphore, #tpu.memory_space<semaphore_mem>>
      %dma_start3A_395 = arith.constant 0 : i32
      %dma_start3A_396 = arith.constant 0 : i32
      %dma_start3A_397 = arith.constant 0 : i32
      %dma_start3A_398 = tpu.memref_slice %arg5[%rem3A_0, %dma_start3A_390, %dma_start3A_395, %dma_start3A_396, %dma_start3A_397] : memref<2x3x13x52x85xf32, #tpu.memory_space<vmem>> -> memref<1x1x13x52x85xf32, #tpu.memory_space<vmem>>
      %dma_start3A_399 = tpu.memref_squeeze %dma_start3A_398 : memref<1x1x13x52x85xf32, #tpu.memory_space<vmem>> -> memref<13x52x85xf32, #tpu.memory_space<vmem>>
      %dma_start3A_400 = arith.constant 0 : i32
      %dma_start3A_401 = arith.constant 0 : i32
      %dma_start3A_402 = tpu.memref_slice %arg2[%add3A_340, %mul3A_344, %dma_start3A_400, %dma_start3A_389, %dma_start3A_401] : memref<32x52x52x3x85xf32, #tpu.memory_space<any>> -> memref<1x13x52x1x85xf32, #tpu.memory_space<any>>
      %dma_start3A_403 = tpu.memref_squeeze %dma_start3A_402 : memref<1x13x52x1x85xf32, #tpu.memory_space<any>> -> memref<13x52x85xf32, #tpu.memory_space<any>>
      tpu.enqueue_dma source(%dma_start3A_403 : memref<13x52x85xf32, #tpu.memory_space<any>>) target(%dma_start3A_399 : memref<13x52x85xf32, #tpu.memory_space<vmem>>) target_semaphore(%dma_start3A_394 : memref<!tpu.dma_semaphore, #tpu.memory_space<semaphore_mem>>)
      %dma_start3A_404 = arith.constant 2 : i32
      %dma_start3A_405 = arith.constant 2 : i32
      %dma_start3A_406 = arith.constant 0 : i32
      %dma_start3A_407 = arith.constant 2 : i32
      %dma_start3A_408 = tpu.memref_slice %arg6[%rem3A_0, %dma_start3A_406, %dma_start3A_407] : memref<2x2x3x!tpu.dma_semaphore, #tpu.memory_space<semaphore_mem>> -> memref<1x1x1x!tpu.dma_semaphore, #tpu.memory_space<semaphore_mem>>
      %dma_start3A_409 = tpu.memref_squeeze %dma_start3A_408 : memref<1x1x1x!tpu.dma_semaphore, #tpu.memory_space<semaphore_mem>> -> memref<!tpu.dma_semaphore, #tpu.memory_space<semaphore_mem>>
      %dma_start3A_410 = arith.constant 0 : i32
      %dma_start3A_411 = arith.constant 0 : i32
      %dma_start3A_412 = arith.constant 0 : i32
      %dma_start3A_413 = tpu.memref_slice %arg4[%rem3A_0, %dma_start3A_405, %dma_start3A_410, %dma_start3A_411, %dma_start3A_412] : memref<2x3x13x52x85xf32, #tpu.memory_space<vmem>> -> memref<1x1x13x52x85xf32, #tpu.memory_space<vmem>>
      %dma_start3A_414 = tpu.memref_squeeze %dma_start3A_413 : memref<1x1x13x52x85xf32, #tpu.memory_space<vmem>> -> memref<13x52x85xf32, #tpu.memory_space<vmem>>
      %dma_start3A_415 = arith.constant 0 : i32
      %dma_start3A_416 = arith.constant 0 : i32
      %dma_start3A_417 = tpu.memref_slice %arg1[%add3A_340, %mul3A_344, %dma_start3A_415, %dma_start3A_404, %dma_start3A_416] : memref<32x52x52x3x85xf32, #tpu.memory_space<any>> -> memref<1x13x52x1x85xf32, #tpu.memory_space<any>>
      %dma_start3A_418 = tpu.memref_squeeze %dma_start3A_417 : memref<1x13x52x1x85xf32, #tpu.memory_space<any>> -> memref<13x52x85xf32, #tpu.memory_space<any>>
      tpu.enqueue_dma source(%dma_start3A_418 : memref<13x52x85xf32, #tpu.memory_space<any>>) target(%dma_start3A_414 : memref<13x52x85xf32, #tpu.memory_space<vmem>>) target_semaphore(%dma_start3A_409 : memref<!tpu.dma_semaphore, #tpu.memory_space<semaphore_mem>>)
      %dma_start3A_419 = arith.constant 2 : i32
      %dma_start3A_420 = arith.constant 2 : i32
      %dma_start3A_421 = arith.constant 1 : i32
      %dma_start3A_422 = arith.constant 2 : i32
      %dma_start3A_423 = tpu.memref_slice %arg6[%rem3A_0, %dma_start3A_421, %dma_start3A_422] : memref<2x2x3x!tpu.dma_semaphore, #tpu.memory_space<semaphore_mem>> -> memref<1x1x1x!tpu.dma_semaphore, #tpu.memory_space<semaphore_mem>>
      %dma_start3A_424 = tpu.memref_squeeze %dma_start3A_423 : memref<1x1x1x!tpu.dma_semaphore, #tpu.memory_space<semaphore_mem>> -> memref<!tpu.dma_semaphore, #tpu.memory_space<semaphore_mem>>
      %dma_start3A_425 = arith.constant 0 : i32
      %dma_start3A_426 = arith.constant 0 : i32
      %dma_start3A_427 = arith.constant 0 : i32
      %dma_start3A_428 = tpu.memref_slice %arg5[%rem3A_0, %dma_start3A_420, %dma_start3A_425, %dma_start3A_426, %dma_start3A_427] : memref<2x3x13x52x85xf32, #tpu.memory_space<vmem>> -> memref<1x1x13x52x85xf32, #tpu.memory_space<vmem>>
      %dma_start3A_429 = tpu.memref_squeeze %dma_start3A_428 : memref<1x1x13x52x85xf32, #tpu.memory_space<vmem>> -> memref<13x52x85xf32, #tpu.memory_space<vmem>>
      %dma_start3A_430 = arith.constant 0 : i32
      %dma_start3A_431 = arith.constant 0 : i32
      %dma_start3A_432 = tpu.memref_slice %arg2[%add3A_340, %mul3A_344, %dma_start3A_430, %dma_start3A_419, %dma_start3A_431] : memref<32x52x52x3x85xf32, #tpu.memory_space<any>> -> memref<1x13x52x1x85xf32, #tpu.memory_space<any>>
      %dma_start3A_433 = tpu.memref_squeeze %dma_start3A_432 : memref<1x13x52x1x85xf32, #tpu.memory_space<any>> -> memref<13x52x85xf32, #tpu.memory_space<any>>
      tpu.enqueue_dma source(%dma_start3A_433 : memref<13x52x85xf32, #tpu.memory_space<any>>) target(%dma_start3A_429 : memref<13x52x85xf32, #tpu.memory_space<vmem>>) target_semaphore(%dma_start3A_424 : memref<!tpu.dma_semaphore, #tpu.memory_space<semaphore_mem>>)
    } else {
    }
    %add3A_6 = arith.constant 1 : i32
    %add3A_7 = arith.addi %arg0, %add3A_6 : i32
    %lt3A = arith.constant 64 : i32
    %lt3A_8 = arith.cmpi slt, %add3A_7, %lt3A : i32
    %convert_element_type3A_9 = arith.extui %lt3A_8 : i1 to i32
    %cond3A_10 = arith.constant 0 : i32
    %cond3A_11 = arith.cmpi ne, %convert_element_type3A_9, %cond3A_10 : i32
    scf.if %cond3A_11 {
      %add3A_318 = arith.constant 1 : i32
      %add3A_319 = arith.addi %arg0, %add3A_318 : i32
      %jit3A_320 = arith.constant 4 : i32
      %div3A = arith.divsi %add3A_319, %jit3A_320 : i32
      %sign3A = arith.constant 0 : i32
      %sign3A_321 = arith.cmpi sgt, %add3A_319, %sign3A : i32
      %sign3A_322 = arith.extui %sign3A_321 : i1 to i32
      %sign3A_323 = arith.constant 0 : i32
      %sign3A_324 = arith.cmpi slt, %add3A_319, %sign3A_323 : i32
      %sign3A_325 = arith.extui %sign3A_324 : i1 to i32
      %sign3A_326 = arith.subi %sign3A_322, %sign3A_325 : i32
      %sign3A_327 = arith.constant 0 : i32
      %sign3A_328 = arith.cmpi sgt, %jit3A_320, %sign3A_327 : i32
      %sign3A_329 = arith.extui %sign3A_328 : i1 to i32
      %sign3A_330 = arith.constant 0 : i32
      %sign3A_331 = arith.cmpi slt, %jit3A_320, %sign3A_330 : i32
      %sign3A_332 = arith.extui %sign3A_331 : i1 to i32
      %sign3A_333 = arith.subi %sign3A_329, %sign3A_332 : i32
      %ne3A_334 = arith.cmpi ne, %sign3A_326, %sign3A_333 : i32
      %rem3A_335 = arith.remsi %add3A_319, %jit3A_320 : i32
      %ne3A_336 = arith.constant 0 : i32
      %ne3A_337 = arith.cmpi ne, %rem3A_335, %ne3A_336 : i32
      %and3A = arith.andi %ne3A_334, %ne3A_337 : i1
      %sub3A_338 = arith.constant 1 : i32
      %sub3A_339 = arith.subi %div3A, %sub3A_338 : i32
      %select_n3A_340 = arith.select %and3A, %sub3A_339, %div3A : i32
      %add3A_341 = arith.constant 16 : i32
      %add3A_342 = arith.addi %add3A_341, %select_n3A_340 : i32
      %rem3A_343 = arith.constant 4 : i32
      %rem3A_344 = arith.remsi %add3A_319, %rem3A_343 : i32
      %mul3A_345 = arith.constant 13 : i32
      %mul3A_346 = arith.muli %rem3A_344, %mul3A_345 : i32
      %dma_start3A = arith.constant 0 : i32
      %dma_start3A_347 = arith.constant 0 : i32
      %dma_start3A_348 = arith.constant 0 : i32
      %dma_start3A_349 = arith.constant 0 : i32
      %dma_start3A_350 = tpu.memref_slice %arg6[%rem3A_3, %dma_start3A_348, %dma_start3A_349] : memref<2x2x3x!tpu.dma_semaphore, #tpu.memory_space<semaphore_mem>> -> memref<1x1x1x!tpu.dma_semaphore, #tpu.memory_space<semaphore_mem>>
      %dma_start3A_351 = tpu.memref_squeeze %dma_start3A_350 : memref<1x1x1x!tpu.dma_semaphore, #tpu.memory_space<semaphore_mem>> -> memref<!tpu.dma_semaphore, #tpu.memory_space<semaphore_mem>>
      %dma_start3A_352 = arith.constant 0 : i32
      %dma_start3A_353 = arith.constant 0 : i32
      %dma_start3A_354 = arith.constant 0 : i32
      %dma_start3A_355 = tpu.memref_slice %arg4[%rem3A_3, %dma_start3A_347, %dma_start3A_352, %dma_start3A_353, %dma_start3A_354] : memref<2x3x13x52x85xf32, #tpu.memory_space<vmem>> -> memref<1x1x13x52x85xf32, #tpu.memory_space<vmem>>
      %dma_start3A_356 = tpu.memref_squeeze %dma_start3A_355 : memref<1x1x13x52x85xf32, #tpu.memory_space<vmem>> -> memref<13x52x85xf32, #tpu.memory_space<vmem>>
      %dma_start3A_357 = arith.constant 0 : i32
      %dma_start3A_358 = arith.constant 0 : i32
      %dma_start3A_359 = tpu.memref_slice %arg1[%add3A_342, %mul3A_346, %dma_start3A_357, %dma_start3A, %dma_start3A_358] : memref<32x52x52x3x85xf32, #tpu.memory_space<any>> -> memref<1x13x52x1x85xf32, #tpu.memory_space<any>>
      %dma_start3A_360 = tpu.memref_squeeze %dma_start3A_359 : memref<1x13x52x1x85xf32, #tpu.memory_space<any>> -> memref<13x52x85xf32, #tpu.memory_space<any>>
      tpu.enqueue_dma source(%dma_start3A_360 : memref<13x52x85xf32, #tpu.memory_space<any>>) target(%dma_start3A_356 : memref<13x52x85xf32, #tpu.memory_space<vmem>>) target_semaphore(%dma_start3A_351 : memref<!tpu.dma_semaphore, #tpu.memory_space<semaphore_mem>>)
      %dma_start3A_361 = arith.constant 0 : i32
      %dma_start3A_362 = arith.constant 0 : i32
      %dma_start3A_363 = arith.constant 1 : i32
      %dma_start3A_364 = arith.constant 0 : i32
      %dma_start3A_365 = tpu.memref_slice %arg6[%rem3A_3, %dma_start3A_363, %dma_start3A_364] : memref<2x2x3x!tpu.dma_semaphore, #tpu.memory_space<semaphore_mem>> -> memref<1x1x1x!tpu.dma_semaphore, #tpu.memory_space<semaphore_mem>>
      %dma_start3A_366 = tpu.memref_squeeze %dma_start3A_365 : memref<1x1x1x!tpu.dma_semaphore, #tpu.memory_space<semaphore_mem>> -> memref<!tpu.dma_semaphore, #tpu.memory_space<semaphore_mem>>
      %dma_start3A_367 = arith.constant 0 : i32
      %dma_start3A_368 = arith.constant 0 : i32
      %dma_start3A_369 = arith.constant 0 : i32
      %dma_start3A_370 = tpu.memref_slice %arg5[%rem3A_3, %dma_start3A_362, %dma_start3A_367, %dma_start3A_368, %dma_start3A_369] : memref<2x3x13x52x85xf32, #tpu.memory_space<vmem>> -> memref<1x1x13x52x85xf32, #tpu.memory_space<vmem>>
      %dma_start3A_371 = tpu.memref_squeeze %dma_start3A_370 : memref<1x1x13x52x85xf32, #tpu.memory_space<vmem>> -> memref<13x52x85xf32, #tpu.memory_space<vmem>>
      %dma_start3A_372 = arith.constant 0 : i32
      %dma_start3A_373 = arith.constant 0 : i32
      %dma_start3A_374 = tpu.memref_slice %arg2[%add3A_342, %mul3A_346, %dma_start3A_372, %dma_start3A_361, %dma_start3A_373] : memref<32x52x52x3x85xf32, #tpu.memory_space<any>> -> memref<1x13x52x1x85xf32, #tpu.memory_space<any>>
      %dma_start3A_375 = tpu.memref_squeeze %dma_start3A_374 : memref<1x13x52x1x85xf32, #tpu.memory_space<any>> -> memref<13x52x85xf32, #tpu.memory_space<any>>
      tpu.enqueue_dma source(%dma_start3A_375 : memref<13x52x85xf32, #tpu.memory_space<any>>) target(%dma_start3A_371 : memref<13x52x85xf32, #tpu.memory_space<vmem>>) target_semaphore(%dma_start3A_366 : memref<!tpu.dma_semaphore, #tpu.memory_space<semaphore_mem>>)
      %dma_start3A_376 = arith.constant 1 : i32
      %dma_start3A_377 = arith.constant 1 : i32
      %dma_start3A_378 = arith.constant 0 : i32
      %dma_start3A_379 = arith.constant 1 : i32
      %dma_start3A_380 = tpu.memref_slice %arg6[%rem3A_3, %dma_start3A_378, %dma_start3A_379] : memref<2x2x3x!tpu.dma_semaphore, #tpu.memory_space<semaphore_mem>> -> memref<1x1x1x!tpu.dma_semaphore, #tpu.memory_space<semaphore_mem>>
      %dma_start3A_381 = tpu.memref_squeeze %dma_start3A_380 : memref<1x1x1x!tpu.dma_semaphore, #tpu.memory_space<semaphore_mem>> -> memref<!tpu.dma_semaphore, #tpu.memory_space<semaphore_mem>>
      %dma_start3A_382 = arith.constant 0 : i32
      %dma_start3A_383 = arith.constant 0 : i32
      %dma_start3A_384 = arith.constant 0 : i32
      %dma_start3A_385 = tpu.memref_slice %arg4[%rem3A_3, %dma_start3A_377, %dma_start3A_382, %dma_start3A_383, %dma_start3A_384] : memref<2x3x13x52x85xf32, #tpu.memory_space<vmem>> -> memref<1x1x13x52x85xf32, #tpu.memory_space<vmem>>
      %dma_start3A_386 = tpu.memref_squeeze %dma_start3A_385 : memref<1x1x13x52x85xf32, #tpu.memory_space<vmem>> -> memref<13x52x85xf32, #tpu.memory_space<vmem>>
      %dma_start3A_387 = arith.constant 0 : i32
      %dma_start3A_388 = arith.constant 0 : i32
      %dma_start3A_389 = tpu.memref_slice %arg1[%add3A_342, %mul3A_346, %dma_start3A_387, %dma_start3A_376, %dma_start3A_388] : memref<32x52x52x3x85xf32, #tpu.memory_space<any>> -> memref<1x13x52x1x85xf32, #tpu.memory_space<any>>
      %dma_start3A_390 = tpu.memref_squeeze %dma_start3A_389 : memref<1x13x52x1x85xf32, #tpu.memory_space<any>> -> memref<13x52x85xf32, #tpu.memory_space<any>>
      tpu.enqueue_dma source(%dma_start3A_390 : memref<13x52x85xf32, #tpu.memory_space<any>>) target(%dma_start3A_386 : memref<13x52x85xf32, #tpu.memory_space<vmem>>) target_semaphore(%dma_start3A_381 : memref<!tpu.dma_semaphore, #tpu.memory_space<semaphore_mem>>)
      %dma_start3A_391 = arith.constant 1 : i32
      %dma_start3A_392 = arith.constant 1 : i32
      %dma_start3A_393 = arith.constant 1 : i32
      %dma_start3A_394 = arith.constant 1 : i32
      %dma_start3A_395 = tpu.memref_slice %arg6[%rem3A_3, %dma_start3A_393, %dma_start3A_394] : memref<2x2x3x!tpu.dma_semaphore, #tpu.memory_space<semaphore_mem>> -> memref<1x1x1x!tpu.dma_semaphore, #tpu.memory_space<semaphore_mem>>
      %dma_start3A_396 = tpu.memref_squeeze %dma_start3A_395 : memref<1x1x1x!tpu.dma_semaphore, #tpu.memory_space<semaphore_mem>> -> memref<!tpu.dma_semaphore, #tpu.memory_space<semaphore_mem>>
      %dma_start3A_397 = arith.constant 0 : i32
      %dma_start3A_398 = arith.constant 0 : i32
      %dma_start3A_399 = arith.constant 0 : i32
      %dma_start3A_400 = tpu.memref_slice %arg5[%rem3A_3, %dma_start3A_392, %dma_start3A_397, %dma_start3A_398, %dma_start3A_399] : memref<2x3x13x52x85xf32, #tpu.memory_space<vmem>> -> memref<1x1x13x52x85xf32, #tpu.memory_space<vmem>>
      %dma_start3A_401 = tpu.memref_squeeze %dma_start3A_400 : memref<1x1x13x52x85xf32, #tpu.memory_space<vmem>> -> memref<13x52x85xf32, #tpu.memory_space<vmem>>
      %dma_start3A_402 = arith.constant 0 : i32
      %dma_start3A_403 = arith.constant 0 : i32
      %dma_start3A_404 = tpu.memref_slice %arg2[%add3A_342, %mul3A_346, %dma_start3A_402, %dma_start3A_391, %dma_start3A_403] : memref<32x52x52x3x85xf32, #tpu.memory_space<any>> -> memref<1x13x52x1x85xf32, #tpu.memory_space<any>>
      %dma_start3A_405 = tpu.memref_squeeze %dma_start3A_404 : memref<1x13x52x1x85xf32, #tpu.memory_space<any>> -> memref<13x52x85xf32, #tpu.memory_space<any>>
      tpu.enqueue_dma source(%dma_start3A_405 : memref<13x52x85xf32, #tpu.memory_space<any>>) target(%dma_start3A_401 : memref<13x52x85xf32, #tpu.memory_space<vmem>>) target_semaphore(%dma_start3A_396 : memref<!tpu.dma_semaphore, #tpu.memory_space<semaphore_mem>>)
      %dma_start3A_406 = arith.constant 2 : i32
      %dma_start3A_407 = arith.constant 2 : i32
      %dma_start3A_408 = arith.constant 0 : i32
      %dma_start3A_409 = arith.constant 2 : i32
      %dma_start3A_410 = tpu.memref_slice %arg6[%rem3A_3, %dma_start3A_408, %dma_start3A_409] : memref<2x2x3x!tpu.dma_semaphore, #tpu.memory_space<semaphore_mem>> -> memref<1x1x1x!tpu.dma_semaphore, #tpu.memory_space<semaphore_mem>>
      %dma_start3A_411 = tpu.memref_squeeze %dma_start3A_410 : memref<1x1x1x!tpu.dma_semaphore, #tpu.memory_space<semaphore_mem>> -> memref<!tpu.dma_semaphore, #tpu.memory_space<semaphore_mem>>
      %dma_start3A_412 = arith.constant 0 : i32
      %dma_start3A_413 = arith.constant 0 : i32
      %dma_start3A_414 = arith.constant 0 : i32
      %dma_start3A_415 = tpu.memref_slice %arg4[%rem3A_3, %dma_start3A_407, %dma_start3A_412, %dma_start3A_413, %dma_start3A_414] : memref<2x3x13x52x85xf32, #tpu.memory_space<vmem>> -> memref<1x1x13x52x85xf32, #tpu.memory_space<vmem>>
      %dma_start3A_416 = tpu.memref_squeeze %dma_start3A_415 : memref<1x1x13x52x85xf32, #tpu.memory_space<vmem>> -> memref<13x52x85xf32, #tpu.memory_space<vmem>>
      %dma_start3A_417 = arith.constant 0 : i32
      %dma_start3A_418 = arith.constant 0 : i32
      %dma_start3A_419 = tpu.memref_slice %arg1[%add3A_342, %mul3A_346, %dma_start3A_417, %dma_start3A_406, %dma_start3A_418] : memref<32x52x52x3x85xf32, #tpu.memory_space<any>> -> memref<1x13x52x1x85xf32, #tpu.memory_space<any>>
      %dma_start3A_420 = tpu.memref_squeeze %dma_start3A_419 : memref<1x13x52x1x85xf32, #tpu.memory_space<any>> -> memref<13x52x85xf32, #tpu.memory_space<any>>
      tpu.enqueue_dma source(%dma_start3A_420 : memref<13x52x85xf32, #tpu.memory_space<any>>) target(%dma_start3A_416 : memref<13x52x85xf32, #tpu.memory_space<vmem>>) target_semaphore(%dma_start3A_411 : memref<!tpu.dma_semaphore, #tpu.memory_space<semaphore_mem>>)
      %dma_start3A_421 = arith.constant 2 : i32
      %dma_start3A_422 = arith.constant 2 : i32
      %dma_start3A_423 = arith.constant 1 : i32
      %dma_start3A_424 = arith.constant 2 : i32
      %dma_start3A_425 = tpu.memref_slice %arg6[%rem3A_3, %dma_start3A_423, %dma_start3A_424] : memref<2x2x3x!tpu.dma_semaphore, #tpu.memory_space<semaphore_mem>> -> memref<1x1x1x!tpu.dma_semaphore, #tpu.memory_space<semaphore_mem>>
      %dma_start3A_426 = tpu.memref_squeeze %dma_start3A_425 : memref<1x1x1x!tpu.dma_semaphore, #tpu.memory_space<semaphore_mem>> -> memref<!tpu.dma_semaphore, #tpu.memory_space<semaphore_mem>>
      %dma_start3A_427 = arith.constant 0 : i32
      %dma_start3A_428 = arith.constant 0 : i32
      %dma_start3A_429 = arith.constant 0 : i32
      %dma_start3A_430 = tpu.memref_slice %arg5[%rem3A_3, %dma_start3A_422, %dma_start3A_427, %dma_start3A_428, %dma_start3A_429] : memref<2x3x13x52x85xf32, #tpu.memory_space<vmem>> -> memref<1x1x13x52x85xf32, #tpu.memory_space<vmem>>
      %dma_start3A_431 = tpu.memref_squeeze %dma_start3A_430 : memref<1x1x13x52x85xf32, #tpu.memory_space<vmem>> -> memref<13x52x85xf32, #tpu.memory_space<vmem>>
      %dma_start3A_432 = arith.constant 0 : i32
      %dma_start3A_433 = arith.constant 0 : i32
      %dma_start3A_434 = tpu.memref_slice %arg2[%add3A_342, %mul3A_346, %dma_start3A_432, %dma_start3A_421, %dma_start3A_433] : memref<32x52x52x3x85xf32, #tpu.memory_space<any>> -> memref<1x13x52x1x85xf32, #tpu.memory_space<any>>
      %dma_start3A_435 = tpu.memref_squeeze %dma_start3A_434 : memref<1x13x52x1x85xf32, #tpu.memory_space<any>> -> memref<13x52x85xf32, #tpu.memory_space<any>>
      tpu.enqueue_dma source(%dma_start3A_435 : memref<13x52x85xf32, #tpu.memory_space<any>>) target(%dma_start3A_431 : memref<13x52x85xf32, #tpu.memory_space<vmem>>) target_semaphore(%dma_start3A_426 : memref<!tpu.dma_semaphore, #tpu.memory_space<semaphore_mem>>)
    } else {
    }
    %dma_wait3A = arith.constant 0 : i32
    %dma_wait3A_12 = arith.constant 0 : i32
    %dma_wait3A_13 = arith.constant 0 : i32
    %dma_wait3A_14 = arith.constant 0 : i32
    %dma_wait3A_15 = arith.constant 0 : i32
    %dma_wait3A_16 = tpu.memref_slice %arg6[%rem3A_0, %dma_wait3A_14, %dma_wait3A_15] : memref<2x2x3x!tpu.dma_semaphore, #tpu.memory_space<semaphore_mem>> -> memref<1x1x1x!tpu.dma_semaphore, #tpu.memory_space<semaphore_mem>>
    %dma_wait3A_17 = tpu.memref_squeeze %dma_wait3A_16 : memref<1x1x1x!tpu.dma_semaphore, #tpu.memory_space<semaphore_mem>> -> memref<!tpu.dma_semaphore, #tpu.memory_space<semaphore_mem>>
    %dma_wait3A_18 = arith.constant 0 : i32
    %dma_wait3A_19 = arith.constant 0 : i32
    %dma_wait3A_20 = arith.constant 0 : i32
    %dma_wait3A_21 = tpu.memref_slice %arg4[%rem3A_0, %dma_wait3A_13, %dma_wait3A_18, %dma_wait3A_19, %dma_wait3A_20] : memref<2x3x13x52x85xf32, #tpu.memory_space<vmem>> -> memref<1x1x13x52x85xf32, #tpu.memory_space<vmem>>
    %dma_wait3A_22 = tpu.memref_squeeze %dma_wait3A_21 : memref<1x1x13x52x85xf32, #tpu.memory_space<vmem>> -> memref<13x52x85xf32, #tpu.memory_space<vmem>>
    %dma_wait3A_23 = arith.constant 0 : i32
    %dma_wait3A_24 = arith.constant 0 : i32
    %dma_wait3A_25 = arith.constant 0 : i32
    %dma_wait3A_26 = tpu.memref_slice %arg1[%dma_wait3A, %dma_wait3A_23, %dma_wait3A_24, %dma_wait3A_12, %dma_wait3A_25] : memref<32x52x52x3x85xf32, #tpu.memory_space<any>> -> memref<1x13x52x1x85xf32, #tpu.memory_space<any>>
    %dma_wait3A_27 = tpu.memref_squeeze %dma_wait3A_26 : memref<1x13x52x1x85xf32, #tpu.memory_space<any>> -> memref<13x52x85xf32, #tpu.memory_space<any>>
    tpu.wait_dma2 semaphore(%dma_wait3A_17 : memref<!tpu.dma_semaphore, #tpu.memory_space<semaphore_mem>>) src(%dma_wait3A_27 : memref<13x52x85xf32, #tpu.memory_space<any>>) dst(%dma_wait3A_22 : memref<13x52x85xf32, #tpu.memory_space<vmem>>)
    %dma_wait3A_28 = arith.constant 0 : i32
    %dma_wait3A_29 = arith.constant 0 : i32
    %dma_wait3A_30 = arith.constant 0 : i32
    %dma_wait3A_31 = arith.constant 1 : i32
    %dma_wait3A_32 = arith.constant 0 : i32
    %dma_wait3A_33 = tpu.memref_slice %arg6[%rem3A_0, %dma_wait3A_31, %dma_wait3A_32] : memref<2x2x3x!tpu.dma_semaphore, #tpu.memory_space<semaphore_mem>> -> memref<1x1x1x!tpu.dma_semaphore, #tpu.memory_space<semaphore_mem>>
    %dma_wait3A_34 = tpu.memref_squeeze %dma_wait3A_33 : memref<1x1x1x!tpu.dma_semaphore, #tpu.memory_space<semaphore_mem>> -> memref<!tpu.dma_semaphore, #tpu.memory_space<semaphore_mem>>
    %dma_wait3A_35 = arith.constant 0 : i32
    %dma_wait3A_36 = arith.constant 0 : i32
    %dma_wait3A_37 = arith.constant 0 : i32
    %dma_wait3A_38 = tpu.memref_slice %arg5[%rem3A_0, %dma_wait3A_30, %dma_wait3A_35, %dma_wait3A_36, %dma_wait3A_37] : memref<2x3x13x52x85xf32, #tpu.memory_space<vmem>> -> memref<1x1x13x52x85xf32, #tpu.memory_space<vmem>>
    %dma_wait3A_39 = tpu.memref_squeeze %dma_wait3A_38 : memref<1x1x13x52x85xf32, #tpu.memory_space<vmem>> -> memref<13x52x85xf32, #tpu.memory_space<vmem>>
    %dma_wait3A_40 = arith.constant 0 : i32
    %dma_wait3A_41 = arith.constant 0 : i32
    %dma_wait3A_42 = arith.constant 0 : i32
    %dma_wait3A_43 = tpu.memref_slice %arg2[%dma_wait3A_28, %dma_wait3A_40, %dma_wait3A_41, %dma_wait3A_29, %dma_wait3A_42] : memref<32x52x52x3x85xf32, #tpu.memory_space<any>> -> memref<1x13x52x1x85xf32, #tpu.memory_space<any>>
    %dma_wait3A_44 = tpu.memref_squeeze %dma_wait3A_43 : memref<1x13x52x1x85xf32, #tpu.memory_space<any>> -> memref<13x52x85xf32, #tpu.memory_space<any>>
    tpu.wait_dma2 semaphore(%dma_wait3A_34 : memref<!tpu.dma_semaphore, #tpu.memory_space<semaphore_mem>>) src(%dma_wait3A_44 : memref<13x52x85xf32, #tpu.memory_space<any>>) dst(%dma_wait3A_39 : memref<13x52x85xf32, #tpu.memory_space<vmem>>)
    %dma_wait3A_45 = arith.constant 0 : i32
    %dma_wait3A_46 = arith.constant 1 : i32
    %dma_wait3A_47 = arith.constant 1 : i32
    %dma_wait3A_48 = arith.constant 0 : i32
    %dma_wait3A_49 = arith.constant 1 : i32
    %dma_wait3A_50 = tpu.memref_slice %arg6[%rem3A_0, %dma_wait3A_48, %dma_wait3A_49] : memref<2x2x3x!tpu.dma_semaphore, #tpu.memory_space<semaphore_mem>> -> memref<1x1x1x!tpu.dma_semaphore, #tpu.memory_space<semaphore_mem>>
    %dma_wait3A_51 = tpu.memref_squeeze %dma_wait3A_50 : memref<1x1x1x!tpu.dma_semaphore, #tpu.memory_space<semaphore_mem>> -> memref<!tpu.dma_semaphore, #tpu.memory_space<semaphore_mem>>
    %dma_wait3A_52 = arith.constant 0 : i32
    %dma_wait3A_53 = arith.constant 0 : i32
    %dma_wait3A_54 = arith.constant 0 : i32
    %dma_wait3A_55 = tpu.memref_slice %arg4[%rem3A_0, %dma_wait3A_47, %dma_wait3A_52, %dma_wait3A_53, %dma_wait3A_54] : memref<2x3x13x52x85xf32, #tpu.memory_space<vmem>> -> memref<1x1x13x52x85xf32, #tpu.memory_space<vmem>>
    %dma_wait3A_56 = tpu.memref_squeeze %dma_wait3A_55 : memref<1x1x13x52x85xf32, #tpu.memory_space<vmem>> -> memref<13x52x85xf32, #tpu.memory_space<vmem>>
    %dma_wait3A_57 = arith.constant 0 : i32
    %dma_wait3A_58 = arith.constant 0 : i32
    %dma_wait3A_59 = arith.constant 0 : i32
    %dma_wait3A_60 = tpu.memref_slice %arg1[%dma_wait3A_45, %dma_wait3A_57, %dma_wait3A_58, %dma_wait3A_46, %dma_wait3A_59] : memref<32x52x52x3x85xf32, #tpu.memory_space<any>> -> memref<1x13x52x1x85xf32, #tpu.memory_space<any>>
    %dma_wait3A_61 = tpu.memref_squeeze %dma_wait3A_60 : memref<1x13x52x1x85xf32, #tpu.memory_space<any>> -> memref<13x52x85xf32, #tpu.memory_space<any>>
    tpu.wait_dma2 semaphore(%dma_wait3A_51 : memref<!tpu.dma_semaphore, #tpu.memory_space<semaphore_mem>>) src(%dma_wait3A_61 : memref<13x52x85xf32, #tpu.memory_space<any>>) dst(%dma_wait3A_56 : memref<13x52x85xf32, #tpu.memory_space<vmem>>)
    %dma_wait3A_62 = arith.constant 0 : i32
    %dma_wait3A_63 = arith.constant 1 : i32
    %dma_wait3A_64 = arith.constant 1 : i32
    %dma_wait3A_65 = arith.constant 1 : i32
    %dma_wait3A_66 = arith.constant 1 : i32
    %dma_wait3A_67 = tpu.memref_slice %arg6[%rem3A_0, %dma_wait3A_65, %dma_wait3A_66] : memref<2x2x3x!tpu.dma_semaphore, #tpu.memory_space<semaphore_mem>> -> memref<1x1x1x!tpu.dma_semaphore, #tpu.memory_space<semaphore_mem>>
    %dma_wait3A_68 = tpu.memref_squeeze %dma_wait3A_67 : memref<1x1x1x!tpu.dma_semaphore, #tpu.memory_space<semaphore_mem>> -> memref<!tpu.dma_semaphore, #tpu.memory_space<semaphore_mem>>
    %dma_wait3A_69 = arith.constant 0 : i32
    %dma_wait3A_70 = arith.constant 0 : i32
    %dma_wait3A_71 = arith.constant 0 : i32
    %dma_wait3A_72 = tpu.memref_slice %arg5[%rem3A_0, %dma_wait3A_64, %dma_wait3A_69, %dma_wait3A_70, %dma_wait3A_71] : memref<2x3x13x52x85xf32, #tpu.memory_space<vmem>> -> memref<1x1x13x52x85xf32, #tpu.memory_space<vmem>>
    %dma_wait3A_73 = tpu.memref_squeeze %dma_wait3A_72 : memref<1x1x13x52x85xf32, #tpu.memory_space<vmem>> -> memref<13x52x85xf32, #tpu.memory_space<vmem>>
    %dma_wait3A_74 = arith.constant 0 : i32
    %dma_wait3A_75 = arith.constant 0 : i32
    %dma_wait3A_76 = arith.constant 0 : i32
    %dma_wait3A_77 = tpu.memref_slice %arg2[%dma_wait3A_62, %dma_wait3A_74, %dma_wait3A_75, %dma_wait3A_63, %dma_wait3A_76] : memref<32x52x52x3x85xf32, #tpu.memory_space<any>> -> memref<1x13x52x1x85xf32, #tpu.memory_space<any>>
    %dma_wait3A_78 = tpu.memref_squeeze %dma_wait3A_77 : memref<1x13x52x1x85xf32, #tpu.memory_space<any>> -> memref<13x52x85xf32, #tpu.memory_space<any>>
    tpu.wait_dma2 semaphore(%dma_wait3A_68 : memref<!tpu.dma_semaphore, #tpu.memory_space<semaphore_mem>>) src(%dma_wait3A_78 : memref<13x52x85xf32, #tpu.memory_space<any>>) dst(%dma_wait3A_73 : memref<13x52x85xf32, #tpu.memory_space<vmem>>)
    %dma_wait3A_79 = arith.constant 0 : i32
    %dma_wait3A_80 = arith.constant 2 : i32
    %dma_wait3A_81 = arith.constant 2 : i32
    %dma_wait3A_82 = arith.constant 0 : i32
    %dma_wait3A_83 = arith.constant 2 : i32
    %dma_wait3A_84 = tpu.memref_slice %arg6[%rem3A_0, %dma_wait3A_82, %dma_wait3A_83] : memref<2x2x3x!tpu.dma_semaphore, #tpu.memory_space<semaphore_mem>> -> memref<1x1x1x!tpu.dma_semaphore, #tpu.memory_space<semaphore_mem>>
    %dma_wait3A_85 = tpu.memref_squeeze %dma_wait3A_84 : memref<1x1x1x!tpu.dma_semaphore, #tpu.memory_space<semaphore_mem>> -> memref<!tpu.dma_semaphore, #tpu.memory_space<semaphore_mem>>
    %dma_wait3A_86 = arith.constant 0 : i32
    %dma_wait3A_87 = arith.constant 0 : i32
    %dma_wait3A_88 = arith.constant 0 : i32
    %dma_wait3A_89 = tpu.memref_slice %arg4[%rem3A_0, %dma_wait3A_81, %dma_wait3A_86, %dma_wait3A_87, %dma_wait3A_88] : memref<2x3x13x52x85xf32, #tpu.memory_space<vmem>> -> memref<1x1x13x52x85xf32, #tpu.memory_space<vmem>>
    %dma_wait3A_90 = tpu.memref_squeeze %dma_wait3A_89 : memref<1x1x13x52x85xf32, #tpu.memory_space<vmem>> -> memref<13x52x85xf32, #tpu.memory_space<vmem>>
    %dma_wait3A_91 = arith.constant 0 : i32
    %dma_wait3A_92 = arith.constant 0 : i32
    %dma_wait3A_93 = arith.constant 0 : i32
    %dma_wait3A_94 = tpu.memref_slice %arg1[%dma_wait3A_79, %dma_wait3A_91, %dma_wait3A_92, %dma_wait3A_80, %dma_wait3A_93] : memref<32x52x52x3x85xf32, #tpu.memory_space<any>> -> memref<1x13x52x1x85xf32, #tpu.memory_space<any>>
    %dma_wait3A_95 = tpu.memref_squeeze %dma_wait3A_94 : memref<1x13x52x1x85xf32, #tpu.memory_space<any>> -> memref<13x52x85xf32, #tpu.memory_space<any>>
    tpu.wait_dma2 semaphore(%dma_wait3A_85 : memref<!tpu.dma_semaphore, #tpu.memory_space<semaphore_mem>>) src(%dma_wait3A_95 : memref<13x52x85xf32, #tpu.memory_space<any>>) dst(%dma_wait3A_90 : memref<13x52x85xf32, #tpu.memory_space<vmem>>)
    %dma_wait3A_96 = arith.constant 0 : i32
    %dma_wait3A_97 = arith.constant 2 : i32
    %dma_wait3A_98 = arith.constant 2 : i32
    %dma_wait3A_99 = arith.constant 1 : i32
    %dma_wait3A_100 = arith.constant 2 : i32
    %dma_wait3A_101 = tpu.memref_slice %arg6[%rem3A_0, %dma_wait3A_99, %dma_wait3A_100] : memref<2x2x3x!tpu.dma_semaphore, #tpu.memory_space<semaphore_mem>> -> memref<1x1x1x!tpu.dma_semaphore, #tpu.memory_space<semaphore_mem>>
    %dma_wait3A_102 = tpu.memref_squeeze %dma_wait3A_101 : memref<1x1x1x!tpu.dma_semaphore, #tpu.memory_space<semaphore_mem>> -> memref<!tpu.dma_semaphore, #tpu.memory_space<semaphore_mem>>
    %dma_wait3A_103 = arith.constant 0 : i32
    %dma_wait3A_104 = arith.constant 0 : i32
    %dma_wait3A_105 = arith.constant 0 : i32
    %dma_wait3A_106 = tpu.memref_slice %arg5[%rem3A_0, %dma_wait3A_98, %dma_wait3A_103, %dma_wait3A_104, %dma_wait3A_105] : memref<2x3x13x52x85xf32, #tpu.memory_space<vmem>> -> memref<1x1x13x52x85xf32, #tpu.memory_space<vmem>>
    %dma_wait3A_107 = tpu.memref_squeeze %dma_wait3A_106 : memref<1x1x13x52x85xf32, #tpu.memory_space<vmem>> -> memref<13x52x85xf32, #tpu.memory_space<vmem>>
    %dma_wait3A_108 = arith.constant 0 : i32
    %dma_wait3A_109 = arith.constant 0 : i32
    %dma_wait3A_110 = arith.constant 0 : i32
    %dma_wait3A_111 = tpu.memref_slice %arg2[%dma_wait3A_96, %dma_wait3A_108, %dma_wait3A_109, %dma_wait3A_97, %dma_wait3A_110] : memref<32x52x52x3x85xf32, #tpu.memory_space<any>> -> memref<1x13x52x1x85xf32, #tpu.memory_space<any>>
    %dma_wait3A_112 = tpu.memref_squeeze %dma_wait3A_111 : memref<1x13x52x1x85xf32, #tpu.memory_space<any>> -> memref<13x52x85xf32, #tpu.memory_space<any>>
    tpu.wait_dma2 semaphore(%dma_wait3A_102 : memref<!tpu.dma_semaphore, #tpu.memory_space<semaphore_mem>>) src(%dma_wait3A_112 : memref<13x52x85xf32, #tpu.memory_space<any>>) dst(%dma_wait3A_107 : memref<13x52x85xf32, #tpu.memory_space<vmem>>)
    %get3A = arith.index_cast %rem3A_0 : i32 to index
    %get3A_113 = arith.constant 0 : index
    %get3A_114 = arith.constant 0 : index
    %get3A_115 = arith.constant 0 : index
    %get3A_116 = arith.constant 0 : index
    %get3A_117 = vector.load %arg4[%get3A, %get3A_113, %get3A_114, %get3A_115, %get3A_116] : memref<2x3x13x52x85xf32, #tpu.memory_space<vmem>>, vector<1x1x13x52x85xf32>
    %get3A_118 = vector.shape_cast %get3A_117 : vector<1x1x13x52x85xf32> to vector<13x52x85xf32>
    %get3A_119 = arith.index_cast %rem3A_0 : i32 to index
    %get3A_120 = arith.constant 0 : index
    %get3A_121 = arith.constant 0 : index
    %get3A_122 = arith.constant 0 : index
    %get3A_123 = arith.constant 0 : index
    %get3A_124 = vector.load %arg5[%get3A_119, %get3A_120, %get3A_121, %get3A_122, %get3A_123] : memref<2x3x13x52x85xf32, #tpu.memory_space<vmem>>, vector<1x1x13x52x85xf32>
    %get3A_125 = vector.shape_cast %get3A_124 : vector<1x1x13x52x85xf32> to vector<13x52x85xf32>
    %iota3A = tpu.iota {dimensions = array<i32: 2>} : vector<13x52x85xi32>
    %slice3A = vector.extract_strided_slice %get3A_125 {offsets = [0, 0, 4], sizes = [13, 52, 1], strides = [1, 1, 1]} : vector<13x52x85xf32> to vector<13x52x1xf32>
    %lt3A_126 = arith.constant 4 : i32
    %lt3A_127 = vector.broadcast %lt3A_126 : i32 to vector<13x52x85xi32>
    %lt3A_128 = arith.cmpi slt, %iota3A, %lt3A_127 : vector<13x52x85xi32>
    %mul3A = arith.constant 5.000000e+00 : f32
    %mul3A_129 = vector.broadcast %mul3A : f32 to vector<13x52x1xf32>
    %mul3A_130 = arith.mulf %mul3A_129, %slice3A : vector<13x52x1xf32>
    %jit3A = arith.constant 0.000000e+00 : f32
    %broadcast_in_dim3A = vector.shape_cast %mul3A_130 : vector<13x52x1xf32> to vector<13x52x1xf32>
    %broadcast_in_dim3A_131 = vector.broadcast %broadcast_in_dim3A : vector<13x52x1xf32> to vector<13x52x85xf32>
    %broadcast_in_dim3A_132 = vector.broadcast %jit3A : f32 to vector<13x52x85xf32>
    %select_n3A = arith.select %lt3A_128, %broadcast_in_dim3A_131, %broadcast_in_dim3A_132 : vector<13x52x85xi1>, vector<13x52x85xf32>
    %eq3A_133 = arith.constant 4 : i32
    %eq3A_134 = vector.broadcast %eq3A_133 : i32 to vector<13x52x85xi32>
    %eq3A_135 = arith.cmpi eq, %iota3A, %eq3A_134 : vector<13x52x85xi32>
    %mul3A_136 = arith.constant 5.000000e-01 : f32
    %mul3A_137 = vector.broadcast %mul3A_136 : f32 to vector<13x52x1xf32>
    %mul3A_138 = arith.mulf %mul3A_137, %slice3A : vector<13x52x1xf32>
    %add3A_139 = arith.constant 5.000000e-01 : f32
    %add3A_140 = vector.broadcast %add3A_139 : f32 to vector<13x52x1xf32>
    %add3A_141 = arith.addf %add3A_140, %mul3A_138 : vector<13x52x1xf32>
    %ge3A = arith.constant 5 : i32
    %ge3A_142 = vector.broadcast %ge3A : i32 to vector<13x52x85xi32>
    %ge3A_143 = arith.cmpi sge, %iota3A, %ge3A_142 : vector<13x52x85xi32>
    %jit3A_144 = arith.constant 0.000000e+00 : f32
    %broadcast_in_dim3A_145 = vector.shape_cast %slice3A : vector<13x52x1xf32> to vector<13x52x1xf32>
    %broadcast_in_dim3A_146 = vector.broadcast %broadcast_in_dim3A_145 : vector<13x52x1xf32> to vector<13x52x85xf32>
    %broadcast_in_dim3A_147 = vector.broadcast %jit3A_144 : f32 to vector<13x52x85xf32>
    %select_n3A_148 = arith.select %ge3A_143, %broadcast_in_dim3A_146, %broadcast_in_dim3A_147 : vector<13x52x85xi1>, vector<13x52x85xf32>
    %broadcast_in_dim3A_149 = vector.shape_cast %add3A_141 : vector<13x52x1xf32> to vector<13x52x1xf32>
    %broadcast_in_dim3A_150 = vector.broadcast %broadcast_in_dim3A_149 : vector<13x52x1xf32> to vector<13x52x85xf32>
    %select_n3A_151 = arith.select %eq3A_135, %broadcast_in_dim3A_150, %select_n3A_148 : vector<13x52x85xi1>, vector<13x52x85xf32>
    %sub3A = arith.subf %get3A_125, %get3A_118 : vector<13x52x85xf32>
    %max3A = arith.constant 0.000000e+00 : f32
    %max3A_152 = vector.broadcast %max3A : f32 to vector<13x52x85xf32>
    %max3A_153 = arith.maximumf %get3A_118, %max3A_152 : vector<13x52x85xf32>
    %mul3A_154 = arith.mulf %get3A_118, %get3A_125 : vector<13x52x85xf32>
    %sub3A_155 = arith.subf %max3A_153, %mul3A_154 : vector<13x52x85xf32>
    %abs3A = math.absf %get3A_118 : vector<13x52x85xf32>
    %neg3A = arith.constant 0.000000e+00 : f32
    %neg3A_156 = vector.broadcast %neg3A : f32 to vector<13x52x85xf32>
    %neg3A_157 = arith.subf %neg3A_156, %abs3A : vector<13x52x85xf32>
    %exp3A = math.exp %neg3A_157 : vector<13x52x85xf32>
    %log1p3A = math.log1p %exp3A : vector<13x52x85xf32>
    %add3A_158 = arith.addf %sub3A_155, %log1p3A : vector<13x52x85xf32>
    %mul3A_159 = arith.mulf %sub3A, %sub3A : vector<13x52x85xf32>
    %mul3A_160 = arith.mulf %select_n3A, %mul3A_159 : vector<13x52x85xf32>
    %mul3A_161 = arith.mulf %select_n3A_151, %add3A_158 : vector<13x52x85xf32>
    %add3A_162 = arith.addf %mul3A_160, %mul3A_161 : vector<13x52x85xf32>
    %reduce_sum3A = vector.shape_cast %add3A_162 : vector<13x52x85xf32> to vector<1x13x52x85xf32>
    %reduce_sum3A_163 = arith.constant dense<0.000000e+00> : vector<1xf32>
    %reduce_sum3A_164 = vector.multi_reduction <add>, %reduce_sum3A, %reduce_sum3A_163 [1, 2, 3] : vector<1x13x52x85xf32> to vector<1xf32>
    %reduce_sum3A_165 = vector.shape_cast %reduce_sum3A_164 : vector<1xf32> to vector<1x1x1x1xf32>
    %reduce_sum3A_166 = vector.extract %reduce_sum3A_165[0, 0, 0, 0] : f32 from vector<1x1x1x1xf32>
    %add3A_167 = arith.constant 0.000000e+00 : f32
    %add3A_168 = arith.addf %add3A_167, %reduce_sum3A_166 : f32
    %get3A_169 = arith.index_cast %rem3A_0 : i32 to index
    %get3A_170 = arith.constant 1 : index
    %get3A_171 = arith.constant 0 : index
    %get3A_172 = arith.constant 0 : index
    %get3A_173 = arith.constant 0 : index
    %get3A_174 = vector.load %arg4[%get3A_169, %get3A_170, %get3A_171, %get3A_172, %get3A_173] : memref<2x3x13x52x85xf32, #tpu.memory_space<vmem>>, vector<1x1x13x52x85xf32>
    %get3A_175 = vector.shape_cast %get3A_174 : vector<1x1x13x52x85xf32> to vector<13x52x85xf32>
    %get3A_176 = arith.index_cast %rem3A_0 : i32 to index
    %get3A_177 = arith.constant 1 : index
    %get3A_178 = arith.constant 0 : index
    %get3A_179 = arith.constant 0 : index
    %get3A_180 = arith.constant 0 : index
    %get3A_181 = vector.load %arg5[%get3A_176, %get3A_177, %get3A_178, %get3A_179, %get3A_180] : memref<2x3x13x52x85xf32, #tpu.memory_space<vmem>>, vector<1x1x13x52x85xf32>
    %get3A_182 = vector.shape_cast %get3A_181 : vector<1x1x13x52x85xf32> to vector<13x52x85xf32>
    %iota3A_183 = tpu.iota {dimensions = array<i32: 2>} : vector<13x52x85xi32>
    %slice3A_184 = vector.extract_strided_slice %get3A_182 {offsets = [0, 0, 4], sizes = [13, 52, 1], strides = [1, 1, 1]} : vector<13x52x85xf32> to vector<13x52x1xf32>
    %lt3A_185 = arith.constant 4 : i32
    %lt3A_186 = vector.broadcast %lt3A_185 : i32 to vector<13x52x85xi32>
    %lt3A_187 = arith.cmpi slt, %iota3A_183, %lt3A_186 : vector<13x52x85xi32>
    %mul3A_188 = arith.constant 5.000000e+00 : f32
    %mul3A_189 = vector.broadcast %mul3A_188 : f32 to vector<13x52x1xf32>
    %mul3A_190 = arith.mulf %mul3A_189, %slice3A_184 : vector<13x52x1xf32>
    %jit3A_191 = arith.constant 0.000000e+00 : f32
    %broadcast_in_dim3A_192 = vector.shape_cast %mul3A_190 : vector<13x52x1xf32> to vector<13x52x1xf32>
    %broadcast_in_dim3A_193 = vector.broadcast %broadcast_in_dim3A_192 : vector<13x52x1xf32> to vector<13x52x85xf32>
    %broadcast_in_dim3A_194 = vector.broadcast %jit3A_191 : f32 to vector<13x52x85xf32>
    %select_n3A_195 = arith.select %lt3A_187, %broadcast_in_dim3A_193, %broadcast_in_dim3A_194 : vector<13x52x85xi1>, vector<13x52x85xf32>
    %eq3A_196 = arith.constant 4 : i32
    %eq3A_197 = vector.broadcast %eq3A_196 : i32 to vector<13x52x85xi32>
    %eq3A_198 = arith.cmpi eq, %iota3A_183, %eq3A_197 : vector<13x52x85xi32>
    %mul3A_199 = arith.constant 5.000000e-01 : f32
    %mul3A_200 = vector.broadcast %mul3A_199 : f32 to vector<13x52x1xf32>
    %mul3A_201 = arith.mulf %mul3A_200, %slice3A_184 : vector<13x52x1xf32>
    %add3A_202 = arith.constant 5.000000e-01 : f32
    %add3A_203 = vector.broadcast %add3A_202 : f32 to vector<13x52x1xf32>
    %add3A_204 = arith.addf %add3A_203, %mul3A_201 : vector<13x52x1xf32>
    %ge3A_205 = arith.constant 5 : i32
    %ge3A_206 = vector.broadcast %ge3A_205 : i32 to vector<13x52x85xi32>
    %ge3A_207 = arith.cmpi sge, %iota3A_183, %ge3A_206 : vector<13x52x85xi32>
    %jit3A_208 = arith.constant 0.000000e+00 : f32
    %broadcast_in_dim3A_209 = vector.shape_cast %slice3A_184 : vector<13x52x1xf32> to vector<13x52x1xf32>
    %broadcast_in_dim3A_210 = vector.broadcast %broadcast_in_dim3A_209 : vector<13x52x1xf32> to vector<13x52x85xf32>
    %broadcast_in_dim3A_211 = vector.broadcast %jit3A_208 : f32 to vector<13x52x85xf32>
    %select_n3A_212 = arith.select %ge3A_207, %broadcast_in_dim3A_210, %broadcast_in_dim3A_211 : vector<13x52x85xi1>, vector<13x52x85xf32>
    %broadcast_in_dim3A_213 = vector.shape_cast %add3A_204 : vector<13x52x1xf32> to vector<13x52x1xf32>
    %broadcast_in_dim3A_214 = vector.broadcast %broadcast_in_dim3A_213 : vector<13x52x1xf32> to vector<13x52x85xf32>
    %select_n3A_215 = arith.select %eq3A_198, %broadcast_in_dim3A_214, %select_n3A_212 : vector<13x52x85xi1>, vector<13x52x85xf32>
    %sub3A_216 = arith.subf %get3A_182, %get3A_175 : vector<13x52x85xf32>
    %max3A_217 = arith.constant 0.000000e+00 : f32
    %max3A_218 = vector.broadcast %max3A_217 : f32 to vector<13x52x85xf32>
    %max3A_219 = arith.maximumf %get3A_175, %max3A_218 : vector<13x52x85xf32>
    %mul3A_220 = arith.mulf %get3A_175, %get3A_182 : vector<13x52x85xf32>
    %sub3A_221 = arith.subf %max3A_219, %mul3A_220 : vector<13x52x85xf32>
    %abs3A_222 = math.absf %get3A_175 : vector<13x52x85xf32>
    %neg3A_223 = arith.constant 0.000000e+00 : f32
    %neg3A_224 = vector.broadcast %neg3A_223 : f32 to vector<13x52x85xf32>
    %neg3A_225 = arith.subf %neg3A_224, %abs3A_222 : vector<13x52x85xf32>
    %exp3A_226 = math.exp %neg3A_225 : vector<13x52x85xf32>
    %log1p3A_227 = math.log1p %exp3A_226 : vector<13x52x85xf32>
    %add3A_228 = arith.addf %sub3A_221, %log1p3A_227 : vector<13x52x85xf32>
    %mul3A_229 = arith.mulf %sub3A_216, %sub3A_216 : vector<13x52x85xf32>
    %mul3A_230 = arith.mulf %select_n3A_195, %mul3A_229 : vector<13x52x85xf32>
    %mul3A_231 = arith.mulf %select_n3A_215, %add3A_228 : vector<13x52x85xf32>
    %add3A_232 = arith.addf %mul3A_230, %mul3A_231 : vector<13x52x85xf32>
    %reduce_sum3A_233 = vector.shape_cast %add3A_232 : vector<13x52x85xf32> to vector<1x13x52x85xf32>
    %reduce_sum3A_234 = arith.constant dense<0.000000e+00> : vector<1xf32>
    %reduce_sum3A_235 = vector.multi_reduction <add>, %reduce_sum3A_233, %reduce_sum3A_234 [1, 2, 3] : vector<1x13x52x85xf32> to vector<1xf32>
    %reduce_sum3A_236 = vector.shape_cast %reduce_sum3A_235 : vector<1xf32> to vector<1x1x1x1xf32>
    %reduce_sum3A_237 = vector.extract %reduce_sum3A_236[0, 0, 0, 0] : f32 from vector<1x1x1x1xf32>
    %add3A_238 = arith.addf %add3A_168, %reduce_sum3A_237 : f32
    %get3A_239 = arith.index_cast %rem3A_0 : i32 to index
    %get3A_240 = arith.constant 2 : index
    %get3A_241 = arith.constant 0 : index
    %get3A_242 = arith.constant 0 : index
    %get3A_243 = arith.constant 0 : index
    %get3A_244 = vector.load %arg4[%get3A_239, %get3A_240, %get3A_241, %get3A_242, %get3A_243] : memref<2x3x13x52x85xf32, #tpu.memory_space<vmem>>, vector<1x1x13x52x85xf32>
    %get3A_245 = vector.shape_cast %get3A_244 : vector<1x1x13x52x85xf32> to vector<13x52x85xf32>
    %get3A_246 = arith.index_cast %rem3A_0 : i32 to index
    %get3A_247 = arith.constant 2 : index
    %get3A_248 = arith.constant 0 : index
    %get3A_249 = arith.constant 0 : index
    %get3A_250 = arith.constant 0 : index
    %get3A_251 = vector.load %arg5[%get3A_246, %get3A_247, %get3A_248, %get3A_249, %get3A_250] : memref<2x3x13x52x85xf32, #tpu.memory_space<vmem>>, vector<1x1x13x52x85xf32>
    %get3A_252 = vector.shape_cast %get3A_251 : vector<1x1x13x52x85xf32> to vector<13x52x85xf32>
    %iota3A_253 = tpu.iota {dimensions = array<i32: 2>} : vector<13x52x85xi32>
    %slice3A_254 = vector.extract_strided_slice %get3A_252 {offsets = [0, 0, 4], sizes = [13, 52, 1], strides = [1, 1, 1]} : vector<13x52x85xf32> to vector<13x52x1xf32>
    %lt3A_255 = arith.constant 4 : i32
    %lt3A_256 = vector.broadcast %lt3A_255 : i32 to vector<13x52x85xi32>
    %lt3A_257 = arith.cmpi slt, %iota3A_253, %lt3A_256 : vector<13x52x85xi32>
    %mul3A_258 = arith.constant 5.000000e+00 : f32
    %mul3A_259 = vector.broadcast %mul3A_258 : f32 to vector<13x52x1xf32>
    %mul3A_260 = arith.mulf %mul3A_259, %slice3A_254 : vector<13x52x1xf32>
    %jit3A_261 = arith.constant 0.000000e+00 : f32
    %broadcast_in_dim3A_262 = vector.shape_cast %mul3A_260 : vector<13x52x1xf32> to vector<13x52x1xf32>
    %broadcast_in_dim3A_263 = vector.broadcast %broadcast_in_dim3A_262 : vector<13x52x1xf32> to vector<13x52x85xf32>
    %broadcast_in_dim3A_264 = vector.broadcast %jit3A_261 : f32 to vector<13x52x85xf32>
    %select_n3A_265 = arith.select %lt3A_257, %broadcast_in_dim3A_263, %broadcast_in_dim3A_264 : vector<13x52x85xi1>, vector<13x52x85xf32>
    %eq3A_266 = arith.constant 4 : i32
    %eq3A_267 = vector.broadcast %eq3A_266 : i32 to vector<13x52x85xi32>
    %eq3A_268 = arith.cmpi eq, %iota3A_253, %eq3A_267 : vector<13x52x85xi32>
    %mul3A_269 = arith.constant 5.000000e-01 : f32
    %mul3A_270 = vector.broadcast %mul3A_269 : f32 to vector<13x52x1xf32>
    %mul3A_271 = arith.mulf %mul3A_270, %slice3A_254 : vector<13x52x1xf32>
    %add3A_272 = arith.constant 5.000000e-01 : f32
    %add3A_273 = vector.broadcast %add3A_272 : f32 to vector<13x52x1xf32>
    %add3A_274 = arith.addf %add3A_273, %mul3A_271 : vector<13x52x1xf32>
    %ge3A_275 = arith.constant 5 : i32
    %ge3A_276 = vector.broadcast %ge3A_275 : i32 to vector<13x52x85xi32>
    %ge3A_277 = arith.cmpi sge, %iota3A_253, %ge3A_276 : vector<13x52x85xi32>
    %jit3A_278 = arith.constant 0.000000e+00 : f32
    %broadcast_in_dim3A_279 = vector.shape_cast %slice3A_254 : vector<13x52x1xf32> to vector<13x52x1xf32>
    %broadcast_in_dim3A_280 = vector.broadcast %broadcast_in_dim3A_279 : vector<13x52x1xf32> to vector<13x52x85xf32>
    %broadcast_in_dim3A_281 = vector.broadcast %jit3A_278 : f32 to vector<13x52x85xf32>
    %select_n3A_282 = arith.select %ge3A_277, %broadcast_in_dim3A_280, %broadcast_in_dim3A_281 : vector<13x52x85xi1>, vector<13x52x85xf32>
    %broadcast_in_dim3A_283 = vector.shape_cast %add3A_274 : vector<13x52x1xf32> to vector<13x52x1xf32>
    %broadcast_in_dim3A_284 = vector.broadcast %broadcast_in_dim3A_283 : vector<13x52x1xf32> to vector<13x52x85xf32>
    %select_n3A_285 = arith.select %eq3A_268, %broadcast_in_dim3A_284, %select_n3A_282 : vector<13x52x85xi1>, vector<13x52x85xf32>
    %sub3A_286 = arith.subf %get3A_252, %get3A_245 : vector<13x52x85xf32>
    %max3A_287 = arith.constant 0.000000e+00 : f32
    %max3A_288 = vector.broadcast %max3A_287 : f32 to vector<13x52x85xf32>
    %max3A_289 = arith.maximumf %get3A_245, %max3A_288 : vector<13x52x85xf32>
    %mul3A_290 = arith.mulf %get3A_245, %get3A_252 : vector<13x52x85xf32>
    %sub3A_291 = arith.subf %max3A_289, %mul3A_290 : vector<13x52x85xf32>
    %abs3A_292 = math.absf %get3A_245 : vector<13x52x85xf32>
    %neg3A_293 = arith.constant 0.000000e+00 : f32
    %neg3A_294 = vector.broadcast %neg3A_293 : f32 to vector<13x52x85xf32>
    %neg3A_295 = arith.subf %neg3A_294, %abs3A_292 : vector<13x52x85xf32>
    %exp3A_296 = math.exp %neg3A_295 : vector<13x52x85xf32>
    %log1p3A_297 = math.log1p %exp3A_296 : vector<13x52x85xf32>
    %add3A_298 = arith.addf %sub3A_291, %log1p3A_297 : vector<13x52x85xf32>
    %mul3A_299 = arith.mulf %sub3A_286, %sub3A_286 : vector<13x52x85xf32>
    %mul3A_300 = arith.mulf %select_n3A_265, %mul3A_299 : vector<13x52x85xf32>
    %mul3A_301 = arith.mulf %select_n3A_285, %add3A_298 : vector<13x52x85xf32>
    %add3A_302 = arith.addf %mul3A_300, %mul3A_301 : vector<13x52x85xf32>
    %reduce_sum3A_303 = vector.shape_cast %add3A_302 : vector<13x52x85xf32> to vector<1x13x52x85xf32>
    %reduce_sum3A_304 = arith.constant dense<0.000000e+00> : vector<1xf32>
    %reduce_sum3A_305 = vector.multi_reduction <add>, %reduce_sum3A_303, %reduce_sum3A_304 [1, 2, 3] : vector<1x13x52x85xf32> to vector<1xf32>
    %reduce_sum3A_306 = vector.shape_cast %reduce_sum3A_305 : vector<1xf32> to vector<1x1x1x1xf32>
    %reduce_sum3A_307 = vector.extract %reduce_sum3A_306[0, 0, 0, 0] : f32 from vector<1x1x1x1xf32>
    %add3A_308 = arith.addf %add3A_238, %reduce_sum3A_307 : f32
    %eq3A_309 = arith.constant 0 : i32
    %eq3A_310 = arith.cmpi eq, %arg0, %eq3A_309 : i32
    %convert_element_type3A_311 = arith.extui %eq3A_310 : i1 to i32
    %cond3A_312 = arith.constant 0 : i32
    %cond3A_313 = arith.cmpi ne, %convert_element_type3A_311, %cond3A_312 : i32
    scf.if %cond3A_313 {
      %swap3A = arith.constant 0 : index
      %swap3A_318 = arith.constant 0 : index
      %swap3A_319 = memref.load %arg3[%swap3A, %swap3A_318] : memref<1x1xf32, #tpu.memory_space<smem>>
      memref.store %add3A_308, %arg3[%swap3A, %swap3A_318] : memref<1x1xf32, #tpu.memory_space<smem>>
    } else {
    }
    %ne3A = arith.constant 0 : i32
    %ne3A_314 = arith.cmpi ne, %arg0, %ne3A : i32
    %convert_element_type3A_315 = arith.extui %ne3A_314 : i1 to i32
    %cond3A_316 = arith.constant 0 : i32
    %cond3A_317 = arith.cmpi ne, %convert_element_type3A_315, %cond3A_316 : i32
    scf.if %cond3A_317 {
      %get3A_318 = arith.constant 0 : index
      %get3A_319 = arith.constant 0 : index
      %get3A_320 = memref.load %arg3[%get3A_318, %get3A_319] : memref<1x1xf32, #tpu.memory_space<smem>>
      %add3A_321 = arith.addf %get3A_320, %add3A_308 : f32
      %swap3A = arith.constant 0 : index
      %swap3A_322 = arith.constant 0 : index
      %swap3A_323 = memref.load %arg3[%swap3A, %swap3A_322] : memref<1x1xf32, #tpu.memory_space<smem>>
      memref.store %add3A_321, %arg3[%swap3A, %swap3A_322] : memref<1x1xf32, #tpu.memory_space<smem>>
    } else {
    }
    return
  }
  func.func @transform_2(%arg0: i32) -> (i32, i32) {
    %c0_i32 = arith.constant 0 : i32
    %c0_i32_0 = arith.constant 0 : i32
    %c0_i32_1 = arith.constant 0 : i32
    return %c0_i32, %c0_i32_0 : i32, i32
  }
}

</mosaic_0001>

<sc_bundles>
// kernel: kernel.4.cloned.1.call-start
scs
__scs_entry_jumppad:
0x0: {  	(pc) =	sbr.rel $0x88, $3  }
0x1: {  	(tag) =	ssettag $0x0;
	lr =	simm.s32 $0x1  }
0x2: {  	[smem:$0x3F9F] =	sst lr;
	_ =	strace $0xD0000000  }
0x3: {  	_ = 	snop  }
0x4: {  	_ = 	snop  }
0x5: {  	_ = 	snop  }
0x6: {  	_ = 	snop  }
0x7: {  	_ = 	snop  }
__scs_overlays_trampoline_lowered:
0x8: {  	[smem:$0x3FAE] =	sst s0  }
0x9: {  	[smem:$0x3FAF] =	sst s1  }
0xa: {  	[smem:$0x3FB0] =	sst s2  }
0xb: {  	[smem:$0x3FB1] =	sst s3  }
0xc: {  	[smem:$0x3FB2] =	sst s4  }
0xd: {  	[smem:$0x3FB3] =	sst s5  }
0xe: {  	[smem:$0x3FB4] =	sst s6  }
0xf: {  	[smem:$0x3FB5] =	sst s7  }
0x10: {  	[smem:$0x3FB6] =	sst s8  }
0x11: {  	[smem:$0x3FB7] =	sst s9;
	s0 =	simm.s32 @!p0 $0x0  }
0x12: {  	s1 =	sld [smem:$0x3F9D];
	s0 =	simm.s32 @p0 $0x1  }
0x13: {  	[smem:$0x3FB8] =	sst s0;
	s0 =	simm.s32 @!p1 $0x0  }
0x14: {  	s2 =	sld [smem:$0x3F9C];
	s0 =	simm.s32 @p1 $0x1  }
0x15: {  	[smem:$0x3FB9] =	sst s0;
	s0 =	simm.s32 @!p2 $0x0  }
0x16: {  	s3 =	sld [smem:$0x3FDB];
	s0 =	simm.s32 @p2 $0x1  }
0x17: {  	s4 =	simm.s32 $0x1BF5;
	[smem:$0x3FBB] =	sst s0  }
0x18: {  	s0 =	sld [smem:$0x3F9E];
	_ =	swait.ge [sflag:s4], $0x0  }
0x19: {  	s7 =	sld [smem:$0x3F9F]  }
0x1a: {  	s8 =	sadd.s32 $0xFFFFE003, lr  }
0x1b: {  	s9 =	sadd.s32 $0xFFFFFEF7, lr;
	s5 =	simm.s32 $0xFFFFFFFF;
	p2 =	slt.u32 s8, $0xFFFFF086  }
0x1c: {  	p1 =	slt.u32 s9, $0xF7A;
	s5 =	simm.s32 @!p2 $0x0  }
0x1d: {  	s5 =	simm.s32 @p1 $0x1;
	p0 =	seq.s32 s7, s2  }
0x1e: {  	s7 =	smul.u32 @!p0 $0xF7A, s2;
	p2 =	seq.s32 @!p0 s5, $0x0  }
0x1f: {  	s9 =	smul.u32 $0xF7A, s1;
	s8 =	simm.s32 @!p0 $0x1BF5;
	p2 =	por !p2, p0  }
0x20: {  	[sflag:s8] =	ssyncset.s32 @!p0 $0xFFFFF086;
	s6 =	sadd.s32 @!p0 s3, s7;
	s7 =	simm.s32 @!p0 $0x108  }
0x21: {  	s3 =	sadd.s32 s3, s9;
	s6 =	sadd.s32 @!p0 $0x88, s6;
	s7 =	simm.s32 @p2 $0x1082  }
0x22: {  	[simem:s7], [sflag:s8] =	dma.local @!p0 [hbm:s6], $0xF7A  }
0x23: {  	s9 =	sor.u32 $0xD0000000, s2;
	s6 =	simm.s32 $0x108;
	_ =	swait.ge @!p0 [sflag:s8], $0x0  }
0x24: {  	s3 =	sadd.s32 $0x88, s3;
	s6 =	simm.s32 @!p1 $0x1082;
	[sflag:s4] =	ssyncset.s32 $0xFFFFF086  }
0x25: {  	[simem:s6], [sflag:s4] =	dma.local [hbm:s3], $0xF7A  }
0x26: {  	[smem:$0x3F9F] =	sst s1;
	(tag) =	ssettag s2;
	_ =	strace s9  }
0x27: {  	s1 =	sld [smem:$0x3FAF]  }
0x28: {  	s2 =	sld [smem:$0x3FB0]  }
0x29: {  	s4 =	sld [smem:$0x3FB2]  }
0x2a: {  	p0 =	seq.s32 s5, $0x0;
	s5 =	sld [smem:$0x3FB3]  }
0x2b: {  	s6 =	sld [smem:$0x3FB4]  }
0x2c: {  	s7 =	sld [smem:$0x3FB5]  }
0x2d: {  	s3 =	simm.s32 $0x108;
	s8 =	sld [smem:$0x3FB6]  }
0x2e: {  	s3 =	simm.s32 @!p0 $0x1082;
	s9 =	sld [smem:$0x3FB7]  }
0x2f: {  	lr =	sadd.s32 s0, s3;
	s0 =	sld [smem:$0x3FAE]  }
0x30: {  	s3 =	sld [smem:$0x3FB1]  }
0x31: {  	[smem:$0x3FBA] =	sst s10  }
0x32: {  	s10 =	sld [smem:$0x3FB8];
	_ =	sdelay $0x3  }
0x33: {  	p0 =	seq.s32 s10, $0x1;
	s10 =	sld [smem:$0x3FBA];
	_ =	sdelay $0x3  }
0x34: {  	[smem:$0x3FBA] =	sst s10  }
0x35: {  	s10 =	sld [smem:$0x3FB9];
	_ =	sdelay $0x3  }
0x36: {  	p1 =	seq.s32 s10, $0x1;
	s10 =	sld [smem:$0x3FBA];
	_ =	sdelay $0x3  }
0x37: {  	[smem:$0x3FBA] =	sst s10  }
0x38: {  	s10 =	sld [smem:$0x3FBB]  }
0x39: {  	_ = 	snop;
	(pc) =	sbr.ind lr, $3  }
0x3a: {  	_ = 	snop  }
0x3b: {  	_ = 	snop  }
0x3c: {  	p2 =	seq.s32 s10, $0x1;
	s10 =	sld [smem:$0x3FBA]  }
0x3d: {  	_ =	shalt  }
0x3e: {  	_ =	shalt  }
0x3f: {  	_ =	shalt  }
0x40: {  	_ =	shalt  }
0x41: {  	_ =	shalt  }
0x42: {  	_ =	shalt  }
0x43: {  	_ =	shalt  }
0x44: {  	_ =	shalt  }
0x45: {  	_ =	shalt  }
0x46: {  	_ =	shalt  }
0x47: {  	_ =	shalt  }
0x48: {  	_ =	shalt  }
0x49: {  	_ =	shalt  }
0x4a: {  	_ =	shalt  }
0x4b: {  	_ =	shalt  }
0x4c: {  	_ =	shalt  }
0x4d: {  	_ =	shalt  }
0x4e: {  	_ =	shalt  }
0x4f: {  	_ =	shalt  }
0x50: {  	_ =	shalt  }
0x51: {  	_ =	shalt  }
0x52: {  	_ =	shalt  }
0x53: {  	_ =	shalt  }
0x54: {  	_ =	shalt  }
0x55: {  	_ =	shalt  }
0x56: {  	_ =	shalt  }
0x57: {  	_ =	shalt  }
0x58: {  	_ =	shalt  }
0x59: {  	_ =	shalt  }
0x5a: {  	_ =	shalt  }
0x5b: {  	_ =	shalt  }
0x5c: {  	_ =	shalt  }
0x5d: {  	_ =	shalt  }
0x5e: {  	_ =	shalt  }
0x5f: {  	_ =	shalt  }
0x60: {  	_ =	shalt  }
0x61: {  	_ =	shalt  }
0x62: {  	_ =	shalt  }
0x63: {  	_ =	shalt  }
0x64: {  	_ =	shalt  }
0x65: {  	_ =	shalt  }
0x66: {  	_ =	shalt  }
0x67: {  	_ =	shalt  }
0x68: {  	_ =	shalt  }
0x69: {  	_ =	shalt  }
0x6a: {  	_ =	shalt  }
0x6b: {  	_ =	shalt  }
0x6c: {  	_ =	shalt  }
0x6d: {  	_ =	shalt  }
0x6e: {  	_ =	shalt  }
0x6f: {  	_ =	shalt  }
0x70: {  	_ =	shalt  }
0x71: {  	_ =	shalt  }
0x72: {  	_ =	shalt  }
0x73: {  	_ =	shalt  }
0x74: {  	_ =	shalt  }
0x75: {  	_ =	shalt  }
0x76: {  	_ =	shalt  }
0x77: {  	_ =	shalt  }
0x78: {  	_ =	shalt  }
0x79: {  	_ =	shalt  }
0x7a: {  	_ =	shalt  }
0x7b: {  	_ =	shalt  }
0x7c: {  	_ =	shalt  }
0x7d: {  	_ =	shalt  }
0x7e: {  	_ =	shalt  }
0x7f: {  	_ =	shalt  }
0x80: {  	_ =	shalt  }
0x81: {  	_ =	shalt  }
0x82: {  	_ =	shalt  }
0x83: {  	_ =	shalt  }
0x84: {  	_ =	shalt  }
0x85: {  	_ =	shalt  }
0x86: {  	_ =	shalt  }
0x87: {  	_ =	shalt  }
.Lfunc_end0:
.L_simem_size_0:
called_computation_lowered:
.L_overlay_start_0:
0x88: {  	s2 =	sld [smem:$0x3FD9]  }
0x89: {  	s3 =	sld [smem:$0x3FFE];
	_ =	sdelay $0x1  }
0x8a: {  	s1 =	srdreg.scid  }
0x8b: {  	s0 =	sand.u32 $0x1, s1  }
0x8c: {  	s16 =	sshll.u32 s0, $0xA;
	s2 =	sadd.s32 s3, s2  }
0x8d: {  	s2 =	sadd.s32 s2, s16  }
0x8e: {  	[smem:$0x3FC6] =	sst s2  }
0x8f: {  	_ = 	snop  }
0x90: {  	(tm) =	ssettm $0x1  }
0x91: {  	s17 =	sld [smem:$0x3FFB];
	_ =	sdelay $0x3  }
0x92: {  	_ =	strace s17  }
0x93: {  	s2 =	sld [smem:$0x3FFC];
	_ =	sdelay $0x3  }
0x94: {  	_ =	strace s2  }
0x95: {  	s2 =	sld [smem:$0x3FFD];
	_ =	sdelay $0x3  }
0x96: {  	_ =	strace s2  }
0x97: {  	_ =	strace $0x8FFFFFFF  }
0x98: {  	s18 =	sld [smem:$0x3FDB];
	_ =	sdelay $0x1  }
0x99: {  	s19 =	simm.s32 $_scs_section_size  }
0x9a: {  	s4 =	simm.s32 $_size__tile_overlayer_lowered;
	s5 =	simm.s32 $_tile_overlayer_lowered  }
0x9b: {  	s22 =	simm.s32 $0x1BFF;
	s21 =	sshll.u32 s5, $0x1;
	s2 =	sadd.s32 s19, s18  }
0x9c: {  	s6 =	simm.s32 $0x0;
	s20 =	sshll.u32 s4, $0x1;
	s4 =	sadd.s32 s21, s2  }
0x9d: {  	[timem:s6], [sflag:s22] =	dma.local [hbm:s4], s20  }
0x9e: {  	_ =	swait.ge [sflag:s22], s20  }
0x9f: {  	s3 =	ssub.s32 $0x0, s20;
	[sflag:s22] =	ssyncset.done $0x0  }
0xa0: {  	[sflag:s22] =	ssyncadd.s32 s3;
	_ =	sdelay $0x1  }
0xa1: {  	s23 =	simm.s32 $0x1B8B  }
0xa2: {  	_ =	swait.ge [sflag:s23], $0x1  }
0xa3: {  	[sflag:s23] =	ssyncset.done $0x0  }
0xa4: {  	s25 =	simm.s32 $0x1B8E;
	s24 =	sld [smem:$0x3FFE];
	[sflag:s23] =	ssyncadd.s32 $0xFFFFFFFF  }
0xa5: {  	s26 =	simm.s32 $execute0_lowered;
	[smem:$0x3FD2] =	sst s25  }
0xa6: {  	s4 =	sshll.u32 s26, $0x1;
	_ =	strace $0x80000046;
	[dreg:$0x1] =	wrdreg $0xFFFFFFFF  }
0xa7: {  	s28 =	simm.s32 $_size_execute0_lowered;
	s2 =	sadd.s32 s2, s4;
	[dreg:$0x0] =	wrdreg $0x0  }
0xa8: {  	s4 =	sshll.u32 s28, $0x1;
	[dreg:$0x2] =	wrdreg s2  }
0xa9: {  	[dreg:$0x3] =	wrdreg s4  }
0xaa: {  	[dreg:$0x4] =	wrdreg $0xC0  }
0xab: {  	_ =	task [dreg:s6], $0x5FFFF  }
0xac: {  	[dreg:$0x1] =	wrdreg $0xFFFFFFFF  }
0xad: {  	[dreg:$0x0] =	wrdreg $0x60  }
0xae: {  	[dreg:$0x2] =	wrdreg s24  }
0xaf: {  	[dreg:$0x3] =	wrdreg $0x9  }
0xb0: {  	_ =	task.clear_ibuf [dreg:s6], $0x4FFFF;
	_ =	strace $0x90000046  }
0xb1: {  	s29 =	simm.s32 $0x9;
	_ =	strace $0x80000048  }
0xb2: {  	_ =	swait.ge [sflag:s29], $0x1  }
0xb3: {  	[sflag:s29] =	ssyncadd.s32 $0xFFFFFFFF  }
0xb4: {  	_ =	strace $0x90000048  }
0xb5: {  	_ =	sfence  }
0xb6: {  	s30 =	sld [smem:$0x0];
	_ =	sdelay $0x2  }
0xb7: {  	s31 =	sshll.u32 s1, $0xD;
	s1 =	sshrl.u32 s1, $0x2  }
0xb8: {  	s3 =	sand.u32 $0x4000, s31;
	s1 =	sadd.s32 s1, s30  }
0xb9: {  	s0 =	sor.u32 s3, s0;
	s1 =	sshll.u32 s1, $0x11  }
0xba: {  	s0 =	sor.u32 s1, s0  }
0xbb: {  	s0 =	sadd.s32 $0x8F2B, s0  }
0xbc: {  	[sflag:s0] =	ssyncadd.remote.s32 $0x1  }
0xbd: {  	_ =	sfence.sel $0xFFFF  }
0xbe: {  	[dreg:$0x0] =	wrdreg $0xFFFFFFFF;
	(pc) =	sbr.abs _section_cstart, $3  }
0xbf: {  	[dreg:$0x1] =	wrdreg $0xFFFFFFFF  }
0xc0: {  	_ =	task.clear_ibuf [dreg:s6], $0x2FFFF;
	_ =	strace $0x9FFFFFFF  }
0xc1: {  	(tm) =	ssettm $0x7FFFFFFF  }
tec
execute0_lowered:
.L_overlay_start_1:
0x0: {  	(tag) =	ssettag $0x1  }
0x1: {  	s1 =	srdreg.scid  }
0x2: {  	s0 =	stileid.u32;
	s2 =	rddreg [dreg:$0x0];
	s4 =	simm.s32 $0x1  }
0x3: {  	s3 =	simm.s32 $0x0;
	s15 =	simm.s32 $0x2;
	s16 =	simm.s32 $0x3  }
0x4: {  	s17 =	simm.s32 $0x4;
	s7 =	sand.u32 $0x1, s1;
	s29 =	sshll.u32 s0, $0x1  }
0x5: {  	s18 =	simm.s32 $0x1A000;
	s19 =	simm.s32 $0x5;
	s5 =	sor.u32 s7, s29  }
0x6: {  	s1 =	rddreg [dreg:$0x1];
	p1 =	seq.s32 s7, $0x1;
	p0 =	seq.s32 s5, $0x0  }
0x7: {  	s20 =	simm.s32 $0x0;
	[smem:$0x7FF] =	sst s3;
	p0 =	por !p0, !p1  }
0x8: {  	_ =	strace $0x80000047;
	s9 =	smul.u32 $0xA9000, s7;
	p0 =	por !p0, !p0  }
0x9: {  	s8 =	ssub.s32 $0x2, s7;
	s12 =	smul.u32 $0x1A, s7;
	s4 =	simm.s32 @!p0 $0x0  }
0xa: {  	s6 =	sshll.u32 s5, $0x4;
	s5 =	sadd.s32 $0x548000, s2;
	s4 =	ssub.s32 s0, s4  }
0xb: {  	vm0 =	vcmask $0xF00;
	v0 =	vimm.f32 $0.0e+00;
	s30 =	sshrl.u32 s8, $0x1;
	s13 =	sadd.s32 s6, s2;
	s4 =	smul.u32 $0x152000, s4  }
.Ltmp0:
0xc: {  	vm1 =	vcmask $0x1310;
	v12 =	vsel vm0, $0x40A00000, v0;
	s14 =	ssub.s32 s8, s30;
	s6 =	simm.s32 $0x1;
	(pc) =	sbr.rel .LBB2_1-.Ltmp0, $4  }
0xd: {  	vm14 =	vcmask $0x1300;
	v63 =	vimm.f32 $1.000000000e+00;
	v4 =	vsel vm1, $0x3F800000, v0;
	[tilespmem:$0x1FFC0] =	vst v12;
	s11 =	sadd.s32 $0x2, s12;
	s12 =	sadd.s32 $0x3, s12;
	s31 =	sadd.s32 s9, s4  }
0xe: {  	vm15 =	vcmask $0x2B00;
	v5 =	vsel vm14, $0x0, v63;
	[tilespmem:$0x1FFD0] =	vst v4;
	s13 =	sadd.s32 $0xA90000, s13;
	s9 =	sshrl.u32 s31, $0x3;
	s10 =	sadd.s32 $0x6800, s31  }
0xf: {  	v7 =	vsel vm15, $0x0, v63;
	[tilespmem:$0x1FFE0] =	vst v5;
	s14 =	smax.u32 s14, $0x1;
	s7 =	sadd.s32 s2, s9;
	s10 =	sshrl.u32 s10, $0x3  }
0x10: {  	v6 =	vimm.s32 $0x4;
	[tilespmem:$0x1FFF0] =	vst v7;
	s8 =	sadd.s32 s5, s9;
	s9 =	sadd.s32 s2, s10;
	s10 =	sadd.s32 s5, s10  }
.LBB2_26:
0x11: {  	s20 =	sadd.s32 $0x1, s20  }
0x12: {  	p0 =	sne.s32 s20, s14  }
.Ltmp1:
0x13: {  	[tilespmem:$0x1A000] =	vst v0;
	(pc) =	sbr.rel @!p0 .LBB2_27-.Ltmp1, $4  }
0x14: {  	[hbm4b:s13+s3] =	stream.linear.scatter [tilespmem:s18], [sflag:$0x5], $0x80, $0x38;
	[tilespmem:$0x1A080] =	vst v63  }
0x15: {  	_ =	swait.ge [sflag:s19], $0x80  }
0x16: {  	[sflag:s19] =	ssyncset.done $0x0;
	v4 =	vld [tilespmem:$0x1FFD0]  }
0x17: {  	v6 =	vimm.s32 $0x4;
	v5 =	vld [tilespmem:$0x1FFE0];
	[sflag:s19] =	ssyncadd.s32 $0xFFFFFF80  }
.LBB2_1:
0x18: {  	s21 =	simm.s32 $0x40  }
0x19: {  	s24 =	sadd.s32 $0x0, s7;
	s22 =	simm.s32 $0x200;
	s23 =	simm.s32 $0x0  }
.LBB2_2:
0x1a: {  	[tilespmem:s23], [sflag:$0x1] =	stream.linear.gather [hbm4b:s24+s3], $0x180, $0x38;
	[tilespmem:$0x1A080] =	vst v63  }
0x1b: {  	s24 =	smov.u32 s21;
	s23 =	smov.u32 s22;
	p0 =	sne.s32 s21, $0xCC0  }
.Ltmp2:
0x1c: {  	s21 =	sadd.s32 $0x40, s21;
	(pc) =	sbr.rel @p0 .LBB2_2-.Ltmp2, $2  }
0x1d: {  	_ =	sdelay $0x2  }
0x1e: {  	s22 =	sadd.s32 $0x200, s22;
	s24 =	sadd.s32 s24, s7  }
0x1f: {  	[tilespmem:s23], [sflag:$0x1] =	stream.linear.gather [hbm4b:s24+s3], $0x180, $0x38;
	[tilespmem:$0x1A080] =	vst v63  }
0x20: {  	s21 =	simm.s32 $0xD000  }
0x21: {  	s22 =	simm.s32 $0x40;
	s24 =	sadd.s32 $0x0, s8;
	s23 =	simm.s32 $0xD200  }
.LBB2_4:
0x22: {  	[tilespmem:s21], [sflag:$0x2] =	stream.linear.gather [hbm4b:s24+s3], $0x180, $0x38;
	[tilespmem:$0x1A080] =	vst v63  }
0x23: {  	s24 =	smov.u32 s22;
	s21 =	smov.u32 s23;
	p0 =	sne.s32 s22, $0xCC0  }
.Ltmp3:
0x24: {  	s22 =	sadd.s32 $0x40, s22;
	(pc) =	sbr.rel @p0 .LBB2_4-.Ltmp3, $2  }
0x25: {  	_ =	sdelay $0x2  }
0x26: {  	s23 =	sadd.s32 $0x200, s23;
	s24 =	sadd.s32 s24, s8  }
0x27: {  	[tilespmem:s21], [sflag:$0x2] =	stream.linear.gather [hbm4b:s24+s3], $0x180, $0x38;
	[tilespmem:$0x1A080] =	vst v63  }
0x28: {  	s21 =	simm.s32 $0x6800  }
0x29: {  	s22 =	simm.s32 $0x40;
	s24 =	sadd.s32 $0x0, s9;
	s23 =	simm.s32 $0x6A00  }
.LBB2_6:
0x2a: {  	[tilespmem:s21], [sflag:$0x3] =	stream.linear.gather [hbm4b:s24+s3], $0x180, $0x38;
	[tilespmem:$0x1A080] =	vst v63  }
0x2b: {  	s24 =	smov.u32 s22;
	s21 =	smov.u32 s23;
	p0 =	sne.s32 s22, $0xCC0  }
.Ltmp4:
0x2c: {  	s22 =	sadd.s32 $0x40, s22;
	(pc) =	sbr.rel @p0 .LBB2_6-.Ltmp4, $2  }
0x2d: {  	_ =	sdelay $0x2  }
0x2e: {  	s23 =	sadd.s32 $0x200, s23;
	s24 =	sadd.s32 s24, s9  }
0x2f: {  	[tilespmem:s21], [sflag:$0x3] =	stream.linear.gather [hbm4b:s24+s3], $0x180, $0x38;
	[tilespmem:$0x1A080] =	vst v63  }
0x30: {  	s21 =	simm.s32 $0x0;
	s22 =	simm.s32 $0x13800;
	s23 =	simm.s32 $0x0  }
.LBB2_8:
0x31: {  	p0 =	sne.s32 s23, $0xCC0  }
.Ltmp5:
0x32: {  	_ = 	snop;
	(pc) =	sbr.rel @p0 .LBB2_8-.Ltmp5, $4  }
0x33: {  	_ = 	snop  }
0x34: {  	s24 =	sadd.s32 s23, s10  }
0x35: {  	[tilespmem:s22], [sflag:$0x4] =	stream.linear.gather [hbm4b:s24+s21], $0x180, $0x38;
	[tilespmem:$0x1A080] =	vst v63  }
0x36: {  	s23 =	sadd.s32 $0x40, s23;
	s22 =	sadd.s32 $0x200, s22  }
0x37: {  	v0 =	vimm.f32 $0.0e+00  }
0x38: {  	[tilespmem:$0x1FFB0] =	vst v0  }
.LBB2_10:
0x39: {  	_ =	swait.ge [sflag:s6], $0x4E00  }
0x3a: {  	[sflag:s6] =	ssyncset.done $0x0  }
0x3b: {  	[sflag:s6] =	ssyncadd.s32 $0xFFFFB200  }
0x3c: {  	_ =	swait.ge [sflag:s15], $0x4E00  }
0x3d: {  	[sflag:s15] =	ssyncset.done $0x0  }
0x3e: {  	s22 =	simm.s32 $0x0;
	[sflag:s15] =	ssyncadd.s32 $0xFFFFB200  }
0x3f: {  	v0 =	vld [tilespmem:s22+$0xD145]  }
0x40: {  	v1 =	vld [tilespmem:s22+$0xD140]  }
0x41: {  	v2 =	vld [tilespmem:s22+$0xD130]  }
0x42: {  	v3 =	vld [tilespmem:s22+$0xD120]  }
0x43: {  	v9 =	vld [tilespmem:s22+$0xD110]  }
0x44: {  	v10 =	vld [tilespmem:s22+$0xD0C5]  }
0x45: {  	v11 =	vld [tilespmem:s22+$0xD100]  }
0x46: {  	v13 =	vld [tilespmem:s22+$0xD0C0]  }
0x47: {  	v14 =	vld [tilespmem:s22+$0xD0B0]  }
0x48: {  	v17 =	vld [tilespmem:s22+$0xD045]  }
0x49: {  	v18 =	vld [tilespmem:s22+$0xD080]  }
0x4a: {  	v19 =	vld [tilespmem:s22+$0xD040]  }
0x4b: {  	v21 =	vld [tilespmem:s22+$0x145]  }
0x4c: {  	v23 =	vld [tilespmem:s22+$0x140]  }
0x4d: {  	v25 =	vld [tilespmem:s22+$0x130]  }
0x4e: {  	v26 =	vld [tilespmem:s22+$0x120]  }
0x4f: {  	v27 =	vld [tilespmem:s22+$0x110]  }
0x50: {  	v28 =	vld [tilespmem:s22+$0x100]  }
0x51: {  	v30 =	vld [tilespmem:s22+$0xC5]  }
0x52: {  	v31 =	vld [tilespmem:s22+$0xC0]  }
0x53: {  	v32 =	vld [tilespmem:s22+$0xB0]  }
0x54: {  	v35 =	vld [tilespmem:s22+$0x80];
	v8 =	vmax.f32 v21, $0.0e+00;
	v0 =	vmul.f32 v0, v21;
	v33 =	vmax.f32 v25, $0.0e+00  }
0x55: {  	v38 =	vld [tilespmem:s22+$0x45];
	v29 =	vmul.f32 v2, v25;
	v1 =	vmul.f32 v1, v23;
	v36 =	vmax.f32 v26, $0.0e+00  }
0x56: {  	v42 =	vld [tilespmem:s22+$0x40];
	v40 =	vmax.f32 v27, $0.0e+00;
	v37 =	vmul.f32 v9, v27;
	v34 =	vmul.f32 v3, v26  }
0x57: {  	v48 =	vld [tilespmem:s22+$0x30];
	v39 =	vmax.f32 v28, $0.0e+00;
	v41 =	vmul.f32 v11, v28;
	v43 =	vmax.f32 v30, $0.0e+00  }
0x58: {  	v15 =	vld [tilespmem:s22+$0xD0A0];
	v46 =	vmul.f32 v10, v30;
	v47 =	vsub.f32 v11, v28;
	v49 =	vmax.f32 v31, $0.0e+00  }
0x59: {  	v16 =	vld [tilespmem:s22+$0xD090];
	v50 =	vmul.f32 v13, v31;
	v9 =	vperm.xlane v11, v6;
	v52 =	vmax.f32 v32, $0.0e+00  }
0x5a: {  	v20 =	vld [tilespmem:s22+$0xD030];
	v53 =	vmul.f32 v14, v32;
	v57 =	vmax.f32 v35, $0.0e+00;
	v58 =	vmul.f32 v18, v35  }
0x5b: {  	v22 =	vld [tilespmem:s22+$0xD020];
	v59 =	vmax.f32 v38, $0.0e+00;
	v60 =	vmul.f32 v17, v38;
	v10 =	vperm.xlane v18, v6  }
0x5c: {  	v24 =	vld [tilespmem:s22+$0xD010];
	v2 =	vmax.f32 v48, $0.0e+00;
	v61 =	vmax.f32 v42, $0.0e+00;
	v62 =	vmul.f32 v19, v42  }
0x5d: {  	v11 =	vld [tilespmem:s22+$0x20];
	v17 =	vand.u32 $0x7FFFFFFF, v21;
	v19 =	vand.u32 $0x7FFFFFFF, v25;
	v21 =	vand.u32 $0x7FFFFFFF, v26  }
0x5e: {  	v14 =	vld [tilespmem:s22+$0x0];
	v25 =	vand.u32 $0x7FFFFFFF, v31;
	v26 =	vand.u32 $0x7FFFFFFF, v30;
	v30 =	vand.u32 $0x7FFFFFFF, v42  }
0x5f: {  	v13 =	vld [tilespmem:s22+$0x10];
	v31 =	vand.u32 $0x7FFFFFFF, v38;
	[tilespmem:$0x1FF10] =	vst v8;
	v17 =	vsub.f32 $0.0e+00, v17;
	v63 =	vmul.f32 v5, v9  }
0x60: {  	v19 =	vsub.f32 $0.0e+00, v19;
	[tilespmem:$0x1FF30] =	vst v0;
	v0 =	vld [tilespmem:s22+$0xA0];
	v38 =	vmul.f32 v47, v47;
	v42 =	vmul.f32 $5.000000000e-01, v9  }
0x61: {  	v8 =	vmax.f32 v23, $0.0e+00;
	[tilespmem:$0x1FF40] =	vst v1;
	v1 =	vld [tilespmem:s22+$0x90];
	v3 =	vmul.f32 v5, v10;
	v47 =	vmul.f32 $5.000000000e-01, v10  }
0x62: {  	[tilespmem:$0x1FF60] =	vst v2;
	v21 =	vsub.f32 $0.0e+00, v21;
	v17 =	vmul.f32 $1.442695020e+00, v17;
	v19 =	vmul.f32 $1.442695020e+00, v19  }
0x63: {  	[tilespmem:$0x1FF20] =	vst v8;
	v2 =	vmax.f32 v11, $0.0e+00;
	v44 =	vmul.f32 v22, v11;
	v8 =	vmax.f32 v14, $0.0e+00  }
0x64: {  	v45 =	vmul.f32 v24, v13;
	v24 =	vand.u32 $0x7FFFFFFF, v32;
	v32 =	vand.u32 $0x7FFFFFFF, v11  }
0x65: {  	(erf) = vpow2.f32 v17;
	[tilespmem:$0x1FF80] =	vst v2;
	v2 =	vmul.f32 v20, v48;
	v51 =	vmax.f32 v0, $0.0e+00  }
0x66: {  	v54 =	vmax.f32 v1, $0.0e+00;
	v55 =	vmul.f32 v16, v1;
	v56 =	vmul.f32 v15, v0  }
0x67: {  	v15 =	vsub.f32 v18, v35;
	v16 =	vld [tilespmem:s22+$0xD000];
	v18 =	vand.u32 $0x7FFFFFFF, v23;
	v23 =	vand.u32 $0x7FFFFFFF, v27  }
0x68: {  	v27 =	vand.u32 $0x7FFFFFFF, v35;
	v1 =	vand.u32 $0x7FFFFFFF, v1;
	v0 =	vand.u32 $0x7FFFFFFF, v0  }
0x69: {  	[tilespmem:$0x1FF70] =	vst v2;
	v2 =	vmax.f32 v13, $0.0e+00;
	v11 =	vsub.f32 $0.0e+00, v18;
	v18 =	vand.u32 $0x7FFFFFFF, v13  }
0x6a: {  	v13 =	vmul.f32 v7, v10;
	v0 =	vsub.f32 $0.0e+00, v0;
	v1 =	vsub.f32 $0.0e+00, v1  }
0x6b: {  	v17 =	vsub.f32 $0.0e+00, v23;
	v23 =	vsub.f32 $0.0e+00, v26;
	v11 =	vmul.f32 $1.442695020e+00, v11  }
0x6c: {  	v0 =	vmul.f32 $1.442695020e+00, v0;
	v1 =	vmul.f32 $1.442695020e+00, v1;
	v20 =	vsub.f32 v16, v14  }
0x6d: {  	[tilespmem:$0x1FF90] =	vst v2;
	v2 =	vmul.f32 v16, v14;
	v22 =	vperm.xlane v16, v6;
	v16 =	vand.u32 $0x7FFFFFFF, v28  }
0x6e: {  	v28 =	vand.u32 $0x7FFFFFFF, v48;
	v14 =	vand.u32 $0x7FFFFFFF, v14;
	(erf) = vpow2.f32 v11  }
0x6f: {  	v11 =	vmul.f32 $1.442695020e+00, v21;
	v16 =	vsub.f32 $0.0e+00, v16;
	(erf) = vpow2.f32 v19  }
0x70: {  	v19 =	vsub.f32 $0.0e+00, v25;
	v25 =	vmul.f32 v15, v15;
	v15 =	vmul.f32 $1.442695020e+00, v17  }
0x71: {  	v21 =	vsub.f32 $0.0e+00, v24;
	v26 =	vmul.f32 v7, v22;
	(erf) = vpow2.f32 v11  }
0x72: {  	v24 =	vsub.f32 $0.0e+00, v31;
	(erf) = vpow2.f32 v15;
	v15 =	vmul.f32 $1.442695020e+00, v16  }
0x73: {  	v6 =	vsub.f32 $0.0e+00, v18;
	v48 =	vmul.f32 v20, v20;
	v16 =	vmul.f32 $1.442695020e+00, v23  }
0x74: {  	v20 =	vsub.f32 $0.0e+00, v27;
	v18 =	vmul.f32 $1.442695020e+00, v19;
	(erf) = vpow2.f32 v15  }
0x75: {  	v7 =	vsub.f32 $0.0e+00, v14;
	v14 =	vmul.f32 $1.442695020e+00, v21;
	(erf) = vpow2.f32 v16  }
0x76: {  	[tilespmem:$0x1FFA0] =	vst v2;
	v2 =	vmul.f32 v5, v22;
	v27 =	vsub.f32 $0.0e+00, v30;
	(erf) = vpow2.f32 v18  }
0x77: {  	v30 =	vsub.f32 $0.0e+00, v32;
	v19 =	vmul.f32 $1.442695020e+00, v20;
	(erf) = vpow2.f32 v14  }
0x78: {  	v35 =	vsub.f32 v57, v58;
	v20 =	vmul.f32 $1.442695020e+00, v24;
	(erf) = vpow2.f32 v0  }
0x79: {  	v28 =	vsub.f32 $0.0e+00, v28;
	v30 =	vmul.f32 $1.442695020e+00, v30;
	v14 =	vpop (erf);
	(erf) = vpow2.f32 v1  }
0x7a: {  	v58 =	vadd.f32 $5.000000000e-01, v42;
	v0 =	vmul.f32 $1.442695020e+00, v27;
	v16 =	vpop (erf);
	(erf) = vpow2.f32 v19  }
0x7b: {  	v31 =	vsub.f32 v51, v56;
	v1 =	vmul.f32 $1.442695020e+00, v28;
	v19 =	vpop (erf);
	(erf) = vpow2.f32 v20  }
0x7c: {  	v5 =	vsub.f32 v33, v29;
	v29 =	vmul.f32 $5.000000000e-01, v22;
	v20 =	vpop (erf);
	(erf) = vpow2.f32 v0  }
0x7d: {  	v56 =	vmul.f32 $1.442695020e+00, v6;
	v18 =	vsub.f32 v39, v41;
	v21 =	vpop (erf);
	(erf) = vpow2.f32 v1  }
0x7e: {  	v39 =	vsub.f32 v59, v60;
	v0 =	vmul.f32 $1.442695020e+00, v7;
	v24 =	vpop (erf);
	(erf) = vpow2.f32 v30  }
0x7f: {  	v60 =	vadd.f32 $5.000000000e-01, v47;
	v1 =	vmul.f32 v9, v38;
	v30 =	vpop (erf);
	(erf) = vpow2.f32 v56  }
0x80: {  	v57 =	vmul.f32 v10, v25;
	v33 =	vpop (erf);
	(erf) = vpow2.f32 v0;
	v0 =	vadd.f32 $5.000000000e-01, v29  }
0x81: {  	[tilespmem:$0x1FF50] =	vst v5;
	v5 =	vld [tilespmem:$0x1FF70];
	v28 =	vsub.f32 v52, v53;
	v52 =	vmul.f32 v4, v60;
	v25 =	vmul.f32 v12, v1  }
0x82: {  	v1 =	vmul.f32 v4, v58;
	v0 =	vmul.f32 v4, v0;
	v4 =	vld [tilespmem:$0x1FF60];
	_ =	sdelay $0x4  }
0x83: {  	v23 =	vsub.f32 v43, v46;
	v43 =	vsub.f32 v4, v5;
	v4 =	vld [tilespmem:$0x1FF80];
	_ =	sdelay $0x4  }
0x84: {  	v46 =	vsub.f32 v4, v44;
	v4 =	vld [tilespmem:$0x1FF90];
	_ =	sdelay $0x4  }
0x85: {  	v27 =	vsub.f32 v49, v50;
	v49 =	vsub.f32 v4, v45;
	v4 =	vld [tilespmem:$0x1FFA0]  }
0x86: {  	v15 =	vsub.f32 v36, v34;
	v34 =	vpop (erf)  }
0x87: {  	v59 =	vmul.f32 v22, v48;
	v36 =	vpop (erf)  }
0x88: {  	v42 =	vsub.f32 v61, v62;
	v17 =	vsub.f32 v40, v37;
	v37 =	vmul.f32 v12, v57;
	v38 =	vpop (erf)  }
0x89: {  	v32 =	vsub.f32 v54, v55;
	v47 =	vmul.f32 v12, v59;
	v55 =	vmul.f32 $2.368924950e-02, v16;
	v41 =	vpop (erf)  }
0x8a: {  	v54 =	vmul.f32 $2.368924950e-02, v19;
	v57 =	vmul.f32 $2.368924950e-02, v20;
	v44 =	vpop (erf);
	v51 =	vsub.f32 v8, v4;
	v4 =	vld [tilespmem:$0x1FFB0]  }
0x8b: {  	v40 =	vadd.f32 v52, v3;
	v59 =	vmul.f32 $2.368924950e-02, v21;
	v60 =	vmul.f32 $2.368924950e-02, v24;
	v45 =	vpop (erf)  }
0x8c: {  	v61 =	vmul.f32 $2.368924950e-02, v30;
	v56 =	vsub.f32 $1.002871990e-01, v55;
	v62 =	vmul.f32 $2.368924950e-02, v33;
	v48 =	vpop (erf)  }
0x8d: {  	v29 =	vadd.f32 v1, v63;
	v63 =	vmul.f32 $2.368924950e-02, v34;
	v5 =	vmul.f32 $2.368924950e-02, v14;
	v50 =	vpop (erf)  }
0x8e: {  	s22 =	simm.s32 $0x800;
	v3 =	vmul.f32 $2.368924950e-02, v36;
	v52 =	vadd.f32 v0, v2;
	v1 =	vmul.f32 $2.368924950e-02, v41;
	v53 =	vpop (erf)  }
0x8f: {  	v0 =	vmul.f32 $2.368924950e-02, v38;
	v55 =	vsub.f32 $1.002871990e-01, v5;
	v2 =	vmul.f32 $2.368924950e-02, v44;
	v58 =	vpop (erf);
	[tilespmem:$0x1FFB0] =	vst v4  }
.LBB2_11:
0x90: {  	v57 =	vsub.f32 $1.002871990e-01, v57  }
0x91: {  	v4 =	vmul.f32 $2.368924950e-02, v45;
	v54 =	vsub.f32 $1.002871990e-01, v54;
	v60 =	vsub.f32 $1.002871990e-01, v60  }
0x92: {  	v5 =	vmul.f32 $2.368924950e-02, v48;
	v59 =	vsub.f32 $1.002871990e-01, v59;
	v62 =	vsub.f32 $1.002871990e-01, v62  }
0x93: {  	v6 =	vmul.f32 $2.368924950e-02, v50;
	v61 =	vsub.f32 $1.002871990e-01, v61;
	v3 =	vsub.f32 $1.002871990e-01, v3  }
0x94: {  	v7 =	vmul.f32 $2.368924950e-02, v53;
	v63 =	vsub.f32 $1.002871990e-01, v63;
	v1 =	vsub.f32 $1.002871990e-01, v1  }
0x95: {  	v8 =	vmul.f32 $2.368924950e-02, v58;
	v0 =	vsub.f32 $1.002871990e-01, v0;
	v2 =	vsub.f32 $1.002871990e-01, v2  }
0x96: {  	v56 =	vmul.f32 v56, v16;
	v55 =	vmul.f32 v55, v14;
	v4 =	vsub.f32 $1.002871990e-01, v4  }
0x97: {  	v5 =	vsub.f32 $1.002871990e-01, v5;
	v57 =	vmul.f32 v57, v20;
	v54 =	vmul.f32 v54, v19  }
0x98: {  	v6 =	vsub.f32 $1.002871990e-01, v6;
	v60 =	vmul.f32 v60, v24;
	v59 =	vmul.f32 v59, v21  }
0x99: {  	v7 =	vsub.f32 $1.002871990e-01, v7;
	v62 =	vmul.f32 v62, v33;
	v61 =	vmul.f32 v61, v30  }
0x9a: {  	v8 =	vsub.f32 $1.002871990e-01, v8;
	v3 =	vmul.f32 v3, v36;
	v63 =	vmul.f32 v63, v34  }
0x9b: {  	v1 =	vmul.f32 v1, v41;
	v0 =	vmul.f32 v0, v38;
	v56 =	vadd.f32 $-2.086696620e-01, v56  }
0x9c: {  	v2 =	vmul.f32 v2, v44;
	v55 =	vadd.f32 $-2.086696620e-01, v55;
	v57 =	vadd.f32 $-2.086696620e-01, v57  }
0x9d: {  	v12 =	vld [tilespmem:$0x1FFB0];
	v4 =	vmul.f32 v4, v45;
	v54 =	vadd.f32 $-2.086696620e-01, v54;
	v60 =	vadd.f32 $-2.086696620e-01, v60  }
0x9e: {  	v5 =	vmul.f32 v5, v48;
	v59 =	vadd.f32 $-2.086696620e-01, v59;
	v62 =	vadd.f32 $-2.086696620e-01, v62  }
0x9f: {  	v6 =	vmul.f32 v6, v50;
	v61 =	vadd.f32 $-2.086696620e-01, v61;
	v3 =	vadd.f32 $-2.086696620e-01, v3  }
0xa0: {  	v7 =	vmul.f32 v7, v53;
	v63 =	vadd.f32 $-2.086696620e-01, v63;
	v1 =	vadd.f32 $-2.086696620e-01, v1  }
0xa1: {  	v8 =	vmul.f32 v8, v58;
	v0 =	vadd.f32 $-2.086696620e-01, v0;
	v2 =	vadd.f32 $-2.086696620e-01, v2  }
0xa2: {  	v56 =	vmul.f32 v56, v16;
	v55 =	vmul.f32 v55, v14;
	v12 =	vadd.f32 v47, v12  }
0xa3: {  	v4 =	vadd.f32 $-2.086696620e-01, v4;
	v57 =	vmul.f32 v57, v20;
	v54 =	vmul.f32 v54, v19  }
0xa4: {  	v5 =	vadd.f32 $-2.086696620e-01, v5;
	v60 =	vmul.f32 v60, v24;
	v59 =	vmul.f32 v59, v21  }
0xa5: {  	v6 =	vadd.f32 $-2.086696620e-01, v6;
	v62 =	vmul.f32 v62, v33;
	v61 =	vmul.f32 v61, v30  }
0xa6: {  	v7 =	vadd.f32 $-2.086696620e-01, v7;
	v3 =	vmul.f32 v3, v36;
	v63 =	vmul.f32 v63, v34  }
0xa7: {  	v8 =	vadd.f32 $-2.086696620e-01, v8;
	v1 =	vmul.f32 v1, v41;
	v0 =	vmul.f32 v0, v38  }
0xa8: {  	v2 =	vmul.f32 v2, v44;
	v56 =	vadd.f32 $3.244118090e-01, v56;
	v55 =	vadd.f32 $3.244118090e-01, v55  }
0xa9: {  	v4 =	vmul.f32 v4, v45;
	v57 =	vadd.f32 $3.244118090e-01, v57;
	v11 =	vadd.f32 $3.244118090e-01, v54  }
0xaa: {  	v5 =	vmul.f32 v5, v48;
	v60 =	vadd.f32 $3.244118090e-01, v60;
	v59 =	vadd.f32 $3.244118090e-01, v59  }
0xab: {  	v6 =	vmul.f32 v6, v50;
	v62 =	vadd.f32 $3.244118090e-01, v62;
	v61 =	vadd.f32 $3.244118090e-01, v61  }
0xac: {  	v7 =	vmul.f32 v7, v53;
	v3 =	vadd.f32 $3.244118090e-01, v3;
	v63 =	vadd.f32 $3.244118090e-01, v63  }
0xad: {  	v8 =	vmul.f32 v8, v58;
	v1 =	vadd.f32 $3.244118090e-01, v1;
	v0 =	vadd.f32 $3.244118090e-01, v0  }
0xae: {  	v2 =	vadd.f32 $3.244118090e-01, v2;
	v54 =	vmul.f32 v56, v16;
	v56 =	vmul.f32 v55, v14  }
0xaf: {  	v8 =	vadd.f32 $3.244118090e-01, v8;
	v57 =	vmul.f32 v57, v20;
	v55 =	vmul.f32 v11, v19  }
0xb0: {  	v4 =	vadd.f32 $3.244118090e-01, v4;
	v60 =	vmul.f32 v60, v24;
	v59 =	vmul.f32 v59, v21  }
0xb1: {  	v7 =	vadd.f32 $3.244118090e-01, v7;
	v11 =	vmul.f32 v61, v30;
	v61 =	vmul.f32 v63, v34  }
0xb2: {  	v6 =	vadd.f32 $3.244118090e-01, v6;
	v62 =	vmul.f32 v62, v33;
	v8 =	vmul.f32 v8, v58  }
0xb3: {  	v5 =	vadd.f32 $3.244118090e-01, v5;
	v3 =	vmul.f32 v3, v36;
	v0 =	vmul.f32 v0, v38  }
0xb4: {  	v2 =	vmul.f32 v2, v44;
	v7 =	vmul.f32 v7, v53;
	v8 =	vadd.f32 $-4.991878570e-01, v8  }
0xb5: {  	v1 =	vmul.f32 v1, v41;
	v6 =	vmul.f32 v6, v50;
	v11 =	vadd.f32 $-4.991878570e-01, v11  }
0xb6: {  	v2 =	vadd.f32 $-4.991878570e-01, v2;
	v7 =	vadd.f32 $-4.991878570e-01, v7;
	v8 =	vmul.f32 v8, v58  }
0xb7: {  	v5 =	vmul.f32 v5, v48;
	v1 =	vadd.f32 $-4.991878570e-01, v1;
	v0 =	vadd.f32 $-4.991878570e-01, v0  }
0xb8: {  	v6 =	vadd.f32 $-4.991878570e-01, v6;
	v7 =	vmul.f32 v7, v53;
	v8 =	vadd.f32 $9.999818800e-01, v8  }
0xb9: {  	v4 =	vmul.f32 v4, v45;
	v3 =	vadd.f32 $-4.991878570e-01, v3;
	v5 =	vadd.f32 $-4.991878570e-01, v5  }
0xba: {  	v6 =	vmul.f32 v6, v50;
	v7 =	vadd.f32 $9.999818800e-01, v7;
	v8 =	vmul.f32 v8, v58  }
0xbb: {  	v4 =	vadd.f32 $-4.991878570e-01, v4;
	v2 =	vmul.f32 v2, v44;
	v5 =	vmul.f32 v5, v48  }
0xbc: {  	v6 =	vadd.f32 $9.999818800e-01, v6;
	v7 =	vmul.f32 v7, v53;
	v8 =	vadd.f32 v8, v51  }
0xbd: {  	v1 =	vmul.f32 v1, v41;
	v4 =	vmul.f32 v4, v45;
	v5 =	vadd.f32 $9.999818800e-01, v5  }
0xbe: {  	v6 =	vmul.f32 v6, v50;
	v7 =	vadd.f32 v7, v49;
	v8 =	vmul.f32 v8, v52  }
0xbf: {  	v0 =	vmul.f32 v0, v38;
	v4 =	vadd.f32 $9.999818800e-01, v4;
	v5 =	vmul.f32 v5, v48  }
0xc0: {  	v6 =	vadd.f32 v6, v46;
	v7 =	vmul.f32 v7, v22;
	v8 =	vadd.f32 v8, v12  }
0xc1: {  	v3 =	vmul.f32 v3, v36;
	v2 =	vadd.f32 $9.999818800e-01, v2;
	v4 =	vmul.f32 v4, v45  }
0xc2: {  	v5 =	vadd.f32 v5, v43;
	v6 =	vmul.f32 v6, v22;
	v7 =	vadd.f32 v7, v8  }
0xc3: {  	v11 =	vmul.f32 v11, v30;
	v1 =	vadd.f32 $9.999818800e-01, v1;
	v2 =	vmul.f32 v2, v44  }
0xc4: {  	v4 =	vadd.f32 v4, v42;
	v5 =	vmul.f32 v5, v22;
	v6 =	vadd.f32 v6, v7  }
0xc5: {  	s23 =	sshra.s32 s22, $0x2;
	v0 =	vadd.f32 $9.999818800e-01, v0;
	v3 =	vadd.f32 $9.999818800e-01, v3;
	v1 =	vmul.f32 v1, v41  }
0xc6: {  	v45 =	vld [tilespmem:s23+$0x140];
	v2 =	vadd.f32 v2, v39;
	v4 =	vmul.f32 v4, v22;
	v5 =	vadd.f32 v5, v6  }
0xc7: {  	v11 =	vadd.f32 $9.999818800e-01, v11;
	v0 =	vmul.f32 v0, v38;
	v3 =	vmul.f32 v3, v36;
	v48 =	vld [tilespmem:s23+$0x130]  }
0xc8: {  	v1 =	vadd.f32 v1, v35;
	v49 =	vld [tilespmem:s23+$0x120];
	v2 =	vmul.f32 v2, v26;
	v4 =	vadd.f32 v4, v5  }
0xc9: {  	v11 =	vmul.f32 v11, v30;
	v53 =	vadd.f32 $-4.991878570e-01, v62;
	v52 =	vadd.f32 $-4.991878570e-01, v61;
	v12 =	vld [tilespmem:s23+$0xD120]  }
0xca: {  	v0 =	vadd.f32 v0, v32;
	v1 =	vmul.f32 v1, v40;
	v26 =	vld [tilespmem:s23+$0xD0C5];
	v2 =	vadd.f32 v2, v4  }
0xcb: {  	v56 =	vadd.f32 $-4.991878570e-01, v56;
	v40 =	vld [tilespmem:s23+$0x145];
	v7 =	vmul.f32 v53, v33;
	v6 =	vmul.f32 v52, v34  }
0xcc: {  	v30 =	vadd.f32 $-4.991878570e-01, v59;
	v0 =	vmul.f32 v0, v10;
	v52 =	vld [tilespmem:s23+$0xC5];
	v2 =	vadd.f32 v37, v2  }
0xcd: {  	v63 =	vand.u32 $0x7FFFFFFF, v48;
	v7 =	vadd.f32 $9.999818800e-01, v7;
	v5 =	vld [tilespmem:s23+$0xD145];
	v6 =	vadd.f32 $9.999818800e-01, v6  }
0xce: {  	v61 =	vld [tilespmem:s23+$0x0];
	v39 =	vmul.f32 v12, v49;
	v1 =	vadd.f32 v1, v2;
	v2 =	vadd.f32 v3, v31  }
0xcf: {  	v53 =	vld [tilespmem:s23+$0xC0];
	v12 =	vimm.s32 $0x4;
	v6 =	vmul.f32 v6, v34;
	v31 =	vadd.f32 $-4.991878570e-01, v60  }
0xd0: {  	v7 =	vmul.f32 v7, v33;
	v33 =	vld [tilespmem:s23+$0xD0C0];
	v0 =	vadd.f32 v0, v1;
	v1 =	vmul.f32 v2, v10  }
0xd1: {  	v32 =	vmul.f32 v26, v52;
	v2 =	vadd.f32 v6, v28;
	v28 =	vmul.f32 v31, v24  }
0xd2: {  	v26 =	vand.u32 $0x7FFFFFFF, v45;
	v5 =	vmul.f32 v5, v40;
	v0 =	vadd.f32 v1, v0  }
0xd3: {  	v1 =	vmul.f32 v2, v10;
	v2 =	vadd.f32 v7, v27;
	v27 =	vadd.f32 $9.999818800e-01, v28  }
0xd4: {  	v28 =	vmul.f32 v30, v21;
	v30 =	vadd.f32 $-4.991878570e-01, v57;
	v7 =	vand.u32 $0x7FFFFFFF, v61  }
0xd5: {  	v31 =	vmul.f32 v33, v53;
	v57 =	vsub.f32 $0.0e+00, v26;
	v7 =	vsub.f32 $0.0e+00, v7  }
0xd6: {  	v51 =	vld [tilespmem:s23+$0x100];
	v0 =	vadd.f32 v1, v0;
	v1 =	vmul.f32 v2, v10;
	v2 =	vadd.f32 v11, v23  }
0xd7: {  	v3 =	vld [tilespmem:s23+$0xD100];
	v11 =	vadd.f32 $9.999818800e-01, v28;
	v23 =	vmul.f32 v30, v20;
	v28 =	vadd.f32 $-4.991878570e-01, v55  }
0xd8: {  	v58 =	vld [tilespmem:s23+$0xD0A0];
	v0 =	vadd.f32 v1, v0;
	v1 =	vmul.f32 v2, v13;
	v2 =	vmul.f32 v27, v24  }
0xd9: {  	v55 =	vld [tilespmem:s23+$0xA0];
	v23 =	vadd.f32 $9.999818800e-01, v23;
	v24 =	vmul.f32 v28, v19;
	v27 =	vadd.f32 $-4.991878570e-01, v54  }
0xda: {  	v47 =	vld [tilespmem:s23+$0xD010];
	v57 =	vmul.f32 $1.442695020e+00, v57;
	v0 =	vadd.f32 v1, v0;
	v1 =	vadd.f32 v2, v18  }
0xdb: {  	v50 =	vld [tilespmem:s23+$0x110];
	v2 =	vmul.f32 v11, v21;
	v11 =	vmul.f32 v23, v20;
	v18 =	vadd.f32 $9.999818800e-01, v24  }
0xdc: {  	v6 =	vld [tilespmem:s23+$0xD0B0];
	v20 =	vmul.f32 v27, v16;
	v27 =	vmul.f32 v3, v51;
	v23 =	vmax.f32 v52, $0.0e+00  }
0xdd: {  	v54 =	vld [tilespmem:s23+$0xB0];
	v0 =	vadd.f32 v25, v0;
	v1 =	vmul.f32 v1, v29;
	v2 =	vadd.f32 v2, v17  }
0xde: {  	v60 =	vld [tilespmem:s23+$0x10];
	v52 =	vand.u32 $0x7FFFFFFF, v52;
	v35 =	vmul.f32 v58, v55;
	v23 =	vsub.f32 v23, v32  }
0xdf: {  	v0 =	vadd.f32 v1, v0;
	v1 =	vmul.f32 v2, v9;
	v2 =	vadd.f32 v11, v15;
	v11 =	vld [tilespmem:$0x1FF20]  }
0xe0: {  	v17 =	vmul.f32 v18, v19;
	v18 =	vadd.f32 $9.999818800e-01, v20;
	v19 =	vmul.f32 v56, v14;
	v15 =	vld [tilespmem:$0x1FF40]  }
0xe1: {  	v20 =	vmax.f32 v55, $0.0e+00;
	v0 =	vadd.f32 v1, v0;
	v1 =	vmul.f32 v2, v9;
	v2 =	vld [tilespmem:$0x1FF50]  }
0xe2: {  	v62 =	vld [tilespmem:$0x1FFF0];
	v28 =	vmax.f32 v54, $0.0e+00;
	v36 =	vmul.f32 v6, v54;
	v54 =	vand.u32 $0x7FFFFFFF, v54  }
0xe3: {  	v8 =	vld [tilespmem:s23+$0xD140];
	v29 =	vmax.f32 v61, $0.0e+00;
	v6 =	vand.u32 $0x7FFFFFFF, v60;
	v54 =	vsub.f32 $0.0e+00, v54  }
0xe4: {  	v4 =	vld [tilespmem:s23+$0xD130];
	v55 =	vand.u32 $0x7FFFFFFF, v55;
	v6 =	vsub.f32 $0.0e+00, v6;
	v0 =	vadd.f32 v1, v0  }
0xe5: {  	v11 =	vsub.f32 v11, v15;
	v15 =	vmul.f32 v18, v16;
	v16 =	vadd.f32 $9.999818800e-01, v19;
	v18 =	vld [tilespmem:$0x1FF30]  }
0xe6: {  	v19 =	vmax.f32 v53, $0.0e+00;
	v53 =	vand.u32 $0x7FFFFFFF, v53;
	v2 =	vadd.f32 v17, v2;
	v17 =	vld [tilespmem:$0x1FF10]  }
0xe7: {  	v22 =	vld [tilespmem:s23+$0xD110];
	[tilespmem:$0x1FF30] =	vst v5;
	v5 =	vmul.f32 v62, v9;
	v53 =	vsub.f32 $0.0e+00, v53;
	v14 =	vmul.f32 v16, v14  }
0xe8: {  	v13 =	vld [tilespmem:s23+$0xD030];
	v16 =	vmax.f32 v50, $0.0e+00;
	v1 =	vmul.f32 v2, v9;
	v2 =	vadd.f32 v15, v11  }
0xe9: {  	v11 =	vmax.f32 v45, $0.0e+00;
	v15 =	vmul.f32 v4, v48;
	v4 =	vmul.f32 v8, v45;
	v8 =	vld [tilespmem:s23+$0x30]  }
0xea: {  	v45 =	vmul.f32 v47, v60;
	v0 =	vadd.f32 v1, v0;
	v1 =	vmul.f32 v2, v9  }
0xeb: {  	[tilespmem:$0x1FF20] =	vst v11;
	v11 =	vmax.f32 v48, $0.0e+00;
	v9 =	vperm.xlane v3, v12;
	v17 =	vsub.f32 v17, v18  }
0xec: {  	v59 =	vld [tilespmem:s23+$0xD090];
	[tilespmem:$0x1FF40] =	vst v4;
	v11 =	vsub.f32 v11, v15;
	v18 =	vmax.f32 v40, $0.0e+00;
	v0 =	vadd.f32 v1, v0  }
0xed: {  	v4 =	vld [tilespmem:s23+$0x90];
	[tilespmem:$0x1FF10] =	vst v18;
	v18 =	vmax.f32 v51, $0.0e+00;
	v2 =	vadd.f32 v14, v17;
	v14 =	vmax.f32 v49, $0.0e+00  }
0xee: {  	v17 =	vmul.f32 v22, v50;
	v41 =	vmax.f32 v8, $0.0e+00;
	v43 =	vmul.f32 v13, v8  }
0xef: {  	v13 =	vand.u32 $0x7FFFFFFF, v40;
	v40 =	vmax.f32 v60, $0.0e+00;
	v49 =	vand.u32 $0x7FFFFFFF, v49  }
0xf0: {  	v22 =	vld [tilespmem:s23+$0xD000];
	v50 =	vand.u32 $0x7FFFFFFF, v50;
	v60 =	vsub.f32 $0.0e+00, v52;
	v18 =	vsub.f32 v18, v27  }
0xf1: {  	v58 =	vsub.f32 $0.0e+00, v13;
	v49 =	vsub.f32 $0.0e+00, v49;
	v1 =	vmul.f32 v2, v5  }
0xf2: {  	v42 =	vld [tilespmem:s23+$0xD020];
	v21 =	vmax.f32 v4, $0.0e+00;
	v30 =	vmul.f32 v59, v4;
	v4 =	vand.u32 $0x7FFFFFFF, v4  }
0xf3: {  	v37 =	vld [tilespmem:s23+$0xD045];
	v8 =	vand.u32 $0x7FFFFFFF, v8;
	v59 =	vsub.f32 $0.0e+00, v50;
	v4 =	vsub.f32 $0.0e+00, v4  }
0xf4: {  	v10 =	vld [tilespmem:s23+$0xD080];
	v58 =	vmul.f32 $1.442695020e+00, v58;
	v49 =	vmul.f32 $1.442695020e+00, v49;
	v0 =	vadd.f32 v1, v0  }
0xf5: {  	v2 =	vld [tilespmem:s23+$0x80];
	v47 =	vsub.f32 v22, v61;
	v48 =	vmul.f32 v22, v61;
	v22 =	vperm.xlane v22, v12  }
0xf6: {  	v5 =	vld [tilespmem:s23+$0x45];
	v1 =	vsub.f32 v3, v51;
	v61 =	vmul.f32 $5.000000000e-01, v9;
	(erf) = vpow2.f32 v58  }
0xf7: {  	v8 =	vsub.f32 $0.0e+00, v8;
	v3 =	vld [tilespmem:s23+$0x20];
	v58 =	vmul.f32 $1.442695020e+00, v59;
	v59 =	vmul.f32 $1.442695020e+00, v53  }
0xf8: {  	v51 =	vand.u32 $0x7FFFFFFF, v51;
	v4 =	vmul.f32 $1.442695020e+00, v4;
	v1 =	vmul.f32 v1, v1  }
0xf9: {  	v51 =	vsub.f32 $0.0e+00, v51;
	(erf) = vpow2.f32 v57;
	v57 =	vmul.f32 $1.442695020e+00, v60  }
0xfa: {  	v60 =	vmul.f32 $1.442695020e+00, v54;
	v56 =	vsub.f32 v10, v2;
	v24 =	vmax.f32 v2, $0.0e+00  }
0xfb: {  	v34 =	vmul.f32 v10, v2;
	v25 =	vmax.f32 v5, $0.0e+00;
	v33 =	vmul.f32 v37, v5  }
0xfc: {  	v10 =	vperm.xlane v10, v12;
	v46 =	vmul.f32 v42, v3;
	v42 =	vsub.f32 $0.0e+00, v63  }
0xfd: {  	v38 =	vld [tilespmem:s23+$0xD040];
	v2 =	vand.u32 $0x7FFFFFFF, v2;
	v26 =	vmul.f32 v62, v22;
	v47 =	vmul.f32 v47, v47  }
0xfe: {  	[tilespmem:$0x1FFB0] =	vst v0;
	v0 =	vld [tilespmem:s23+$0x40];
	v5 =	vand.u32 $0x7FFFFFFF, v5;
	v51 =	vmul.f32 $1.442695020e+00, v51;
	v42 =	vmul.f32 $1.442695020e+00, v42  }
0xff: {  	v2 =	vsub.f32 $0.0e+00, v2;
	v1 =	vmul.f32 v9, v1;
	v13 =	vmul.f32 v62, v10  }
0x100: {  	v12 =	vld [tilespmem:$0x1FFE0];
	v5 =	vsub.f32 $0.0e+00, v5;
	v56 =	vmul.f32 v56, v56;
	(erf) = vpow2.f32 v42  }
0x101: {  	v15 =	vsub.f32 v14, v39;
	v2 =	vmul.f32 $1.442695020e+00, v2;
	(erf) = vpow2.f32 v49  }
0x102: {  	v63 =	vsub.f32 $0.0e+00, v55;
	v5 =	vmul.f32 $1.442695020e+00, v5;
	(erf) = vpow2.f32 v58  }
0x103: {  	v17 =	vsub.f32 v16, v17;
	v38 =	vmul.f32 v38, v0;
	(erf) = vpow2.f32 v51  }
0x104: {  	[tilespmem:$0x1FF50] =	vst v11;
	v44 =	vmax.f32 v3, $0.0e+00;
	v11 =	vmul.f32 $1.442695020e+00, v63;
	(erf) = vpow2.f32 v57  }
0x105: {  	v37 =	vmax.f32 v0, $0.0e+00;
	v50 =	vmul.f32 v12, v9;
	(erf) = vpow2.f32 v59  }
0x106: {  	v0 =	vand.u32 $0x7FFFFFFF, v0;
	v52 =	vmul.f32 v12, v10;
	(erf) = vpow2.f32 v60  }
0x107: {  	v55 =	vmul.f32 v12, v22;
	v0 =	vsub.f32 $0.0e+00, v0;
	(erf) = vpow2.f32 v11  }
0x108: {  	v3 =	vand.u32 $0x7FFFFFFF, v3;
	v12 =	vmul.f32 $5.000000000e-01, v22;
	v14 =	vpop (erf);
	(erf) = vpow2.f32 v4  }
0x109: {  	v3 =	vsub.f32 $0.0e+00, v3;
	v0 =	vmul.f32 $1.442695020e+00, v0;
	v16 =	vpop (erf);
	(erf) = vpow2.f32 v2  }
0x10a: {  	v27 =	vsub.f32 v19, v31;
	v4 =	vmul.f32 $1.442695020e+00, v8;
	v19 =	vpop (erf);
	(erf) = vpow2.f32 v5  }
0x10b: {  	v31 =	vsub.f32 v20, v35;
	v2 =	vmul.f32 $1.442695020e+00, v3;
	v20 =	vpop (erf);
	(erf) = vpow2.f32 v0  }
0x10c: {  	v32 =	vsub.f32 v21, v30;
	v3 =	vmul.f32 $1.442695020e+00, v6;
	v21 =	vpop (erf);
	(erf) = vpow2.f32 v4  }
0x10d: {  	v35 =	vsub.f32 v24, v34;
	v0 =	vmul.f32 $1.442695020e+00, v7;
	v24 =	vpop (erf);
	(erf) = vpow2.f32 v2  }
0x10e: {  	v62 =	vmul.f32 $5.000000000e-01, v10;
	v39 =	vsub.f32 v25, v33;
	v63 =	vld [tilespmem:$0x1FFD0];
	v30 =	vpop (erf);
	(erf) = vpow2.f32 v3  }
0x10f: {  	v54 =	vmul.f32 $2.368924950e-02, v19;
	v33 =	vpop (erf);
	(erf) = vpow2.f32 v0;
	v0 =	vadd.f32 $5.000000000e-01, v12;
	v12 =	vld [tilespmem:$0x1FFC0]  }
0x110: {  	v28 =	vsub.f32 v28, v36;
	v57 =	vmul.f32 $2.368924950e-02, v20;
	v59 =	vmul.f32 $2.368924950e-02, v21  }
0x111: {  	v42 =	vsub.f32 v37, v38;
	v2 =	vmul.f32 v10, v56;
	v60 =	vmul.f32 $2.368924950e-02, v24;
	v34 =	vpop (erf)  }
0x112: {  	v4 =	vadd.f32 $5.000000000e-01, v61;
	v3 =	vmul.f32 v22, v47;
	v61 =	vmul.f32 $2.368924950e-02, v30;
	v36 =	vpop (erf)  }
0x113: {  	v5 =	vadd.f32 $5.000000000e-01, v62;
	v62 =	vmul.f32 $2.368924950e-02, v33;
	v38 =	vpop (erf);
	v0 =	vmul.f32 v63, v0  }
0x114: {  	v43 =	vsub.f32 v41, v43;
	v41 =	vpop (erf);
	v25 =	vmul.f32 v12, v1;
	v1 =	vmul.f32 v63, v4  }
0x115: {  	p0 =	sne.s32 s22, $0x19800;
	v46 =	vsub.f32 v44, v46;
	v44 =	vpop (erf);
	v37 =	vmul.f32 v12, v2;
	v2 =	vmul.f32 v63, v5  }
.Ltmp6:
0x116: {  	v49 =	vsub.f32 v40, v45;
	v47 =	vmul.f32 v12, v3;
	v4 =	vmul.f32 $2.368924950e-02, v16;
	v45 =	vpop (erf);
	(pc) =	sbr.rel @p0 .LBB2_11-.Ltmp6, $4  }
0x117: {  	v51 =	vsub.f32 v29, v48;
	v5 =	vmul.f32 $2.368924950e-02, v14;
	v3 =	vmul.f32 $2.368924950e-02, v36;
	v48 =	vpop (erf)  }
0x118: {  	v63 =	vmul.f32 $2.368924950e-02, v34;
	v29 =	vadd.f32 v1, v50;
	v50 =	vpop (erf);
	v40 =	vadd.f32 v2, v52  }
0x119: {  	v52 =	vadd.f32 v0, v55;
	v1 =	vmul.f32 $2.368924950e-02, v41;
	v0 =	vmul.f32 $2.368924950e-02, v38;
	v53 =	vpop (erf)  }
0x11a: {  	s22 =	sadd.s32 $0x800, s22;
	v2 =	vmul.f32 $2.368924950e-02, v44;
	v56 =	vsub.f32 $1.002871990e-01, v4;
	v55 =	vsub.f32 $1.002871990e-01, v5;
	v58 =	vpop (erf)  }
0x11b: {  	v4 =	vmul.f32 $2.368924950e-02, v58;
	_ =	sdelay $0x1  }
0x11c: {  	v5 =	vmul.f32 $2.368924950e-02, v53;
	v4 =	vsub.f32 $1.002871990e-01, v4;
	_ =	sdelay $0x1  }
0x11d: {  	v5 =	vsub.f32 $1.002871990e-01, v5;
	v4 =	vmul.f32 v4, v58  }
0x11e: {  	v6 =	vmul.f32 $2.368924950e-02, v50  }
0x11f: {  	v1 =	vsub.f32 $1.002871990e-01, v1;
	v5 =	vmul.f32 v5, v53;
	v4 =	vadd.f32 $-2.086696620e-01, v4  }
0x120: {  	v7 =	vmul.f32 $2.368924950e-02, v48;
	v0 =	vsub.f32 $1.002871990e-01, v0;
	v3 =	vsub.f32 $1.002871990e-01, v3  }
0x121: {  	v6 =	vsub.f32 $1.002871990e-01, v6;
	v5 =	vadd.f32 $-2.086696620e-01, v5;
	v4 =	vmul.f32 v4, v58  }
0x122: {  	v8 =	vmul.f32 $2.368924950e-02, v45;
	v2 =	vsub.f32 $1.002871990e-01, v2;
	v7 =	vsub.f32 $1.002871990e-01, v7  }
0x123: {  	v6 =	vmul.f32 v6, v50;
	v5 =	vmul.f32 v5, v53;
	v4 =	vadd.f32 $3.244118090e-01, v4  }
0x124: {  	v8 =	vsub.f32 $1.002871990e-01, v8;
	v1 =	vmul.f32 v1, v41;
	v7 =	vmul.f32 v7, v48  }
0x125: {  	v6 =	vadd.f32 $-2.086696620e-01, v6;
	v5 =	vadd.f32 $3.244118090e-01, v5;
	v4 =	vmul.f32 v4, v58  }
0x126: {  	v0 =	vmul.f32 v0, v38;
	v8 =	vmul.f32 v8, v45;
	v7 =	vadd.f32 $-2.086696620e-01, v7  }
0x127: {  	v6 =	vmul.f32 v6, v50;
	v5 =	vmul.f32 v5, v53;
	v4 =	vadd.f32 $-4.991878570e-01, v4  }
0x128: {  	v1 =	vadd.f32 $-2.086696620e-01, v1;
	v0 =	vadd.f32 $-2.086696620e-01, v0;
	v7 =	vmul.f32 v7, v48  }
0x129: {  	v6 =	vadd.f32 $3.244118090e-01, v6;
	v5 =	vadd.f32 $-4.991878570e-01, v5;
	v4 =	vmul.f32 v4, v58  }
0x12a: {  	v2 =	vmul.f32 v2, v44;
	v8 =	vadd.f32 $-2.086696620e-01, v8;
	v7 =	vadd.f32 $3.244118090e-01, v7  }
0x12b: {  	v11 =	vld [tilespmem:$0x1FFB0];
	v6 =	vmul.f32 v6, v50;
	v5 =	vmul.f32 v5, v53;
	v4 =	vadd.f32 $9.999818800e-01, v4  }
0x12c: {  	v2 =	vadd.f32 $-2.086696620e-01, v2;
	v8 =	vmul.f32 v8, v45;
	v7 =	vmul.f32 v7, v48  }
0x12d: {  	v6 =	vadd.f32 $-4.991878570e-01, v6;
	v5 =	vadd.f32 $9.999818800e-01, v5;
	v4 =	vmul.f32 v4, v58  }
0x12e: {  	v3 =	vmul.f32 v3, v36;
	v8 =	vadd.f32 $3.244118090e-01, v8;
	v7 =	vadd.f32 $-4.991878570e-01, v7  }
0x12f: {  	v6 =	vmul.f32 v6, v50;
	v5 =	vmul.f32 v5, v53;
	v4 =	vadd.f32 v4, v51  }
0x130: {  	v11 =	vadd.f32 v47, v11;
	v8 =	vmul.f32 v8, v45;
	v7 =	vmul.f32 v7, v48  }
0x131: {  	v6 =	vadd.f32 $9.999818800e-01, v6;
	v5 =	vadd.f32 v5, v49;
	v4 =	vmul.f32 v4, v52  }
0x132: {  	v2 =	vmul.f32 v2, v44;
	v8 =	vadd.f32 $-4.991878570e-01, v8;
	v7 =	vadd.f32 $9.999818800e-01, v7  }
0x133: {  	v6 =	vmul.f32 v6, v50;
	v5 =	vmul.f32 v5, v22;
	v4 =	vadd.f32 v4, v11  }
0x134: {  	v3 =	vadd.f32 $-2.086696620e-01, v3;
	v2 =	vadd.f32 $3.244118090e-01, v2;
	v8 =	vmul.f32 v8, v45  }
0x135: {  	v6 =	vadd.f32 v6, v46;
	v4 =	vadd.f32 v5, v4;
	v5 =	vmul.f32 v7, v48  }
0x136: {  	v1 =	vmul.f32 v1, v41;
	v2 =	vmul.f32 v2, v44;
	v7 =	vadd.f32 $9.999818800e-01, v8  }
0x137: {  	v0 =	vmul.f32 v0, v38;
	v6 =	vmul.f32 v6, v22;
	v5 =	vadd.f32 v5, v43  }
0x138: {  	v3 =	vmul.f32 v3, v36;
	v2 =	vadd.f32 $-4.991878570e-01, v2;
	v7 =	vmul.f32 v7, v45  }
0x139: {  	v1 =	vadd.f32 $3.244118090e-01, v1;
	v4 =	vadd.f32 v6, v4;
	v5 =	vmul.f32 v5, v22  }
0x13a: {  	v0 =	vadd.f32 $3.244118090e-01, v0;
	v2 =	vmul.f32 v2, v44;
	v6 =	vadd.f32 v7, v42  }
0x13b: {  	v4 =	vadd.f32 v5, v4;
	v5 =	vsub.f32 $1.002871990e-01, v63  }
0x13c: {  	v3 =	vadd.f32 $3.244118090e-01, v3;
	v1 =	vmul.f32 v1, v41;
	v2 =	vadd.f32 $9.999818800e-01, v2  }
0x13d: {  	v7 =	vsub.f32 $1.002871990e-01, v62;
	v6 =	vmul.f32 v6, v22;
	v5 =	vmul.f32 v5, v34  }
0x13e: {  	v0 =	vmul.f32 v0, v38;
	v1 =	vadd.f32 $-4.991878570e-01, v1;
	v2 =	vmul.f32 v2, v44  }
0x13f: {  	v4 =	vadd.f32 v6, v4;
	v6 =	vmul.f32 v7, v33;
	v5 =	vadd.f32 $-2.086696620e-01, v5  }
0x140: {  	v3 =	vmul.f32 v3, v36;
	v1 =	vmul.f32 v1, v41;
	v2 =	vadd.f32 v2, v39  }
0x141: {  	v0 =	vadd.f32 $-4.991878570e-01, v0;
	v6 =	vadd.f32 $-2.086696620e-01, v6;
	v5 =	vmul.f32 v5, v34  }
0x142: {  	v3 =	vadd.f32 $-4.991878570e-01, v3;
	v1 =	vadd.f32 $9.999818800e-01, v1;
	v2 =	vmul.f32 v2, v26  }
0x143: {  	v7 =	vsub.f32 $1.002871990e-01, v61;
	v6 =	vmul.f32 v6, v33;
	v5 =	vadd.f32 $3.244118090e-01, v5  }
0x144: {  	v0 =	vmul.f32 v0, v38;
	v1 =	vmul.f32 v1, v41;
	v2 =	vadd.f32 v2, v4  }
0x145: {  	v4 =	vmul.f32 v7, v30;
	v6 =	vadd.f32 $3.244118090e-01, v6;
	v5 =	vmul.f32 v5, v34  }
0x146: {  	v0 =	vadd.f32 $9.999818800e-01, v0;
	v1 =	vadd.f32 v1, v35  }
0x147: {  	v4 =	vadd.f32 $-2.086696620e-01, v4;
	v6 =	vmul.f32 v6, v33;
	v5 =	vadd.f32 $-4.991878570e-01, v5  }
0x148: {  	v0 =	vmul.f32 v0, v38;
	v1 =	vmul.f32 v1, v40;
	v2 =	vadd.f32 v37, v2  }
0x149: {  	v4 =	vmul.f32 v4, v30;
	v6 =	vadd.f32 $-4.991878570e-01, v6;
	v5 =	vmul.f32 v5, v34  }
0x14a: {  	v3 =	vmul.f32 v3, v36;
	v0 =	vadd.f32 v0, v32;
	v1 =	vadd.f32 v1, v2  }
0x14b: {  	v4 =	vadd.f32 $3.244118090e-01, v4;
	v2 =	vadd.f32 $9.999818800e-01, v5;
	v5 =	vmul.f32 v6, v33  }
0x14c: {  	v3 =	vadd.f32 $9.999818800e-01, v3;
	v0 =	vmul.f32 v0, v10  }
0x14d: {  	v4 =	vmul.f32 v4, v30;
	v5 =	vadd.f32 $9.999818800e-01, v5  }
0x14e: {  	v3 =	vmul.f32 v3, v36;
	v0 =	vadd.f32 v0, v1  }
0x14f: {  	v1 =	vadd.f32 $-4.991878570e-01, v4;
	v4 =	vmul.f32 v5, v33;
	v5 =	vsub.f32 $1.002871990e-01, v60  }
0x150: {  	v3 =	vadd.f32 v3, v31;
	v6 =	vsub.f32 $1.002871990e-01, v59  }
0x151: {  	v2 =	vmul.f32 v2, v34;
	v5 =	vmul.f32 v5, v24  }
0x152: {  	v3 =	vmul.f32 v3, v10;
	v6 =	vmul.f32 v6, v21  }
0x153: {  	v2 =	vadd.f32 v2, v28;
	v5 =	vadd.f32 $-2.086696620e-01, v5  }
0x154: {  	v0 =	vadd.f32 v3, v0;
	v6 =	vadd.f32 $-2.086696620e-01, v6  }
0x155: {  	v4 =	vadd.f32 v4, v27;
	v2 =	vmul.f32 v2, v10;
	v5 =	vmul.f32 v5, v24  }
0x156: {  	v6 =	vmul.f32 v6, v21  }
0x157: {  	v0 =	vadd.f32 v2, v0;
	v4 =	vmul.f32 v4, v10;
	v5 =	vadd.f32 $3.244118090e-01, v5  }
0x158: {  	v3 =	vsub.f32 $1.002871990e-01, v57;
	v1 =	vmul.f32 v1, v30  }
0x159: {  	v0 =	vadd.f32 v4, v0;
	v4 =	vadd.f32 $3.244118090e-01, v6;
	v5 =	vmul.f32 v5, v24  }
0x15a: {  	v3 =	vmul.f32 v3, v20;
	v2 =	vsub.f32 $1.002871990e-01, v54  }
0x15b: {  	v1 =	vadd.f32 $9.999818800e-01, v1;
	v4 =	vmul.f32 v4, v21;
	v5 =	vadd.f32 $-4.991878570e-01, v5  }
0x15c: {  	v3 =	vadd.f32 $-2.086696620e-01, v3;
	v2 =	vmul.f32 v2, v19  }
0x15d: {  	v1 =	vmul.f32 v1, v30;
	v4 =	vadd.f32 $-4.991878570e-01, v4;
	v5 =	vmul.f32 v5, v24  }
0x15e: {  	v3 =	vmul.f32 v3, v20;
	v2 =	vadd.f32 $-2.086696620e-01, v2  }
0x15f: {  	v1 =	vadd.f32 v1, v23;
	v4 =	vmul.f32 v4, v21;
	v5 =	vadd.f32 $9.999818800e-01, v5  }
0x160: {  	v3 =	vadd.f32 $3.244118090e-01, v3;
	v6 =	vmul.f32 v55, v14;
	v2 =	vmul.f32 v2, v19  }
0x161: {  	v1 =	vmul.f32 v1, v13;
	v4 =	vadd.f32 $9.999818800e-01, v4;
	v5 =	vmul.f32 v5, v24  }
0x162: {  	v3 =	vmul.f32 v3, v20;
	v6 =	vadd.f32 $-2.086696620e-01, v6;
	v2 =	vadd.f32 $3.244118090e-01, v2  }
0x163: {  	v0 =	vadd.f32 v1, v0;
	v4 =	vmul.f32 v4, v21;
	v5 =	vadd.f32 v5, v18  }
0x164: {  	v6 =	vmul.f32 v6, v14;
	v2 =	vmul.f32 v2, v19  }
0x165: {  	v0 =	vadd.f32 v25, v0;
	v4 =	vadd.f32 v4, v17;
	v5 =	vmul.f32 v5, v29  }
0x166: {  	v3 =	vadd.f32 $-4.991878570e-01, v3;
	v1 =	vmul.f32 v56, v16;
	v2 =	vadd.f32 $-4.991878570e-01, v2  }
0x167: {  	v6 =	vadd.f32 $3.244118090e-01, v6;
	v4 =	vmul.f32 v4, v9;
	v0 =	vadd.f32 v5, v0  }
0x168: {  	v3 =	vmul.f32 v3, v20;
	v1 =	vadd.f32 $-2.086696620e-01, v1;
	v2 =	vmul.f32 v2, v19  }
0x169: {  	v6 =	vmul.f32 v6, v14;
	v0 =	vadd.f32 v4, v0;
	v4 =	vld [tilespmem:$0x1FF50]  }
0x16a: {  	v3 =	vadd.f32 $9.999818800e-01, v3;
	v1 =	vmul.f32 v1, v16;
	v2 =	vadd.f32 $9.999818800e-01, v2  }
0x16b: {  	v6 =	vadd.f32 $-4.991878570e-01, v6  }
0x16c: {  	v3 =	vmul.f32 v3, v20;
	v1 =	vadd.f32 $3.244118090e-01, v1;
	v2 =	vmul.f32 v2, v19  }
0x16d: {  	v5 =	vmul.f32 v6, v14;
	v6 =	vld [tilespmem:$0x1FF40]  }
0x16e: {  	v3 =	vadd.f32 v3, v15;
	v1 =	vmul.f32 v1, v16;
	v2 =	vadd.f32 v2, v4;
	v4 =	vld [tilespmem:$0x1FF20];
	_ =	sdelay $0x1  }
0x16f: {  	v3 =	vmul.f32 v3, v9;
	v1 =	vadd.f32 $-4.991878570e-01, v1;
	_ =	sdelay $0x1  }
0x170: {  	v1 =	vmul.f32 v1, v16;
	v0 =	vadd.f32 v3, v0;
	v3 =	vld [tilespmem:$0x1FF10]  }
0x171: {  	v4 =	vsub.f32 v4, v6;
	v6 =	vld [tilespmem:$0x1FF30]  }
0x172: {  	v1 =	vadd.f32 $9.999818800e-01, v1  }
0x173: {  	v7 =	vld [tilespmem:$0x1FFF0]  }
0x174: {  	v1 =	vmul.f32 v1, v16;
	v5 =	vadd.f32 $9.999818800e-01, v5  }
0x175: {  	v2 =	vmul.f32 v2, v9  }
0x176: {  	v5 =	vmul.f32 v5, v14;
	v1 =	vadd.f32 v1, v4;
	v3 =	vsub.f32 v3, v6  }
0x177: {  	p0 =	seq.s32 s21, $0xC;
	v0 =	vadd.f32 v2, v0  }
.Ltmp7:
0x178: {  	v1 =	vmul.f32 v1, v9;
	v2 =	vadd.f32 v5, v3;
	v3 =	vmul.f32 v7, v9;
	(pc) =	sbr.rel @p0 .LBB2_18-.Ltmp7, $3  }
0x179: {  	_ = 	snop  }
0x17a: {  	v0 =	vadd.f32 v1, v0;
	v1 =	vmul.f32 v2, v3;
	_ =	sdelay $0x1  }
0x17b: {  	s22 =	sshll.u32 s21, $0x1;
	v6 =	vimm.s32 $0x4;
	v5 =	vld [tilespmem:$0x1FFE0];
	v0 =	vadd.f32 v1, v0  }
0x17c: {  	s23 =	sadd.s32 s22, s11  }
0x17d: {  	s23 =	smul.u32 $0x6800, s23;
	_ =	sdelay $0x1  }
0x17e: {  	s23 =	sadd.s32 s4, s23  }
0x17f: {  	s23 =	sshrl.u32 s23, $0x3  }
0x180: {  	s25 =	simm.s32 $0x0;
	s24 =	sadd.s32 s2, s23  }
0x181: {  	s26 =	simm.s32 $0x40;
	s28 =	simm.s32 $0x200;
	s29 =	sadd.s32 $0x0, s24  }
.LBB2_14:
0x182: {  	[tilespmem:s25], [sflag:$0x1] =	stream.linear.gather [hbm4b:s29+s3], $0x180, $0x38;
	[tilespmem:$0x1A080] =	vst v63  }
0x183: {  	s29 =	smov.u32 s26;
	s25 =	smov.u32 s28;
	p1 =	sne.s32 s26, $0xCC0  }
.Ltmp8:
0x184: {  	s26 =	sadd.s32 $0x40, s26;
	(pc) =	sbr.rel @p1 .LBB2_14-.Ltmp8, $2  }
0x185: {  	_ =	sdelay $0x2  }
0x186: {  	s28 =	sadd.s32 $0x200, s28;
	s29 =	sadd.s32 s29, s24  }
0x187: {  	[tilespmem:s25], [sflag:$0x1] =	stream.linear.gather [hbm4b:s29+s3], $0x180, $0x38;
	[tilespmem:$0x1A080] =	vst v63  }
0x188: {  	s23 =	sadd.s32 s5, s23;
	s24 =	simm.s32 $0xD000  }
0x189: {  	s25 =	simm.s32 $0x40;
	s26 =	simm.s32 $0xD200;
	s28 =	sadd.s32 $0x0, s23  }
.LBB2_16:
0x18a: {  	[tilespmem:s24], [sflag:$0x2] =	stream.linear.gather [hbm4b:s28+s3], $0x180, $0x38;
	[tilespmem:$0x1A080] =	vst v63  }
0x18b: {  	s28 =	smov.u32 s25;
	s24 =	smov.u32 s26;
	p1 =	sne.s32 s25, $0xCC0  }
.Ltmp9:
0x18c: {  	s25 =	sadd.s32 $0x40, s25;
	(pc) =	sbr.rel @p1 .LBB2_16-.Ltmp9, $2  }
0x18d: {  	_ =	sdelay $0x2  }
0x18e: {  	s26 =	sadd.s32 $0x200, s26;
	s28 =	sadd.s32 s28, s23  }
0x18f: {  	[tilespmem:s24], [sflag:$0x2] =	stream.linear.gather [hbm4b:s28+s3], $0x180, $0x38;
	[tilespmem:$0x1A080] =	vst v63  }
.LBB2_18:
0x190: {  	_ =	swait.ge [sflag:s16], $0x4E00  }
0x191: {  	[sflag:s16] =	ssyncset.done $0x0  }
0x192: {  	[sflag:s16] =	ssyncadd.s32 $0xFFFFB200  }
0x193: {  	_ =	swait.ge [sflag:s17], $0x4E00  }
0x194: {  	[sflag:s17] =	ssyncset.done $0x0  }
0x195: {  	s23 =	simm.s32 $0x0;
	[sflag:s17] =	ssyncadd.s32 $0xFFFFB200  }
0x196: {  	[tilespmem:$0x1FE70] =	vst v0;
	v0 =	vld [tilespmem:s23+$0x13945]  }
0x197: {  	v1 =	vld [tilespmem:s23+$0x13940]  }
0x198: {  	v2 =	vld [tilespmem:s23+$0x13930]  }
0x199: {  	v3 =	vld [tilespmem:s23+$0x13920]  }
0x19a: {  	v4 =	vld [tilespmem:s23+$0x13910]  }
0x19b: {  	v9 =	vld [tilespmem:s23+$0x138C5]  }
0x19c: {  	v10 =	vld [tilespmem:s23+$0x13900]  }
0x19d: {  	v11 =	vld [tilespmem:s23+$0x138C0]  }
0x19e: {  	v13 =	vld [tilespmem:s23+$0x138B0]  }
0x19f: {  	v16 =	vld [tilespmem:s23+$0x13845]  }
0x1a0: {  	v17 =	vld [tilespmem:s23+$0x13880]  }
0x1a1: {  	v18 =	vld [tilespmem:s23+$0x13840]  }
0x1a2: {  	v20 =	vld [tilespmem:s23+$0x6945]  }
0x1a3: {  	v22 =	vld [tilespmem:s23+$0x6940]  }
0x1a4: {  	v24 =	vld [tilespmem:s23+$0x6930]  }
0x1a5: {  	v25 =	vld [tilespmem:s23+$0x6920]  }
0x1a6: {  	v26 =	vld [tilespmem:s23+$0x6910]  }
0x1a7: {  	v27 =	vld [tilespmem:s23+$0x6900]  }
0x1a8: {  	v28 =	vld [tilespmem:s23+$0x68C5]  }
0x1a9: {  	v30 =	vld [tilespmem:s23+$0x68C0]  }
0x1aa: {  	v31 =	vld [tilespmem:s23+$0x68B0]  }
0x1ab: {  	v34 =	vld [tilespmem:s23+$0x6880];
	v8 =	vmax.f32 v20, $0.0e+00;
	v0 =	vmul.f32 v0, v20;
	v32 =	vmax.f32 v24, $0.0e+00  }
0x1ac: {  	v36 =	vld [tilespmem:s23+$0x6845];
	v29 =	vmul.f32 v2, v24;
	v1 =	vmul.f32 v1, v22;
	v33 =	vmax.f32 v25, $0.0e+00  }
0x1ad: {  	v39 =	vld [tilespmem:s23+$0x6840];
	v40 =	vmax.f32 v26, $0.0e+00;
	v35 =	vmul.f32 v4, v26;
	v4 =	vmul.f32 v3, v25  }
0x1ae: {  	v46 =	vld [tilespmem:s23+$0x6830];
	v37 =	vmax.f32 v27, $0.0e+00;
	v38 =	vmul.f32 v10, v27;
	v41 =	vmax.f32 v28, $0.0e+00  }
0x1af: {  	v19 =	vld [tilespmem:s23+$0x13830];
	v42 =	vmul.f32 v9, v28;
	v43 =	vsub.f32 v10, v27;
	v47 =	vmax.f32 v30, $0.0e+00  }
0x1b0: {  	v48 =	vmul.f32 v11, v30;
	v9 =	vperm.xlane v10, v6;
	v50 =	vmax.f32 v31, $0.0e+00  }
0x1b1: {  	v51 =	vmul.f32 v13, v31;
	v55 =	vmax.f32 v34, $0.0e+00;
	v56 =	vmul.f32 v17, v34  }
0x1b2: {  	v58 =	vmax.f32 v36, $0.0e+00;
	v59 =	vmul.f32 v16, v36;
	v10 =	vperm.xlane v17, v6  }
0x1b3: {  	v21 =	vld [tilespmem:s23+$0x13820];
	v2 =	vmax.f32 v46, $0.0e+00;
	v60 =	vmax.f32 v39, $0.0e+00;
	v61 =	vmul.f32 v18, v39  }
0x1b4: {  	v23 =	vld [tilespmem:s23+$0x13810];
	v62 =	vmul.f32 v19, v46;
	v16 =	vand.u32 $0x7FFFFFFF, v20;
	v18 =	vand.u32 $0x7FFFFFFF, v24  }
0x1b5: {  	v11 =	vld [tilespmem:s23+$0x6820];
	v20 =	vand.u32 $0x7FFFFFFF, v25;
	v24 =	vand.u32 $0x7FFFFFFF, v31;
	v25 =	vand.u32 $0x7FFFFFFF, v30  }
0x1b6: {  	v13 =	vld [tilespmem:s23+$0x6810];
	v30 =	vand.u32 $0x7FFFFFFF, v39;
	v31 =	vand.u32 $0x7FFFFFFF, v36;
	[tilespmem:$0x1FE80] =	vst v8;
	v8 =	vmax.f32 v22, $0.0e+00  }
0x1b7: {  	v14 =	vld [tilespmem:s23+$0x138A0];
	v16 =	vsub.f32 $0.0e+00, v16;
	v20 =	vsub.f32 $0.0e+00, v20;
	v63 =	vmul.f32 v5, v9  }
0x1b8: {  	v15 =	vld [tilespmem:s23+$0x13890];
	[tilespmem:$0x1FED0] =	vst v2;
	v18 =	vsub.f32 $0.0e+00, v18;
	v36 =	vmul.f32 v43, v43;
	v43 =	vmul.f32 $5.000000000e-01, v9  }
0x1b9: {  	[tilespmem:$0x1FEA0] =	vst v0;
	v0 =	vld [tilespmem:s23+$0x68A0];
	v3 =	vmul.f32 v5, v10;
	v32 =	vsub.f32 v32, v29;
	v16 =	vmul.f32 $1.442695020e+00, v16  }
0x1ba: {  	[tilespmem:$0x1FEB0] =	vst v1;
	v1 =	vld [tilespmem:s23+$0x6890];
	v18 =	vmul.f32 $1.442695020e+00, v18;
	v2 =	vmax.f32 v11, $0.0e+00;
	v44 =	vmul.f32 v21, v11  }
0x1bb: {  	v57 =	vld [tilespmem:s23+$0x13800];
	v45 =	vmul.f32 v23, v13;
	v21 =	vand.u32 $0x7FFFFFFF, v27;
	v23 =	vand.u32 $0x7FFFFFFF, v26  }
0x1bc: {  	v26 =	vand.u32 $0x7FFFFFFF, v28;
	v27 =	vand.u32 $0x7FFFFFFF, v34;
	v28 =	vand.u32 $0x7FFFFFFF, v46  }
0x1bd: {  	(erf) = vpow2.f32 v16;
	v46 =	vmul.f32 $5.000000000e-01, v10;
	[tilespmem:$0x1FEE0] =	vst v2;
	v2 =	vmax.f32 v13, $0.0e+00  }
0x1be: {  	v16 =	vsub.f32 $0.0e+00, v23;
	v23 =	vsub.f32 $0.0e+00, v26;
	v49 =	vmax.f32 v0, $0.0e+00  }
0x1bf: {  	v52 =	vmax.f32 v1, $0.0e+00;
	v53 =	vmul.f32 v15, v1;
	v54 =	vmul.f32 v14, v0  }
0x1c0: {  	v15 =	vsub.f32 v17, v34;
	v17 =	vand.u32 $0x7FFFFFFF, v22;
	v22 =	vperm.xlane v57, v6  }
0x1c1: {  	v14 =	vld [tilespmem:s23+$0x6800];
	v1 =	vand.u32 $0x7FFFFFFF, v1;
	v0 =	vand.u32 $0x7FFFFFFF, v0;
	v34 =	vand.u32 $0x7FFFFFFF, v11  }
0x1c2: {  	v11 =	vsub.f32 $0.0e+00, v17;
	v17 =	vand.u32 $0x7FFFFFFF, v13;
	v13 =	vmul.f32 v7, v10  }
0x1c3: {  	v0 =	vsub.f32 $0.0e+00, v0;
	v1 =	vsub.f32 $0.0e+00, v1;
	v26 =	vmul.f32 v7, v22  }
0x1c4: {  	v21 =	vsub.f32 $0.0e+00, v21;
	v29 =	vmul.f32 $5.000000000e-01, v22;
	v11 =	vmul.f32 $1.442695020e+00, v11  }
0x1c5: {  	[tilespmem:$0x1FE90] =	vst v8;
	v28 =	vsub.f32 $0.0e+00, v28;
	v0 =	vmul.f32 $1.442695020e+00, v0;
	v1 =	vmul.f32 $1.442695020e+00, v1  }
0x1c6: {  	[tilespmem:$0x1FEF0] =	vst v2;
	v8 =	vmax.f32 v14, $0.0e+00;
	v19 =	vsub.f32 v57, v14;
	v2 =	vmul.f32 v57, v14  }
0x1c7: {  	v14 =	vand.u32 $0x7FFFFFFF, v14;
	(erf) = vpow2.f32 v11;
	v11 =	vmul.f32 $1.442695020e+00, v20  }
0x1c8: {  	v20 =	vsub.f32 $0.0e+00, v24;
	v24 =	vsub.f32 $0.0e+00, v30;
	(erf) = vpow2.f32 v18  }
0x1c9: {  	v18 =	vsub.f32 $0.0e+00, v25;
	v25 =	vmul.f32 v15, v15;
	v15 =	vmul.f32 $1.442695020e+00, v16  }
0x1ca: {  	v16 =	vsub.f32 $0.0e+00, v27;
	(erf) = vpow2.f32 v11;
	v57 =	vmul.f32 v19, v19  }
0x1cb: {  	v39 =	vsub.f32 $0.0e+00, v14;
	[tilespmem:$0x1FF00] =	vst v2;
	v2 =	vmul.f32 v5, v22;
	v14 =	vmul.f32 $1.442695020e+00, v20  }
0x1cc: {  	v19 =	vsub.f32 $0.0e+00, v31;
	(erf) = vpow2.f32 v15;
	v15 =	vmul.f32 $1.442695020e+00, v21  }
0x1cd: {  	v21 =	vsub.f32 $0.0e+00, v17;
	v17 =	vmul.f32 $1.442695020e+00, v23;
	v18 =	vmul.f32 $1.442695020e+00, v18  }
0x1ce: {  	v20 =	vmul.f32 $1.442695020e+00, v19;
	(erf) = vpow2.f32 v15;
	v15 =	vsub.f32 v33, v4  }
0x1cf: {  	v4 =	vmul.f32 $1.442695020e+00, v16;
	(erf) = vpow2.f32 v17;
	v17 =	vsub.f32 v40, v35  }
0x1d0: {  	v35 =	vsub.f32 v55, v56;
	v56 =	vmul.f32 v22, v57;
	(erf) = vpow2.f32 v18  }
0x1d1: {  	v31 =	vsub.f32 v49, v54;
	v54 =	vmul.f32 $1.442695020e+00, v21;
	(erf) = vpow2.f32 v14  }
0x1d2: {  	v27 =	vsub.f32 v47, v48;
	v14 =	vpop (erf);
	v47 =	vmul.f32 v12, v56;
	(erf) = vpow2.f32 v0  }
0x1d3: {  	v30 =	vsub.f32 $0.0e+00, v34;
	v0 =	vmul.f32 $1.442695020e+00, v24;
	v16 =	vpop (erf);
	(erf) = vpow2.f32 v1  }
0x1d4: {  	v23 =	vsub.f32 v41, v42;
	v11 =	vmul.f32 $2.368924950e-02, v14;
	v19 =	vpop (erf);
	(erf) = vpow2.f32 v4  }
0x1d5: {  	v42 =	vsub.f32 v60, v61;
	v60 =	vld [tilespmem:$0x1FEE0];
	v1 =	vmul.f32 $1.442695020e+00, v28;
	(erf) = vpow2.f32 v20;
	v20 =	vpop (erf)  }
0x1d6: {  	[tilespmem:$0x1FEC0] =	vst v32;
	v32 =	vsub.f32 v52, v53;
	v4 =	vmul.f32 $1.442695020e+00, v30;
	(erf) = vpow2.f32 v0;
	v21 =	vpop (erf)  }
0x1d7: {  	v61 =	vld [tilespmem:$0x1FEF0];
	v55 =	vadd.f32 $5.000000000e-01, v43;
	v0 =	vmul.f32 $1.442695020e+00, v39;
	(erf) = vpow2.f32 v1;
	v24 =	vpop (erf)  }
0x1d8: {  	v39 =	vsub.f32 v58, v59;
	v58 =	vld [tilespmem:$0x1FFD0];
	v1 =	vmul.f32 v9, v36;
	(erf) = vpow2.f32 v4;
	v30 =	vpop (erf)  }
0x1d9: {  	v57 =	vadd.f32 $5.000000000e-01, v46;
	v59 =	vld [tilespmem:$0x1FED0];
	v4 =	vmul.f32 v10, v25;
	(erf) = vpow2.f32 v54;
	v33 =	vpop (erf)  }
0x1da: {  	v46 =	vsub.f32 v60, v44;
	v60 =	vmul.f32 $2.368924950e-02, v24;
	(erf) = vpow2.f32 v0;
	v34 =	vpop (erf)  }
0x1db: {  	v18 =	vsub.f32 v37, v38;
	v25 =	vmul.f32 v12, v1;
	v54 =	vmul.f32 $2.368924950e-02, v19;
	v36 =	vpop (erf)  }
0x1dc: {  	v49 =	vsub.f32 v61, v45;
	v61 =	vmul.f32 $2.368924950e-02, v30;
	v37 =	vmul.f32 v12, v4;
	v38 =	vpop (erf)  }
0x1dd: {  	v0 =	vadd.f32 $5.000000000e-01, v29;
	v1 =	vmul.f32 v58, v55;
	v4 =	vmul.f32 v58, v57;
	v41 =	vpop (erf)  }
0x1de: {  	v43 =	vsub.f32 v59, v62;
	v55 =	vmul.f32 $2.368924950e-02, v16;
	v57 =	vmul.f32 $2.368924950e-02, v20;
	v62 =	vld [tilespmem:$0x1FF00];
	v44 =	vpop (erf)  }
0x1df: {  	v28 =	vsub.f32 v50, v51;
	v59 =	vmul.f32 $2.368924950e-02, v21;
	v0 =	vmul.f32 v58, v0;
	v45 =	vpop (erf)  }
0x1e0: {  	v29 =	vadd.f32 v1, v63;
	v40 =	vadd.f32 v4, v3;
	v3 =	vmul.f32 $2.368924950e-02, v36;
	v48 =	vpop (erf)  }
0x1e1: {  	v63 =	vmul.f32 $2.368924950e-02, v34;
	v56 =	vsub.f32 $1.002871990e-01, v55;
	v55 =	vsub.f32 $1.002871990e-01, v11;
	v50 =	vpop (erf)  }
0x1e2: {  	v52 =	vadd.f32 v0, v2;
	v1 =	vmul.f32 $2.368924950e-02, v41;
	v0 =	vmul.f32 $2.368924950e-02, v38;
	v53 =	vpop (erf)  }
0x1e3: {  	s23 =	simm.s32 $0x800;
	v2 =	vmul.f32 $2.368924950e-02, v44;
	v51 =	vsub.f32 v8, v62;
	v62 =	vmul.f32 $2.368924950e-02, v33;
	v58 =	vpop (erf)  }
.LBB2_19:
0x1e4: {  	v57 =	vsub.f32 $1.002871990e-01, v57  }
0x1e5: {  	v4 =	vmul.f32 $2.368924950e-02, v45;
	v54 =	vsub.f32 $1.002871990e-01, v54;
	v60 =	vsub.f32 $1.002871990e-01, v60  }
0x1e6: {  	v5 =	vmul.f32 $2.368924950e-02, v48;
	v59 =	vsub.f32 $1.002871990e-01, v59;
	v62 =	vsub.f32 $1.002871990e-01, v62  }
0x1e7: {  	v6 =	vmul.f32 $2.368924950e-02, v50;
	v61 =	vsub.f32 $1.002871990e-01, v61;
	v3 =	vsub.f32 $1.002871990e-01, v3  }
0x1e8: {  	v7 =	vmul.f32 $2.368924950e-02, v53;
	v63 =	vsub.f32 $1.002871990e-01, v63;
	v1 =	vsub.f32 $1.002871990e-01, v1  }
0x1e9: {  	v8 =	vmul.f32 $2.368924950e-02, v58;
	v0 =	vsub.f32 $1.002871990e-01, v0;
	v2 =	vsub.f32 $1.002871990e-01, v2  }
0x1ea: {  	v56 =	vmul.f32 v56, v16;
	v55 =	vmul.f32 v55, v14;
	v4 =	vsub.f32 $1.002871990e-01, v4  }
0x1eb: {  	v5 =	vsub.f32 $1.002871990e-01, v5;
	v57 =	vmul.f32 v57, v20;
	v54 =	vmul.f32 v54, v19  }
0x1ec: {  	v6 =	vsub.f32 $1.002871990e-01, v6;
	v60 =	vmul.f32 v60, v24;
	v59 =	vmul.f32 v59, v21  }
0x1ed: {  	v7 =	vsub.f32 $1.002871990e-01, v7;
	v62 =	vmul.f32 v62, v33;
	v61 =	vmul.f32 v61, v30  }
0x1ee: {  	v8 =	vsub.f32 $1.002871990e-01, v8;
	v3 =	vmul.f32 v3, v36;
	v63 =	vmul.f32 v63, v34  }
0x1ef: {  	v1 =	vmul.f32 v1, v41;
	v0 =	vmul.f32 v0, v38;
	v56 =	vadd.f32 $-2.086696620e-01, v56  }
0x1f0: {  	v2 =	vmul.f32 v2, v44;
	v55 =	vadd.f32 $-2.086696620e-01, v55;
	v57 =	vadd.f32 $-2.086696620e-01, v57  }
0x1f1: {  	v12 =	vld [tilespmem:$0x1FE70];
	v4 =	vmul.f32 v4, v45;
	v54 =	vadd.f32 $-2.086696620e-01, v54;
	v60 =	vadd.f32 $-2.086696620e-01, v60  }
0x1f2: {  	v5 =	vmul.f32 v5, v48;
	v59 =	vadd.f32 $-2.086696620e-01, v59;
	v62 =	vadd.f32 $-2.086696620e-01, v62  }
0x1f3: {  	v6 =	vmul.f32 v6, v50;
	v61 =	vadd.f32 $-2.086696620e-01, v61;
	v3 =	vadd.f32 $-2.086696620e-01, v3  }
0x1f4: {  	v7 =	vmul.f32 v7, v53;
	v63 =	vadd.f32 $-2.086696620e-01, v63;
	v1 =	vadd.f32 $-2.086696620e-01, v1  }
0x1f5: {  	v8 =	vmul.f32 v8, v58;
	v0 =	vadd.f32 $-2.086696620e-01, v0;
	v2 =	vadd.f32 $-2.086696620e-01, v2  }
0x1f6: {  	v56 =	vmul.f32 v56, v16;
	v55 =	vmul.f32 v55, v14;
	v12 =	vadd.f32 v47, v12  }
0x1f7: {  	v4 =	vadd.f32 $-2.086696620e-01, v4;
	v57 =	vmul.f32 v57, v20;
	v54 =	vmul.f32 v54, v19  }
0x1f8: {  	v5 =	vadd.f32 $-2.086696620e-01, v5;
	v60 =	vmul.f32 v60, v24;
	v59 =	vmul.f32 v59, v21  }
0x1f9: {  	v6 =	vadd.f32 $-2.086696620e-01, v6;
	v62 =	vmul.f32 v62, v33;
	v61 =	vmul.f32 v61, v30  }
0x1fa: {  	v7 =	vadd.f32 $-2.086696620e-01, v7;
	v3 =	vmul.f32 v3, v36;
	v63 =	vmul.f32 v63, v34  }
0x1fb: {  	v8 =	vadd.f32 $-2.086696620e-01, v8;
	v1 =	vmul.f32 v1, v41;
	v0 =	vmul.f32 v0, v38  }
0x1fc: {  	v2 =	vmul.f32 v2, v44;
	v56 =	vadd.f32 $3.244118090e-01, v56;
	v55 =	vadd.f32 $3.244118090e-01, v55  }
0x1fd: {  	v4 =	vmul.f32 v4, v45;
	v57 =	vadd.f32 $3.244118090e-01, v57;
	v11 =	vadd.f32 $3.244118090e-01, v54  }
0x1fe: {  	v5 =	vmul.f32 v5, v48;
	v60 =	vadd.f32 $3.244118090e-01, v60;
	v59 =	vadd.f32 $3.244118090e-01, v59  }
0x1ff: {  	v6 =	vmul.f32 v6, v50;
	v62 =	vadd.f32 $3.244118090e-01, v62;
	v61 =	vadd.f32 $3.244118090e-01, v61  }
0x200: {  	v7 =	vmul.f32 v7, v53;
	v3 =	vadd.f32 $3.244118090e-01, v3;
	v63 =	vadd.f32 $3.244118090e-01, v63  }
0x201: {  	v8 =	vmul.f32 v8, v58;
	v1 =	vadd.f32 $3.244118090e-01, v1;
	v0 =	vadd.f32 $3.244118090e-01, v0  }
0x202: {  	v2 =	vadd.f32 $3.244118090e-01, v2;
	v54 =	vmul.f32 v56, v16;
	v56 =	vmul.f32 v55, v14  }
0x203: {  	v8 =	vadd.f32 $3.244118090e-01, v8;
	v57 =	vmul.f32 v57, v20;
	v55 =	vmul.f32 v11, v19  }
0x204: {  	v4 =	vadd.f32 $3.244118090e-01, v4;
	v60 =	vmul.f32 v60, v24;
	v59 =	vmul.f32 v59, v21  }
0x205: {  	v7 =	vadd.f32 $3.244118090e-01, v7;
	v11 =	vmul.f32 v61, v30;
	v61 =	vmul.f32 v63, v34  }
0x206: {  	v6 =	vadd.f32 $3.244118090e-01, v6;
	v62 =	vmul.f32 v62, v33;
	v8 =	vmul.f32 v8, v58  }
0x207: {  	v5 =	vadd.f32 $3.244118090e-01, v5;
	v3 =	vmul.f32 v3, v36;
	v0 =	vmul.f32 v0, v38  }
0x208: {  	v2 =	vmul.f32 v2, v44;
	v7 =	vmul.f32 v7, v53;
	v8 =	vadd.f32 $-4.991878570e-01, v8  }
0x209: {  	v1 =	vmul.f32 v1, v41;
	v6 =	vmul.f32 v6, v50;
	v11 =	vadd.f32 $-4.991878570e-01, v11  }
0x20a: {  	v2 =	vadd.f32 $-4.991878570e-01, v2;
	v7 =	vadd.f32 $-4.991878570e-01, v7;
	v8 =	vmul.f32 v8, v58  }
0x20b: {  	v5 =	vmul.f32 v5, v48;
	v1 =	vadd.f32 $-4.991878570e-01, v1;
	v0 =	vadd.f32 $-4.991878570e-01, v0  }
0x20c: {  	v6 =	vadd.f32 $-4.991878570e-01, v6;
	v7 =	vmul.f32 v7, v53;
	v8 =	vadd.f32 $9.999818800e-01, v8  }
0x20d: {  	v4 =	vmul.f32 v4, v45;
	v3 =	vadd.f32 $-4.991878570e-01, v3;
	v5 =	vadd.f32 $-4.991878570e-01, v5  }
0x20e: {  	v6 =	vmul.f32 v6, v50;
	v7 =	vadd.f32 $9.999818800e-01, v7;
	v8 =	vmul.f32 v8, v58  }
0x20f: {  	v4 =	vadd.f32 $-4.991878570e-01, v4;
	v2 =	vmul.f32 v2, v44;
	v5 =	vmul.f32 v5, v48  }
0x210: {  	v6 =	vadd.f32 $9.999818800e-01, v6;
	v7 =	vmul.f32 v7, v53;
	v8 =	vadd.f32 v8, v51  }
0x211: {  	v1 =	vmul.f32 v1, v41;
	v4 =	vmul.f32 v4, v45;
	v5 =	vadd.f32 $9.999818800e-01, v5  }
0x212: {  	v6 =	vmul.f32 v6, v50;
	v7 =	vadd.f32 v7, v49;
	v8 =	vmul.f32 v8, v52  }
0x213: {  	v0 =	vmul.f32 v0, v38;
	v4 =	vadd.f32 $9.999818800e-01, v4;
	v5 =	vmul.f32 v5, v48  }
0x214: {  	v6 =	vadd.f32 v6, v46;
	v7 =	vmul.f32 v7, v22;
	v8 =	vadd.f32 v8, v12  }
0x215: {  	v3 =	vmul.f32 v3, v36;
	v2 =	vadd.f32 $9.999818800e-01, v2;
	v4 =	vmul.f32 v4, v45  }
0x216: {  	v5 =	vadd.f32 v5, v43;
	v6 =	vmul.f32 v6, v22;
	v7 =	vadd.f32 v7, v8  }
0x217: {  	v11 =	vmul.f32 v11, v30;
	v1 =	vadd.f32 $9.999818800e-01, v1;
	v2 =	vmul.f32 v2, v44  }
0x218: {  	v4 =	vadd.f32 v4, v42;
	v5 =	vmul.f32 v5, v22;
	v6 =	vadd.f32 v6, v7  }
0x219: {  	s24 =	sshra.s32 s23, $0x2;
	v0 =	vadd.f32 $9.999818800e-01, v0;
	v3 =	vadd.f32 $9.999818800e-01, v3;
	v1 =	vmul.f32 v1, v41  }
0x21a: {  	v45 =	vld [tilespmem:s24+$0x6940];
	v2 =	vadd.f32 v2, v39;
	v4 =	vmul.f32 v4, v22;
	v5 =	vadd.f32 v5, v6  }
0x21b: {  	v11 =	vadd.f32 $9.999818800e-01, v11;
	v0 =	vmul.f32 v0, v38;
	v3 =	vmul.f32 v3, v36;
	v48 =	vld [tilespmem:s24+$0x6930]  }
0x21c: {  	v1 =	vadd.f32 v1, v35;
	v49 =	vld [tilespmem:s24+$0x6920];
	v2 =	vmul.f32 v2, v26;
	v4 =	vadd.f32 v4, v5  }
0x21d: {  	v11 =	vmul.f32 v11, v30;
	v53 =	vadd.f32 $-4.991878570e-01, v62;
	v52 =	vadd.f32 $-4.991878570e-01, v61;
	v12 =	vld [tilespmem:s24+$0x13920]  }
0x21e: {  	v0 =	vadd.f32 v0, v32;
	v1 =	vmul.f32 v1, v40;
	v26 =	vld [tilespmem:s24+$0x138C5];
	v2 =	vadd.f32 v2, v4  }
0x21f: {  	v56 =	vadd.f32 $-4.991878570e-01, v56;
	v40 =	vld [tilespmem:s24+$0x6945];
	v7 =	vmul.f32 v53, v33;
	v6 =	vmul.f32 v52, v34  }
0x220: {  	v30 =	vadd.f32 $-4.991878570e-01, v59;
	v0 =	vmul.f32 v0, v10;
	v52 =	vld [tilespmem:s24+$0x68C5];
	v2 =	vadd.f32 v37, v2  }
0x221: {  	v63 =	vand.u32 $0x7FFFFFFF, v48;
	v7 =	vadd.f32 $9.999818800e-01, v7;
	v5 =	vld [tilespmem:s24+$0x13945];
	v6 =	vadd.f32 $9.999818800e-01, v6  }
0x222: {  	v61 =	vld [tilespmem:s24+$0x6800];
	v39 =	vmul.f32 v12, v49;
	v1 =	vadd.f32 v1, v2;
	v2 =	vadd.f32 v3, v31  }
0x223: {  	v53 =	vld [tilespmem:s24+$0x68C0];
	v12 =	vimm.s32 $0x4;
	v6 =	vmul.f32 v6, v34;
	v31 =	vadd.f32 $-4.991878570e-01, v60  }
0x224: {  	v7 =	vmul.f32 v7, v33;
	v33 =	vld [tilespmem:s24+$0x138C0];
	v0 =	vadd.f32 v0, v1;
	v1 =	vmul.f32 v2, v10  }
0x225: {  	v32 =	vmul.f32 v26, v52;
	v2 =	vadd.f32 v6, v28;
	v28 =	vmul.f32 v31, v24  }
0x226: {  	v26 =	vand.u32 $0x7FFFFFFF, v45;
	v5 =	vmul.f32 v5, v40;
	v0 =	vadd.f32 v1, v0  }
0x227: {  	v1 =	vmul.f32 v2, v10;
	v2 =	vadd.f32 v7, v27;
	v27 =	vadd.f32 $9.999818800e-01, v28  }
0x228: {  	v28 =	vmul.f32 v30, v21;
	v30 =	vadd.f32 $-4.991878570e-01, v57;
	v7 =	vand.u32 $0x7FFFFFFF, v61  }
0x229: {  	v31 =	vmul.f32 v33, v53;
	v57 =	vsub.f32 $0.0e+00, v26;
	v7 =	vsub.f32 $0.0e+00, v7  }
0x22a: {  	v51 =	vld [tilespmem:s24+$0x6900];
	v0 =	vadd.f32 v1, v0;
	v1 =	vmul.f32 v2, v10;
	v2 =	vadd.f32 v11, v23  }
0x22b: {  	v3 =	vld [tilespmem:s24+$0x13900];
	v11 =	vadd.f32 $9.999818800e-01, v28;
	v23 =	vmul.f32 v30, v20;
	v28 =	vadd.f32 $-4.991878570e-01, v55  }
0x22c: {  	v58 =	vld [tilespmem:s24+$0x138A0];
	v0 =	vadd.f32 v1, v0;
	v1 =	vmul.f32 v2, v13;
	v2 =	vmul.f32 v27, v24  }
0x22d: {  	v55 =	vld [tilespmem:s24+$0x68A0];
	v23 =	vadd.f32 $9.999818800e-01, v23;
	v24 =	vmul.f32 v28, v19;
	v27 =	vadd.f32 $-4.991878570e-01, v54  }
0x22e: {  	v47 =	vld [tilespmem:s24+$0x13810];
	v57 =	vmul.f32 $1.442695020e+00, v57;
	v0 =	vadd.f32 v1, v0;
	v1 =	vadd.f32 v2, v18  }
0x22f: {  	v50 =	vld [tilespmem:s24+$0x6910];
	v2 =	vmul.f32 v11, v21;
	v11 =	vmul.f32 v23, v20;
	v18 =	vadd.f32 $9.999818800e-01, v24  }
0x230: {  	v6 =	vld [tilespmem:s24+$0x138B0];
	v20 =	vmul.f32 v27, v16;
	v27 =	vmul.f32 v3, v51;
	v23 =	vmax.f32 v52, $0.0e+00  }
0x231: {  	v54 =	vld [tilespmem:s24+$0x68B0];
	v0 =	vadd.f32 v25, v0;
	v1 =	vmul.f32 v1, v29;
	v2 =	vadd.f32 v2, v17  }
0x232: {  	v60 =	vld [tilespmem:s24+$0x6810];
	v52 =	vand.u32 $0x7FFFFFFF, v52;
	v35 =	vmul.f32 v58, v55;
	v23 =	vsub.f32 v23, v32  }
0x233: {  	v0 =	vadd.f32 v1, v0;
	v1 =	vmul.f32 v2, v9;
	v2 =	vadd.f32 v11, v15;
	v11 =	vld [tilespmem:$0x1FE90]  }
0x234: {  	v17 =	vmul.f32 v18, v19;
	v18 =	vadd.f32 $9.999818800e-01, v20;
	v19 =	vmul.f32 v56, v14;
	v15 =	vld [tilespmem:$0x1FEB0]  }
0x235: {  	v20 =	vmax.f32 v55, $0.0e+00;
	v0 =	vadd.f32 v1, v0;
	v1 =	vmul.f32 v2, v9;
	v2 =	vld [tilespmem:$0x1FEC0]  }
0x236: {  	v62 =	vld [tilespmem:$0x1FFF0];
	v28 =	vmax.f32 v54, $0.0e+00;
	v36 =	vmul.f32 v6, v54;
	v54 =	vand.u32 $0x7FFFFFFF, v54  }
0x237: {  	v8 =	vld [tilespmem:s24+$0x13940];
	v29 =	vmax.f32 v61, $0.0e+00;
	v6 =	vand.u32 $0x7FFFFFFF, v60;
	v54 =	vsub.f32 $0.0e+00, v54  }
0x238: {  	v4 =	vld [tilespmem:s24+$0x13930];
	v55 =	vand.u32 $0x7FFFFFFF, v55;
	v6 =	vsub.f32 $0.0e+00, v6;
	v0 =	vadd.f32 v1, v0  }
0x239: {  	v11 =	vsub.f32 v11, v15;
	v15 =	vmul.f32 v18, v16;
	v16 =	vadd.f32 $9.999818800e-01, v19;
	v18 =	vld [tilespmem:$0x1FEA0]  }
0x23a: {  	v19 =	vmax.f32 v53, $0.0e+00;
	v53 =	vand.u32 $0x7FFFFFFF, v53;
	v2 =	vadd.f32 v17, v2;
	v17 =	vld [tilespmem:$0x1FE80]  }
0x23b: {  	v22 =	vld [tilespmem:s24+$0x13910];
	[tilespmem:$0x1FEA0] =	vst v5;
	v5 =	vmul.f32 v62, v9;
	v53 =	vsub.f32 $0.0e+00, v53;
	v14 =	vmul.f32 v16, v14  }
0x23c: {  	v13 =	vld [tilespmem:s24+$0x13830];
	v16 =	vmax.f32 v50, $0.0e+00;
	v1 =	vmul.f32 v2, v9;
	v2 =	vadd.f32 v15, v11  }
0x23d: {  	v11 =	vmax.f32 v45, $0.0e+00;
	v15 =	vmul.f32 v4, v48;
	v4 =	vmul.f32 v8, v45;
	v8 =	vld [tilespmem:s24+$0x6830]  }
0x23e: {  	v45 =	vmul.f32 v47, v60;
	v0 =	vadd.f32 v1, v0;
	v1 =	vmul.f32 v2, v9  }
0x23f: {  	[tilespmem:$0x1FE90] =	vst v11;
	v11 =	vmax.f32 v48, $0.0e+00;
	v9 =	vperm.xlane v3, v12;
	v17 =	vsub.f32 v17, v18  }
0x240: {  	v59 =	vld [tilespmem:s24+$0x13890];
	[tilespmem:$0x1FEB0] =	vst v4;
	v11 =	vsub.f32 v11, v15;
	v18 =	vmax.f32 v40, $0.0e+00;
	v0 =	vadd.f32 v1, v0  }
0x241: {  	v4 =	vld [tilespmem:s24+$0x6890];
	[tilespmem:$0x1FE80] =	vst v18;
	v18 =	vmax.f32 v51, $0.0e+00;
	v2 =	vadd.f32 v14, v17;
	v14 =	vmax.f32 v49, $0.0e+00  }
0x242: {  	v17 =	vmul.f32 v22, v50;
	v41 =	vmax.f32 v8, $0.0e+00;
	v43 =	vmul.f32 v13, v8  }
0x243: {  	v13 =	vand.u32 $0x7FFFFFFF, v40;
	v40 =	vmax.f32 v60, $0.0e+00;
	v49 =	vand.u32 $0x7FFFFFFF, v49  }
0x244: {  	v22 =	vld [tilespmem:s24+$0x13800];
	v50 =	vand.u32 $0x7FFFFFFF, v50;
	v60 =	vsub.f32 $0.0e+00, v52;
	v18 =	vsub.f32 v18, v27  }
0x245: {  	v58 =	vsub.f32 $0.0e+00, v13;
	v49 =	vsub.f32 $0.0e+00, v49;
	v1 =	vmul.f32 v2, v5  }
0x246: {  	v42 =	vld [tilespmem:s24+$0x13820];
	v21 =	vmax.f32 v4, $0.0e+00;
	v30 =	vmul.f32 v59, v4;
	v4 =	vand.u32 $0x7FFFFFFF, v4  }
0x247: {  	v37 =	vld [tilespmem:s24+$0x13845];
	v8 =	vand.u32 $0x7FFFFFFF, v8;
	v59 =	vsub.f32 $0.0e+00, v50;
	v4 =	vsub.f32 $0.0e+00, v4  }
0x248: {  	v10 =	vld [tilespmem:s24+$0x13880];
	v58 =	vmul.f32 $1.442695020e+00, v58;
	v49 =	vmul.f32 $1.442695020e+00, v49;
	v0 =	vadd.f32 v1, v0  }
0x249: {  	v2 =	vld [tilespmem:s24+$0x6880];
	v47 =	vsub.f32 v22, v61;
	v48 =	vmul.f32 v22, v61;
	v22 =	vperm.xlane v22, v12  }
0x24a: {  	v5 =	vld [tilespmem:s24+$0x6845];
	v1 =	vsub.f32 v3, v51;
	v61 =	vmul.f32 $5.000000000e-01, v9;
	(erf) = vpow2.f32 v58  }
0x24b: {  	v8 =	vsub.f32 $0.0e+00, v8;
	v3 =	vld [tilespmem:s24+$0x6820];
	v58 =	vmul.f32 $1.442695020e+00, v59;
	v59 =	vmul.f32 $1.442695020e+00, v53  }
0x24c: {  	v51 =	vand.u32 $0x7FFFFFFF, v51;
	v4 =	vmul.f32 $1.442695020e+00, v4;
	v1 =	vmul.f32 v1, v1  }
0x24d: {  	v51 =	vsub.f32 $0.0e+00, v51;
	(erf) = vpow2.f32 v57;
	v57 =	vmul.f32 $1.442695020e+00, v60  }
0x24e: {  	v60 =	vmul.f32 $1.442695020e+00, v54;
	v56 =	vsub.f32 v10, v2;
	v24 =	vmax.f32 v2, $0.0e+00  }
0x24f: {  	v34 =	vmul.f32 v10, v2;
	v25 =	vmax.f32 v5, $0.0e+00;
	v33 =	vmul.f32 v37, v5  }
0x250: {  	v10 =	vperm.xlane v10, v12;
	v46 =	vmul.f32 v42, v3;
	v42 =	vsub.f32 $0.0e+00, v63  }
0x251: {  	v38 =	vld [tilespmem:s24+$0x13840];
	v2 =	vand.u32 $0x7FFFFFFF, v2;
	v26 =	vmul.f32 v62, v22;
	v47 =	vmul.f32 v47, v47  }
0x252: {  	[tilespmem:$0x1FE70] =	vst v0;
	v0 =	vld [tilespmem:s24+$0x6840];
	v5 =	vand.u32 $0x7FFFFFFF, v5;
	v51 =	vmul.f32 $1.442695020e+00, v51;
	v42 =	vmul.f32 $1.442695020e+00, v42  }
0x253: {  	v2 =	vsub.f32 $0.0e+00, v2;
	v1 =	vmul.f32 v9, v1;
	v13 =	vmul.f32 v62, v10  }
0x254: {  	v12 =	vld [tilespmem:$0x1FFE0];
	v5 =	vsub.f32 $0.0e+00, v5;
	v56 =	vmul.f32 v56, v56;
	(erf) = vpow2.f32 v42  }
0x255: {  	v15 =	vsub.f32 v14, v39;
	v2 =	vmul.f32 $1.442695020e+00, v2;
	(erf) = vpow2.f32 v49  }
0x256: {  	v63 =	vsub.f32 $0.0e+00, v55;
	v5 =	vmul.f32 $1.442695020e+00, v5;
	(erf) = vpow2.f32 v58  }
0x257: {  	v17 =	vsub.f32 v16, v17;
	v38 =	vmul.f32 v38, v0;
	(erf) = vpow2.f32 v51  }
0x258: {  	[tilespmem:$0x1FEC0] =	vst v11;
	v44 =	vmax.f32 v3, $0.0e+00;
	v11 =	vmul.f32 $1.442695020e+00, v63;
	(erf) = vpow2.f32 v57  }
0x259: {  	v37 =	vmax.f32 v0, $0.0e+00;
	v50 =	vmul.f32 v12, v9;
	(erf) = vpow2.f32 v59  }
0x25a: {  	v0 =	vand.u32 $0x7FFFFFFF, v0;
	v52 =	vmul.f32 v12, v10;
	(erf) = vpow2.f32 v60  }
0x25b: {  	v55 =	vmul.f32 v12, v22;
	v0 =	vsub.f32 $0.0e+00, v0;
	(erf) = vpow2.f32 v11  }
0x25c: {  	v3 =	vand.u32 $0x7FFFFFFF, v3;
	v12 =	vmul.f32 $5.000000000e-01, v22;
	v14 =	vpop (erf);
	(erf) = vpow2.f32 v4  }
0x25d: {  	v3 =	vsub.f32 $0.0e+00, v3;
	v0 =	vmul.f32 $1.442695020e+00, v0;
	v16 =	vpop (erf);
	(erf) = vpow2.f32 v2  }
0x25e: {  	v27 =	vsub.f32 v19, v31;
	v4 =	vmul.f32 $1.442695020e+00, v8;
	v19 =	vpop (erf);
	(erf) = vpow2.f32 v5  }
0x25f: {  	v31 =	vsub.f32 v20, v35;
	v2 =	vmul.f32 $1.442695020e+00, v3;
	v20 =	vpop (erf);
	(erf) = vpow2.f32 v0  }
0x260: {  	v32 =	vsub.f32 v21, v30;
	v3 =	vmul.f32 $1.442695020e+00, v6;
	v21 =	vpop (erf);
	(erf) = vpow2.f32 v4  }
0x261: {  	v35 =	vsub.f32 v24, v34;
	v0 =	vmul.f32 $1.442695020e+00, v7;
	v24 =	vpop (erf);
	(erf) = vpow2.f32 v2  }
0x262: {  	v62 =	vmul.f32 $5.000000000e-01, v10;
	v39 =	vsub.f32 v25, v33;
	v63 =	vld [tilespmem:$0x1FFD0];
	v30 =	vpop (erf);
	(erf) = vpow2.f32 v3  }
0x263: {  	v54 =	vmul.f32 $2.368924950e-02, v19;
	v33 =	vpop (erf);
	(erf) = vpow2.f32 v0;
	v0 =	vadd.f32 $5.000000000e-01, v12;
	v12 =	vld [tilespmem:$0x1FFC0]  }
0x264: {  	v28 =	vsub.f32 v28, v36;
	v57 =	vmul.f32 $2.368924950e-02, v20;
	v59 =	vmul.f32 $2.368924950e-02, v21  }
0x265: {  	v42 =	vsub.f32 v37, v38;
	v2 =	vmul.f32 v10, v56;
	v60 =	vmul.f32 $2.368924950e-02, v24;
	v34 =	vpop (erf)  }
0x266: {  	v4 =	vadd.f32 $5.000000000e-01, v61;
	v3 =	vmul.f32 v22, v47;
	v61 =	vmul.f32 $2.368924950e-02, v30;
	v36 =	vpop (erf)  }
0x267: {  	v5 =	vadd.f32 $5.000000000e-01, v62;
	v62 =	vmul.f32 $2.368924950e-02, v33;
	v38 =	vpop (erf);
	v0 =	vmul.f32 v63, v0  }
0x268: {  	v43 =	vsub.f32 v41, v43;
	v41 =	vpop (erf);
	v25 =	vmul.f32 v12, v1;
	v1 =	vmul.f32 v63, v4  }
0x269: {  	p1 =	sne.s32 s23, $0x19800;
	v46 =	vsub.f32 v44, v46;
	v44 =	vpop (erf);
	v37 =	vmul.f32 v12, v2;
	v2 =	vmul.f32 v63, v5  }
.Ltmp10:
0x26a: {  	v49 =	vsub.f32 v40, v45;
	v47 =	vmul.f32 v12, v3;
	v4 =	vmul.f32 $2.368924950e-02, v16;
	v45 =	vpop (erf);
	(pc) =	sbr.rel @p1 .LBB2_19-.Ltmp10, $4  }
0x26b: {  	v51 =	vsub.f32 v29, v48;
	v5 =	vmul.f32 $2.368924950e-02, v14;
	v3 =	vmul.f32 $2.368924950e-02, v36;
	v48 =	vpop (erf)  }
0x26c: {  	v63 =	vmul.f32 $2.368924950e-02, v34;
	v29 =	vadd.f32 v1, v50;
	v50 =	vpop (erf);
	v40 =	vadd.f32 v2, v52  }
0x26d: {  	v52 =	vadd.f32 v0, v55;
	v1 =	vmul.f32 $2.368924950e-02, v41;
	v0 =	vmul.f32 $2.368924950e-02, v38;
	v53 =	vpop (erf)  }
0x26e: {  	s23 =	sadd.s32 $0x800, s23;
	v2 =	vmul.f32 $2.368924950e-02, v44;
	v56 =	vsub.f32 $1.002871990e-01, v4;
	v55 =	vsub.f32 $1.002871990e-01, v5;
	v58 =	vpop (erf)  }
0x26f: {  	v4 =	vmul.f32 $2.368924950e-02, v58;
	_ =	sdelay $0x1  }
0x270: {  	v5 =	vmul.f32 $2.368924950e-02, v53;
	v4 =	vsub.f32 $1.002871990e-01, v4;
	_ =	sdelay $0x1  }
0x271: {  	v5 =	vsub.f32 $1.002871990e-01, v5;
	v4 =	vmul.f32 v4, v58  }
0x272: {  	v6 =	vmul.f32 $2.368924950e-02, v50  }
0x273: {  	v1 =	vsub.f32 $1.002871990e-01, v1;
	v5 =	vmul.f32 v5, v53;
	v4 =	vadd.f32 $-2.086696620e-01, v4  }
0x274: {  	v7 =	vmul.f32 $2.368924950e-02, v48;
	v0 =	vsub.f32 $1.002871990e-01, v0;
	v3 =	vsub.f32 $1.002871990e-01, v3  }
0x275: {  	v6 =	vsub.f32 $1.002871990e-01, v6;
	v5 =	vadd.f32 $-2.086696620e-01, v5;
	v4 =	vmul.f32 v4, v58  }
0x276: {  	v8 =	vmul.f32 $2.368924950e-02, v45;
	v2 =	vsub.f32 $1.002871990e-01, v2;
	v7 =	vsub.f32 $1.002871990e-01, v7  }
0x277: {  	v6 =	vmul.f32 v6, v50;
	v5 =	vmul.f32 v5, v53;
	v4 =	vadd.f32 $3.244118090e-01, v4  }
0x278: {  	v8 =	vsub.f32 $1.002871990e-01, v8;
	v1 =	vmul.f32 v1, v41;
	v7 =	vmul.f32 v7, v48  }
0x279: {  	v6 =	vadd.f32 $-2.086696620e-01, v6;
	v5 =	vadd.f32 $3.244118090e-01, v5;
	v4 =	vmul.f32 v4, v58  }
0x27a: {  	v0 =	vmul.f32 v0, v38;
	v8 =	vmul.f32 v8, v45;
	v7 =	vadd.f32 $-2.086696620e-01, v7  }
0x27b: {  	v6 =	vmul.f32 v6, v50;
	v5 =	vmul.f32 v5, v53;
	v4 =	vadd.f32 $-4.991878570e-01, v4  }
0x27c: {  	v1 =	vadd.f32 $-2.086696620e-01, v1;
	v0 =	vadd.f32 $-2.086696620e-01, v0;
	v7 =	vmul.f32 v7, v48  }
0x27d: {  	v6 =	vadd.f32 $3.244118090e-01, v6;
	v5 =	vadd.f32 $-4.991878570e-01, v5;
	v4 =	vmul.f32 v4, v58  }
0x27e: {  	v2 =	vmul.f32 v2, v44;
	v8 =	vadd.f32 $-2.086696620e-01, v8;
	v7 =	vadd.f32 $3.244118090e-01, v7  }
0x27f: {  	v11 =	vld [tilespmem:$0x1FE70];
	v6 =	vmul.f32 v6, v50;
	v5 =	vmul.f32 v5, v53;
	v4 =	vadd.f32 $9.999818800e-01, v4  }
0x280: {  	v2 =	vadd.f32 $-2.086696620e-01, v2;
	v8 =	vmul.f32 v8, v45;
	v7 =	vmul.f32 v7, v48  }
0x281: {  	v6 =	vadd.f32 $-4.991878570e-01, v6;
	v5 =	vadd.f32 $9.999818800e-01, v5;
	v4 =	vmul.f32 v4, v58  }
0x282: {  	v3 =	vmul.f32 v3, v36;
	v8 =	vadd.f32 $3.244118090e-01, v8;
	v7 =	vadd.f32 $-4.991878570e-01, v7  }
0x283: {  	v6 =	vmul.f32 v6, v50;
	v5 =	vmul.f32 v5, v53;
	v4 =	vadd.f32 v4, v51  }
0x284: {  	v11 =	vadd.f32 v47, v11;
	v8 =	vmul.f32 v8, v45;
	v7 =	vmul.f32 v7, v48  }
0x285: {  	v6 =	vadd.f32 $9.999818800e-01, v6;
	v5 =	vadd.f32 v5, v49;
	v4 =	vmul.f32 v4, v52  }
0x286: {  	v2 =	vmul.f32 v2, v44;
	v8 =	vadd.f32 $-4.991878570e-01, v8;
	v7 =	vadd.f32 $9.999818800e-01, v7  }
0x287: {  	v6 =	vmul.f32 v6, v50;
	v5 =	vmul.f32 v5, v22;
	v4 =	vadd.f32 v4, v11  }
0x288: {  	v3 =	vadd.f32 $-2.086696620e-01, v3;
	v2 =	vadd.f32 $3.244118090e-01, v2;
	v8 =	vmul.f32 v8, v45  }
0x289: {  	v6 =	vadd.f32 v6, v46;
	v4 =	vadd.f32 v5, v4;
	v5 =	vmul.f32 v7, v48  }
0x28a: {  	v1 =	vmul.f32 v1, v41;
	v2 =	vmul.f32 v2, v44;
	v7 =	vadd.f32 $9.999818800e-01, v8  }
0x28b: {  	v0 =	vmul.f32 v0, v38;
	v6 =	vmul.f32 v6, v22;
	v5 =	vadd.f32 v5, v43  }
0x28c: {  	v3 =	vmul.f32 v3, v36;
	v2 =	vadd.f32 $-4.991878570e-01, v2;
	v7 =	vmul.f32 v7, v45  }
0x28d: {  	v1 =	vadd.f32 $3.244118090e-01, v1;
	v4 =	vadd.f32 v6, v4;
	v5 =	vmul.f32 v5, v22  }
0x28e: {  	v0 =	vadd.f32 $3.244118090e-01, v0;
	v2 =	vmul.f32 v2, v44;
	v6 =	vadd.f32 v7, v42  }
0x28f: {  	v4 =	vadd.f32 v5, v4;
	v5 =	vsub.f32 $1.002871990e-01, v63  }
0x290: {  	v3 =	vadd.f32 $3.244118090e-01, v3;
	v1 =	vmul.f32 v1, v41;
	v2 =	vadd.f32 $9.999818800e-01, v2  }
0x291: {  	v7 =	vsub.f32 $1.002871990e-01, v62;
	v6 =	vmul.f32 v6, v22;
	v5 =	vmul.f32 v5, v34  }
0x292: {  	v0 =	vmul.f32 v0, v38;
	v1 =	vadd.f32 $-4.991878570e-01, v1;
	v2 =	vmul.f32 v2, v44  }
0x293: {  	v4 =	vadd.f32 v6, v4;
	v6 =	vmul.f32 v7, v33;
	v5 =	vadd.f32 $-2.086696620e-01, v5  }
0x294: {  	v3 =	vmul.f32 v3, v36;
	v1 =	vmul.f32 v1, v41;
	v2 =	vadd.f32 v2, v39  }
0x295: {  	v0 =	vadd.f32 $-4.991878570e-01, v0;
	v6 =	vadd.f32 $-2.086696620e-01, v6;
	v5 =	vmul.f32 v5, v34  }
0x296: {  	v3 =	vadd.f32 $-4.991878570e-01, v3;
	v1 =	vadd.f32 $9.999818800e-01, v1;
	v2 =	vmul.f32 v2, v26  }
0x297: {  	v7 =	vsub.f32 $1.002871990e-01, v61;
	v6 =	vmul.f32 v6, v33;
	v5 =	vadd.f32 $3.244118090e-01, v5  }
0x298: {  	v0 =	vmul.f32 v0, v38;
	v1 =	vmul.f32 v1, v41;
	v2 =	vadd.f32 v2, v4  }
0x299: {  	v4 =	vmul.f32 v7, v30;
	v6 =	vadd.f32 $3.244118090e-01, v6;
	v5 =	vmul.f32 v5, v34  }
0x29a: {  	v0 =	vadd.f32 $9.999818800e-01, v0;
	v1 =	vadd.f32 v1, v35  }
0x29b: {  	v4 =	vadd.f32 $-2.086696620e-01, v4;
	v6 =	vmul.f32 v6, v33;
	v5 =	vadd.f32 $-4.991878570e-01, v5  }
0x29c: {  	v0 =	vmul.f32 v0, v38;
	v1 =	vmul.f32 v1, v40;
	v2 =	vadd.f32 v37, v2  }
0x29d: {  	v4 =	vmul.f32 v4, v30;
	v6 =	vadd.f32 $-4.991878570e-01, v6;
	v5 =	vmul.f32 v5, v34  }
0x29e: {  	v3 =	vmul.f32 v3, v36;
	v0 =	vadd.f32 v0, v32;
	v1 =	vadd.f32 v1, v2  }
0x29f: {  	v4 =	vadd.f32 $3.244118090e-01, v4;
	v2 =	vadd.f32 $9.999818800e-01, v5;
	v5 =	vmul.f32 v6, v33  }
0x2a0: {  	v3 =	vadd.f32 $9.999818800e-01, v3;
	v0 =	vmul.f32 v0, v10  }
0x2a1: {  	v4 =	vmul.f32 v4, v30;
	v5 =	vadd.f32 $9.999818800e-01, v5  }
0x2a2: {  	v3 =	vmul.f32 v3, v36;
	v0 =	vadd.f32 v0, v1  }
0x2a3: {  	v1 =	vadd.f32 $-4.991878570e-01, v4;
	v4 =	vmul.f32 v5, v33;
	v5 =	vsub.f32 $1.002871990e-01, v60  }
0x2a4: {  	v3 =	vadd.f32 v3, v31;
	v6 =	vsub.f32 $1.002871990e-01, v59  }
0x2a5: {  	v2 =	vmul.f32 v2, v34;
	v5 =	vmul.f32 v5, v24  }
0x2a6: {  	v3 =	vmul.f32 v3, v10;
	v6 =	vmul.f32 v6, v21  }
0x2a7: {  	v2 =	vadd.f32 v2, v28;
	v5 =	vadd.f32 $-2.086696620e-01, v5  }
0x2a8: {  	v0 =	vadd.f32 v3, v0;
	v6 =	vadd.f32 $-2.086696620e-01, v6  }
0x2a9: {  	v4 =	vadd.f32 v4, v27;
	v2 =	vmul.f32 v2, v10;
	v5 =	vmul.f32 v5, v24  }
0x2aa: {  	v6 =	vmul.f32 v6, v21  }
0x2ab: {  	v0 =	vadd.f32 v2, v0;
	v4 =	vmul.f32 v4, v10;
	v5 =	vadd.f32 $3.244118090e-01, v5  }
0x2ac: {  	v3 =	vsub.f32 $1.002871990e-01, v57;
	v1 =	vmul.f32 v1, v30  }
0x2ad: {  	v0 =	vadd.f32 v4, v0;
	v4 =	vadd.f32 $3.244118090e-01, v6;
	v5 =	vmul.f32 v5, v24  }
0x2ae: {  	v3 =	vmul.f32 v3, v20;
	v2 =	vsub.f32 $1.002871990e-01, v54  }
0x2af: {  	v1 =	vadd.f32 $9.999818800e-01, v1;
	v4 =	vmul.f32 v4, v21;
	v5 =	vadd.f32 $-4.991878570e-01, v5  }
0x2b0: {  	v3 =	vadd.f32 $-2.086696620e-01, v3;
	v2 =	vmul.f32 v2, v19  }
0x2b1: {  	v1 =	vmul.f32 v1, v30;
	v4 =	vadd.f32 $-4.991878570e-01, v4;
	v5 =	vmul.f32 v5, v24  }
0x2b2: {  	v3 =	vmul.f32 v3, v20;
	v2 =	vadd.f32 $-2.086696620e-01, v2  }
0x2b3: {  	v1 =	vadd.f32 v1, v23;
	v4 =	vmul.f32 v4, v21;
	v5 =	vadd.f32 $9.999818800e-01, v5  }
0x2b4: {  	v3 =	vadd.f32 $3.244118090e-01, v3;
	v6 =	vmul.f32 v55, v14;
	v2 =	vmul.f32 v2, v19  }
0x2b5: {  	v1 =	vmul.f32 v1, v13;
	v4 =	vadd.f32 $9.999818800e-01, v4;
	v5 =	vmul.f32 v5, v24  }
0x2b6: {  	v3 =	vmul.f32 v3, v20;
	v6 =	vadd.f32 $-2.086696620e-01, v6;
	v2 =	vadd.f32 $3.244118090e-01, v2  }
0x2b7: {  	v0 =	vadd.f32 v1, v0;
	v4 =	vmul.f32 v4, v21;
	v5 =	vadd.f32 v5, v18  }
0x2b8: {  	v6 =	vmul.f32 v6, v14;
	v2 =	vmul.f32 v2, v19  }
0x2b9: {  	v0 =	vadd.f32 v25, v0;
	v4 =	vadd.f32 v4, v17;
	v5 =	vmul.f32 v5, v29  }
0x2ba: {  	v3 =	vadd.f32 $-4.991878570e-01, v3;
	v1 =	vmul.f32 v56, v16;
	v2 =	vadd.f32 $-4.991878570e-01, v2  }
0x2bb: {  	v6 =	vadd.f32 $3.244118090e-01, v6;
	v4 =	vmul.f32 v4, v9;
	v0 =	vadd.f32 v5, v0  }
0x2bc: {  	v3 =	vmul.f32 v3, v20;
	v1 =	vadd.f32 $-2.086696620e-01, v1;
	v2 =	vmul.f32 v2, v19  }
0x2bd: {  	v6 =	vmul.f32 v6, v14;
	v0 =	vadd.f32 v4, v0;
	v4 =	vld [tilespmem:$0x1FEC0]  }
0x2be: {  	v3 =	vadd.f32 $9.999818800e-01, v3;
	v1 =	vmul.f32 v1, v16;
	v2 =	vadd.f32 $9.999818800e-01, v2  }
0x2bf: {  	v6 =	vadd.f32 $-4.991878570e-01, v6  }
0x2c0: {  	v3 =	vmul.f32 v3, v20;
	v1 =	vadd.f32 $3.244118090e-01, v1;
	v2 =	vmul.f32 v2, v19  }
0x2c1: {  	v5 =	vmul.f32 v6, v14;
	v6 =	vld [tilespmem:$0x1FEB0]  }
0x2c2: {  	v3 =	vadd.f32 v3, v15;
	v1 =	vmul.f32 v1, v16;
	v2 =	vadd.f32 v2, v4;
	v4 =	vld [tilespmem:$0x1FE90];
	_ =	sdelay $0x1  }
0x2c3: {  	v3 =	vmul.f32 v3, v9;
	v1 =	vadd.f32 $-4.991878570e-01, v1;
	_ =	sdelay $0x1  }
0x2c4: {  	v1 =	vmul.f32 v1, v16;
	v0 =	vadd.f32 v3, v0;
	v3 =	vld [tilespmem:$0x1FE80]  }
0x2c5: {  	v4 =	vsub.f32 v4, v6;
	v6 =	vld [tilespmem:$0x1FEA0]  }
0x2c6: {  	v1 =	vadd.f32 $9.999818800e-01, v1  }
0x2c7: {  	v7 =	vld [tilespmem:$0x1FFF0]  }
0x2c8: {  	v1 =	vmul.f32 v1, v16;
	v5 =	vadd.f32 $9.999818800e-01, v5  }
0x2c9: {  	v2 =	vmul.f32 v2, v9  }
0x2ca: {  	v5 =	vmul.f32 v5, v14;
	v1 =	vadd.f32 v1, v4;
	v3 =	vsub.f32 v3, v6  }
0x2cb: {  	v0 =	vadd.f32 v2, v0  }
.Ltmp11:
0x2cc: {  	v1 =	vmul.f32 v1, v9;
	v2 =	vadd.f32 v5, v3;
	v3 =	vmul.f32 v7, v9;
	(pc) =	sbr.rel @p0 .LBB2_26-.Ltmp11, $3  }
0x2cd: {  	_ = 	snop  }
0x2ce: {  	v0 =	vadd.f32 v1, v0;
	v1 =	vmul.f32 v2, v3;
	_ =	sdelay $0x1  }
0x2cf: {  	v0 =	vadd.f32 v1, v0  }
0x2d0: {  	s22 =	sadd.s32 s22, s12  }
0x2d1: {  	s22 =	smul.u32 $0x6800, s22;
	_ =	sdelay $0x1  }
0x2d2: {  	s22 =	sadd.s32 s4, s22  }
0x2d3: {  	s22 =	sshrl.u32 s22, $0x3  }
0x2d4: {  	s24 =	simm.s32 $0x6800;
	s23 =	sadd.s32 s2, s22  }
0x2d5: {  	s25 =	simm.s32 $0x40;
	s26 =	simm.s32 $0x6A00;
	v4 =	vld [tilespmem:$0x1FFD0];
	s28 =	sadd.s32 $0x0, s23  }
.LBB2_22:
0x2d6: {  	[tilespmem:s24], [sflag:$0x3] =	stream.linear.gather [hbm4b:s28+s3], $0x180, $0x38;
	[tilespmem:$0x1A080] =	vst v63  }
0x2d7: {  	s28 =	smov.u32 s25;
	s24 =	smov.u32 s26;
	p0 =	sne.s32 s25, $0xCC0  }
.Ltmp12:
0x2d8: {  	s25 =	sadd.s32 $0x40, s25;
	(pc) =	sbr.rel @p0 .LBB2_22-.Ltmp12, $2  }
0x2d9: {  	_ =	sdelay $0x2  }
0x2da: {  	s26 =	sadd.s32 $0x200, s26;
	s28 =	sadd.s32 s28, s23  }
0x2db: {  	[tilespmem:s24], [sflag:$0x3] =	stream.linear.gather [hbm4b:s28+s3], $0x180, $0x38;
	[tilespmem:$0x1A080] =	vst v63  }
0x2dc: {  	s22 =	sadd.s32 s5, s22;
	s23 =	simm.s32 $0x13800  }
0x2dd: {  	s24 =	simm.s32 $0x40;
	s25 =	simm.s32 $0x13A00;
	v5 =	vld [tilespmem:$0x1FFE0];
	v6 =	vimm.s32 $0x4;
	s26 =	sadd.s32 $0x0, s22  }
.LBB2_24:
0x2de: {  	[tilespmem:s23], [sflag:$0x4] =	stream.linear.gather [hbm4b:s26+s3], $0x180, $0x38;
	[tilespmem:$0x1A080] =	vst v63  }
0x2df: {  	s26 =	smov.u32 s24;
	s23 =	smov.u32 s25;
	p0 =	sne.s32 s24, $0xCC0  }
.Ltmp13:
0x2e0: {  	s24 =	sadd.s32 $0x40, s24;
	(pc) =	sbr.rel @p0 .LBB2_24-.Ltmp13, $2  }
0x2e1: {  	_ =	sdelay $0x2  }
0x2e2: {  	s25 =	sadd.s32 $0x200, s25;
	s26 =	sadd.s32 s26, s22  }
.Ltmp14:
0x2e3: {  	(pc) =	sbr.rel .LBB2_10-.Ltmp14, $3  }
0x2e4: {  	_ =	sdelay $0x1  }
0x2e5: {  	[tilespmem:s23], [sflag:$0x4] =	stream.linear.gather [hbm4b:s26+s3], $0x180, $0x38;
	[tilespmem:$0x1A080] =	vst v63  }
0x2e6: {  	[tilespmem:$0x1FFB0] =	vst v0;
	s21 =	sadd.s32 $0x1, s21  }
.LBB2_27:
0x2e7: {  	_ =	sfence.sel $0x180000  }
0x2e8: {  	[bflag:$0x0] =	sbarrier.arrive $0xFFFF  }
0x2e9: {  	p0 =	sne.s32 s0, $0x0;
	_ =	strace $0x90000047  }
0x2ea: {  	s0 =	sadd.s32 @!p0 $0x100000, s1;
	[bflag:$0x2] =	sbarrier.arrive $0xFFFF  }
0x2eb: {  	[sflag:s0] =	ssyncadd.tile.s32 @!p0 $0x1;
	_ =	shalt  }
.Lfunc_end2:
_tile_overlayer_lowered:
.L_overlay_start_2:
0x2ec: {  	(tag) =	ssettag $0x2  }
0x2ed: {  	s0 =	rddreg [dreg:$0x0];
	s2 =	stileid.u32  }
0x2ee: {  	s1 =	rddreg [dreg:$0x1];
	p0 =	sne.s32 s2, $0x0  }
0x2ef: {  	s3 =	rddreg [dreg:$0x2];
	[bflag:$0x3] =	sbarrier.arrive $0xFFFF;
	s2 =	simm.s32 @!p0 $0x1C05  }
0x2f0: {  	[timem:s3], [sflag:s2] =	dma.local @!p0 [hbm:s0], s1  }
0x2f1: {  	s0 =	simm.s32 @!p0 $0x5  }
0x2f2: {  	_ =	swait.ge @!p0 [sflag:s0], s1  }
0x2f3: {  	s1 =	ssub.s32 @!p0 $0x0, s1;
	[sflag:s0] =	ssyncset.done @!p0 $0x0  }
0x2f4: {  	[sflag:s0] =	ssyncadd.s32 @!p0 s1  }
0x2f5: {  	[bflag:$0x3] =	sbarrier.arrive $0xFFFF  }
0x2f6: {  	_ =	shalt  }

</sc_bundles>
